<compile_context>
chip_gen: v7x
topology: tpu7x:2x2x1
jax: 0.10.2.dev20260603
libtpu: 0.0.44.dev20260713+nightly
codegen_flags: <defaults>
</compile_context>

<pallas_src>
import jax
import jax.numpy as jnp
from jax import lax
from jax.experimental import pallas as pl
from jax.experimental.pallas import tpu as pltpu
from jax.experimental.pallas import tpu_sc as plsc

N = 32768
NSEG = 16
L = 16
NW = 32
C = N // NW
VPC = C // L
W0 = 1024
W1 = C + 128


def _pw_body(val_hbm, off_hbm, pw_hbm, valout_hbm, out_hbm,
             off_v, win_v, out_v, val_v, sem0, sem1):
    wid = lax.axis_index("s") * 2 + lax.axis_index("c")
    base = wid * C
    c_off = pltpu.async_copy(off_hbm.at[pl.ds(0, L)], off_v, sem0)
    c_w0 = pltpu.async_copy(pw_hbm.at[pl.ds(0, W0)],
                            win_v.at[pl.ds(0, W0)], sem1)
    c_val = pltpu.async_copy(val_hbm.at[pl.ds(base, C)], val_v, sem1)
    c_off.wait()
    ov = off_v[...]
    s0 = jnp.int32(0)
    bvecs = []
    for b in range(NSEG):
        ob = ov[b]
        s0 = jnp.where(ob <= base, ob, s0)
        bvecs.append(lax.broadcast(ob, (L,)))
    a0 = base - s0
    a0_al = pl.multiple_of(
        jnp.minimum(jnp.bitwise_and(a0, -128), N - W1), 128)
    c_w1 = pltpu.async_copy(pw_hbm.at[pl.ds(a0_al, W1)],
                            win_v.at[pl.ds(W0, W1)], sem0)
    c_w0.wait()
    c_w1.wait()
    lane = lax.broadcasted_iota(jnp.int32, (L,), 0)
    shift = W0 - a0_al
    for v in range(VPC):
        pos = lane + (base + v * L)
        diffs = [plsc.bitcast(pos - bv, jnp.uint32) for bv in bvecs]
        while len(diffs) > 1:
            diffs = [jnp.minimum(diffs[i], diffs[i + 1])
                     for i in range(0, len(diffs), 2)]
        seq = plsc.bitcast(diffs[0], jnp.int32)
        idx = jnp.where(seq < W0, seq, seq + shift)
        out_v[pl.ds(v * L, L)] = plsc.load_gather(win_v, [idx])
    a_out = pltpu.async_copy(out_v, out_hbm.at[pl.ds(base, C)], sem0)
    c_val.wait()
    a_val = pltpu.async_copy(val_v, valout_hbm.at[pl.ds(base, C)], sem1)
    a_out.wait()
    a_val.wait()


@jax.jit
def _position_weights(values, offsets, position_weight):
    mesh = plsc.VectorSubcoreMesh(core_axis_name="c", subcore_axis_name="s")
    f = pl.kernel(
        _pw_body,
        out_type=(jax.ShapeDtypeStruct((N,), jnp.int32),
                  jax.ShapeDtypeStruct((N,), jnp.float32)),
        mesh=mesh,
        scratch_types=[
            pltpu.VMEM((L,), jnp.int32),
            pltpu.VMEM((W0 + W1,), jnp.float32),
            pltpu.VMEM((C,), jnp.float32),
            pltpu.VMEM((C,), jnp.int32),
            pltpu.SemaphoreType.DMA,
            pltpu.SemaphoreType.DMA,
        ],
        compiler_params=pltpu.CompilerParams(needs_layout_passes=False),
    )
    return f(values, offsets, position_weight)


def kernel(values, offsets, position_weight):
    values_out, weights = _position_weights(values, offsets, position_weight)
    return values_out, weights

# --- scband reference (transcript-rebuilt; emitter-appended) ---
"""Pipeline reference for scband-position-weighted-module-12756052869803 (READ-ONLY COPY).

The authoritative reference and input builder live on the scoring server;
editing this copy changes nothing except your own understanding.
"""

import jax, jax.numpy as jnp
import numpy as np

B = 16
TOTAL = 32768
MAX_LEN = 32768


def setup_inputs(seed: int = 0) -> dict:
    key = jax.random.key(seed)
    k1, k2 = jax.random.split(key)
    values = jax.random.randint(k1, (TOTAL,), 0, 1000000, dtype=jnp.int32)
    # sorted_randint offsets, forced to valid jagged offsets: offsets[0]=0, offsets[-1]=TOTAL
    offsets = jnp.sort(jax.random.randint(k2, (B + 1,), 0, TOTAL, dtype=jnp.int32))
    offsets = offsets.at[0].set(0).at[-1].set(TOTAL)
    # learned parameter: position_weight initialized to 1.0 (as in torch module)
    position_weight = jnp.ones((MAX_LEN,), dtype=jnp.float32)
    return {"values": values, "offsets": offsets, "position_weight": position_weight}


def reference(values, offsets, position_weight):
    # torch.ops.fbgemm.offsets_range(offsets, numel(values)):
    # for each element j, its position within its segment: j - offsets[seg(j)]
    n = values.shape[0]
    pos = jnp.arange(n, dtype=offsets.dtype)
    seg = jnp.searchsorted(offsets, pos, side="right") - 1
    seq = pos - jnp.take(offsets, seg, axis=0)
    # weights = torch.gather(position_weight, 0, seq)
    weights = jnp.take(position_weight, seq, axis=0)
    # JaggedTensor(values=values, offsets=offsets, weights=weights) -> return (values, weights)
    return values, weights

if __name__ == "__main__":
    import jax
    _d = setup_inputs()
    print(jax.jit(kernel)(*tuple(_d.values())))

</pallas_src>

<mosaic_0001>
#map = affine_map<(d0, d1) -> (0)>
module attributes {stable_mosaic.version = 14 : i64} {
  func.func @_pw_body(%arg0: i32, %arg1: i32, %arg2: memref<32768xi32, #tpu.memory_space<hbm>>, %arg3: memref<17xi32, #tpu.memory_space<hbm>>, %arg4: memref<32768xf32, #tpu.memory_space<hbm>>, %arg5: memref<32768xi32, #tpu.memory_space<hbm>>, %arg6: memref<32768xf32, #tpu.memory_space<hbm>>, %arg7: memref<16xi32, #tpu.memory_space<vmem>>, %arg8: memref<2176xf32, #tpu.memory_space<vmem>>, %arg9: memref<1024xf32, #tpu.memory_space<vmem>>, %arg10: memref<1024xi32, #tpu.memory_space<vmem>>, %arg11: memref<!tpu.dma_semaphore, #tpu.memory_space<semaphore_mem>>, %arg12: memref<!tpu.dma_semaphore, #tpu.memory_space<semaphore_mem>>) attributes {dimension_semantics = [#tpu.dimension_semantics<core_parallel>, #tpu.dimension_semantics<subcore_parallel>], iteration_bounds = array<i64: 2, 16>, scalar_prefetch = 0 : i64, scratch_operands = 6 : i64, tpu.core_type = #tpu.core_type<sc_vector_subcore>, window_params = [{transform_indices = #map}, {transform_indices = #map}, {transform_indices = #map}, {transform_indices = #map}, {transform_indices = #map}]} {
    %mul3A = arith.constant 2 : i32
    %mul3A_0 = arith.muli %arg1, %mul3A : i32
    %add3A = arith.addi %mul3A_0, %arg0 : i32
    %mul3A_1 = arith.constant 1024 : i32
    %mul3A_2 = arith.muli %add3A, %mul3A_1 : i32
    %dma_start3A = arith.constant 0 : i32
    %dma_start3A_3 = tpu.memref_slice %arg3[%dma_start3A] : memref<17xi32, #tpu.memory_space<hbm>> -> memref<16xi32, #tpu.memory_space<hbm>>
    %dma_start3A_4 = arith.constant 0 : i32
    %dma_start3A_5 = tpu.memref_slice %arg3[%dma_start3A_4] : memref<17xi32, #tpu.memory_space<hbm>> -> memref<16xi32, #tpu.memory_space<hbm>>
    tpu.enqueue_dma source(%dma_start3A_5 : memref<16xi32, #tpu.memory_space<hbm>>) target(%arg7 : memref<16xi32, #tpu.memory_space<vmem>>) target_semaphore(%arg11 : memref<!tpu.dma_semaphore, #tpu.memory_space<semaphore_mem>>)
    %dma_start3A_6 = arith.constant 0 : i32
    %dma_start3A_7 = tpu.memref_slice %arg8[%dma_start3A_6] : memref<2176xf32, #tpu.memory_space<vmem>> -> memref<1024xf32, #tpu.memory_space<vmem>>
    %dma_start3A_8 = arith.constant 0 : i32
    %dma_start3A_9 = tpu.memref_slice %arg4[%dma_start3A_8] : memref<32768xf32, #tpu.memory_space<hbm>> -> memref<1024xf32, #tpu.memory_space<hbm>>
    %dma_start3A_10 = arith.constant 0 : i32
    %dma_start3A_11 = tpu.memref_slice %arg8[%dma_start3A_10] : memref<2176xf32, #tpu.memory_space<vmem>> -> memref<1024xf32, #tpu.memory_space<vmem>>
    %dma_start3A_12 = arith.constant 0 : i32
    %dma_start3A_13 = tpu.memref_slice %arg4[%dma_start3A_12] : memref<32768xf32, #tpu.memory_space<hbm>> -> memref<1024xf32, #tpu.memory_space<hbm>>
    tpu.enqueue_dma source(%dma_start3A_13 : memref<1024xf32, #tpu.memory_space<hbm>>) target(%dma_start3A_11 : memref<1024xf32, #tpu.memory_space<vmem>>) target_semaphore(%arg12 : memref<!tpu.dma_semaphore, #tpu.memory_space<semaphore_mem>>)
    %dma_start3A_14 = tpu.memref_slice %arg2[%mul3A_2] : memref<32768xi32, #tpu.memory_space<hbm>> -> memref<1024xi32, #tpu.memory_space<hbm>>
    %dma_start3A_15 = tpu.memref_slice %arg2[%mul3A_2] : memref<32768xi32, #tpu.memory_space<hbm>> -> memref<1024xi32, #tpu.memory_space<hbm>>
    tpu.enqueue_dma source(%dma_start3A_15 : memref<1024xi32, #tpu.memory_space<hbm>>) target(%arg10 : memref<1024xi32, #tpu.memory_space<vmem>>) target_semaphore(%arg12 : memref<!tpu.dma_semaphore, #tpu.memory_space<semaphore_mem>>)
    %dma_wait3A = arith.constant 0 : i32
    %dma_wait3A_16 = tpu.memref_slice %arg3[%dma_wait3A] : memref<17xi32, #tpu.memory_space<hbm>> -> memref<16xi32, #tpu.memory_space<hbm>>
    %dma_wait3A_17 = arith.constant 0 : i32
    %dma_wait3A_18 = tpu.memref_slice %arg3[%dma_wait3A_17] : memref<17xi32, #tpu.memory_space<hbm>> -> memref<16xi32, #tpu.memory_space<hbm>>
    tpu.wait_dma2 semaphore(%arg11 : memref<!tpu.dma_semaphore, #tpu.memory_space<semaphore_mem>>) src(%dma_wait3A_18 : memref<16xi32, #tpu.memory_space<hbm>>) dst(%arg7 : memref<16xi32, #tpu.memory_space<vmem>>)
    %get3A = arith.constant 0 : index
    %get3A_19 = tpu.vector_load %arg7[%get3A] {strides = array<i32>} : memref<16xi32, #tpu.memory_space<vmem>>, vector<16xi32>,
    %slice3A = vector.extract_strided_slice %get3A_19 {offsets = [0], sizes = [1], strides = [1]} : vector<16xi32> to vector<1xi32>
    %squeeze3A = vector.extract %slice3A[0] : i32 from vector<1xi32>
    %le3A = arith.cmpi sle, %squeeze3A, %mul3A_2 : i32
    %jit3A = arith.constant 0 : i32
    %select_n3A = arith.select %le3A, %squeeze3A, %jit3A : i32
    %broadcast_in_dim3A = vector.broadcast %squeeze3A : i32 to vector<16xi32>
    %slice3A_20 = vector.extract_strided_slice %get3A_19 {offsets = [1], sizes = [1], strides = [1]} : vector<16xi32> to vector<1xi32>
    %squeeze3A_21 = vector.extract %slice3A_20[0] : i32 from vector<1xi32>
    %le3A_22 = arith.cmpi sle, %squeeze3A_21, %mul3A_2 : i32
    %select_n3A_23 = arith.select %le3A_22, %squeeze3A_21, %select_n3A : i32
    %broadcast_in_dim3A_24 = vector.broadcast %squeeze3A_21 : i32 to vector<16xi32>
    %slice3A_25 = vector.extract_strided_slice %get3A_19 {offsets = [2], sizes = [1], strides = [1]} : vector<16xi32> to vector<1xi32>
    %squeeze3A_26 = vector.extract %slice3A_25[0] : i32 from vector<1xi32>
    %le3A_27 = arith.cmpi sle, %squeeze3A_26, %mul3A_2 : i32
    %select_n3A_28 = arith.select %le3A_27, %squeeze3A_26, %select_n3A_23 : i32
    %broadcast_in_dim3A_29 = vector.broadcast %squeeze3A_26 : i32 to vector<16xi32>
    %slice3A_30 = vector.extract_strided_slice %get3A_19 {offsets = [3], sizes = [1], strides = [1]} : vector<16xi32> to vector<1xi32>
    %squeeze3A_31 = vector.extract %slice3A_30[0] : i32 from vector<1xi32>
    %le3A_32 = arith.cmpi sle, %squeeze3A_31, %mul3A_2 : i32
    %select_n3A_33 = arith.select %le3A_32, %squeeze3A_31, %select_n3A_28 : i32
    %broadcast_in_dim3A_34 = vector.broadcast %squeeze3A_31 : i32 to vector<16xi32>
    %slice3A_35 = vector.extract_strided_slice %get3A_19 {offsets = [4], sizes = [1], strides = [1]} : vector<16xi32> to vector<1xi32>
    %squeeze3A_36 = vector.extract %slice3A_35[0] : i32 from vector<1xi32>
    %le3A_37 = arith.cmpi sle, %squeeze3A_36, %mul3A_2 : i32
    %select_n3A_38 = arith.select %le3A_37, %squeeze3A_36, %select_n3A_33 : i32
    %broadcast_in_dim3A_39 = vector.broadcast %squeeze3A_36 : i32 to vector<16xi32>
    %slice3A_40 = vector.extract_strided_slice %get3A_19 {offsets = [5], sizes = [1], strides = [1]} : vector<16xi32> to vector<1xi32>
    %squeeze3A_41 = vector.extract %slice3A_40[0] : i32 from vector<1xi32>
    %le3A_42 = arith.cmpi sle, %squeeze3A_41, %mul3A_2 : i32
    %select_n3A_43 = arith.select %le3A_42, %squeeze3A_41, %select_n3A_38 : i32
    %broadcast_in_dim3A_44 = vector.broadcast %squeeze3A_41 : i32 to vector<16xi32>
    %slice3A_45 = vector.extract_strided_slice %get3A_19 {offsets = [6], sizes = [1], strides = [1]} : vector<16xi32> to vector<1xi32>
    %squeeze3A_46 = vector.extract %slice3A_45[0] : i32 from vector<1xi32>
    %le3A_47 = arith.cmpi sle, %squeeze3A_46, %mul3A_2 : i32
    %select_n3A_48 = arith.select %le3A_47, %squeeze3A_46, %select_n3A_43 : i32
    %broadcast_in_dim3A_49 = vector.broadcast %squeeze3A_46 : i32 to vector<16xi32>
    %slice3A_50 = vector.extract_strided_slice %get3A_19 {offsets = [7], sizes = [1], strides = [1]} : vector<16xi32> to vector<1xi32>
    %squeeze3A_51 = vector.extract %slice3A_50[0] : i32 from vector<1xi32>
    %le3A_52 = arith.cmpi sle, %squeeze3A_51, %mul3A_2 : i32
    %select_n3A_53 = arith.select %le3A_52, %squeeze3A_51, %select_n3A_48 : i32
    %broadcast_in_dim3A_54 = vector.broadcast %squeeze3A_51 : i32 to vector<16xi32>
    %slice3A_55 = vector.extract_strided_slice %get3A_19 {offsets = [8], sizes = [1], strides = [1]} : vector<16xi32> to vector<1xi32>
    %squeeze3A_56 = vector.extract %slice3A_55[0] : i32 from vector<1xi32>
    %le3A_57 = arith.cmpi sle, %squeeze3A_56, %mul3A_2 : i32
    %select_n3A_58 = arith.select %le3A_57, %squeeze3A_56, %select_n3A_53 : i32
    %broadcast_in_dim3A_59 = vector.broadcast %squeeze3A_56 : i32 to vector<16xi32>
    %slice3A_60 = vector.extract_strided_slice %get3A_19 {offsets = [9], sizes = [1], strides = [1]} : vector<16xi32> to vector<1xi32>
    %squeeze3A_61 = vector.extract %slice3A_60[0] : i32 from vector<1xi32>
    %le3A_62 = arith.cmpi sle, %squeeze3A_61, %mul3A_2 : i32
    %select_n3A_63 = arith.select %le3A_62, %squeeze3A_61, %select_n3A_58 : i32
    %broadcast_in_dim3A_64 = vector.broadcast %squeeze3A_61 : i32 to vector<16xi32>
    %slice3A_65 = vector.extract_strided_slice %get3A_19 {offsets = [10], sizes = [1], strides = [1]} : vector<16xi32> to vector<1xi32>
    %squeeze3A_66 = vector.extract %slice3A_65[0] : i32 from vector<1xi32>
    %le3A_67 = arith.cmpi sle, %squeeze3A_66, %mul3A_2 : i32
    %select_n3A_68 = arith.select %le3A_67, %squeeze3A_66, %select_n3A_63 : i32
    %broadcast_in_dim3A_69 = vector.broadcast %squeeze3A_66 : i32 to vector<16xi32>
    %slice3A_70 = vector.extract_strided_slice %get3A_19 {offsets = [11], sizes = [1], strides = [1]} : vector<16xi32> to vector<1xi32>
    %squeeze3A_71 = vector.extract %slice3A_70[0] : i32 from vector<1xi32>
    %le3A_72 = arith.cmpi sle, %squeeze3A_71, %mul3A_2 : i32
    %select_n3A_73 = arith.select %le3A_72, %squeeze3A_71, %select_n3A_68 : i32
    %broadcast_in_dim3A_74 = vector.broadcast %squeeze3A_71 : i32 to vector<16xi32>
    %slice3A_75 = vector.extract_strided_slice %get3A_19 {offsets = [12], sizes = [1], strides = [1]} : vector<16xi32> to vector<1xi32>
    %squeeze3A_76 = vector.extract %slice3A_75[0] : i32 from vector<1xi32>
    %le3A_77 = arith.cmpi sle, %squeeze3A_76, %mul3A_2 : i32
    %select_n3A_78 = arith.select %le3A_77, %squeeze3A_76, %select_n3A_73 : i32
    %broadcast_in_dim3A_79 = vector.broadcast %squeeze3A_76 : i32 to vector<16xi32>
    %slice3A_80 = vector.extract_strided_slice %get3A_19 {offsets = [13], sizes = [1], strides = [1]} : vector<16xi32> to vector<1xi32>
    %squeeze3A_81 = vector.extract %slice3A_80[0] : i32 from vector<1xi32>
    %le3A_82 = arith.cmpi sle, %squeeze3A_81, %mul3A_2 : i32
    %select_n3A_83 = arith.select %le3A_82, %squeeze3A_81, %select_n3A_78 : i32
    %broadcast_in_dim3A_84 = vector.broadcast %squeeze3A_81 : i32 to vector<16xi32>
    %slice3A_85 = vector.extract_strided_slice %get3A_19 {offsets = [14], sizes = [1], strides = [1]} : vector<16xi32> to vector<1xi32>
    %squeeze3A_86 = vector.extract %slice3A_85[0] : i32 from vector<1xi32>
    %le3A_87 = arith.cmpi sle, %squeeze3A_86, %mul3A_2 : i32
    %select_n3A_88 = arith.select %le3A_87, %squeeze3A_86, %select_n3A_83 : i32
    %broadcast_in_dim3A_89 = vector.broadcast %squeeze3A_86 : i32 to vector<16xi32>
    %slice3A_90 = vector.extract_strided_slice %get3A_19 {offsets = [15], sizes = [1], strides = [1]} : vector<16xi32> to vector<1xi32>
    %squeeze3A_91 = vector.extract %slice3A_90[0] : i32 from vector<1xi32>
    %le3A_92 = arith.cmpi sle, %squeeze3A_91, %mul3A_2 : i32
    %select_n3A_93 = arith.select %le3A_92, %squeeze3A_91, %select_n3A_88 : i32
    %broadcast_in_dim3A_94 = vector.broadcast %squeeze3A_91 : i32 to vector<16xi32>
    %sub3A = arith.subi %mul3A_2, %select_n3A_93 : i32
    %and3A = arith.constant -128 : i32
    %and3A_95 = arith.andi %sub3A, %and3A : i32
    %min3A = arith.constant 31616 : i32
    %min3A_96 = arith.minsi %and3A_95, %min3A : i32
    %multiple_of3A = tpu.assume_multiple %min3A_96, 128 : i32
    %dma_start3A_97 = arith.constant 1024 : i32
    %dma_start3A_98 = tpu.memref_slice %arg8[%dma_start3A_97] : memref<2176xf32, #tpu.memory_space<vmem>> -> memref<1152xf32, #tpu.memory_space<vmem>>
    %dma_start3A_99 = tpu.memref_slice %arg4[%multiple_of3A] : memref<32768xf32, #tpu.memory_space<hbm>> -> memref<1152xf32, #tpu.memory_space<hbm>>
    %dma_start3A_100 = arith.constant 1024 : i32
    %dma_start3A_101 = tpu.memref_slice %arg8[%dma_start3A_100] : memref<2176xf32, #tpu.memory_space<vmem>> -> memref<1152xf32, #tpu.memory_space<vmem>>
    %dma_start3A_102 = tpu.memref_slice %arg4[%multiple_of3A] : memref<32768xf32, #tpu.memory_space<hbm>> -> memref<1152xf32, #tpu.memory_space<hbm>>
    tpu.enqueue_dma source(%dma_start3A_102 : memref<1152xf32, #tpu.memory_space<hbm>>) target(%dma_start3A_101 : memref<1152xf32, #tpu.memory_space<vmem>>) target_semaphore(%arg11 : memref<!tpu.dma_semaphore, #tpu.memory_space<semaphore_mem>>)
    %dma_wait3A_103 = arith.constant 0 : i32
    %dma_wait3A_104 = tpu.memref_slice %arg8[%dma_wait3A_103] : memref<2176xf32, #tpu.memory_space<vmem>> -> memref<1024xf32, #tpu.memory_space<vmem>>
    %dma_wait3A_105 = arith.constant 0 : i32
    %dma_wait3A_106 = tpu.memref_slice %arg4[%dma_wait3A_105] : memref<32768xf32, #tpu.memory_space<hbm>> -> memref<1024xf32, #tpu.memory_space<hbm>>
    %dma_wait3A_107 = arith.constant 0 : i32
    %dma_wait3A_108 = tpu.memref_slice %arg8[%dma_wait3A_107] : memref<2176xf32, #tpu.memory_space<vmem>> -> memref<1024xf32, #tpu.memory_space<vmem>>
    %dma_wait3A_109 = arith.constant 0 : i32
    %dma_wait3A_110 = tpu.memref_slice %arg4[%dma_wait3A_109] : memref<32768xf32, #tpu.memory_space<hbm>> -> memref<1024xf32, #tpu.memory_space<hbm>>
    tpu.wait_dma2 semaphore(%arg12 : memref<!tpu.dma_semaphore, #tpu.memory_space<semaphore_mem>>) src(%dma_wait3A_110 : memref<1024xf32, #tpu.memory_space<hbm>>) dst(%dma_wait3A_108 : memref<1024xf32, #tpu.memory_space<vmem>>)
    %dma_wait3A_111 = arith.constant 1024 : i32
    %dma_wait3A_112 = tpu.memref_slice %arg8[%dma_wait3A_111] : memref<2176xf32, #tpu.memory_space<vmem>> -> memref<1152xf32, #tpu.memory_space<vmem>>
    %dma_wait3A_113 = tpu.memref_slice %arg4[%multiple_of3A] : memref<32768xf32, #tpu.memory_space<hbm>> -> memref<1152xf32, #tpu.memory_space<hbm>>
    %dma_wait3A_114 = arith.constant 1024 : i32
    %dma_wait3A_115 = tpu.memref_slice %arg8[%dma_wait3A_114] : memref<2176xf32, #tpu.memory_space<vmem>> -> memref<1152xf32, #tpu.memory_space<vmem>>
    %dma_wait3A_116 = tpu.memref_slice %arg4[%multiple_of3A] : memref<32768xf32, #tpu.memory_space<hbm>> -> memref<1152xf32, #tpu.memory_space<hbm>>
    tpu.wait_dma2 semaphore(%arg11 : memref<!tpu.dma_semaphore, #tpu.memory_space<semaphore_mem>>) src(%dma_wait3A_116 : memref<1152xf32, #tpu.memory_space<hbm>>) dst(%dma_wait3A_115 : memref<1152xf32, #tpu.memory_space<vmem>>)
    %iota3A = tpu.iota {dimensions = array<i32: 0>} : vector<16xi32>
    %sub3A_117 = arith.constant 1024 : i32
    %sub3A_118 = arith.subi %sub3A_117, %multiple_of3A : i32
    %add3A_119 = arith.constant 0 : i32
    %add3A_120 = arith.addi %mul3A_2, %add3A_119 : i32
    %add3A_121 = vector.broadcast %add3A_120 : i32 to vector<16xi32>
    %add3A_122 = arith.addi %iota3A, %add3A_121 : vector<16xi32>
    %sub3A_123 = arith.subi %add3A_122, %broadcast_in_dim3A : vector<16xi32>
    %bitcast3A = vector.bitcast %sub3A_123 : vector<16xi32> to vector<16xi32>
    %sub3A_124 = arith.subi %add3A_122, %broadcast_in_dim3A_24 : vector<16xi32>
    %bitcast3A_125 = vector.bitcast %sub3A_124 : vector<16xi32> to vector<16xi32>
    %sub3A_126 = arith.subi %add3A_122, %broadcast_in_dim3A_29 : vector<16xi32>
    %bitcast3A_127 = vector.bitcast %sub3A_126 : vector<16xi32> to vector<16xi32>
    %sub3A_128 = arith.subi %add3A_122, %broadcast_in_dim3A_34 : vector<16xi32>
    %bitcast3A_129 = vector.bitcast %sub3A_128 : vector<16xi32> to vector<16xi32>
    %sub3A_130 = arith.subi %add3A_122, %broadcast_in_dim3A_39 : vector<16xi32>
    %bitcast3A_131 = vector.bitcast %sub3A_130 : vector<16xi32> to vector<16xi32>
    %sub3A_132 = arith.subi %add3A_122, %broadcast_in_dim3A_44 : vector<16xi32>
    %bitcast3A_133 = vector.bitcast %sub3A_132 : vector<16xi32> to vector<16xi32>
    %sub3A_134 = arith.subi %add3A_122, %broadcast_in_dim3A_49 : vector<16xi32>
    %bitcast3A_135 = vector.bitcast %sub3A_134 : vector<16xi32> to vector<16xi32>
    %sub3A_136 = arith.subi %add3A_122, %broadcast_in_dim3A_54 : vector<16xi32>
    %bitcast3A_137 = vector.bitcast %sub3A_136 : vector<16xi32> to vector<16xi32>
    %sub3A_138 = arith.subi %add3A_122, %broadcast_in_dim3A_59 : vector<16xi32>
    %bitcast3A_139 = vector.bitcast %sub3A_138 : vector<16xi32> to vector<16xi32>
    %sub3A_140 = arith.subi %add3A_122, %broadcast_in_dim3A_64 : vector<16xi32>
    %bitcast3A_141 = vector.bitcast %sub3A_140 : vector<16xi32> to vector<16xi32>
    %sub3A_142 = arith.subi %add3A_122, %broadcast_in_dim3A_69 : vector<16xi32>
    %bitcast3A_143 = vector.bitcast %sub3A_142 : vector<16xi32> to vector<16xi32>
    %sub3A_144 = arith.subi %add3A_122, %broadcast_in_dim3A_74 : vector<16xi32>
    %bitcast3A_145 = vector.bitcast %sub3A_144 : vector<16xi32> to vector<16xi32>
    %sub3A_146 = arith.subi %add3A_122, %broadcast_in_dim3A_79 : vector<16xi32>
    %bitcast3A_147 = vector.bitcast %sub3A_146 : vector<16xi32> to vector<16xi32>
    %sub3A_148 = arith.subi %add3A_122, %broadcast_in_dim3A_84 : vector<16xi32>
    %bitcast3A_149 = vector.bitcast %sub3A_148 : vector<16xi32> to vector<16xi32>
    %sub3A_150 = arith.subi %add3A_122, %broadcast_in_dim3A_89 : vector<16xi32>
    %bitcast3A_151 = vector.bitcast %sub3A_150 : vector<16xi32> to vector<16xi32>
    %sub3A_152 = arith.subi %add3A_122, %broadcast_in_dim3A_94 : vector<16xi32>
    %bitcast3A_153 = vector.bitcast %sub3A_152 : vector<16xi32> to vector<16xi32>
    %min3A_154 = arith.minui %bitcast3A, %bitcast3A_125 : vector<16xi32>
    %min3A_155 = arith.minui %bitcast3A_127, %bitcast3A_129 : vector<16xi32>
    %min3A_156 = arith.minui %bitcast3A_131, %bitcast3A_133 : vector<16xi32>
    %min3A_157 = arith.minui %bitcast3A_135, %bitcast3A_137 : vector<16xi32>
    %min3A_158 = arith.minui %bitcast3A_139, %bitcast3A_141 : vector<16xi32>
    %min3A_159 = arith.minui %bitcast3A_143, %bitcast3A_145 : vector<16xi32>
    %min3A_160 = arith.minui %bitcast3A_147, %bitcast3A_149 : vector<16xi32>
    %min3A_161 = arith.minui %bitcast3A_151, %bitcast3A_153 : vector<16xi32>
    %min3A_162 = arith.minui %min3A_154, %min3A_155 : vector<16xi32>
    %min3A_163 = arith.minui %min3A_156, %min3A_157 : vector<16xi32>
    %min3A_164 = arith.minui %min3A_158, %min3A_159 : vector<16xi32>
    %min3A_165 = arith.minui %min3A_160, %min3A_161 : vector<16xi32>
    %min3A_166 = arith.minui %min3A_162, %min3A_163 : vector<16xi32>
    %min3A_167 = arith.minui %min3A_164, %min3A_165 : vector<16xi32>
    %min3A_168 = arith.minui %min3A_166, %min3A_167 : vector<16xi32>
    %bitcast3A_169 = vector.bitcast %min3A_168 : vector<16xi32> to vector<16xi32>
    %lt3A = arith.constant 1024 : i32
    %lt3A_170 = vector.broadcast %lt3A : i32 to vector<16xi32>
    %lt3A_171 = arith.cmpi slt, %bitcast3A_169, %lt3A_170 : vector<16xi32>
    %add3A_172 = vector.broadcast %sub3A_118 : i32 to vector<16xi32>
    %add3A_173 = arith.addi %bitcast3A_169, %add3A_172 : vector<16xi32>
    %select_n3A_174 = arith.select %lt3A_171, %bitcast3A_169, %add3A_173 : vector<16xi1>, vector<16xi32>
    %gather3A = tpu.vector_load_idx %arg8[%select_n3A_174] : memref<2176xf32, #tpu.memory_space<vmem>>[vector<16xi32>], vector<16xf32>,
    %swap3A = arith.constant 0 : index
    %swap3A_175 = tpu.vector_load %arg9[%swap3A] {strides = array<i32>} : memref<1024xf32, #tpu.memory_space<vmem>>, vector<16xf32>,
    tpu.vector_store %arg9[%swap3A], %gather3A {strides = array<i32>} : memref<1024xf32, #tpu.memory_space<vmem>>, vector<16xf32>,
    %add3A_176 = arith.constant 16 : i32
    %add3A_177 = arith.addi %mul3A_2, %add3A_176 : i32
    %add3A_178 = vector.broadcast %add3A_177 : i32 to vector<16xi32>
    %add3A_179 = arith.addi %iota3A, %add3A_178 : vector<16xi32>
    %sub3A_180 = arith.subi %add3A_179, %broadcast_in_dim3A : vector<16xi32>
    %bitcast3A_181 = vector.bitcast %sub3A_180 : vector<16xi32> to vector<16xi32>
    %sub3A_182 = arith.subi %add3A_179, %broadcast_in_dim3A_24 : vector<16xi32>
    %bitcast3A_183 = vector.bitcast %sub3A_182 : vector<16xi32> to vector<16xi32>
    %sub3A_184 = arith.subi %add3A_179, %broadcast_in_dim3A_29 : vector<16xi32>
    %bitcast3A_185 = vector.bitcast %sub3A_184 : vector<16xi32> to vector<16xi32>
    %sub3A_186 = arith.subi %add3A_179, %broadcast_in_dim3A_34 : vector<16xi32>
    %bitcast3A_187 = vector.bitcast %sub3A_186 : vector<16xi32> to vector<16xi32>
    %sub3A_188 = arith.subi %add3A_179, %broadcast_in_dim3A_39 : vector<16xi32>
    %bitcast3A_189 = vector.bitcast %sub3A_188 : vector<16xi32> to vector<16xi32>
    %sub3A_190 = arith.subi %add3A_179, %broadcast_in_dim3A_44 : vector<16xi32>
    %bitcast3A_191 = vector.bitcast %sub3A_190 : vector<16xi32> to vector<16xi32>
    %sub3A_192 = arith.subi %add3A_179, %broadcast_in_dim3A_49 : vector<16xi32>
    %bitcast3A_193 = vector.bitcast %sub3A_192 : vector<16xi32> to vector<16xi32>
    %sub3A_194 = arith.subi %add3A_179, %broadcast_in_dim3A_54 : vector<16xi32>
    %bitcast3A_195 = vector.bitcast %sub3A_194 : vector<16xi32> to vector<16xi32>
    %sub3A_196 = arith.subi %add3A_179, %broadcast_in_dim3A_59 : vector<16xi32>
    %bitcast3A_197 = vector.bitcast %sub3A_196 : vector<16xi32> to vector<16xi32>
    %sub3A_198 = arith.subi %add3A_179, %broadcast_in_dim3A_64 : vector<16xi32>
    %bitcast3A_199 = vector.bitcast %sub3A_198 : vector<16xi32> to vector<16xi32>
    %sub3A_200 = arith.subi %add3A_179, %broadcast_in_dim3A_69 : vector<16xi32>
    %bitcast3A_201 = vector.bitcast %sub3A_200 : vector<16xi32> to vector<16xi32>
    %sub3A_202 = arith.subi %add3A_179, %broadcast_in_dim3A_74 : vector<16xi32>
    %bitcast3A_203 = vector.bitcast %sub3A_202 : vector<16xi32> to vector<16xi32>
    %sub3A_204 = arith.subi %add3A_179, %broadcast_in_dim3A_79 : vector<16xi32>
    %bitcast3A_205 = vector.bitcast %sub3A_204 : vector<16xi32> to vector<16xi32>
    %sub3A_206 = arith.subi %add3A_179, %broadcast_in_dim3A_84 : vector<16xi32>
    %bitcast3A_207 = vector.bitcast %sub3A_206 : vector<16xi32> to vector<16xi32>
    %sub3A_208 = arith.subi %add3A_179, %broadcast_in_dim3A_89 : vector<16xi32>
    %bitcast3A_209 = vector.bitcast %sub3A_208 : vector<16xi32> to vector<16xi32>
    %sub3A_210 = arith.subi %add3A_179, %broadcast_in_dim3A_94 : vector<16xi32>
    %bitcast3A_211 = vector.bitcast %sub3A_210 : vector<16xi32> to vector<16xi32>
    %min3A_212 = arith.minui %bitcast3A_181, %bitcast3A_183 : vector<16xi32>
    %min3A_213 = arith.minui %bitcast3A_185, %bitcast3A_187 : vector<16xi32>
    %min3A_214 = arith.minui %bitcast3A_189, %bitcast3A_191 : vector<16xi32>
    %min3A_215 = arith.minui %bitcast3A_193, %bitcast3A_195 : vector<16xi32>
    %min3A_216 = arith.minui %bitcast3A_197, %bitcast3A_199 : vector<16xi32>
    %min3A_217 = arith.minui %bitcast3A_201, %bitcast3A_203 : vector<16xi32>
    %min3A_218 = arith.minui %bitcast3A_205, %bitcast3A_207 : vector<16xi32>
    %min3A_219 = arith.minui %bitcast3A_209, %bitcast3A_211 : vector<16xi32>
    %min3A_220 = arith.minui %min3A_212, %min3A_213 : vector<16xi32>
    %min3A_221 = arith.minui %min3A_214, %min3A_215 : vector<16xi32>
    %min3A_222 = arith.minui %min3A_216, %min3A_217 : vector<16xi32>
    %min3A_223 = arith.minui %min3A_218, %min3A_219 : vector<16xi32>
    %min3A_224 = arith.minui %min3A_220, %min3A_221 : vector<16xi32>
    %min3A_225 = arith.minui %min3A_222, %min3A_223 : vector<16xi32>
    %min3A_226 = arith.minui %min3A_224, %min3A_225 : vector<16xi32>
    %bitcast3A_227 = vector.bitcast %min3A_226 : vector<16xi32> to vector<16xi32>
    %lt3A_228 = arith.constant 1024 : i32
    %lt3A_229 = vector.broadcast %lt3A_228 : i32 to vector<16xi32>
    %lt3A_230 = arith.cmpi slt, %bitcast3A_227, %lt3A_229 : vector<16xi32>
    %add3A_231 = vector.broadcast %sub3A_118 : i32 to vector<16xi32>
    %add3A_232 = arith.addi %bitcast3A_227, %add3A_231 : vector<16xi32>
    %select_n3A_233 = arith.select %lt3A_230, %bitcast3A_227, %add3A_232 : vector<16xi1>, vector<16xi32>
    %gather3A_234 = tpu.vector_load_idx %arg8[%select_n3A_233] : memref<2176xf32, #tpu.memory_space<vmem>>[vector<16xi32>], vector<16xf32>,
    %swap3A_235 = arith.constant 16 : index
    %swap3A_236 = tpu.vector_load %arg9[%swap3A_235] {strides = array<i32>} : memref<1024xf32, #tpu.memory_space<vmem>>, vector<16xf32>,
    tpu.vector_store %arg9[%swap3A_235], %gather3A_234 {strides = array<i32>} : memref<1024xf32, #tpu.memory_space<vmem>>, vector<16xf32>,
    %add3A_237 = arith.constant 32 : i32
    %add3A_238 = arith.addi %mul3A_2, %add3A_237 : i32
    %add3A_239 = vector.broadcast %add3A_238 : i32 to vector<16xi32>
    %add3A_240 = arith.addi %iota3A, %add3A_239 : vector<16xi32>
    %sub3A_241 = arith.subi %add3A_240, %broadcast_in_dim3A : vector<16xi32>
    %bitcast3A_242 = vector.bitcast %sub3A_241 : vector<16xi32> to vector<16xi32>
    %sub3A_243 = arith.subi %add3A_240, %broadcast_in_dim3A_24 : vector<16xi32>
    %bitcast3A_244 = vector.bitcast %sub3A_243 : vector<16xi32> to vector<16xi32>
    %sub3A_245 = arith.subi %add3A_240, %broadcast_in_dim3A_29 : vector<16xi32>
    %bitcast3A_246 = vector.bitcast %sub3A_245 : vector<16xi32> to vector<16xi32>
    %sub3A_247 = arith.subi %add3A_240, %broadcast_in_dim3A_34 : vector<16xi32>
    %bitcast3A_248 = vector.bitcast %sub3A_247 : vector<16xi32> to vector<16xi32>
    %sub3A_249 = arith.subi %add3A_240, %broadcast_in_dim3A_39 : vector<16xi32>
    %bitcast3A_250 = vector.bitcast %sub3A_249 : vector<16xi32> to vector<16xi32>
    %sub3A_251 = arith.subi %add3A_240, %broadcast_in_dim3A_44 : vector<16xi32>
    %bitcast3A_252 = vector.bitcast %sub3A_251 : vector<16xi32> to vector<16xi32>
    %sub3A_253 = arith.subi %add3A_240, %broadcast_in_dim3A_49 : vector<16xi32>
    %bitcast3A_254 = vector.bitcast %sub3A_253 : vector<16xi32> to vector<16xi32>
    %sub3A_255 = arith.subi %add3A_240, %broadcast_in_dim3A_54 : vector<16xi32>
    %bitcast3A_256 = vector.bitcast %sub3A_255 : vector<16xi32> to vector<16xi32>
    %sub3A_257 = arith.subi %add3A_240, %broadcast_in_dim3A_59 : vector<16xi32>
    %bitcast3A_258 = vector.bitcast %sub3A_257 : vector<16xi32> to vector<16xi32>
    %sub3A_259 = arith.subi %add3A_240, %broadcast_in_dim3A_64 : vector<16xi32>
    %bitcast3A_260 = vector.bitcast %sub3A_259 : vector<16xi32> to vector<16xi32>
    %sub3A_261 = arith.subi %add3A_240, %broadcast_in_dim3A_69 : vector<16xi32>
    %bitcast3A_262 = vector.bitcast %sub3A_261 : vector<16xi32> to vector<16xi32>
    %sub3A_263 = arith.subi %add3A_240, %broadcast_in_dim3A_74 : vector<16xi32>
    %bitcast3A_264 = vector.bitcast %sub3A_263 : vector<16xi32> to vector<16xi32>
    %sub3A_265 = arith.subi %add3A_240, %broadcast_in_dim3A_79 : vector<16xi32>
    %bitcast3A_266 = vector.bitcast %sub3A_265 : vector<16xi32> to vector<16xi32>
    %sub3A_267 = arith.subi %add3A_240, %broadcast_in_dim3A_84 : vector<16xi32>
    %bitcast3A_268 = vector.bitcast %sub3A_267 : vector<16xi32> to vector<16xi32>
    %sub3A_269 = arith.subi %add3A_240, %broadcast_in_dim3A_89 : vector<16xi32>
    %bitcast3A_270 = vector.bitcast %sub3A_269 : vector<16xi32> to vector<16xi32>
    %sub3A_271 = arith.subi %add3A_240, %broadcast_in_dim3A_94 : vector<16xi32>
    %bitcast3A_272 = vector.bitcast %sub3A_271 : vector<16xi32> to vector<16xi32>
    %min3A_273 = arith.minui %bitcast3A_242, %bitcast3A_244 : vector<16xi32>
    %min3A_274 = arith.minui %bitcast3A_246, %bitcast3A_248 : vector<16xi32>
    %min3A_275 = arith.minui %bitcast3A_250, %bitcast3A_252 : vector<16xi32>
    %min3A_276 = arith.minui %bitcast3A_254, %bitcast3A_256 : vector<16xi32>
    %min3A_277 = arith.minui %bitcast3A_258, %bitcast3A_260 : vector<16xi32>
    %min3A_278 = arith.minui %bitcast3A_262, %bitcast3A_264 : vector<16xi32>
    %min3A_279 = arith.minui %bitcast3A_266, %bitcast3A_268 : vector<16xi32>
    %min3A_280 = arith.minui %bitcast3A_270, %bitcast3A_272 : vector<16xi32>
    %min3A_281 = arith.minui %min3A_273, %min3A_274 : vector<16xi32>
    %min3A_282 = arith.minui %min3A_275, %min3A_276 : vector<16xi32>
    %min3A_283 = arith.minui %min3A_277, %min3A_278 : vector<16xi32>
    %min3A_284 = arith.minui %min3A_279, %min3A_280 : vector<16xi32>
    %min3A_285 = arith.minui %min3A_281, %min3A_282 : vector<16xi32>
    %min3A_286 = arith.minui %min3A_283, %min3A_284 : vector<16xi32>
    %min3A_287 = arith.minui %min3A_285, %min3A_286 : vector<16xi32>
    %bitcast3A_288 = vector.bitcast %min3A_287 : vector<16xi32> to vector<16xi32>
    %lt3A_289 = arith.constant 1024 : i32
    %lt3A_290 = vector.broadcast %lt3A_289 : i32 to vector<16xi32>
    %lt3A_291 = arith.cmpi slt, %bitcast3A_288, %lt3A_290 : vector<16xi32>
    %add3A_292 = vector.broadcast %sub3A_118 : i32 to vector<16xi32>
    %add3A_293 = arith.addi %bitcast3A_288, %add3A_292 : vector<16xi32>
    %select_n3A_294 = arith.select %lt3A_291, %bitcast3A_288, %add3A_293 : vector<16xi1>, vector<16xi32>
    %gather3A_295 = tpu.vector_load_idx %arg8[%select_n3A_294] : memref<2176xf32, #tpu.memory_space<vmem>>[vector<16xi32>], vector<16xf32>,
    %swap3A_296 = arith.constant 32 : index
    %swap3A_297 = tpu.vector_load %arg9[%swap3A_296] {strides = array<i32>} : memref<1024xf32, #tpu.memory_space<vmem>>, vector<16xf32>,
    tpu.vector_store %arg9[%swap3A_296], %gather3A_295 {strides = array<i32>} : memref<1024xf32, #tpu.memory_space<vmem>>, vector<16xf32>,
    %add3A_298 = arith.constant 48 : i32
    %add3A_299 = arith.addi %mul3A_2, %add3A_298 : i32
    %add3A_300 = vector.broadcast %add3A_299 : i32 to vector<16xi32>
    %add3A_301 = arith.addi %iota3A, %add3A_300 : vector<16xi32>
    %sub3A_302 = arith.subi %add3A_301, %broadcast_in_dim3A : vector<16xi32>
    %bitcast3A_303 = vector.bitcast %sub3A_302 : vector<16xi32> to vector<16xi32>
    %sub3A_304 = arith.subi %add3A_301, %broadcast_in_dim3A_24 : vector<16xi32>
    %bitcast3A_305 = vector.bitcast %sub3A_304 : vector<16xi32> to vector<16xi32>
    %sub3A_306 = arith.subi %add3A_301, %broadcast_in_dim3A_29 : vector<16xi32>
    %bitcast3A_307 = vector.bitcast %sub3A_306 : vector<16xi32> to vector<16xi32>
    %sub3A_308 = arith.subi %add3A_301, %broadcast_in_dim3A_34 : vector<16xi32>
    %bitcast3A_309 = vector.bitcast %sub3A_308 : vector<16xi32> to vector<16xi32>
    %sub3A_310 = arith.subi %add3A_301, %broadcast_in_dim3A_39 : vector<16xi32>
    %bitcast3A_311 = vector.bitcast %sub3A_310 : vector<16xi32> to vector<16xi32>
    %sub3A_312 = arith.subi %add3A_301, %broadcast_in_dim3A_44 : vector<16xi32>
    %bitcast3A_313 = vector.bitcast %sub3A_312 : vector<16xi32> to vector<16xi32>
    %sub3A_314 = arith.subi %add3A_301, %broadcast_in_dim3A_49 : vector<16xi32>
    %bitcast3A_315 = vector.bitcast %sub3A_314 : vector<16xi32> to vector<16xi32>
    %sub3A_316 = arith.subi %add3A_301, %broadcast_in_dim3A_54 : vector<16xi32>
    %bitcast3A_317 = vector.bitcast %sub3A_316 : vector<16xi32> to vector<16xi32>
    %sub3A_318 = arith.subi %add3A_301, %broadcast_in_dim3A_59 : vector<16xi32>
    %bitcast3A_319 = vector.bitcast %sub3A_318 : vector<16xi32> to vector<16xi32>
    %sub3A_320 = arith.subi %add3A_301, %broadcast_in_dim3A_64 : vector<16xi32>
    %bitcast3A_321 = vector.bitcast %sub3A_320 : vector<16xi32> to vector<16xi32>
    %sub3A_322 = arith.subi %add3A_301, %broadcast_in_dim3A_69 : vector<16xi32>
    %bitcast3A_323 = vector.bitcast %sub3A_322 : vector<16xi32> to vector<16xi32>
    %sub3A_324 = arith.subi %add3A_301, %broadcast_in_dim3A_74 : vector<16xi32>
    %bitcast3A_325 = vector.bitcast %sub3A_324 : vector<16xi32> to vector<16xi32>
    %sub3A_326 = arith.subi %add3A_301, %broadcast_in_dim3A_79 : vector<16xi32>
    %bitcast3A_327 = vector.bitcast %sub3A_326 : vector<16xi32> to vector<16xi32>
    %sub3A_328 = arith.subi %add3A_301, %broadcast_in_dim3A_84 : vector<16xi32>
    %bitcast3A_329 = vector.bitcast %sub3A_328 : vector<16xi32> to vector<16xi32>
    %sub3A_330 = arith.subi %add3A_301, %broadcast_in_dim3A_89 : vector<16xi32>
    %bitcast3A_331 = vector.bitcast %sub3A_330 : vector<16xi32> to vector<16xi32>
    %sub3A_332 = arith.subi %add3A_301, %broadcast_in_dim3A_94 : vector<16xi32>
    %bitcast3A_333 = vector.bitcast %sub3A_332 : vector<16xi32> to vector<16xi32>
    %min3A_334 = arith.minui %bitcast3A_303, %bitcast3A_305 : vector<16xi32>
    %min3A_335 = arith.minui %bitcast3A_307, %bitcast3A_309 : vector<16xi32>
    %min3A_336 = arith.minui %bitcast3A_311, %bitcast3A_313 : vector<16xi32>
    %min3A_337 = arith.minui %bitcast3A_315, %bitcast3A_317 : vector<16xi32>
    %min3A_338 = arith.minui %bitcast3A_319, %bitcast3A_321 : vector<16xi32>
    %min3A_339 = arith.minui %bitcast3A_323, %bitcast3A_325 : vector<16xi32>
    %min3A_340 = arith.minui %bitcast3A_327, %bitcast3A_329 : vector<16xi32>
    %min3A_341 = arith.minui %bitcast3A_331, %bitcast3A_333 : vector<16xi32>
    %min3A_342 = arith.minui %min3A_334, %min3A_335 : vector<16xi32>
    %min3A_343 = arith.minui %min3A_336, %min3A_337 : vector<16xi32>
    %min3A_344 = arith.minui %min3A_338, %min3A_339 : vector<16xi32>
    %min3A_345 = arith.minui %min3A_340, %min3A_341 : vector<16xi32>
    %min3A_346 = arith.minui %min3A_342, %min3A_343 : vector<16xi32>
    %min3A_347 = arith.minui %min3A_344, %min3A_345 : vector<16xi32>
    %min3A_348 = arith.minui %min3A_346, %min3A_347 : vector<16xi32>
    %bitcast3A_349 = vector.bitcast %min3A_348 : vector<16xi32> to vector<16xi32>
    %lt3A_350 = arith.constant 1024 : i32
    %lt3A_351 = vector.broadcast %lt3A_350 : i32 to vector<16xi32>
    %lt3A_352 = arith.cmpi slt, %bitcast3A_349, %lt3A_351 : vector<16xi32>
    %add3A_353 = vector.broadcast %sub3A_118 : i32 to vector<16xi32>
    %add3A_354 = arith.addi %bitcast3A_349, %add3A_353 : vector<16xi32>
    %select_n3A_355 = arith.select %lt3A_352, %bitcast3A_349, %add3A_354 : vector<16xi1>, vector<16xi32>
    %gather3A_356 = tpu.vector_load_idx %arg8[%select_n3A_355] : memref<2176xf32, #tpu.memory_space<vmem>>[vector<16xi32>], vector<16xf32>,
    %swap3A_357 = arith.constant 48 : index
    %swap3A_358 = tpu.vector_load %arg9[%swap3A_357] {strides = array<i32>} : memref<1024xf32, #tpu.memory_space<vmem>>, vector<16xf32>,
    tpu.vector_store %arg9[%swap3A_357], %gather3A_356 {strides = array<i32>} : memref<1024xf32, #tpu.memory_space<vmem>>, vector<16xf32>,
    %add3A_359 = arith.constant 64 : i32
    %add3A_360 = arith.addi %mul3A_2, %add3A_359 : i32
    %add3A_361 = vector.broadcast %add3A_360 : i32 to vector<16xi32>
    %add3A_362 = arith.addi %iota3A, %add3A_361 : vector<16xi32>
    %sub3A_363 = arith.subi %add3A_362, %broadcast_in_dim3A : vector<16xi32>
    %bitcast3A_364 = vector.bitcast %sub3A_363 : vector<16xi32> to vector<16xi32>
    %sub3A_365 = arith.subi %add3A_362, %broadcast_in_dim3A_24 : vector<16xi32>
    %bitcast3A_366 = vector.bitcast %sub3A_365 : vector<16xi32> to vector<16xi32>
    %sub3A_367 = arith.subi %add3A_362, %broadcast_in_dim3A_29 : vector<16xi32>
    %bitcast3A_368 = vector.bitcast %sub3A_367 : vector<16xi32> to vector<16xi32>
    %sub3A_369 = arith.subi %add3A_362, %broadcast_in_dim3A_34 : vector<16xi32>
    %bitcast3A_370 = vector.bitcast %sub3A_369 : vector<16xi32> to vector<16xi32>
    %sub3A_371 = arith.subi %add3A_362, %broadcast_in_dim3A_39 : vector<16xi32>
    %bitcast3A_372 = vector.bitcast %sub3A_371 : vector<16xi32> to vector<16xi32>
    %sub3A_373 = arith.subi %add3A_362, %broadcast_in_dim3A_44 : vector<16xi32>
    %bitcast3A_374 = vector.bitcast %sub3A_373 : vector<16xi32> to vector<16xi32>
    %sub3A_375 = arith.subi %add3A_362, %broadcast_in_dim3A_49 : vector<16xi32>
    %bitcast3A_376 = vector.bitcast %sub3A_375 : vector<16xi32> to vector<16xi32>
    %sub3A_377 = arith.subi %add3A_362, %broadcast_in_dim3A_54 : vector<16xi32>
    %bitcast3A_378 = vector.bitcast %sub3A_377 : vector<16xi32> to vector<16xi32>
    %sub3A_379 = arith.subi %add3A_362, %broadcast_in_dim3A_59 : vector<16xi32>
    %bitcast3A_380 = vector.bitcast %sub3A_379 : vector<16xi32> to vector<16xi32>
    %sub3A_381 = arith.subi %add3A_362, %broadcast_in_dim3A_64 : vector<16xi32>
    %bitcast3A_382 = vector.bitcast %sub3A_381 : vector<16xi32> to vector<16xi32>
    %sub3A_383 = arith.subi %add3A_362, %broadcast_in_dim3A_69 : vector<16xi32>
    %bitcast3A_384 = vector.bitcast %sub3A_383 : vector<16xi32> to vector<16xi32>
    %sub3A_385 = arith.subi %add3A_362, %broadcast_in_dim3A_74 : vector<16xi32>
    %bitcast3A_386 = vector.bitcast %sub3A_385 : vector<16xi32> to vector<16xi32>
    %sub3A_387 = arith.subi %add3A_362, %broadcast_in_dim3A_79 : vector<16xi32>
    %bitcast3A_388 = vector.bitcast %sub3A_387 : vector<16xi32> to vector<16xi32>
    %sub3A_389 = arith.subi %add3A_362, %broadcast_in_dim3A_84 : vector<16xi32>
    %bitcast3A_390 = vector.bitcast %sub3A_389 : vector<16xi32> to vector<16xi32>
    %sub3A_391 = arith.subi %add3A_362, %broadcast_in_dim3A_89 : vector<16xi32>
    %bitcast3A_392 = vector.bitcast %sub3A_391 : vector<16xi32> to vector<16xi32>
    %sub3A_393 = arith.subi %add3A_362, %broadcast_in_dim3A_94 : vector<16xi32>
    %bitcast3A_394 = vector.bitcast %sub3A_393 : vector<16xi32> to vector<16xi32>
    %min3A_395 = arith.minui %bitcast3A_364, %bitcast3A_366 : vector<16xi32>
    %min3A_396 = arith.minui %bitcast3A_368, %bitcast3A_370 : vector<16xi32>
    %min3A_397 = arith.minui %bitcast3A_372, %bitcast3A_374 : vector<16xi32>
    %min3A_398 = arith.minui %bitcast3A_376, %bitcast3A_378 : vector<16xi32>
    %min3A_399 = arith.minui %bitcast3A_380, %bitcast3A_382 : vector<16xi32>
    %min3A_400 = arith.minui %bitcast3A_384, %bitcast3A_386 : vector<16xi32>
    %min3A_401 = arith.minui %bitcast3A_388, %bitcast3A_390 : vector<16xi32>
    %min3A_402 = arith.minui %bitcast3A_392, %bitcast3A_394 : vector<16xi32>
    %min3A_403 = arith.minui %min3A_395, %min3A_396 : vector<16xi32>
    %min3A_404 = arith.minui %min3A_397, %min3A_398 : vector<16xi32>
    %min3A_405 = arith.minui %min3A_399, %min3A_400 : vector<16xi32>
    %min3A_406 = arith.minui %min3A_401, %min3A_402 : vector<16xi32>
    %min3A_407 = arith.minui %min3A_403, %min3A_404 : vector<16xi32>
    %min3A_408 = arith.minui %min3A_405, %min3A_406 : vector<16xi32>
    %min3A_409 = arith.minui %min3A_407, %min3A_408 : vector<16xi32>
    %bitcast3A_410 = vector.bitcast %min3A_409 : vector<16xi32> to vector<16xi32>
    %lt3A_411 = arith.constant 1024 : i32
    %lt3A_412 = vector.broadcast %lt3A_411 : i32 to vector<16xi32>
    %lt3A_413 = arith.cmpi slt, %bitcast3A_410, %lt3A_412 : vector<16xi32>
    %add3A_414 = vector.broadcast %sub3A_118 : i32 to vector<16xi32>
    %add3A_415 = arith.addi %bitcast3A_410, %add3A_414 : vector<16xi32>
    %select_n3A_416 = arith.select %lt3A_413, %bitcast3A_410, %add3A_415 : vector<16xi1>, vector<16xi32>
    %gather3A_417 = tpu.vector_load_idx %arg8[%select_n3A_416] : memref<2176xf32, #tpu.memory_space<vmem>>[vector<16xi32>], vector<16xf32>,
    %swap3A_418 = arith.constant 64 : index
    %swap3A_419 = tpu.vector_load %arg9[%swap3A_418] {strides = array<i32>} : memref<1024xf32, #tpu.memory_space<vmem>>, vector<16xf32>,
    tpu.vector_store %arg9[%swap3A_418], %gather3A_417 {strides = array<i32>} : memref<1024xf32, #tpu.memory_space<vmem>>, vector<16xf32>,
    %add3A_420 = arith.constant 80 : i32
    %add3A_421 = arith.addi %mul3A_2, %add3A_420 : i32
    %add3A_422 = vector.broadcast %add3A_421 : i32 to vector<16xi32>
    %add3A_423 = arith.addi %iota3A, %add3A_422 : vector<16xi32>
    %sub3A_424 = arith.subi %add3A_423, %broadcast_in_dim3A : vector<16xi32>
    %bitcast3A_425 = vector.bitcast %sub3A_424 : vector<16xi32> to vector<16xi32>
    %sub3A_426 = arith.subi %add3A_423, %broadcast_in_dim3A_24 : vector<16xi32>
    %bitcast3A_427 = vector.bitcast %sub3A_426 : vector<16xi32> to vector<16xi32>
    %sub3A_428 = arith.subi %add3A_423, %broadcast_in_dim3A_29 : vector<16xi32>
    %bitcast3A_429 = vector.bitcast %sub3A_428 : vector<16xi32> to vector<16xi32>
    %sub3A_430 = arith.subi %add3A_423, %broadcast_in_dim3A_34 : vector<16xi32>
    %bitcast3A_431 = vector.bitcast %sub3A_430 : vector<16xi32> to vector<16xi32>
    %sub3A_432 = arith.subi %add3A_423, %broadcast_in_dim3A_39 : vector<16xi32>
    %bitcast3A_433 = vector.bitcast %sub3A_432 : vector<16xi32> to vector<16xi32>
    %sub3A_434 = arith.subi %add3A_423, %broadcast_in_dim3A_44 : vector<16xi32>
    %bitcast3A_435 = vector.bitcast %sub3A_434 : vector<16xi32> to vector<16xi32>
    %sub3A_436 = arith.subi %add3A_423, %broadcast_in_dim3A_49 : vector<16xi32>
    %bitcast3A_437 = vector.bitcast %sub3A_436 : vector<16xi32> to vector<16xi32>
    %sub3A_438 = arith.subi %add3A_423, %broadcast_in_dim3A_54 : vector<16xi32>
    %bitcast3A_439 = vector.bitcast %sub3A_438 : vector<16xi32> to vector<16xi32>
    %sub3A_440 = arith.subi %add3A_423, %broadcast_in_dim3A_59 : vector<16xi32>
    %bitcast3A_441 = vector.bitcast %sub3A_440 : vector<16xi32> to vector<16xi32>
    %sub3A_442 = arith.subi %add3A_423, %broadcast_in_dim3A_64 : vector<16xi32>
    %bitcast3A_443 = vector.bitcast %sub3A_442 : vector<16xi32> to vector<16xi32>
    %sub3A_444 = arith.subi %add3A_423, %broadcast_in_dim3A_69 : vector<16xi32>
    %bitcast3A_445 = vector.bitcast %sub3A_444 : vector<16xi32> to vector<16xi32>
    %sub3A_446 = arith.subi %add3A_423, %broadcast_in_dim3A_74 : vector<16xi32>
    %bitcast3A_447 = vector.bitcast %sub3A_446 : vector<16xi32> to vector<16xi32>
    %sub3A_448 = arith.subi %add3A_423, %broadcast_in_dim3A_79 : vector<16xi32>
    %bitcast3A_449 = vector.bitcast %sub3A_448 : vector<16xi32> to vector<16xi32>
    %sub3A_450 = arith.subi %add3A_423, %broadcast_in_dim3A_84 : vector<16xi32>
    %bitcast3A_451 = vector.bitcast %sub3A_450 : vector<16xi32> to vector<16xi32>
    %sub3A_452 = arith.subi %add3A_423, %broadcast_in_dim3A_89 : vector<16xi32>
    %bitcast3A_453 = vector.bitcast %sub3A_452 : vector<16xi32> to vector<16xi32>
    %sub3A_454 = arith.subi %add3A_423, %broadcast_in_dim3A_94 : vector<16xi32>
    %bitcast3A_455 = vector.bitcast %sub3A_454 : vector<16xi32> to vector<16xi32>
    %min3A_456 = arith.minui %bitcast3A_425, %bitcast3A_427 : vector<16xi32>
    %min3A_457 = arith.minui %bitcast3A_429, %bitcast3A_431 : vector<16xi32>
    %min3A_458 = arith.minui %bitcast3A_433, %bitcast3A_435 : vector<16xi32>
    %min3A_459 = arith.minui %bitcast3A_437, %bitcast3A_439 : vector<16xi32>
    %min3A_460 = arith.minui %bitcast3A_441, %bitcast3A_443 : vector<16xi32>
    %min3A_461 = arith.minui %bitcast3A_445, %bitcast3A_447 : vector<16xi32>
    %min3A_462 = arith.minui %bitcast3A_449, %bitcast3A_451 : vector<16xi32>
    %min3A_463 = arith.minui %bitcast3A_453, %bitcast3A_455 : vector<16xi32>
    %min3A_464 = arith.minui %min3A_456, %min3A_457 : vector<16xi32>
    %min3A_465 = arith.minui %min3A_458, %min3A_459 : vector<16xi32>
    %min3A_466 = arith.minui %min3A_460, %min3A_461 : vector<16xi32>
    %min3A_467 = arith.minui %min3A_462, %min3A_463 : vector<16xi32>
    %min3A_468 = arith.minui %min3A_464, %min3A_465 : vector<16xi32>
    %min3A_469 = arith.minui %min3A_466, %min3A_467 : vector<16xi32>
    %min3A_470 = arith.minui %min3A_468, %min3A_469 : vector<16xi32>
    %bitcast3A_471 = vector.bitcast %min3A_470 : vector<16xi32> to vector<16xi32>
    %lt3A_472 = arith.constant 1024 : i32
    %lt3A_473 = vector.broadcast %lt3A_472 : i32 to vector<16xi32>
    %lt3A_474 = arith.cmpi slt, %bitcast3A_471, %lt3A_473 : vector<16xi32>
    %add3A_475 = vector.broadcast %sub3A_118 : i32 to vector<16xi32>
    %add3A_476 = arith.addi %bitcast3A_471, %add3A_475 : vector<16xi32>
    %select_n3A_477 = arith.select %lt3A_474, %bitcast3A_471, %add3A_476 : vector<16xi1>, vector<16xi32>
    %gather3A_478 = tpu.vector_load_idx %arg8[%select_n3A_477] : memref<2176xf32, #tpu.memory_space<vmem>>[vector<16xi32>], vector<16xf32>,
    %swap3A_479 = arith.constant 80 : index
    %swap3A_480 = tpu.vector_load %arg9[%swap3A_479] {strides = array<i32>} : memref<1024xf32, #tpu.memory_space<vmem>>, vector<16xf32>,
    tpu.vector_store %arg9[%swap3A_479], %gather3A_478 {strides = array<i32>} : memref<1024xf32, #tpu.memory_space<vmem>>, vector<16xf32>,
    %add3A_481 = arith.constant 96 : i32
    %add3A_482 = arith.addi %mul3A_2, %add3A_481 : i32
    %add3A_483 = vector.broadcast %add3A_482 : i32 to vector<16xi32>
    %add3A_484 = arith.addi %iota3A, %add3A_483 : vector<16xi32>
    %sub3A_485 = arith.subi %add3A_484, %broadcast_in_dim3A : vector<16xi32>
    %bitcast3A_486 = vector.bitcast %sub3A_485 : vector<16xi32> to vector<16xi32>
    %sub3A_487 = arith.subi %add3A_484, %broadcast_in_dim3A_24 : vector<16xi32>
    %bitcast3A_488 = vector.bitcast %sub3A_487 : vector<16xi32> to vector<16xi32>
    %sub3A_489 = arith.subi %add3A_484, %broadcast_in_dim3A_29 : vector<16xi32>
    %bitcast3A_490 = vector.bitcast %sub3A_489 : vector<16xi32> to vector<16xi32>
    %sub3A_491 = arith.subi %add3A_484, %broadcast_in_dim3A_34 : vector<16xi32>
    %bitcast3A_492 = vector.bitcast %sub3A_491 : vector<16xi32> to vector<16xi32>
    %sub3A_493 = arith.subi %add3A_484, %broadcast_in_dim3A_39 : vector<16xi32>
    %bitcast3A_494 = vector.bitcast %sub3A_493 : vector<16xi32> to vector<16xi32>
    %sub3A_495 = arith.subi %add3A_484, %broadcast_in_dim3A_44 : vector<16xi32>
    %bitcast3A_496 = vector.bitcast %sub3A_495 : vector<16xi32> to vector<16xi32>
    %sub3A_497 = arith.subi %add3A_484, %broadcast_in_dim3A_49 : vector<16xi32>
    %bitcast3A_498 = vector.bitcast %sub3A_497 : vector<16xi32> to vector<16xi32>
    %sub3A_499 = arith.subi %add3A_484, %broadcast_in_dim3A_54 : vector<16xi32>
    %bitcast3A_500 = vector.bitcast %sub3A_499 : vector<16xi32> to vector<16xi32>
    %sub3A_501 = arith.subi %add3A_484, %broadcast_in_dim3A_59 : vector<16xi32>
    %bitcast3A_502 = vector.bitcast %sub3A_501 : vector<16xi32> to vector<16xi32>
    %sub3A_503 = arith.subi %add3A_484, %broadcast_in_dim3A_64 : vector<16xi32>
    %bitcast3A_504 = vector.bitcast %sub3A_503 : vector<16xi32> to vector<16xi32>
    %sub3A_505 = arith.subi %add3A_484, %broadcast_in_dim3A_69 : vector<16xi32>
    %bitcast3A_506 = vector.bitcast %sub3A_505 : vector<16xi32> to vector<16xi32>
    %sub3A_507 = arith.subi %add3A_484, %broadcast_in_dim3A_74 : vector<16xi32>
    %bitcast3A_508 = vector.bitcast %sub3A_507 : vector<16xi32> to vector<16xi32>
    %sub3A_509 = arith.subi %add3A_484, %broadcast_in_dim3A_79 : vector<16xi32>
    %bitcast3A_510 = vector.bitcast %sub3A_509 : vector<16xi32> to vector<16xi32>
    %sub3A_511 = arith.subi %add3A_484, %broadcast_in_dim3A_84 : vector<16xi32>
    %bitcast3A_512 = vector.bitcast %sub3A_511 : vector<16xi32> to vector<16xi32>
    %sub3A_513 = arith.subi %add3A_484, %broadcast_in_dim3A_89 : vector<16xi32>
    %bitcast3A_514 = vector.bitcast %sub3A_513 : vector<16xi32> to vector<16xi32>
    %sub3A_515 = arith.subi %add3A_484, %broadcast_in_dim3A_94 : vector<16xi32>
    %bitcast3A_516 = vector.bitcast %sub3A_515 : vector<16xi32> to vector<16xi32>
    %min3A_517 = arith.minui %bitcast3A_486, %bitcast3A_488 : vector<16xi32>
    %min3A_518 = arith.minui %bitcast3A_490, %bitcast3A_492 : vector<16xi32>
    %min3A_519 = arith.minui %bitcast3A_494, %bitcast3A_496 : vector<16xi32>
    %min3A_520 = arith.minui %bitcast3A_498, %bitcast3A_500 : vector<16xi32>
    %min3A_521 = arith.minui %bitcast3A_502, %bitcast3A_504 : vector<16xi32>
    %min3A_522 = arith.minui %bitcast3A_506, %bitcast3A_508 : vector<16xi32>
    %min3A_523 = arith.minui %bitcast3A_510, %bitcast3A_512 : vector<16xi32>
    %min3A_524 = arith.minui %bitcast3A_514, %bitcast3A_516 : vector<16xi32>
    %min3A_525 = arith.minui %min3A_517, %min3A_518 : vector<16xi32>
    %min3A_526 = arith.minui %min3A_519, %min3A_520 : vector<16xi32>
    %min3A_527 = arith.minui %min3A_521, %min3A_522 : vector<16xi32>
    %min3A_528 = arith.minui %min3A_523, %min3A_524 : vector<16xi32>
    %min3A_529 = arith.minui %min3A_525, %min3A_526 : vector<16xi32>
    %min3A_530 = arith.minui %min3A_527, %min3A_528 : vector<16xi32>
    %min3A_531 = arith.minui %min3A_529, %min3A_530 : vector<16xi32>
    %bitcast3A_532 = vector.bitcast %min3A_531 : vector<16xi32> to vector<16xi32>
    %lt3A_533 = arith.constant 1024 : i32
    %lt3A_534 = vector.broadcast %lt3A_533 : i32 to vector<16xi32>
    %lt3A_535 = arith.cmpi slt, %bitcast3A_532, %lt3A_534 : vector<16xi32>
    %add3A_536 = vector.broadcast %sub3A_118 : i32 to vector<16xi32>
    %add3A_537 = arith.addi %bitcast3A_532, %add3A_536 : vector<16xi32>
    %select_n3A_538 = arith.select %lt3A_535, %bitcast3A_532, %add3A_537 : vector<16xi1>, vector<16xi32>
    %gather3A_539 = tpu.vector_load_idx %arg8[%select_n3A_538] : memref<2176xf32, #tpu.memory_space<vmem>>[vector<16xi32>], vector<16xf32>,
    %swap3A_540 = arith.constant 96 : index
    %swap3A_541 = tpu.vector_load %arg9[%swap3A_540] {strides = array<i32>} : memref<1024xf32, #tpu.memory_space<vmem>>, vector<16xf32>,
    tpu.vector_store %arg9[%swap3A_540], %gather3A_539 {strides = array<i32>} : memref<1024xf32, #tpu.memory_space<vmem>>, vector<16xf32>,
    %add3A_542 = arith.constant 112 : i32
    %add3A_543 = arith.addi %mul3A_2, %add3A_542 : i32
    %add3A_544 = vector.broadcast %add3A_543 : i32 to vector<16xi32>
    %add3A_545 = arith.addi %iota3A, %add3A_544 : vector<16xi32>
    %sub3A_546 = arith.subi %add3A_545, %broadcast_in_dim3A : vector<16xi32>
    %bitcast3A_547 = vector.bitcast %sub3A_546 : vector<16xi32> to vector<16xi32>
    %sub3A_548 = arith.subi %add3A_545, %broadcast_in_dim3A_24 : vector<16xi32>
    %bitcast3A_549 = vector.bitcast %sub3A_548 : vector<16xi32> to vector<16xi32>
    %sub3A_550 = arith.subi %add3A_545, %broadcast_in_dim3A_29 : vector<16xi32>
    %bitcast3A_551 = vector.bitcast %sub3A_550 : vector<16xi32> to vector<16xi32>
    %sub3A_552 = arith.subi %add3A_545, %broadcast_in_dim3A_34 : vector<16xi32>
    %bitcast3A_553 = vector.bitcast %sub3A_552 : vector<16xi32> to vector<16xi32>
    %sub3A_554 = arith.subi %add3A_545, %broadcast_in_dim3A_39 : vector<16xi32>
    %bitcast3A_555 = vector.bitcast %sub3A_554 : vector<16xi32> to vector<16xi32>
    %sub3A_556 = arith.subi %add3A_545, %broadcast_in_dim3A_44 : vector<16xi32>
    %bitcast3A_557 = vector.bitcast %sub3A_556 : vector<16xi32> to vector<16xi32>
    %sub3A_558 = arith.subi %add3A_545, %broadcast_in_dim3A_49 : vector<16xi32>
    %bitcast3A_559 = vector.bitcast %sub3A_558 : vector<16xi32> to vector<16xi32>
    %sub3A_560 = arith.subi %add3A_545, %broadcast_in_dim3A_54 : vector<16xi32>
    %bitcast3A_561 = vector.bitcast %sub3A_560 : vector<16xi32> to vector<16xi32>
    %sub3A_562 = arith.subi %add3A_545, %broadcast_in_dim3A_59 : vector<16xi32>
    %bitcast3A_563 = vector.bitcast %sub3A_562 : vector<16xi32> to vector<16xi32>
    %sub3A_564 = arith.subi %add3A_545, %broadcast_in_dim3A_64 : vector<16xi32>
    %bitcast3A_565 = vector.bitcast %sub3A_564 : vector<16xi32> to vector<16xi32>
    %sub3A_566 = arith.subi %add3A_545, %broadcast_in_dim3A_69 : vector<16xi32>
    %bitcast3A_567 = vector.bitcast %sub3A_566 : vector<16xi32> to vector<16xi32>
    %sub3A_568 = arith.subi %add3A_545, %broadcast_in_dim3A_74 : vector<16xi32>
    %bitcast3A_569 = vector.bitcast %sub3A_568 : vector<16xi32> to vector<16xi32>
    %sub3A_570 = arith.subi %add3A_545, %broadcast_in_dim3A_79 : vector<16xi32>
    %bitcast3A_571 = vector.bitcast %sub3A_570 : vector<16xi32> to vector<16xi32>
    %sub3A_572 = arith.subi %add3A_545, %broadcast_in_dim3A_84 : vector<16xi32>
    %bitcast3A_573 = vector.bitcast %sub3A_572 : vector<16xi32> to vector<16xi32>
    %sub3A_574 = arith.subi %add3A_545, %broadcast_in_dim3A_89 : vector<16xi32>
    %bitcast3A_575 = vector.bitcast %sub3A_574 : vector<16xi32> to vector<16xi32>
    %sub3A_576 = arith.subi %add3A_545, %broadcast_in_dim3A_94 : vector<16xi32>
    %bitcast3A_577 = vector.bitcast %sub3A_576 : vector<16xi32> to vector<16xi32>
    %min3A_578 = arith.minui %bitcast3A_547, %bitcast3A_549 : vector<16xi32>
    %min3A_579 = arith.minui %bitcast3A_551, %bitcast3A_553 : vector<16xi32>
    %min3A_580 = arith.minui %bitcast3A_555, %bitcast3A_557 : vector<16xi32>
    %min3A_581 = arith.minui %bitcast3A_559, %bitcast3A_561 : vector<16xi32>
    %min3A_582 = arith.minui %bitcast3A_563, %bitcast3A_565 : vector<16xi32>
    %min3A_583 = arith.minui %bitcast3A_567, %bitcast3A_569 : vector<16xi32>
    %min3A_584 = arith.minui %bitcast3A_571, %bitcast3A_573 : vector<16xi32>
    %min3A_585 = arith.minui %bitcast3A_575, %bitcast3A_577 : vector<16xi32>
    %min3A_586 = arith.minui %min3A_578, %min3A_579 : vector<16xi32>
    %min3A_587 = arith.minui %min3A_580, %min3A_581 : vector<16xi32>
    %min3A_588 = arith.minui %min3A_582, %min3A_583 : vector<16xi32>
    %min3A_589 = arith.minui %min3A_584, %min3A_585 : vector<16xi32>
    %min3A_590 = arith.minui %min3A_586, %min3A_587 : vector<16xi32>
    %min3A_591 = arith.minui %min3A_588, %min3A_589 : vector<16xi32>
    %min3A_592 = arith.minui %min3A_590, %min3A_591 : vector<16xi32>
    %bitcast3A_593 = vector.bitcast %min3A_592 : vector<16xi32> to vector<16xi32>
    %lt3A_594 = arith.constant 1024 : i32
    %lt3A_595 = vector.broadcast %lt3A_594 : i32 to vector<16xi32>
    %lt3A_596 = arith.cmpi slt, %bitcast3A_593, %lt3A_595 : vector<16xi32>
    %add3A_597 = vector.broadcast %sub3A_118 : i32 to vector<16xi32>
    %add3A_598 = arith.addi %bitcast3A_593, %add3A_597 : vector<16xi32>
    %select_n3A_599 = arith.select %lt3A_596, %bitcast3A_593, %add3A_598 : vector<16xi1>, vector<16xi32>
    %gather3A_600 = tpu.vector_load_idx %arg8[%select_n3A_599] : memref<2176xf32, #tpu.memory_space<vmem>>[vector<16xi32>], vector<16xf32>,
    %swap3A_601 = arith.constant 112 : index
    %swap3A_602 = tpu.vector_load %arg9[%swap3A_601] {strides = array<i32>} : memref<1024xf32, #tpu.memory_space<vmem>>, vector<16xf32>,
    tpu.vector_store %arg9[%swap3A_601], %gather3A_600 {strides = array<i32>} : memref<1024xf32, #tpu.memory_space<vmem>>, vector<16xf32>,
    %add3A_603 = arith.constant 128 : i32
    %add3A_604 = arith.addi %mul3A_2, %add3A_603 : i32
    %add3A_605 = vector.broadcast %add3A_604 : i32 to vector<16xi32>
    %add3A_606 = arith.addi %iota3A, %add3A_605 : vector<16xi32>
    %sub3A_607 = arith.subi %add3A_606, %broadcast_in_dim3A : vector<16xi32>
    %bitcast3A_608 = vector.bitcast %sub3A_607 : vector<16xi32> to vector<16xi32>
    %sub3A_609 = arith.subi %add3A_606, %broadcast_in_dim3A_24 : vector<16xi32>
    %bitcast3A_610 = vector.bitcast %sub3A_609 : vector<16xi32> to vector<16xi32>
    %sub3A_611 = arith.subi %add3A_606, %broadcast_in_dim3A_29 : vector<16xi32>
    %bitcast3A_612 = vector.bitcast %sub3A_611 : vector<16xi32> to vector<16xi32>
    %sub3A_613 = arith.subi %add3A_606, %broadcast_in_dim3A_34 : vector<16xi32>
    %bitcast3A_614 = vector.bitcast %sub3A_613 : vector<16xi32> to vector<16xi32>
    %sub3A_615 = arith.subi %add3A_606, %broadcast_in_dim3A_39 : vector<16xi32>
    %bitcast3A_616 = vector.bitcast %sub3A_615 : vector<16xi32> to vector<16xi32>
    %sub3A_617 = arith.subi %add3A_606, %broadcast_in_dim3A_44 : vector<16xi32>
    %bitcast3A_618 = vector.bitcast %sub3A_617 : vector<16xi32> to vector<16xi32>
    %sub3A_619 = arith.subi %add3A_606, %broadcast_in_dim3A_49 : vector<16xi32>
    %bitcast3A_620 = vector.bitcast %sub3A_619 : vector<16xi32> to vector<16xi32>
    %sub3A_621 = arith.subi %add3A_606, %broadcast_in_dim3A_54 : vector<16xi32>
    %bitcast3A_622 = vector.bitcast %sub3A_621 : vector<16xi32> to vector<16xi32>
    %sub3A_623 = arith.subi %add3A_606, %broadcast_in_dim3A_59 : vector<16xi32>
    %bitcast3A_624 = vector.bitcast %sub3A_623 : vector<16xi32> to vector<16xi32>
    %sub3A_625 = arith.subi %add3A_606, %broadcast_in_dim3A_64 : vector<16xi32>
    %bitcast3A_626 = vector.bitcast %sub3A_625 : vector<16xi32> to vector<16xi32>
    %sub3A_627 = arith.subi %add3A_606, %broadcast_in_dim3A_69 : vector<16xi32>
    %bitcast3A_628 = vector.bitcast %sub3A_627 : vector<16xi32> to vector<16xi32>
    %sub3A_629 = arith.subi %add3A_606, %broadcast_in_dim3A_74 : vector<16xi32>
    %bitcast3A_630 = vector.bitcast %sub3A_629 : vector<16xi32> to vector<16xi32>
    %sub3A_631 = arith.subi %add3A_606, %broadcast_in_dim3A_79 : vector<16xi32>
    %bitcast3A_632 = vector.bitcast %sub3A_631 : vector<16xi32> to vector<16xi32>
    %sub3A_633 = arith.subi %add3A_606, %broadcast_in_dim3A_84 : vector<16xi32>
    %bitcast3A_634 = vector.bitcast %sub3A_633 : vector<16xi32> to vector<16xi32>
    %sub3A_635 = arith.subi %add3A_606, %broadcast_in_dim3A_89 : vector<16xi32>
    %bitcast3A_636 = vector.bitcast %sub3A_635 : vector<16xi32> to vector<16xi32>
    %sub3A_637 = arith.subi %add3A_606, %broadcast_in_dim3A_94 : vector<16xi32>
    %bitcast3A_638 = vector.bitcast %sub3A_637 : vector<16xi32> to vector<16xi32>
    %min3A_639 = arith.minui %bitcast3A_608, %bitcast3A_610 : vector<16xi32>
    %min3A_640 = arith.minui %bitcast3A_612, %bitcast3A_614 : vector<16xi32>
    %min3A_641 = arith.minui %bitcast3A_616, %bitcast3A_618 : vector<16xi32>
    %min3A_642 = arith.minui %bitcast3A_620, %bitcast3A_622 : vector<16xi32>
    %min3A_643 = arith.minui %bitcast3A_624, %bitcast3A_626 : vector<16xi32>
    %min3A_644 = arith.minui %bitcast3A_628, %bitcast3A_630 : vector<16xi32>
    %min3A_645 = arith.minui %bitcast3A_632, %bitcast3A_634 : vector<16xi32>
    %min3A_646 = arith.minui %bitcast3A_636, %bitcast3A_638 : vector<16xi32>
    %min3A_647 = arith.minui %min3A_639, %min3A_640 : vector<16xi32>
    %min3A_648 = arith.minui %min3A_641, %min3A_642 : vector<16xi32>
    %min3A_649 = arith.minui %min3A_643, %min3A_644 : vector<16xi32>
    %min3A_650 = arith.minui %min3A_645, %min3A_646 : vector<16xi32>
    %min3A_651 = arith.minui %min3A_647, %min3A_648 : vector<16xi32>
    %min3A_652 = arith.minui %min3A_649, %min3A_650 : vector<16xi32>
    %min3A_653 = arith.minui %min3A_651, %min3A_652 : vector<16xi32>
    %bitcast3A_654 = vector.bitcast %min3A_653 : vector<16xi32> to vector<16xi32>
    %lt3A_655 = arith.constant 1024 : i32
    %lt3A_656 = vector.broadcast %lt3A_655 : i32 to vector<16xi32>
    %lt3A_657 = arith.cmpi slt, %bitcast3A_654, %lt3A_656 : vector<16xi32>
    %add3A_658 = vector.broadcast %sub3A_118 : i32 to vector<16xi32>
    %add3A_659 = arith.addi %bitcast3A_654, %add3A_658 : vector<16xi32>
    %select_n3A_660 = arith.select %lt3A_657, %bitcast3A_654, %add3A_659 : vector<16xi1>, vector<16xi32>
    %gather3A_661 = tpu.vector_load_idx %arg8[%select_n3A_660] : memref<2176xf32, #tpu.memory_space<vmem>>[vector<16xi32>], vector<16xf32>,
    %swap3A_662 = arith.constant 128 : index
    %swap3A_663 = tpu.vector_load %arg9[%swap3A_662] {strides = array<i32>} : memref<1024xf32, #tpu.memory_space<vmem>>, vector<16xf32>,
    tpu.vector_store %arg9[%swap3A_662], %gather3A_661 {strides = array<i32>} : memref<1024xf32, #tpu.memory_space<vmem>>, vector<16xf32>,
    %add3A_664 = arith.constant 144 : i32
    %add3A_665 = arith.addi %mul3A_2, %add3A_664 : i32
    %add3A_666 = vector.broadcast %add3A_665 : i32 to vector<16xi32>
    %add3A_667 = arith.addi %iota3A, %add3A_666 : vector<16xi32>
    %sub3A_668 = arith.subi %add3A_667, %broadcast_in_dim3A : vector<16xi32>
    %bitcast3A_669 = vector.bitcast %sub3A_668 : vector<16xi32> to vector<16xi32>
    %sub3A_670 = arith.subi %add3A_667, %broadcast_in_dim3A_24 : vector<16xi32>
    %bitcast3A_671 = vector.bitcast %sub3A_670 : vector<16xi32> to vector<16xi32>
    %sub3A_672 = arith.subi %add3A_667, %broadcast_in_dim3A_29 : vector<16xi32>
    %bitcast3A_673 = vector.bitcast %sub3A_672 : vector<16xi32> to vector<16xi32>
    %sub3A_674 = arith.subi %add3A_667, %broadcast_in_dim3A_34 : vector<16xi32>
    %bitcast3A_675 = vector.bitcast %sub3A_674 : vector<16xi32> to vector<16xi32>
    %sub3A_676 = arith.subi %add3A_667, %broadcast_in_dim3A_39 : vector<16xi32>
    %bitcast3A_677 = vector.bitcast %sub3A_676 : vector<16xi32> to vector<16xi32>
    %sub3A_678 = arith.subi %add3A_667, %broadcast_in_dim3A_44 : vector<16xi32>
    %bitcast3A_679 = vector.bitcast %sub3A_678 : vector<16xi32> to vector<16xi32>
    %sub3A_680 = arith.subi %add3A_667, %broadcast_in_dim3A_49 : vector<16xi32>
    %bitcast3A_681 = vector.bitcast %sub3A_680 : vector<16xi32> to vector<16xi32>
    %sub3A_682 = arith.subi %add3A_667, %broadcast_in_dim3A_54 : vector<16xi32>
    %bitcast3A_683 = vector.bitcast %sub3A_682 : vector<16xi32> to vector<16xi32>
    %sub3A_684 = arith.subi %add3A_667, %broadcast_in_dim3A_59 : vector<16xi32>
    %bitcast3A_685 = vector.bitcast %sub3A_684 : vector<16xi32> to vector<16xi32>
    %sub3A_686 = arith.subi %add3A_667, %broadcast_in_dim3A_64 : vector<16xi32>
    %bitcast3A_687 = vector.bitcast %sub3A_686 : vector<16xi32> to vector<16xi32>
    %sub3A_688 = arith.subi %add3A_667, %broadcast_in_dim3A_69 : vector<16xi32>
    %bitcast3A_689 = vector.bitcast %sub3A_688 : vector<16xi32> to vector<16xi32>
    %sub3A_690 = arith.subi %add3A_667, %broadcast_in_dim3A_74 : vector<16xi32>
    %bitcast3A_691 = vector.bitcast %sub3A_690 : vector<16xi32> to vector<16xi32>
    %sub3A_692 = arith.subi %add3A_667, %broadcast_in_dim3A_79 : vector<16xi32>
    %bitcast3A_693 = vector.bitcast %sub3A_692 : vector<16xi32> to vector<16xi32>
    %sub3A_694 = arith.subi %add3A_667, %broadcast_in_dim3A_84 : vector<16xi32>
    %bitcast3A_695 = vector.bitcast %sub3A_694 : vector<16xi32> to vector<16xi32>
    %sub3A_696 = arith.subi %add3A_667, %broadcast_in_dim3A_89 : vector<16xi32>
    %bitcast3A_697 = vector.bitcast %sub3A_696 : vector<16xi32> to vector<16xi32>
    %sub3A_698 = arith.subi %add3A_667, %broadcast_in_dim3A_94 : vector<16xi32>
    %bitcast3A_699 = vector.bitcast %sub3A_698 : vector<16xi32> to vector<16xi32>
    %min3A_700 = arith.minui %bitcast3A_669, %bitcast3A_671 : vector<16xi32>
    %min3A_701 = arith.minui %bitcast3A_673, %bitcast3A_675 : vector<16xi32>
    %min3A_702 = arith.minui %bitcast3A_677, %bitcast3A_679 : vector<16xi32>
    %min3A_703 = arith.minui %bitcast3A_681, %bitcast3A_683 : vector<16xi32>
    %min3A_704 = arith.minui %bitcast3A_685, %bitcast3A_687 : vector<16xi32>
    %min3A_705 = arith.minui %bitcast3A_689, %bitcast3A_691 : vector<16xi32>
    %min3A_706 = arith.minui %bitcast3A_693, %bitcast3A_695 : vector<16xi32>
    %min3A_707 = arith.minui %bitcast3A_697, %bitcast3A_699 : vector<16xi32>
    %min3A_708 = arith.minui %min3A_700, %min3A_701 : vector<16xi32>
    %min3A_709 = arith.minui %min3A_702, %min3A_703 : vector<16xi32>
    %min3A_710 = arith.minui %min3A_704, %min3A_705 : vector<16xi32>
    %min3A_711 = arith.minui %min3A_706, %min3A_707 : vector<16xi32>
    %min3A_712 = arith.minui %min3A_708, %min3A_709 : vector<16xi32>
    %min3A_713 = arith.minui %min3A_710, %min3A_711 : vector<16xi32>
    %min3A_714 = arith.minui %min3A_712, %min3A_713 : vector<16xi32>
    %bitcast3A_715 = vector.bitcast %min3A_714 : vector<16xi32> to vector<16xi32>
    %lt3A_716 = arith.constant 1024 : i32
    %lt3A_717 = vector.broadcast %lt3A_716 : i32 to vector<16xi32>
    %lt3A_718 = arith.cmpi slt, %bitcast3A_715, %lt3A_717 : vector<16xi32>
    %add3A_719 = vector.broadcast %sub3A_118 : i32 to vector<16xi32>
    %add3A_720 = arith.addi %bitcast3A_715, %add3A_719 : vector<16xi32>
    %select_n3A_721 = arith.select %lt3A_718, %bitcast3A_715, %add3A_720 : vector<16xi1>, vector<16xi32>
    %gather3A_722 = tpu.vector_load_idx %arg8[%select_n3A_721] : memref<2176xf32, #tpu.memory_space<vmem>>[vector<16xi32>], vector<16xf32>,
    %swap3A_723 = arith.constant 144 : index
    %swap3A_724 = tpu.vector_load %arg9[%swap3A_723] {strides = array<i32>} : memref<1024xf32, #tpu.memory_space<vmem>>, vector<16xf32>,
    tpu.vector_store %arg9[%swap3A_723], %gather3A_722 {strides = array<i32>} : memref<1024xf32, #tpu.memory_space<vmem>>, vector<16xf32>,
    %add3A_725 = arith.constant 160 : i32
    %add3A_726 = arith.addi %mul3A_2, %add3A_725 : i32
    %add3A_727 = vector.broadcast %add3A_726 : i32 to vector<16xi32>
    %add3A_728 = arith.addi %iota3A, %add3A_727 : vector<16xi32>
    %sub3A_729 = arith.subi %add3A_728, %broadcast_in_dim3A : vector<16xi32>
    %bitcast3A_730 = vector.bitcast %sub3A_729 : vector<16xi32> to vector<16xi32>
    %sub3A_731 = arith.subi %add3A_728, %broadcast_in_dim3A_24 : vector<16xi32>
    %bitcast3A_732 = vector.bitcast %sub3A_731 : vector<16xi32> to vector<16xi32>
    %sub3A_733 = arith.subi %add3A_728, %broadcast_in_dim3A_29 : vector<16xi32>
    %bitcast3A_734 = vector.bitcast %sub3A_733 : vector<16xi32> to vector<16xi32>
    %sub3A_735 = arith.subi %add3A_728, %broadcast_in_dim3A_34 : vector<16xi32>
    %bitcast3A_736 = vector.bitcast %sub3A_735 : vector<16xi32> to vector<16xi32>
    %sub3A_737 = arith.subi %add3A_728, %broadcast_in_dim3A_39 : vector<16xi32>
    %bitcast3A_738 = vector.bitcast %sub3A_737 : vector<16xi32> to vector<16xi32>
    %sub3A_739 = arith.subi %add3A_728, %broadcast_in_dim3A_44 : vector<16xi32>
    %bitcast3A_740 = vector.bitcast %sub3A_739 : vector<16xi32> to vector<16xi32>
    %sub3A_741 = arith.subi %add3A_728, %broadcast_in_dim3A_49 : vector<16xi32>
    %bitcast3A_742 = vector.bitcast %sub3A_741 : vector<16xi32> to vector<16xi32>
    %sub3A_743 = arith.subi %add3A_728, %broadcast_in_dim3A_54 : vector<16xi32>
    %bitcast3A_744 = vector.bitcast %sub3A_743 : vector<16xi32> to vector<16xi32>
    %sub3A_745 = arith.subi %add3A_728, %broadcast_in_dim3A_59 : vector<16xi32>
    %bitcast3A_746 = vector.bitcast %sub3A_745 : vector<16xi32> to vector<16xi32>
    %sub3A_747 = arith.subi %add3A_728, %broadcast_in_dim3A_64 : vector<16xi32>
    %bitcast3A_748 = vector.bitcast %sub3A_747 : vector<16xi32> to vector<16xi32>
    %sub3A_749 = arith.subi %add3A_728, %broadcast_in_dim3A_69 : vector<16xi32>
    %bitcast3A_750 = vector.bitcast %sub3A_749 : vector<16xi32> to vector<16xi32>
    %sub3A_751 = arith.subi %add3A_728, %broadcast_in_dim3A_74 : vector<16xi32>
    %bitcast3A_752 = vector.bitcast %sub3A_751 : vector<16xi32> to vector<16xi32>
    %sub3A_753 = arith.subi %add3A_728, %broadcast_in_dim3A_79 : vector<16xi32>
    %bitcast3A_754 = vector.bitcast %sub3A_753 : vector<16xi32> to vector<16xi32>
    %sub3A_755 = arith.subi %add3A_728, %broadcast_in_dim3A_84 : vector<16xi32>
    %bitcast3A_756 = vector.bitcast %sub3A_755 : vector<16xi32> to vector<16xi32>
    %sub3A_757 = arith.subi %add3A_728, %broadcast_in_dim3A_89 : vector<16xi32>
    %bitcast3A_758 = vector.bitcast %sub3A_757 : vector<16xi32> to vector<16xi32>
    %sub3A_759 = arith.subi %add3A_728, %broadcast_in_dim3A_94 : vector<16xi32>
    %bitcast3A_760 = vector.bitcast %sub3A_759 : vector<16xi32> to vector<16xi32>
    %min3A_761 = arith.minui %bitcast3A_730, %bitcast3A_732 : vector<16xi32>
    %min3A_762 = arith.minui %bitcast3A_734, %bitcast3A_736 : vector<16xi32>
    %min3A_763 = arith.minui %bitcast3A_738, %bitcast3A_740 : vector<16xi32>
    %min3A_764 = arith.minui %bitcast3A_742, %bitcast3A_744 : vector<16xi32>
    %min3A_765 = arith.minui %bitcast3A_746, %bitcast3A_748 : vector<16xi32>
    %min3A_766 = arith.minui %bitcast3A_750, %bitcast3A_752 : vector<16xi32>
    %min3A_767 = arith.minui %bitcast3A_754, %bitcast3A_756 : vector<16xi32>
    %min3A_768 = arith.minui %bitcast3A_758, %bitcast3A_760 : vector<16xi32>
    %min3A_769 = arith.minui %min3A_761, %min3A_762 : vector<16xi32>
    %min3A_770 = arith.minui %min3A_763, %min3A_764 : vector<16xi32>
    %min3A_771 = arith.minui %min3A_765, %min3A_766 : vector<16xi32>
    %min3A_772 = arith.minui %min3A_767, %min3A_768 : vector<16xi32>
    %min3A_773 = arith.minui %min3A_769, %min3A_770 : vector<16xi32>
    %min3A_774 = arith.minui %min3A_771, %min3A_772 : vector<16xi32>
    %min3A_775 = arith.minui %min3A_773, %min3A_774 : vector<16xi32>
    %bitcast3A_776 = vector.bitcast %min3A_775 : vector<16xi32> to vector<16xi32>
    %lt3A_777 = arith.constant 1024 : i32
    %lt3A_778 = vector.broadcast %lt3A_777 : i32 to vector<16xi32>
    %lt3A_779 = arith.cmpi slt, %bitcast3A_776, %lt3A_778 : vector<16xi32>
    %add3A_780 = vector.broadcast %sub3A_118 : i32 to vector<16xi32>
    %add3A_781 = arith.addi %bitcast3A_776, %add3A_780 : vector<16xi32>
    %select_n3A_782 = arith.select %lt3A_779, %bitcast3A_776, %add3A_781 : vector<16xi1>, vector<16xi32>
    %gather3A_783 = tpu.vector_load_idx %arg8[%select_n3A_782] : memref<2176xf32, #tpu.memory_space<vmem>>[vector<16xi32>], vector<16xf32>,
    %swap3A_784 = arith.constant 160 : index
    %swap3A_785 = tpu.vector_load %arg9[%swap3A_784] {strides = array<i32>} : memref<1024xf32, #tpu.memory_space<vmem>>, vector<16xf32>,
    tpu.vector_store %arg9[%swap3A_784], %gather3A_783 {strides = array<i32>} : memref<1024xf32, #tpu.memory_space<vmem>>, vector<16xf32>,
    %add3A_786 = arith.constant 176 : i32
    %add3A_787 = arith.addi %mul3A_2, %add3A_786 : i32
    %add3A_788 = vector.broadcast %add3A_787 : i32 to vector<16xi32>
    %add3A_789 = arith.addi %iota3A, %add3A_788 : vector<16xi32>
    %sub3A_790 = arith.subi %add3A_789, %broadcast_in_dim3A : vector<16xi32>
    %bitcast3A_791 = vector.bitcast %sub3A_790 : vector<16xi32> to vector<16xi32>
    %sub3A_792 = arith.subi %add3A_789, %broadcast_in_dim3A_24 : vector<16xi32>
    %bitcast3A_793 = vector.bitcast %sub3A_792 : vector<16xi32> to vector<16xi32>
    %sub3A_794 = arith.subi %add3A_789, %broadcast_in_dim3A_29 : vector<16xi32>
    %bitcast3A_795 = vector.bitcast %sub3A_794 : vector<16xi32> to vector<16xi32>
    %sub3A_796 = arith.subi %add3A_789, %broadcast_in_dim3A_34 : vector<16xi32>
    %bitcast3A_797 = vector.bitcast %sub3A_796 : vector<16xi32> to vector<16xi32>
    %sub3A_798 = arith.subi %add3A_789, %broadcast_in_dim3A_39 : vector<16xi32>
    %bitcast3A_799 = vector.bitcast %sub3A_798 : vector<16xi32> to vector<16xi32>
    %sub3A_800 = arith.subi %add3A_789, %broadcast_in_dim3A_44 : vector<16xi32>
    %bitcast3A_801 = vector.bitcast %sub3A_800 : vector<16xi32> to vector<16xi32>
    %sub3A_802 = arith.subi %add3A_789, %broadcast_in_dim3A_49 : vector<16xi32>
    %bitcast3A_803 = vector.bitcast %sub3A_802 : vector<16xi32> to vector<16xi32>
    %sub3A_804 = arith.subi %add3A_789, %broadcast_in_dim3A_54 : vector<16xi32>
    %bitcast3A_805 = vector.bitcast %sub3A_804 : vector<16xi32> to vector<16xi32>
    %sub3A_806 = arith.subi %add3A_789, %broadcast_in_dim3A_59 : vector<16xi32>
    %bitcast3A_807 = vector.bitcast %sub3A_806 : vector<16xi32> to vector<16xi32>
    %sub3A_808 = arith.subi %add3A_789, %broadcast_in_dim3A_64 : vector<16xi32>
    %bitcast3A_809 = vector.bitcast %sub3A_808 : vector<16xi32> to vector<16xi32>
    %sub3A_810 = arith.subi %add3A_789, %broadcast_in_dim3A_69 : vector<16xi32>
    %bitcast3A_811 = vector.bitcast %sub3A_810 : vector<16xi32> to vector<16xi32>
    %sub3A_812 = arith.subi %add3A_789, %broadcast_in_dim3A_74 : vector<16xi32>
    %bitcast3A_813 = vector.bitcast %sub3A_812 : vector<16xi32> to vector<16xi32>
    %sub3A_814 = arith.subi %add3A_789, %broadcast_in_dim3A_79 : vector<16xi32>
    %bitcast3A_815 = vector.bitcast %sub3A_814 : vector<16xi32> to vector<16xi32>
    %sub3A_816 = arith.subi %add3A_789, %broadcast_in_dim3A_84 : vector<16xi32>
    %bitcast3A_817 = vector.bitcast %sub3A_816 : vector<16xi32> to vector<16xi32>
    %sub3A_818 = arith.subi %add3A_789, %broadcast_in_dim3A_89 : vector<16xi32>
    %bitcast3A_819 = vector.bitcast %sub3A_818 : vector<16xi32> to vector<16xi32>
    %sub3A_820 = arith.subi %add3A_789, %broadcast_in_dim3A_94 : vector<16xi32>
    %bitcast3A_821 = vector.bitcast %sub3A_820 : vector<16xi32> to vector<16xi32>
    %min3A_822 = arith.minui %bitcast3A_791, %bitcast3A_793 : vector<16xi32>
    %min3A_823 = arith.minui %bitcast3A_795, %bitcast3A_797 : vector<16xi32>
    %min3A_824 = arith.minui %bitcast3A_799, %bitcast3A_801 : vector<16xi32>
    %min3A_825 = arith.minui %bitcast3A_803, %bitcast3A_805 : vector<16xi32>
    %min3A_826 = arith.minui %bitcast3A_807, %bitcast3A_809 : vector<16xi32>
    %min3A_827 = arith.minui %bitcast3A_811, %bitcast3A_813 : vector<16xi32>
    %min3A_828 = arith.minui %bitcast3A_815, %bitcast3A_817 : vector<16xi32>
    %min3A_829 = arith.minui %bitcast3A_819, %bitcast3A_821 : vector<16xi32>
    %min3A_830 = arith.minui %min3A_822, %min3A_823 : vector<16xi32>
    %min3A_831 = arith.minui %min3A_824, %min3A_825 : vector<16xi32>
    %min3A_832 = arith.minui %min3A_826, %min3A_827 : vector<16xi32>
    %min3A_833 = arith.minui %min3A_828, %min3A_829 : vector<16xi32>
    %min3A_834 = arith.minui %min3A_830, %min3A_831 : vector<16xi32>
    %min3A_835 = arith.minui %min3A_832, %min3A_833 : vector<16xi32>
    %min3A_836 = arith.minui %min3A_834, %min3A_835 : vector<16xi32>
    %bitcast3A_837 = vector.bitcast %min3A_836 : vector<16xi32> to vector<16xi32>
    %lt3A_838 = arith.constant 1024 : i32
    %lt3A_839 = vector.broadcast %lt3A_838 : i32 to vector<16xi32>
    %lt3A_840 = arith.cmpi slt, %bitcast3A_837, %lt3A_839 : vector<16xi32>
    %add3A_841 = vector.broadcast %sub3A_118 : i32 to vector<16xi32>
    %add3A_842 = arith.addi %bitcast3A_837, %add3A_841 : vector<16xi32>
    %select_n3A_843 = arith.select %lt3A_840, %bitcast3A_837, %add3A_842 : vector<16xi1>, vector<16xi32>
    %gather3A_844 = tpu.vector_load_idx %arg8[%select_n3A_843] : memref<2176xf32, #tpu.memory_space<vmem>>[vector<16xi32>], vector<16xf32>,
    %swap3A_845 = arith.constant 176 : index
    %swap3A_846 = tpu.vector_load %arg9[%swap3A_845] {strides = array<i32>} : memref<1024xf32, #tpu.memory_space<vmem>>, vector<16xf32>,
    tpu.vector_store %arg9[%swap3A_845], %gather3A_844 {strides = array<i32>} : memref<1024xf32, #tpu.memory_space<vmem>>, vector<16xf32>,
    %add3A_847 = arith.constant 192 : i32
    %add3A_848 = arith.addi %mul3A_2, %add3A_847 : i32
    %add3A_849 = vector.broadcast %add3A_848 : i32 to vector<16xi32>
    %add3A_850 = arith.addi %iota3A, %add3A_849 : vector<16xi32>
    %sub3A_851 = arith.subi %add3A_850, %broadcast_in_dim3A : vector<16xi32>
    %bitcast3A_852 = vector.bitcast %sub3A_851 : vector<16xi32> to vector<16xi32>
    %sub3A_853 = arith.subi %add3A_850, %broadcast_in_dim3A_24 : vector<16xi32>
    %bitcast3A_854 = vector.bitcast %sub3A_853 : vector<16xi32> to vector<16xi32>
    %sub3A_855 = arith.subi %add3A_850, %broadcast_in_dim3A_29 : vector<16xi32>
    %bitcast3A_856 = vector.bitcast %sub3A_855 : vector<16xi32> to vector<16xi32>
    %sub3A_857 = arith.subi %add3A_850, %broadcast_in_dim3A_34 : vector<16xi32>
    %bitcast3A_858 = vector.bitcast %sub3A_857 : vector<16xi32> to vector<16xi32>
    %sub3A_859 = arith.subi %add3A_850, %broadcast_in_dim3A_39 : vector<16xi32>
    %bitcast3A_860 = vector.bitcast %sub3A_859 : vector<16xi32> to vector<16xi32>
    %sub3A_861 = arith.subi %add3A_850, %broadcast_in_dim3A_44 : vector<16xi32>
    %bitcast3A_862 = vector.bitcast %sub3A_861 : vector<16xi32> to vector<16xi32>
    %sub3A_863 = arith.subi %add3A_850, %broadcast_in_dim3A_49 : vector<16xi32>
    %bitcast3A_864 = vector.bitcast %sub3A_863 : vector<16xi32> to vector<16xi32>
    %sub3A_865 = arith.subi %add3A_850, %broadcast_in_dim3A_54 : vector<16xi32>
    %bitcast3A_866 = vector.bitcast %sub3A_865 : vector<16xi32> to vector<16xi32>
    %sub3A_867 = arith.subi %add3A_850, %broadcast_in_dim3A_59 : vector<16xi32>
    %bitcast3A_868 = vector.bitcast %sub3A_867 : vector<16xi32> to vector<16xi32>
    %sub3A_869 = arith.subi %add3A_850, %broadcast_in_dim3A_64 : vector<16xi32>
    %bitcast3A_870 = vector.bitcast %sub3A_869 : vector<16xi32> to vector<16xi32>
    %sub3A_871 = arith.subi %add3A_850, %broadcast_in_dim3A_69 : vector<16xi32>
    %bitcast3A_872 = vector.bitcast %sub3A_871 : vector<16xi32> to vector<16xi32>
    %sub3A_873 = arith.subi %add3A_850, %broadcast_in_dim3A_74 : vector<16xi32>
    %bitcast3A_874 = vector.bitcast %sub3A_873 : vector<16xi32> to vector<16xi32>
    %sub3A_875 = arith.subi %add3A_850, %broadcast_in_dim3A_79 : vector<16xi32>
    %bitcast3A_876 = vector.bitcast %sub3A_875 : vector<16xi32> to vector<16xi32>
    %sub3A_877 = arith.subi %add3A_850, %broadcast_in_dim3A_84 : vector<16xi32>
    %bitcast3A_878 = vector.bitcast %sub3A_877 : vector<16xi32> to vector<16xi32>
    %sub3A_879 = arith.subi %add3A_850, %broadcast_in_dim3A_89 : vector<16xi32>
    %bitcast3A_880 = vector.bitcast %sub3A_879 : vector<16xi32> to vector<16xi32>
    %sub3A_881 = arith.subi %add3A_850, %broadcast_in_dim3A_94 : vector<16xi32>
    %bitcast3A_882 = vector.bitcast %sub3A_881 : vector<16xi32> to vector<16xi32>
    %min3A_883 = arith.minui %bitcast3A_852, %bitcast3A_854 : vector<16xi32>
    %min3A_884 = arith.minui %bitcast3A_856, %bitcast3A_858 : vector<16xi32>
    %min3A_885 = arith.minui %bitcast3A_860, %bitcast3A_862 : vector<16xi32>
    %min3A_886 = arith.minui %bitcast3A_864, %bitcast3A_866 : vector<16xi32>
    %min3A_887 = arith.minui %bitcast3A_868, %bitcast3A_870 : vector<16xi32>
    %min3A_888 = arith.minui %bitcast3A_872, %bitcast3A_874 : vector<16xi32>
    %min3A_889 = arith.minui %bitcast3A_876, %bitcast3A_878 : vector<16xi32>
    %min3A_890 = arith.minui %bitcast3A_880, %bitcast3A_882 : vector<16xi32>
    %min3A_891 = arith.minui %min3A_883, %min3A_884 : vector<16xi32>
    %min3A_892 = arith.minui %min3A_885, %min3A_886 : vector<16xi32>
    %min3A_893 = arith.minui %min3A_887, %min3A_888 : vector<16xi32>
    %min3A_894 = arith.minui %min3A_889, %min3A_890 : vector<16xi32>
    %min3A_895 = arith.minui %min3A_891, %min3A_892 : vector<16xi32>
    %min3A_896 = arith.minui %min3A_893, %min3A_894 : vector<16xi32>
    %min3A_897 = arith.minui %min3A_895, %min3A_896 : vector<16xi32>
    %bitcast3A_898 = vector.bitcast %min3A_897 : vector<16xi32> to vector<16xi32>
    %lt3A_899 = arith.constant 1024 : i32
    %lt3A_900 = vector.broadcast %lt3A_899 : i32 to vector<16xi32>
    %lt3A_901 = arith.cmpi slt, %bitcast3A_898, %lt3A_900 : vector<16xi32>
    %add3A_902 = vector.broadcast %sub3A_118 : i32 to vector<16xi32>
    %add3A_903 = arith.addi %bitcast3A_898, %add3A_902 : vector<16xi32>
    %select_n3A_904 = arith.select %lt3A_901, %bitcast3A_898, %add3A_903 : vector<16xi1>, vector<16xi32>
    %gather3A_905 = tpu.vector_load_idx %arg8[%select_n3A_904] : memref<2176xf32, #tpu.memory_space<vmem>>[vector<16xi32>], vector<16xf32>,
    %swap3A_906 = arith.constant 192 : index
    %swap3A_907 = tpu.vector_load %arg9[%swap3A_906] {strides = array<i32>} : memref<1024xf32, #tpu.memory_space<vmem>>, vector<16xf32>,
    tpu.vector_store %arg9[%swap3A_906], %gather3A_905 {strides = array<i32>} : memref<1024xf32, #tpu.memory_space<vmem>>, vector<16xf32>,
    %add3A_908 = arith.constant 208 : i32
    %add3A_909 = arith.addi %mul3A_2, %add3A_908 : i32
    %add3A_910 = vector.broadcast %add3A_909 : i32 to vector<16xi32>
    %add3A_911 = arith.addi %iota3A, %add3A_910 : vector<16xi32>
    %sub3A_912 = arith.subi %add3A_911, %broadcast_in_dim3A : vector<16xi32>
    %bitcast3A_913 = vector.bitcast %sub3A_912 : vector<16xi32> to vector<16xi32>
    %sub3A_914 = arith.subi %add3A_911, %broadcast_in_dim3A_24 : vector<16xi32>
    %bitcast3A_915 = vector.bitcast %sub3A_914 : vector<16xi32> to vector<16xi32>
    %sub3A_916 = arith.subi %add3A_911, %broadcast_in_dim3A_29 : vector<16xi32>
    %bitcast3A_917 = vector.bitcast %sub3A_916 : vector<16xi32> to vector<16xi32>
    %sub3A_918 = arith.subi %add3A_911, %broadcast_in_dim3A_34 : vector<16xi32>
    %bitcast3A_919 = vector.bitcast %sub3A_918 : vector<16xi32> to vector<16xi32>
    %sub3A_920 = arith.subi %add3A_911, %broadcast_in_dim3A_39 : vector<16xi32>
    %bitcast3A_921 = vector.bitcast %sub3A_920 : vector<16xi32> to vector<16xi32>
    %sub3A_922 = arith.subi %add3A_911, %broadcast_in_dim3A_44 : vector<16xi32>
    %bitcast3A_923 = vector.bitcast %sub3A_922 : vector<16xi32> to vector<16xi32>
    %sub3A_924 = arith.subi %add3A_911, %broadcast_in_dim3A_49 : vector<16xi32>
    %bitcast3A_925 = vector.bitcast %sub3A_924 : vector<16xi32> to vector<16xi32>
    %sub3A_926 = arith.subi %add3A_911, %broadcast_in_dim3A_54 : vector<16xi32>
    %bitcast3A_927 = vector.bitcast %sub3A_926 : vector<16xi32> to vector<16xi32>
    %sub3A_928 = arith.subi %add3A_911, %broadcast_in_dim3A_59 : vector<16xi32>
    %bitcast3A_929 = vector.bitcast %sub3A_928 : vector<16xi32> to vector<16xi32>
    %sub3A_930 = arith.subi %add3A_911, %broadcast_in_dim3A_64 : vector<16xi32>
    %bitcast3A_931 = vector.bitcast %sub3A_930 : vector<16xi32> to vector<16xi32>
    %sub3A_932 = arith.subi %add3A_911, %broadcast_in_dim3A_69 : vector<16xi32>
    %bitcast3A_933 = vector.bitcast %sub3A_932 : vector<16xi32> to vector<16xi32>
    %sub3A_934 = arith.subi %add3A_911, %broadcast_in_dim3A_74 : vector<16xi32>
    %bitcast3A_935 = vector.bitcast %sub3A_934 : vector<16xi32> to vector<16xi32>
    %sub3A_936 = arith.subi %add3A_911, %broadcast_in_dim3A_79 : vector<16xi32>
    %bitcast3A_937 = vector.bitcast %sub3A_936 : vector<16xi32> to vector<16xi32>
    %sub3A_938 = arith.subi %add3A_911, %broadcast_in_dim3A_84 : vector<16xi32>
    %bitcast3A_939 = vector.bitcast %sub3A_938 : vector<16xi32> to vector<16xi32>
    %sub3A_940 = arith.subi %add3A_911, %broadcast_in_dim3A_89 : vector<16xi32>
    %bitcast3A_941 = vector.bitcast %sub3A_940 : vector<16xi32> to vector<16xi32>
    %sub3A_942 = arith.subi %add3A_911, %broadcast_in_dim3A_94 : vector<16xi32>
    %bitcast3A_943 = vector.bitcast %sub3A_942 : vector<16xi32> to vector<16xi32>
    %min3A_944 = arith.minui %bitcast3A_913, %bitcast3A_915 : vector<16xi32>
    %min3A_945 = arith.minui %bitcast3A_917, %bitcast3A_919 : vector<16xi32>
    %min3A_946 = arith.minui %bitcast3A_921, %bitcast3A_923 : vector<16xi32>
    %min3A_947 = arith.minui %bitcast3A_925, %bitcast3A_927 : vector<16xi32>
    %min3A_948 = arith.minui %bitcast3A_929, %bitcast3A_931 : vector<16xi32>
    %min3A_949 = arith.minui %bitcast3A_933, %bitcast3A_935 : vector<16xi32>
    %min3A_950 = arith.minui %bitcast3A_937, %bitcast3A_939 : vector<16xi32>
    %min3A_951 = arith.minui %bitcast3A_941, %bitcast3A_943 : vector<16xi32>
    %min3A_952 = arith.minui %min3A_944, %min3A_945 : vector<16xi32>
    %min3A_953 = arith.minui %min3A_946, %min3A_947 : vector<16xi32>
    %min3A_954 = arith.minui %min3A_948, %min3A_949 : vector<16xi32>
    %min3A_955 = arith.minui %min3A_950, %min3A_951 : vector<16xi32>
    %min3A_956 = arith.minui %min3A_952, %min3A_953 : vector<16xi32>
    %min3A_957 = arith.minui %min3A_954, %min3A_955 : vector<16xi32>
    %min3A_958 = arith.minui %min3A_956, %min3A_957 : vector<16xi32>
    %bitcast3A_959 = vector.bitcast %min3A_958 : vector<16xi32> to vector<16xi32>
    %lt3A_960 = arith.constant 1024 : i32
    %lt3A_961 = vector.broadcast %lt3A_960 : i32 to vector<16xi32>
    %lt3A_962 = arith.cmpi slt, %bitcast3A_959, %lt3A_961 : vector<16xi32>
    %add3A_963 = vector.broadcast %sub3A_118 : i32 to vector<16xi32>
    %add3A_964 = arith.addi %bitcast3A_959, %add3A_963 : vector<16xi32>
    %select_n3A_965 = arith.select %lt3A_962, %bitcast3A_959, %add3A_964 : vector<16xi1>, vector<16xi32>
    %gather3A_966 = tpu.vector_load_idx %arg8[%select_n3A_965] : memref<2176xf32, #tpu.memory_space<vmem>>[vector<16xi32>], vector<16xf32>,
    %swap3A_967 = arith.constant 208 : index
    %swap3A_968 = tpu.vector_load %arg9[%swap3A_967] {strides = array<i32>} : memref<1024xf32, #tpu.memory_space<vmem>>, vector<16xf32>,
    tpu.vector_store %arg9[%swap3A_967], %gather3A_966 {strides = array<i32>} : memref<1024xf32, #tpu.memory_space<vmem>>, vector<16xf32>,
    %add3A_969 = arith.constant 224 : i32
    %add3A_970 = arith.addi %mul3A_2, %add3A_969 : i32
    %add3A_971 = vector.broadcast %add3A_970 : i32 to vector<16xi32>
    %add3A_972 = arith.addi %iota3A, %add3A_971 : vector<16xi32>
    %sub3A_973 = arith.subi %add3A_972, %broadcast_in_dim3A : vector<16xi32>
    %bitcast3A_974 = vector.bitcast %sub3A_973 : vector<16xi32> to vector<16xi32>
    %sub3A_975 = arith.subi %add3A_972, %broadcast_in_dim3A_24 : vector<16xi32>
    %bitcast3A_976 = vector.bitcast %sub3A_975 : vector<16xi32> to vector<16xi32>
    %sub3A_977 = arith.subi %add3A_972, %broadcast_in_dim3A_29 : vector<16xi32>
    %bitcast3A_978 = vector.bitcast %sub3A_977 : vector<16xi32> to vector<16xi32>
    %sub3A_979 = arith.subi %add3A_972, %broadcast_in_dim3A_34 : vector<16xi32>
    %bitcast3A_980 = vector.bitcast %sub3A_979 : vector<16xi32> to vector<16xi32>
    %sub3A_981 = arith.subi %add3A_972, %broadcast_in_dim3A_39 : vector<16xi32>
    %bitcast3A_982 = vector.bitcast %sub3A_981 : vector<16xi32> to vector<16xi32>
    %sub3A_983 = arith.subi %add3A_972, %broadcast_in_dim3A_44 : vector<16xi32>
    %bitcast3A_984 = vector.bitcast %sub3A_983 : vector<16xi32> to vector<16xi32>
    %sub3A_985 = arith.subi %add3A_972, %broadcast_in_dim3A_49 : vector<16xi32>
    %bitcast3A_986 = vector.bitcast %sub3A_985 : vector<16xi32> to vector<16xi32>
    %sub3A_987 = arith.subi %add3A_972, %broadcast_in_dim3A_54 : vector<16xi32>
    %bitcast3A_988 = vector.bitcast %sub3A_987 : vector<16xi32> to vector<16xi32>
    %sub3A_989 = arith.subi %add3A_972, %broadcast_in_dim3A_59 : vector<16xi32>
    %bitcast3A_990 = vector.bitcast %sub3A_989 : vector<16xi32> to vector<16xi32>
    %sub3A_991 = arith.subi %add3A_972, %broadcast_in_dim3A_64 : vector<16xi32>
    %bitcast3A_992 = vector.bitcast %sub3A_991 : vector<16xi32> to vector<16xi32>
    %sub3A_993 = arith.subi %add3A_972, %broadcast_in_dim3A_69 : vector<16xi32>
    %bitcast3A_994 = vector.bitcast %sub3A_993 : vector<16xi32> to vector<16xi32>
    %sub3A_995 = arith.subi %add3A_972, %broadcast_in_dim3A_74 : vector<16xi32>
    %bitcast3A_996 = vector.bitcast %sub3A_995 : vector<16xi32> to vector<16xi32>
    %sub3A_997 = arith.subi %add3A_972, %broadcast_in_dim3A_79 : vector<16xi32>
    %bitcast3A_998 = vector.bitcast %sub3A_997 : vector<16xi32> to vector<16xi32>
    %sub3A_999 = arith.subi %add3A_972, %broadcast_in_dim3A_84 : vector<16xi32>
    %bitcast3A_1000 = vector.bitcast %sub3A_999 : vector<16xi32> to vector<16xi32>
    %sub3A_1001 = arith.subi %add3A_972, %broadcast_in_dim3A_89 : vector<16xi32>
    %bitcast3A_1002 = vector.bitcast %sub3A_1001 : vector<16xi32> to vector<16xi32>
    %sub3A_1003 = arith.subi %add3A_972, %broadcast_in_dim3A_94 : vector<16xi32>
    %bitcast3A_1004 = vector.bitcast %sub3A_1003 : vector<16xi32> to vector<16xi32>
    %min3A_1005 = arith.minui %bitcast3A_974, %bitcast3A_976 : vector<16xi32>
    %min3A_1006 = arith.minui %bitcast3A_978, %bitcast3A_980 : vector<16xi32>
    %min3A_1007 = arith.minui %bitcast3A_982, %bitcast3A_984 : vector<16xi32>
    %min3A_1008 = arith.minui %bitcast3A_986, %bitcast3A_988 : vector<16xi32>
    %min3A_1009 = arith.minui %bitcast3A_990, %bitcast3A_992 : vector<16xi32>
    %min3A_1010 = arith.minui %bitcast3A_994, %bitcast3A_996 : vector<16xi32>
    %min3A_1011 = arith.minui %bitcast3A_998, %bitcast3A_1000 : vector<16xi32>
    %min3A_1012 = arith.minui %bitcast3A_1002, %bitcast3A_1004 : vector<16xi32>
    %min3A_1013 = arith.minui %min3A_1005, %min3A_1006 : vector<16xi32>
    %min3A_1014 = arith.minui %min3A_1007, %min3A_1008 : vector<16xi32>
    %min3A_1015 = arith.minui %min3A_1009, %min3A_1010 : vector<16xi32>
    %min3A_1016 = arith.minui %min3A_1011, %min3A_1012 : vector<16xi32>
    %min3A_1017 = arith.minui %min3A_1013, %min3A_1014 : vector<16xi32>
    %min3A_1018 = arith.minui %min3A_1015, %min3A_1016 : vector<16xi32>
    %min3A_1019 = arith.minui %min3A_1017, %min3A_1018 : vector<16xi32>
    %bitcast3A_1020 = vector.bitcast %min3A_1019 : vector<16xi32> to vector<16xi32>
    %lt3A_1021 = arith.constant 1024 : i32
    %lt3A_1022 = vector.broadcast %lt3A_1021 : i32 to vector<16xi32>
    %lt3A_1023 = arith.cmpi slt, %bitcast3A_1020, %lt3A_1022 : vector<16xi32>
    %add3A_1024 = vector.broadcast %sub3A_118 : i32 to vector<16xi32>
    %add3A_1025 = arith.addi %bitcast3A_1020, %add3A_1024 : vector<16xi32>
    %select_n3A_1026 = arith.select %lt3A_1023, %bitcast3A_1020, %add3A_1025 : vector<16xi1>, vector<16xi32>
    %gather3A_1027 = tpu.vector_load_idx %arg8[%select_n3A_1026] : memref<2176xf32, #tpu.memory_space<vmem>>[vector<16xi32>], vector<16xf32>,
    %swap3A_1028 = arith.constant 224 : index
    %swap3A_1029 = tpu.vector_load %arg9[%swap3A_1028] {strides = array<i32>} : memref<1024xf32, #tpu.memory_space<vmem>>, vector<16xf32>,
    tpu.vector_store %arg9[%swap3A_1028], %gather3A_1027 {strides = array<i32>} : memref<1024xf32, #tpu.memory_space<vmem>>, vector<16xf32>,
    %add3A_1030 = arith.constant 240 : i32
    %add3A_1031 = arith.addi %mul3A_2, %add3A_1030 : i32
    %add3A_1032 = vector.broadcast %add3A_1031 : i32 to vector<16xi32>
    %add3A_1033 = arith.addi %iota3A, %add3A_1032 : vector<16xi32>
    %sub3A_1034 = arith.subi %add3A_1033, %broadcast_in_dim3A : vector<16xi32>
    %bitcast3A_1035 = vector.bitcast %sub3A_1034 : vector<16xi32> to vector<16xi32>
    %sub3A_1036 = arith.subi %add3A_1033, %broadcast_in_dim3A_24 : vector<16xi32>
    %bitcast3A_1037 = vector.bitcast %sub3A_1036 : vector<16xi32> to vector<16xi32>
    %sub3A_1038 = arith.subi %add3A_1033, %broadcast_in_dim3A_29 : vector<16xi32>
    %bitcast3A_1039 = vector.bitcast %sub3A_1038 : vector<16xi32> to vector<16xi32>
    %sub3A_1040 = arith.subi %add3A_1033, %broadcast_in_dim3A_34 : vector<16xi32>
    %bitcast3A_1041 = vector.bitcast %sub3A_1040 : vector<16xi32> to vector<16xi32>
    %sub3A_1042 = arith.subi %add3A_1033, %broadcast_in_dim3A_39 : vector<16xi32>
    %bitcast3A_1043 = vector.bitcast %sub3A_1042 : vector<16xi32> to vector<16xi32>
    %sub3A_1044 = arith.subi %add3A_1033, %broadcast_in_dim3A_44 : vector<16xi32>
    %bitcast3A_1045 = vector.bitcast %sub3A_1044 : vector<16xi32> to vector<16xi32>
    %sub3A_1046 = arith.subi %add3A_1033, %broadcast_in_dim3A_49 : vector<16xi32>
    %bitcast3A_1047 = vector.bitcast %sub3A_1046 : vector<16xi32> to vector<16xi32>
    %sub3A_1048 = arith.subi %add3A_1033, %broadcast_in_dim3A_54 : vector<16xi32>
    %bitcast3A_1049 = vector.bitcast %sub3A_1048 : vector<16xi32> to vector<16xi32>
    %sub3A_1050 = arith.subi %add3A_1033, %broadcast_in_dim3A_59 : vector<16xi32>
    %bitcast3A_1051 = vector.bitcast %sub3A_1050 : vector<16xi32> to vector<16xi32>
    %sub3A_1052 = arith.subi %add3A_1033, %broadcast_in_dim3A_64 : vector<16xi32>
    %bitcast3A_1053 = vector.bitcast %sub3A_1052 : vector<16xi32> to vector<16xi32>
    %sub3A_1054 = arith.subi %add3A_1033, %broadcast_in_dim3A_69 : vector<16xi32>
    %bitcast3A_1055 = vector.bitcast %sub3A_1054 : vector<16xi32> to vector<16xi32>
    %sub3A_1056 = arith.subi %add3A_1033, %broadcast_in_dim3A_74 : vector<16xi32>
    %bitcast3A_1057 = vector.bitcast %sub3A_1056 : vector<16xi32> to vector<16xi32>
    %sub3A_1058 = arith.subi %add3A_1033, %broadcast_in_dim3A_79 : vector<16xi32>
    %bitcast3A_1059 = vector.bitcast %sub3A_1058 : vector<16xi32> to vector<16xi32>
    %sub3A_1060 = arith.subi %add3A_1033, %broadcast_in_dim3A_84 : vector<16xi32>
    %bitcast3A_1061 = vector.bitcast %sub3A_1060 : vector<16xi32> to vector<16xi32>
    %sub3A_1062 = arith.subi %add3A_1033, %broadcast_in_dim3A_89 : vector<16xi32>
    %bitcast3A_1063 = vector.bitcast %sub3A_1062 : vector<16xi32> to vector<16xi32>
    %sub3A_1064 = arith.subi %add3A_1033, %broadcast_in_dim3A_94 : vector<16xi32>
    %bitcast3A_1065 = vector.bitcast %sub3A_1064 : vector<16xi32> to vector<16xi32>
    %min3A_1066 = arith.minui %bitcast3A_1035, %bitcast3A_1037 : vector<16xi32>
    %min3A_1067 = arith.minui %bitcast3A_1039, %bitcast3A_1041 : vector<16xi32>
    %min3A_1068 = arith.minui %bitcast3A_1043, %bitcast3A_1045 : vector<16xi32>
    %min3A_1069 = arith.minui %bitcast3A_1047, %bitcast3A_1049 : vector<16xi32>
    %min3A_1070 = arith.minui %bitcast3A_1051, %bitcast3A_1053 : vector<16xi32>
    %min3A_1071 = arith.minui %bitcast3A_1055, %bitcast3A_1057 : vector<16xi32>
    %min3A_1072 = arith.minui %bitcast3A_1059, %bitcast3A_1061 : vector<16xi32>
    %min3A_1073 = arith.minui %bitcast3A_1063, %bitcast3A_1065 : vector<16xi32>
    %min3A_1074 = arith.minui %min3A_1066, %min3A_1067 : vector<16xi32>
    %min3A_1075 = arith.minui %min3A_1068, %min3A_1069 : vector<16xi32>
    %min3A_1076 = arith.minui %min3A_1070, %min3A_1071 : vector<16xi32>
    %min3A_1077 = arith.minui %min3A_1072, %min3A_1073 : vector<16xi32>
    %min3A_1078 = arith.minui %min3A_1074, %min3A_1075 : vector<16xi32>
    %min3A_1079 = arith.minui %min3A_1076, %min3A_1077 : vector<16xi32>
    %min3A_1080 = arith.minui %min3A_1078, %min3A_1079 : vector<16xi32>
    %bitcast3A_1081 = vector.bitcast %min3A_1080 : vector<16xi32> to vector<16xi32>
    %lt3A_1082 = arith.constant 1024 : i32
    %lt3A_1083 = vector.broadcast %lt3A_1082 : i32 to vector<16xi32>
    %lt3A_1084 = arith.cmpi slt, %bitcast3A_1081, %lt3A_1083 : vector<16xi32>
    %add3A_1085 = vector.broadcast %sub3A_118 : i32 to vector<16xi32>
    %add3A_1086 = arith.addi %bitcast3A_1081, %add3A_1085 : vector<16xi32>
    %select_n3A_1087 = arith.select %lt3A_1084, %bitcast3A_1081, %add3A_1086 : vector<16xi1>, vector<16xi32>
    %gather3A_1088 = tpu.vector_load_idx %arg8[%select_n3A_1087] : memref<2176xf32, #tpu.memory_space<vmem>>[vector<16xi32>], vector<16xf32>,
    %swap3A_1089 = arith.constant 240 : index
    %swap3A_1090 = tpu.vector_load %arg9[%swap3A_1089] {strides = array<i32>} : memref<1024xf32, #tpu.memory_space<vmem>>, vector<16xf32>,
    tpu.vector_store %arg9[%swap3A_1089], %gather3A_1088 {strides = array<i32>} : memref<1024xf32, #tpu.memory_space<vmem>>, vector<16xf32>,
    %add3A_1091 = arith.constant 256 : i32
    %add3A_1092 = arith.addi %mul3A_2, %add3A_1091 : i32
    %add3A_1093 = vector.broadcast %add3A_1092 : i32 to vector<16xi32>
    %add3A_1094 = arith.addi %iota3A, %add3A_1093 : vector<16xi32>
    %sub3A_1095 = arith.subi %add3A_1094, %broadcast_in_dim3A : vector<16xi32>
    %bitcast3A_1096 = vector.bitcast %sub3A_1095 : vector<16xi32> to vector<16xi32>
    %sub3A_1097 = arith.subi %add3A_1094, %broadcast_in_dim3A_24 : vector<16xi32>
    %bitcast3A_1098 = vector.bitcast %sub3A_1097 : vector<16xi32> to vector<16xi32>
    %sub3A_1099 = arith.subi %add3A_1094, %broadcast_in_dim3A_29 : vector<16xi32>
    %bitcast3A_1100 = vector.bitcast %sub3A_1099 : vector<16xi32> to vector<16xi32>
    %sub3A_1101 = arith.subi %add3A_1094, %broadcast_in_dim3A_34 : vector<16xi32>
    %bitcast3A_1102 = vector.bitcast %sub3A_1101 : vector<16xi32> to vector<16xi32>
    %sub3A_1103 = arith.subi %add3A_1094, %broadcast_in_dim3A_39 : vector<16xi32>
    %bitcast3A_1104 = vector.bitcast %sub3A_1103 : vector<16xi32> to vector<16xi32>
    %sub3A_1105 = arith.subi %add3A_1094, %broadcast_in_dim3A_44 : vector<16xi32>
    %bitcast3A_1106 = vector.bitcast %sub3A_1105 : vector<16xi32> to vector<16xi32>
    %sub3A_1107 = arith.subi %add3A_1094, %broadcast_in_dim3A_49 : vector<16xi32>
    %bitcast3A_1108 = vector.bitcast %sub3A_1107 : vector<16xi32> to vector<16xi32>
    %sub3A_1109 = arith.subi %add3A_1094, %broadcast_in_dim3A_54 : vector<16xi32>
    %bitcast3A_1110 = vector.bitcast %sub3A_1109 : vector<16xi32> to vector<16xi32>
    %sub3A_1111 = arith.subi %add3A_1094, %broadcast_in_dim3A_59 : vector<16xi32>
    %bitcast3A_1112 = vector.bitcast %sub3A_1111 : vector<16xi32> to vector<16xi32>
    %sub3A_1113 = arith.subi %add3A_1094, %broadcast_in_dim3A_64 : vector<16xi32>
    %bitcast3A_1114 = vector.bitcast %sub3A_1113 : vector<16xi32> to vector<16xi32>
    %sub3A_1115 = arith.subi %add3A_1094, %broadcast_in_dim3A_69 : vector<16xi32>
    %bitcast3A_1116 = vector.bitcast %sub3A_1115 : vector<16xi32> to vector<16xi32>
    %sub3A_1117 = arith.subi %add3A_1094, %broadcast_in_dim3A_74 : vector<16xi32>
    %bitcast3A_1118 = vector.bitcast %sub3A_1117 : vector<16xi32> to vector<16xi32>
    %sub3A_1119 = arith.subi %add3A_1094, %broadcast_in_dim3A_79 : vector<16xi32>
    %bitcast3A_1120 = vector.bitcast %sub3A_1119 : vector<16xi32> to vector<16xi32>
    %sub3A_1121 = arith.subi %add3A_1094, %broadcast_in_dim3A_84 : vector<16xi32>
    %bitcast3A_1122 = vector.bitcast %sub3A_1121 : vector<16xi32> to vector<16xi32>
    %sub3A_1123 = arith.subi %add3A_1094, %broadcast_in_dim3A_89 : vector<16xi32>
    %bitcast3A_1124 = vector.bitcast %sub3A_1123 : vector<16xi32> to vector<16xi32>
    %sub3A_1125 = arith.subi %add3A_1094, %broadcast_in_dim3A_94 : vector<16xi32>
    %bitcast3A_1126 = vector.bitcast %sub3A_1125 : vector<16xi32> to vector<16xi32>
    %min3A_1127 = arith.minui %bitcast3A_1096, %bitcast3A_1098 : vector<16xi32>
    %min3A_1128 = arith.minui %bitcast3A_1100, %bitcast3A_1102 : vector<16xi32>
    %min3A_1129 = arith.minui %bitcast3A_1104, %bitcast3A_1106 : vector<16xi32>
    %min3A_1130 = arith.minui %bitcast3A_1108, %bitcast3A_1110 : vector<16xi32>
    %min3A_1131 = arith.minui %bitcast3A_1112, %bitcast3A_1114 : vector<16xi32>
    %min3A_1132 = arith.minui %bitcast3A_1116, %bitcast3A_1118 : vector<16xi32>
    %min3A_1133 = arith.minui %bitcast3A_1120, %bitcast3A_1122 : vector<16xi32>
    %min3A_1134 = arith.minui %bitcast3A_1124, %bitcast3A_1126 : vector<16xi32>
    %min3A_1135 = arith.minui %min3A_1127, %min3A_1128 : vector<16xi32>
    %min3A_1136 = arith.minui %min3A_1129, %min3A_1130 : vector<16xi32>
    %min3A_1137 = arith.minui %min3A_1131, %min3A_1132 : vector<16xi32>
    %min3A_1138 = arith.minui %min3A_1133, %min3A_1134 : vector<16xi32>
    %min3A_1139 = arith.minui %min3A_1135, %min3A_1136 : vector<16xi32>
    %min3A_1140 = arith.minui %min3A_1137, %min3A_1138 : vector<16xi32>
    %min3A_1141 = arith.minui %min3A_1139, %min3A_1140 : vector<16xi32>
    %bitcast3A_1142 = vector.bitcast %min3A_1141 : vector<16xi32> to vector<16xi32>
    %lt3A_1143 = arith.constant 1024 : i32
    %lt3A_1144 = vector.broadcast %lt3A_1143 : i32 to vector<16xi32>
    %lt3A_1145 = arith.cmpi slt, %bitcast3A_1142, %lt3A_1144 : vector<16xi32>
    %add3A_1146 = vector.broadcast %sub3A_118 : i32 to vector<16xi32>
    %add3A_1147 = arith.addi %bitcast3A_1142, %add3A_1146 : vector<16xi32>
    %select_n3A_1148 = arith.select %lt3A_1145, %bitcast3A_1142, %add3A_1147 : vector<16xi1>, vector<16xi32>
    %gather3A_1149 = tpu.vector_load_idx %arg8[%select_n3A_1148] : memref<2176xf32, #tpu.memory_space<vmem>>[vector<16xi32>], vector<16xf32>,
    %swap3A_1150 = arith.constant 256 : index
    %swap3A_1151 = tpu.vector_load %arg9[%swap3A_1150] {strides = array<i32>} : memref<1024xf32, #tpu.memory_space<vmem>>, vector<16xf32>,
    tpu.vector_store %arg9[%swap3A_1150], %gather3A_1149 {strides = array<i32>} : memref<1024xf32, #tpu.memory_space<vmem>>, vector<16xf32>,
    %add3A_1152 = arith.constant 272 : i32
    %add3A_1153 = arith.addi %mul3A_2, %add3A_1152 : i32
    %add3A_1154 = vector.broadcast %add3A_1153 : i32 to vector<16xi32>
    %add3A_1155 = arith.addi %iota3A, %add3A_1154 : vector<16xi32>
    %sub3A_1156 = arith.subi %add3A_1155, %broadcast_in_dim3A : vector<16xi32>
    %bitcast3A_1157 = vector.bitcast %sub3A_1156 : vector<16xi32> to vector<16xi32>
    %sub3A_1158 = arith.subi %add3A_1155, %broadcast_in_dim3A_24 : vector<16xi32>
    %bitcast3A_1159 = vector.bitcast %sub3A_1158 : vector<16xi32> to vector<16xi32>
    %sub3A_1160 = arith.subi %add3A_1155, %broadcast_in_dim3A_29 : vector<16xi32>
    %bitcast3A_1161 = vector.bitcast %sub3A_1160 : vector<16xi32> to vector<16xi32>
    %sub3A_1162 = arith.subi %add3A_1155, %broadcast_in_dim3A_34 : vector<16xi32>
    %bitcast3A_1163 = vector.bitcast %sub3A_1162 : vector<16xi32> to vector<16xi32>
    %sub3A_1164 = arith.subi %add3A_1155, %broadcast_in_dim3A_39 : vector<16xi32>
    %bitcast3A_1165 = vector.bitcast %sub3A_1164 : vector<16xi32> to vector<16xi32>
    %sub3A_1166 = arith.subi %add3A_1155, %broadcast_in_dim3A_44 : vector<16xi32>
    %bitcast3A_1167 = vector.bitcast %sub3A_1166 : vector<16xi32> to vector<16xi32>
    %sub3A_1168 = arith.subi %add3A_1155, %broadcast_in_dim3A_49 : vector<16xi32>
    %bitcast3A_1169 = vector.bitcast %sub3A_1168 : vector<16xi32> to vector<16xi32>
    %sub3A_1170 = arith.subi %add3A_1155, %broadcast_in_dim3A_54 : vector<16xi32>
    %bitcast3A_1171 = vector.bitcast %sub3A_1170 : vector<16xi32> to vector<16xi32>
    %sub3A_1172 = arith.subi %add3A_1155, %broadcast_in_dim3A_59 : vector<16xi32>
    %bitcast3A_1173 = vector.bitcast %sub3A_1172 : vector<16xi32> to vector<16xi32>
    %sub3A_1174 = arith.subi %add3A_1155, %broadcast_in_dim3A_64 : vector<16xi32>
    %bitcast3A_1175 = vector.bitcast %sub3A_1174 : vector<16xi32> to vector<16xi32>
    %sub3A_1176 = arith.subi %add3A_1155, %broadcast_in_dim3A_69 : vector<16xi32>
    %bitcast3A_1177 = vector.bitcast %sub3A_1176 : vector<16xi32> to vector<16xi32>
    %sub3A_1178 = arith.subi %add3A_1155, %broadcast_in_dim3A_74 : vector<16xi32>
    %bitcast3A_1179 = vector.bitcast %sub3A_1178 : vector<16xi32> to vector<16xi32>
    %sub3A_1180 = arith.subi %add3A_1155, %broadcast_in_dim3A_79 : vector<16xi32>
    %bitcast3A_1181 = vector.bitcast %sub3A_1180 : vector<16xi32> to vector<16xi32>
    %sub3A_1182 = arith.subi %add3A_1155, %broadcast_in_dim3A_84 : vector<16xi32>
    %bitcast3A_1183 = vector.bitcast %sub3A_1182 : vector<16xi32> to vector<16xi32>
    %sub3A_1184 = arith.subi %add3A_1155, %broadcast_in_dim3A_89 : vector<16xi32>
    %bitcast3A_1185 = vector.bitcast %sub3A_1184 : vector<16xi32> to vector<16xi32>
    %sub3A_1186 = arith.subi %add3A_1155, %broadcast_in_dim3A_94 : vector<16xi32>
    %bitcast3A_1187 = vector.bitcast %sub3A_1186 : vector<16xi32> to vector<16xi32>
    %min3A_1188 = arith.minui %bitcast3A_1157, %bitcast3A_1159 : vector<16xi32>
    %min3A_1189 = arith.minui %bitcast3A_1161, %bitcast3A_1163 : vector<16xi32>
    %min3A_1190 = arith.minui %bitcast3A_1165, %bitcast3A_1167 : vector<16xi32>
    %min3A_1191 = arith.minui %bitcast3A_1169, %bitcast3A_1171 : vector<16xi32>
    %min3A_1192 = arith.minui %bitcast3A_1173, %bitcast3A_1175 : vector<16xi32>
    %min3A_1193 = arith.minui %bitcast3A_1177, %bitcast3A_1179 : vector<16xi32>
    %min3A_1194 = arith.minui %bitcast3A_1181, %bitcast3A_1183 : vector<16xi32>
    %min3A_1195 = arith.minui %bitcast3A_1185, %bitcast3A_1187 : vector<16xi32>
    %min3A_1196 = arith.minui %min3A_1188, %min3A_1189 : vector<16xi32>
    %min3A_1197 = arith.minui %min3A_1190, %min3A_1191 : vector<16xi32>
    %min3A_1198 = arith.minui %min3A_1192, %min3A_1193 : vector<16xi32>
    %min3A_1199 = arith.minui %min3A_1194, %min3A_1195 : vector<16xi32>
    %min3A_1200 = arith.minui %min3A_1196, %min3A_1197 : vector<16xi32>
    %min3A_1201 = arith.minui %min3A_1198, %min3A_1199 : vector<16xi32>
    %min3A_1202 = arith.minui %min3A_1200, %min3A_1201 : vector<16xi32>
    %bitcast3A_1203 = vector.bitcast %min3A_1202 : vector<16xi32> to vector<16xi32>
    %lt3A_1204 = arith.constant 1024 : i32
    %lt3A_1205 = vector.broadcast %lt3A_1204 : i32 to vector<16xi32>
    %lt3A_1206 = arith.cmpi slt, %bitcast3A_1203, %lt3A_1205 : vector<16xi32>
    %add3A_1207 = vector.broadcast %sub3A_118 : i32 to vector<16xi32>
    %add3A_1208 = arith.addi %bitcast3A_1203, %add3A_1207 : vector<16xi32>
    %select_n3A_1209 = arith.select %lt3A_1206, %bitcast3A_1203, %add3A_1208 : vector<16xi1>, vector<16xi32>
    %gather3A_1210 = tpu.vector_load_idx %arg8[%select_n3A_1209] : memref<2176xf32, #tpu.memory_space<vmem>>[vector<16xi32>], vector<16xf32>,
    %swap3A_1211 = arith.constant 272 : index
    %swap3A_1212 = tpu.vector_load %arg9[%swap3A_1211] {strides = array<i32>} : memref<1024xf32, #tpu.memory_space<vmem>>, vector<16xf32>,
    tpu.vector_store %arg9[%swap3A_1211], %gather3A_1210 {strides = array<i32>} : memref<1024xf32, #tpu.memory_space<vmem>>, vector<16xf32>,
    %add3A_1213 = arith.constant 288 : i32
    %add3A_1214 = arith.addi %mul3A_2, %add3A_1213 : i32
    %add3A_1215 = vector.broadcast %add3A_1214 : i32 to vector<16xi32>
    %add3A_1216 = arith.addi %iota3A, %add3A_1215 : vector<16xi32>
    %sub3A_1217 = arith.subi %add3A_1216, %broadcast_in_dim3A : vector<16xi32>
    %bitcast3A_1218 = vector.bitcast %sub3A_1217 : vector<16xi32> to vector<16xi32>
    %sub3A_1219 = arith.subi %add3A_1216, %broadcast_in_dim3A_24 : vector<16xi32>
    %bitcast3A_1220 = vector.bitcast %sub3A_1219 : vector<16xi32> to vector<16xi32>
    %sub3A_1221 = arith.subi %add3A_1216, %broadcast_in_dim3A_29 : vector<16xi32>
    %bitcast3A_1222 = vector.bitcast %sub3A_1221 : vector<16xi32> to vector<16xi32>
    %sub3A_1223 = arith.subi %add3A_1216, %broadcast_in_dim3A_34 : vector<16xi32>
    %bitcast3A_1224 = vector.bitcast %sub3A_1223 : vector<16xi32> to vector<16xi32>
    %sub3A_1225 = arith.subi %add3A_1216, %broadcast_in_dim3A_39 : vector<16xi32>
    %bitcast3A_1226 = vector.bitcast %sub3A_1225 : vector<16xi32> to vector<16xi32>
    %sub3A_1227 = arith.subi %add3A_1216, %broadcast_in_dim3A_44 : vector<16xi32>
    %bitcast3A_1228 = vector.bitcast %sub3A_1227 : vector<16xi32> to vector<16xi32>
    %sub3A_1229 = arith.subi %add3A_1216, %broadcast_in_dim3A_49 : vector<16xi32>
    %bitcast3A_1230 = vector.bitcast %sub3A_1229 : vector<16xi32> to vector<16xi32>
    %sub3A_1231 = arith.subi %add3A_1216, %broadcast_in_dim3A_54 : vector<16xi32>
    %bitcast3A_1232 = vector.bitcast %sub3A_1231 : vector<16xi32> to vector<16xi32>
    %sub3A_1233 = arith.subi %add3A_1216, %broadcast_in_dim3A_59 : vector<16xi32>
    %bitcast3A_1234 = vector.bitcast %sub3A_1233 : vector<16xi32> to vector<16xi32>
    %sub3A_1235 = arith.subi %add3A_1216, %broadcast_in_dim3A_64 : vector<16xi32>
    %bitcast3A_1236 = vector.bitcast %sub3A_1235 : vector<16xi32> to vector<16xi32>
    %sub3A_1237 = arith.subi %add3A_1216, %broadcast_in_dim3A_69 : vector<16xi32>
    %bitcast3A_1238 = vector.bitcast %sub3A_1237 : vector<16xi32> to vector<16xi32>
    %sub3A_1239 = arith.subi %add3A_1216, %broadcast_in_dim3A_74 : vector<16xi32>
    %bitcast3A_1240 = vector.bitcast %sub3A_1239 : vector<16xi32> to vector<16xi32>
    %sub3A_1241 = arith.subi %add3A_1216, %broadcast_in_dim3A_79 : vector<16xi32>
    %bitcast3A_1242 = vector.bitcast %sub3A_1241 : vector<16xi32> to vector<16xi32>
    %sub3A_1243 = arith.subi %add3A_1216, %broadcast_in_dim3A_84 : vector<16xi32>
    %bitcast3A_1244 = vector.bitcast %sub3A_1243 : vector<16xi32> to vector<16xi32>
    %sub3A_1245 = arith.subi %add3A_1216, %broadcast_in_dim3A_89 : vector<16xi32>
    %bitcast3A_1246 = vector.bitcast %sub3A_1245 : vector<16xi32> to vector<16xi32>
    %sub3A_1247 = arith.subi %add3A_1216, %broadcast_in_dim3A_94 : vector<16xi32>
    %bitcast3A_1248 = vector.bitcast %sub3A_1247 : vector<16xi32> to vector<16xi32>
    %min3A_1249 = arith.minui %bitcast3A_1218, %bitcast3A_1220 : vector<16xi32>
    %min3A_1250 = arith.minui %bitcast3A_1222, %bitcast3A_1224 : vector<16xi32>
    %min3A_1251 = arith.minui %bitcast3A_1226, %bitcast3A_1228 : vector<16xi32>
    %min3A_1252 = arith.minui %bitcast3A_1230, %bitcast3A_1232 : vector<16xi32>
    %min3A_1253 = arith.minui %bitcast3A_1234, %bitcast3A_1236 : vector<16xi32>
    %min3A_1254 = arith.minui %bitcast3A_1238, %bitcast3A_1240 : vector<16xi32>
    %min3A_1255 = arith.minui %bitcast3A_1242, %bitcast3A_1244 : vector<16xi32>
    %min3A_1256 = arith.minui %bitcast3A_1246, %bitcast3A_1248 : vector<16xi32>
    %min3A_1257 = arith.minui %min3A_1249, %min3A_1250 : vector<16xi32>
    %min3A_1258 = arith.minui %min3A_1251, %min3A_1252 : vector<16xi32>
    %min3A_1259 = arith.minui %min3A_1253, %min3A_1254 : vector<16xi32>
    %min3A_1260 = arith.minui %min3A_1255, %min3A_1256 : vector<16xi32>
    %min3A_1261 = arith.minui %min3A_1257, %min3A_1258 : vector<16xi32>
    %min3A_1262 = arith.minui %min3A_1259, %min3A_1260 : vector<16xi32>
    %min3A_1263 = arith.minui %min3A_1261, %min3A_1262 : vector<16xi32>
    %bitcast3A_1264 = vector.bitcast %min3A_1263 : vector<16xi32> to vector<16xi32>
    %lt3A_1265 = arith.constant 1024 : i32
    %lt3A_1266 = vector.broadcast %lt3A_1265 : i32 to vector<16xi32>
    %lt3A_1267 = arith.cmpi slt, %bitcast3A_1264, %lt3A_1266 : vector<16xi32>
    %add3A_1268 = vector.broadcast %sub3A_118 : i32 to vector<16xi32>
    %add3A_1269 = arith.addi %bitcast3A_1264, %add3A_1268 : vector<16xi32>
    %select_n3A_1270 = arith.select %lt3A_1267, %bitcast3A_1264, %add3A_1269 : vector<16xi1>, vector<16xi32>
    %gather3A_1271 = tpu.vector_load_idx %arg8[%select_n3A_1270] : memref<2176xf32, #tpu.memory_space<vmem>>[vector<16xi32>], vector<16xf32>,
    %swap3A_1272 = arith.constant 288 : index
    %swap3A_1273 = tpu.vector_load %arg9[%swap3A_1272] {strides = array<i32>} : memref<1024xf32, #tpu.memory_space<vmem>>, vector<16xf32>,
    tpu.vector_store %arg9[%swap3A_1272], %gather3A_1271 {strides = array<i32>} : memref<1024xf32, #tpu.memory_space<vmem>>, vector<16xf32>,
    %add3A_1274 = arith.constant 304 : i32
    %add3A_1275 = arith.addi %mul3A_2, %add3A_1274 : i32
    %add3A_1276 = vector.broadcast %add3A_1275 : i32 to vector<16xi32>
    %add3A_1277 = arith.addi %iota3A, %add3A_1276 : vector<16xi32>
    %sub3A_1278 = arith.subi %add3A_1277, %broadcast_in_dim3A : vector<16xi32>
    %bitcast3A_1279 = vector.bitcast %sub3A_1278 : vector<16xi32> to vector<16xi32>
    %sub3A_1280 = arith.subi %add3A_1277, %broadcast_in_dim3A_24 : vector<16xi32>
    %bitcast3A_1281 = vector.bitcast %sub3A_1280 : vector<16xi32> to vector<16xi32>
    %sub3A_1282 = arith.subi %add3A_1277, %broadcast_in_dim3A_29 : vector<16xi32>
    %bitcast3A_1283 = vector.bitcast %sub3A_1282 : vector<16xi32> to vector<16xi32>
    %sub3A_1284 = arith.subi %add3A_1277, %broadcast_in_dim3A_34 : vector<16xi32>
    %bitcast3A_1285 = vector.bitcast %sub3A_1284 : vector<16xi32> to vector<16xi32>
    %sub3A_1286 = arith.subi %add3A_1277, %broadcast_in_dim3A_39 : vector<16xi32>
    %bitcast3A_1287 = vector.bitcast %sub3A_1286 : vector<16xi32> to vector<16xi32>
    %sub3A_1288 = arith.subi %add3A_1277, %broadcast_in_dim3A_44 : vector<16xi32>
    %bitcast3A_1289 = vector.bitcast %sub3A_1288 : vector<16xi32> to vector<16xi32>
    %sub3A_1290 = arith.subi %add3A_1277, %broadcast_in_dim3A_49 : vector<16xi32>
    %bitcast3A_1291 = vector.bitcast %sub3A_1290 : vector<16xi32> to vector<16xi32>
    %sub3A_1292 = arith.subi %add3A_1277, %broadcast_in_dim3A_54 : vector<16xi32>
    %bitcast3A_1293 = vector.bitcast %sub3A_1292 : vector<16xi32> to vector<16xi32>
    %sub3A_1294 = arith.subi %add3A_1277, %broadcast_in_dim3A_59 : vector<16xi32>
    %bitcast3A_1295 = vector.bitcast %sub3A_1294 : vector<16xi32> to vector<16xi32>
    %sub3A_1296 = arith.subi %add3A_1277, %broadcast_in_dim3A_64 : vector<16xi32>
    %bitcast3A_1297 = vector.bitcast %sub3A_1296 : vector<16xi32> to vector<16xi32>
    %sub3A_1298 = arith.subi %add3A_1277, %broadcast_in_dim3A_69 : vector<16xi32>
    %bitcast3A_1299 = vector.bitcast %sub3A_1298 : vector<16xi32> to vector<16xi32>
    %sub3A_1300 = arith.subi %add3A_1277, %broadcast_in_dim3A_74 : vector<16xi32>
    %bitcast3A_1301 = vector.bitcast %sub3A_1300 : vector<16xi32> to vector<16xi32>
    %sub3A_1302 = arith.subi %add3A_1277, %broadcast_in_dim3A_79 : vector<16xi32>
    %bitcast3A_1303 = vector.bitcast %sub3A_1302 : vector<16xi32> to vector<16xi32>
    %sub3A_1304 = arith.subi %add3A_1277, %broadcast_in_dim3A_84 : vector<16xi32>
    %bitcast3A_1305 = vector.bitcast %sub3A_1304 : vector<16xi32> to vector<16xi32>
    %sub3A_1306 = arith.subi %add3A_1277, %broadcast_in_dim3A_89 : vector<16xi32>
    %bitcast3A_1307 = vector.bitcast %sub3A_1306 : vector<16xi32> to vector<16xi32>
    %sub3A_1308 = arith.subi %add3A_1277, %broadcast_in_dim3A_94 : vector<16xi32>
    %bitcast3A_1309 = vector.bitcast %sub3A_1308 : vector<16xi32> to vector<16xi32>
    %min3A_1310 = arith.minui %bitcast3A_1279, %bitcast3A_1281 : vector<16xi32>
    %min3A_1311 = arith.minui %bitcast3A_1283, %bitcast3A_1285 : vector<16xi32>
    %min3A_1312 = arith.minui %bitcast3A_1287, %bitcast3A_1289 : vector<16xi32>
    %min3A_1313 = arith.minui %bitcast3A_1291, %bitcast3A_1293 : vector<16xi32>
    %min3A_1314 = arith.minui %bitcast3A_1295, %bitcast3A_1297 : vector<16xi32>
    %min3A_1315 = arith.minui %bitcast3A_1299, %bitcast3A_1301 : vector<16xi32>
    %min3A_1316 = arith.minui %bitcast3A_1303, %bitcast3A_1305 : vector<16xi32>
    %min3A_1317 = arith.minui %bitcast3A_1307, %bitcast3A_1309 : vector<16xi32>
    %min3A_1318 = arith.minui %min3A_1310, %min3A_1311 : vector<16xi32>
    %min3A_1319 = arith.minui %min3A_1312, %min3A_1313 : vector<16xi32>
    %min3A_1320 = arith.minui %min3A_1314, %min3A_1315 : vector<16xi32>
    %min3A_1321 = arith.minui %min3A_1316, %min3A_1317 : vector<16xi32>
    %min3A_1322 = arith.minui %min3A_1318, %min3A_1319 : vector<16xi32>
    %min3A_1323 = arith.minui %min3A_1320, %min3A_1321 : vector<16xi32>
    %min3A_1324 = arith.minui %min3A_1322, %min3A_1323 : vector<16xi32>
    %bitcast3A_1325 = vector.bitcast %min3A_1324 : vector<16xi32> to vector<16xi32>
    %lt3A_1326 = arith.constant 1024 : i32
    %lt3A_1327 = vector.broadcast %lt3A_1326 : i32 to vector<16xi32>
    %lt3A_1328 = arith.cmpi slt, %bitcast3A_1325, %lt3A_1327 : vector<16xi32>
    %add3A_1329 = vector.broadcast %sub3A_118 : i32 to vector<16xi32>
    %add3A_1330 = arith.addi %bitcast3A_1325, %add3A_1329 : vector<16xi32>
    %select_n3A_1331 = arith.select %lt3A_1328, %bitcast3A_1325, %add3A_1330 : vector<16xi1>, vector<16xi32>
    %gather3A_1332 = tpu.vector_load_idx %arg8[%select_n3A_1331] : memref<2176xf32, #tpu.memory_space<vmem>>[vector<16xi32>], vector<16xf32>,
    %swap3A_1333 = arith.constant 304 : index
    %swap3A_1334 = tpu.vector_load %arg9[%swap3A_1333] {strides = array<i32>} : memref<1024xf32, #tpu.memory_space<vmem>>, vector<16xf32>,
    tpu.vector_store %arg9[%swap3A_1333], %gather3A_1332 {strides = array<i32>} : memref<1024xf32, #tpu.memory_space<vmem>>, vector<16xf32>,
    %add3A_1335 = arith.constant 320 : i32
    %add3A_1336 = arith.addi %mul3A_2, %add3A_1335 : i32
    %add3A_1337 = vector.broadcast %add3A_1336 : i32 to vector<16xi32>
    %add3A_1338 = arith.addi %iota3A, %add3A_1337 : vector<16xi32>
    %sub3A_1339 = arith.subi %add3A_1338, %broadcast_in_dim3A : vector<16xi32>
    %bitcast3A_1340 = vector.bitcast %sub3A_1339 : vector<16xi32> to vector<16xi32>
    %sub3A_1341 = arith.subi %add3A_1338, %broadcast_in_dim3A_24 : vector<16xi32>
    %bitcast3A_1342 = vector.bitcast %sub3A_1341 : vector<16xi32> to vector<16xi32>
    %sub3A_1343 = arith.subi %add3A_1338, %broadcast_in_dim3A_29 : vector<16xi32>
    %bitcast3A_1344 = vector.bitcast %sub3A_1343 : vector<16xi32> to vector<16xi32>
    %sub3A_1345 = arith.subi %add3A_1338, %broadcast_in_dim3A_34 : vector<16xi32>
    %bitcast3A_1346 = vector.bitcast %sub3A_1345 : vector<16xi32> to vector<16xi32>
    %sub3A_1347 = arith.subi %add3A_1338, %broadcast_in_dim3A_39 : vector<16xi32>
    %bitcast3A_1348 = vector.bitcast %sub3A_1347 : vector<16xi32> to vector<16xi32>
    %sub3A_1349 = arith.subi %add3A_1338, %broadcast_in_dim3A_44 : vector<16xi32>
    %bitcast3A_1350 = vector.bitcast %sub3A_1349 : vector<16xi32> to vector<16xi32>
    %sub3A_1351 = arith.subi %add3A_1338, %broadcast_in_dim3A_49 : vector<16xi32>
    %bitcast3A_1352 = vector.bitcast %sub3A_1351 : vector<16xi32> to vector<16xi32>
    %sub3A_1353 = arith.subi %add3A_1338, %broadcast_in_dim3A_54 : vector<16xi32>
    %bitcast3A_1354 = vector.bitcast %sub3A_1353 : vector<16xi32> to vector<16xi32>
    %sub3A_1355 = arith.subi %add3A_1338, %broadcast_in_dim3A_59 : vector<16xi32>
    %bitcast3A_1356 = vector.bitcast %sub3A_1355 : vector<16xi32> to vector<16xi32>
    %sub3A_1357 = arith.subi %add3A_1338, %broadcast_in_dim3A_64 : vector<16xi32>
    %bitcast3A_1358 = vector.bitcast %sub3A_1357 : vector<16xi32> to vector<16xi32>
    %sub3A_1359 = arith.subi %add3A_1338, %broadcast_in_dim3A_69 : vector<16xi32>
    %bitcast3A_1360 = vector.bitcast %sub3A_1359 : vector<16xi32> to vector<16xi32>
    %sub3A_1361 = arith.subi %add3A_1338, %broadcast_in_dim3A_74 : vector<16xi32>
    %bitcast3A_1362 = vector.bitcast %sub3A_1361 : vector<16xi32> to vector<16xi32>
    %sub3A_1363 = arith.subi %add3A_1338, %broadcast_in_dim3A_79 : vector<16xi32>
    %bitcast3A_1364 = vector.bitcast %sub3A_1363 : vector<16xi32> to vector<16xi32>
    %sub3A_1365 = arith.subi %add3A_1338, %broadcast_in_dim3A_84 : vector<16xi32>
    %bitcast3A_1366 = vector.bitcast %sub3A_1365 : vector<16xi32> to vector<16xi32>
    %sub3A_1367 = arith.subi %add3A_1338, %broadcast_in_dim3A_89 : vector<16xi32>
    %bitcast3A_1368 = vector.bitcast %sub3A_1367 : vector<16xi32> to vector<16xi32>
    %sub3A_1369 = arith.subi %add3A_1338, %broadcast_in_dim3A_94 : vector<16xi32>
    %bitcast3A_1370 = vector.bitcast %sub3A_1369 : vector<16xi32> to vector<16xi32>
    %min3A_1371 = arith.minui %bitcast3A_1340, %bitcast3A_1342 : vector<16xi32>
    %min3A_1372 = arith.minui %bitcast3A_1344, %bitcast3A_1346 : vector<16xi32>
    %min3A_1373 = arith.minui %bitcast3A_1348, %bitcast3A_1350 : vector<16xi32>
    %min3A_1374 = arith.minui %bitcast3A_1352, %bitcast3A_1354 : vector<16xi32>
    %min3A_1375 = arith.minui %bitcast3A_1356, %bitcast3A_1358 : vector<16xi32>
    %min3A_1376 = arith.minui %bitcast3A_1360, %bitcast3A_1362 : vector<16xi32>
    %min3A_1377 = arith.minui %bitcast3A_1364, %bitcast3A_1366 : vector<16xi32>
    %min3A_1378 = arith.minui %bitcast3A_1368, %bitcast3A_1370 : vector<16xi32>
    %min3A_1379 = arith.minui %min3A_1371, %min3A_1372 : vector<16xi32>
    %min3A_1380 = arith.minui %min3A_1373, %min3A_1374 : vector<16xi32>
    %min3A_1381 = arith.minui %min3A_1375, %min3A_1376 : vector<16xi32>
    %min3A_1382 = arith.minui %min3A_1377, %min3A_1378 : vector<16xi32>
    %min3A_1383 = arith.minui %min3A_1379, %min3A_1380 : vector<16xi32>
    %min3A_1384 = arith.minui %min3A_1381, %min3A_1382 : vector<16xi32>
    %min3A_1385 = arith.minui %min3A_1383, %min3A_1384 : vector<16xi32>
    %bitcast3A_1386 = vector.bitcast %min3A_1385 : vector<16xi32> to vector<16xi32>
    %lt3A_1387 = arith.constant 1024 : i32
    %lt3A_1388 = vector.broadcast %lt3A_1387 : i32 to vector<16xi32>
    %lt3A_1389 = arith.cmpi slt, %bitcast3A_1386, %lt3A_1388 : vector<16xi32>
    %add3A_1390 = vector.broadcast %sub3A_118 : i32 to vector<16xi32>
    %add3A_1391 = arith.addi %bitcast3A_1386, %add3A_1390 : vector<16xi32>
    %select_n3A_1392 = arith.select %lt3A_1389, %bitcast3A_1386, %add3A_1391 : vector<16xi1>, vector<16xi32>
    %gather3A_1393 = tpu.vector_load_idx %arg8[%select_n3A_1392] : memref<2176xf32, #tpu.memory_space<vmem>>[vector<16xi32>], vector<16xf32>,
    %swap3A_1394 = arith.constant 320 : index
    %swap3A_1395 = tpu.vector_load %arg9[%swap3A_1394] {strides = array<i32>} : memref<1024xf32, #tpu.memory_space<vmem>>, vector<16xf32>,
    tpu.vector_store %arg9[%swap3A_1394], %gather3A_1393 {strides = array<i32>} : memref<1024xf32, #tpu.memory_space<vmem>>, vector<16xf32>,
    %add3A_1396 = arith.constant 336 : i32
    %add3A_1397 = arith.addi %mul3A_2, %add3A_1396 : i32
    %add3A_1398 = vector.broadcast %add3A_1397 : i32 to vector<16xi32>
    %add3A_1399 = arith.addi %iota3A, %add3A_1398 : vector<16xi32>
    %sub3A_1400 = arith.subi %add3A_1399, %broadcast_in_dim3A : vector<16xi32>
    %bitcast3A_1401 = vector.bitcast %sub3A_1400 : vector<16xi32> to vector<16xi32>
    %sub3A_1402 = arith.subi %add3A_1399, %broadcast_in_dim3A_24 : vector<16xi32>
    %bitcast3A_1403 = vector.bitcast %sub3A_1402 : vector<16xi32> to vector<16xi32>
    %sub3A_1404 = arith.subi %add3A_1399, %broadcast_in_dim3A_29 : vector<16xi32>
    %bitcast3A_1405 = vector.bitcast %sub3A_1404 : vector<16xi32> to vector<16xi32>
    %sub3A_1406 = arith.subi %add3A_1399, %broadcast_in_dim3A_34 : vector<16xi32>
    %bitcast3A_1407 = vector.bitcast %sub3A_1406 : vector<16xi32> to vector<16xi32>
    %sub3A_1408 = arith.subi %add3A_1399, %broadcast_in_dim3A_39 : vector<16xi32>
    %bitcast3A_1409 = vector.bitcast %sub3A_1408 : vector<16xi32> to vector<16xi32>
    %sub3A_1410 = arith.subi %add3A_1399, %broadcast_in_dim3A_44 : vector<16xi32>
    %bitcast3A_1411 = vector.bitcast %sub3A_1410 : vector<16xi32> to vector<16xi32>
    %sub3A_1412 = arith.subi %add3A_1399, %broadcast_in_dim3A_49 : vector<16xi32>
    %bitcast3A_1413 = vector.bitcast %sub3A_1412 : vector<16xi32> to vector<16xi32>
    %sub3A_1414 = arith.subi %add3A_1399, %broadcast_in_dim3A_54 : vector<16xi32>
    %bitcast3A_1415 = vector.bitcast %sub3A_1414 : vector<16xi32> to vector<16xi32>
    %sub3A_1416 = arith.subi %add3A_1399, %broadcast_in_dim3A_59 : vector<16xi32>
    %bitcast3A_1417 = vector.bitcast %sub3A_1416 : vector<16xi32> to vector<16xi32>
    %sub3A_1418 = arith.subi %add3A_1399, %broadcast_in_dim3A_64 : vector<16xi32>
    %bitcast3A_1419 = vector.bitcast %sub3A_1418 : vector<16xi32> to vector<16xi32>
    %sub3A_1420 = arith.subi %add3A_1399, %broadcast_in_dim3A_69 : vector<16xi32>
    %bitcast3A_1421 = vector.bitcast %sub3A_1420 : vector<16xi32> to vector<16xi32>
    %sub3A_1422 = arith.subi %add3A_1399, %broadcast_in_dim3A_74 : vector<16xi32>
    %bitcast3A_1423 = vector.bitcast %sub3A_1422 : vector<16xi32> to vector<16xi32>
    %sub3A_1424 = arith.subi %add3A_1399, %broadcast_in_dim3A_79 : vector<16xi32>
    %bitcast3A_1425 = vector.bitcast %sub3A_1424 : vector<16xi32> to vector<16xi32>
    %sub3A_1426 = arith.subi %add3A_1399, %broadcast_in_dim3A_84 : vector<16xi32>
    %bitcast3A_1427 = vector.bitcast %sub3A_1426 : vector<16xi32> to vector<16xi32>
    %sub3A_1428 = arith.subi %add3A_1399, %broadcast_in_dim3A_89 : vector<16xi32>
    %bitcast3A_1429 = vector.bitcast %sub3A_1428 : vector<16xi32> to vector<16xi32>
    %sub3A_1430 = arith.subi %add3A_1399, %broadcast_in_dim3A_94 : vector<16xi32>
    %bitcast3A_1431 = vector.bitcast %sub3A_1430 : vector<16xi32> to vector<16xi32>
    %min3A_1432 = arith.minui %bitcast3A_1401, %bitcast3A_1403 : vector<16xi32>
    %min3A_1433 = arith.minui %bitcast3A_1405, %bitcast3A_1407 : vector<16xi32>
    %min3A_1434 = arith.minui %bitcast3A_1409, %bitcast3A_1411 : vector<16xi32>
    %min3A_1435 = arith.minui %bitcast3A_1413, %bitcast3A_1415 : vector<16xi32>
    %min3A_1436 = arith.minui %bitcast3A_1417, %bitcast3A_1419 : vector<16xi32>
    %min3A_1437 = arith.minui %bitcast3A_1421, %bitcast3A_1423 : vector<16xi32>
    %min3A_1438 = arith.minui %bitcast3A_1425, %bitcast3A_1427 : vector<16xi32>
    %min3A_1439 = arith.minui %bitcast3A_1429, %bitcast3A_1431 : vector<16xi32>
    %min3A_1440 = arith.minui %min3A_1432, %min3A_1433 : vector<16xi32>
    %min3A_1441 = arith.minui %min3A_1434, %min3A_1435 : vector<16xi32>
    %min3A_1442 = arith.minui %min3A_1436, %min3A_1437 : vector<16xi32>
    %min3A_1443 = arith.minui %min3A_1438, %min3A_1439 : vector<16xi32>
    %min3A_1444 = arith.minui %min3A_1440, %min3A_1441 : vector<16xi32>
    %min3A_1445 = arith.minui %min3A_1442, %min3A_1443 : vector<16xi32>
    %min3A_1446 = arith.minui %min3A_1444, %min3A_1445 : vector<16xi32>
    %bitcast3A_1447 = vector.bitcast %min3A_1446 : vector<16xi32> to vector<16xi32>
    %lt3A_1448 = arith.constant 1024 : i32
    %lt3A_1449 = vector.broadcast %lt3A_1448 : i32 to vector<16xi32>
    %lt3A_1450 = arith.cmpi slt, %bitcast3A_1447, %lt3A_1449 : vector<16xi32>
    %add3A_1451 = vector.broadcast %sub3A_118 : i32 to vector<16xi32>
    %add3A_1452 = arith.addi %bitcast3A_1447, %add3A_1451 : vector<16xi32>
    %select_n3A_1453 = arith.select %lt3A_1450, %bitcast3A_1447, %add3A_1452 : vector<16xi1>, vector<16xi32>
    %gather3A_1454 = tpu.vector_load_idx %arg8[%select_n3A_1453] : memref<2176xf32, #tpu.memory_space<vmem>>[vector<16xi32>], vector<16xf32>,
    %swap3A_1455 = arith.constant 336 : index
    %swap3A_1456 = tpu.vector_load %arg9[%swap3A_1455] {strides = array<i32>} : memref<1024xf32, #tpu.memory_space<vmem>>, vector<16xf32>,
    tpu.vector_store %arg9[%swap3A_1455], %gather3A_1454 {strides = array<i32>} : memref<1024xf32, #tpu.memory_space<vmem>>, vector<16xf32>,
    %add3A_1457 = arith.constant 352 : i32
    %add3A_1458 = arith.addi %mul3A_2, %add3A_1457 : i32
    %add3A_1459 = vector.broadcast %add3A_1458 : i32 to vector<16xi32>
    %add3A_1460 = arith.addi %iota3A, %add3A_1459 : vector<16xi32>
    %sub3A_1461 = arith.subi %add3A_1460, %broadcast_in_dim3A : vector<16xi32>
    %bitcast3A_1462 = vector.bitcast %sub3A_1461 : vector<16xi32> to vector<16xi32>
    %sub3A_1463 = arith.subi %add3A_1460, %broadcast_in_dim3A_24 : vector<16xi32>
    %bitcast3A_1464 = vector.bitcast %sub3A_1463 : vector<16xi32> to vector<16xi32>
    %sub3A_1465 = arith.subi %add3A_1460, %broadcast_in_dim3A_29 : vector<16xi32>
    %bitcast3A_1466 = vector.bitcast %sub3A_1465 : vector<16xi32> to vector<16xi32>
    %sub3A_1467 = arith.subi %add3A_1460, %broadcast_in_dim3A_34 : vector<16xi32>
    %bitcast3A_1468 = vector.bitcast %sub3A_1467 : vector<16xi32> to vector<16xi32>
    %sub3A_1469 = arith.subi %add3A_1460, %broadcast_in_dim3A_39 : vector<16xi32>
    %bitcast3A_1470 = vector.bitcast %sub3A_1469 : vector<16xi32> to vector<16xi32>
    %sub3A_1471 = arith.subi %add3A_1460, %broadcast_in_dim3A_44 : vector<16xi32>
    %bitcast3A_1472 = vector.bitcast %sub3A_1471 : vector<16xi32> to vector<16xi32>
    %sub3A_1473 = arith.subi %add3A_1460, %broadcast_in_dim3A_49 : vector<16xi32>
    %bitcast3A_1474 = vector.bitcast %sub3A_1473 : vector<16xi32> to vector<16xi32>
    %sub3A_1475 = arith.subi %add3A_1460, %broadcast_in_dim3A_54 : vector<16xi32>
    %bitcast3A_1476 = vector.bitcast %sub3A_1475 : vector<16xi32> to vector<16xi32>
    %sub3A_1477 = arith.subi %add3A_1460, %broadcast_in_dim3A_59 : vector<16xi32>
    %bitcast3A_1478 = vector.bitcast %sub3A_1477 : vector<16xi32> to vector<16xi32>
    %sub3A_1479 = arith.subi %add3A_1460, %broadcast_in_dim3A_64 : vector<16xi32>
    %bitcast3A_1480 = vector.bitcast %sub3A_1479 : vector<16xi32> to vector<16xi32>
    %sub3A_1481 = arith.subi %add3A_1460, %broadcast_in_dim3A_69 : vector<16xi32>
    %bitcast3A_1482 = vector.bitcast %sub3A_1481 : vector<16xi32> to vector<16xi32>
    %sub3A_1483 = arith.subi %add3A_1460, %broadcast_in_dim3A_74 : vector<16xi32>
    %bitcast3A_1484 = vector.bitcast %sub3A_1483 : vector<16xi32> to vector<16xi32>
    %sub3A_1485 = arith.subi %add3A_1460, %broadcast_in_dim3A_79 : vector<16xi32>
    %bitcast3A_1486 = vector.bitcast %sub3A_1485 : vector<16xi32> to vector<16xi32>
    %sub3A_1487 = arith.subi %add3A_1460, %broadcast_in_dim3A_84 : vector<16xi32>
    %bitcast3A_1488 = vector.bitcast %sub3A_1487 : vector<16xi32> to vector<16xi32>
    %sub3A_1489 = arith.subi %add3A_1460, %broadcast_in_dim3A_89 : vector<16xi32>
    %bitcast3A_1490 = vector.bitcast %sub3A_1489 : vector<16xi32> to vector<16xi32>
    %sub3A_1491 = arith.subi %add3A_1460, %broadcast_in_dim3A_94 : vector<16xi32>
    %bitcast3A_1492 = vector.bitcast %sub3A_1491 : vector<16xi32> to vector<16xi32>
    %min3A_1493 = arith.minui %bitcast3A_1462, %bitcast3A_1464 : vector<16xi32>
    %min3A_1494 = arith.minui %bitcast3A_1466, %bitcast3A_1468 : vector<16xi32>
    %min3A_1495 = arith.minui %bitcast3A_1470, %bitcast3A_1472 : vector<16xi32>
    %min3A_1496 = arith.minui %bitcast3A_1474, %bitcast3A_1476 : vector<16xi32>
    %min3A_1497 = arith.minui %bitcast3A_1478, %bitcast3A_1480 : vector<16xi32>
    %min3A_1498 = arith.minui %bitcast3A_1482, %bitcast3A_1484 : vector<16xi32>
    %min3A_1499 = arith.minui %bitcast3A_1486, %bitcast3A_1488 : vector<16xi32>
    %min3A_1500 = arith.minui %bitcast3A_1490, %bitcast3A_1492 : vector<16xi32>
    %min3A_1501 = arith.minui %min3A_1493, %min3A_1494 : vector<16xi32>
    %min3A_1502 = arith.minui %min3A_1495, %min3A_1496 : vector<16xi32>
    %min3A_1503 = arith.minui %min3A_1497, %min3A_1498 : vector<16xi32>
    %min3A_1504 = arith.minui %min3A_1499, %min3A_1500 : vector<16xi32>
    %min3A_1505 = arith.minui %min3A_1501, %min3A_1502 : vector<16xi32>
    %min3A_1506 = arith.minui %min3A_1503, %min3A_1504 : vector<16xi32>
    %min3A_1507 = arith.minui %min3A_1505, %min3A_1506 : vector<16xi32>
    %bitcast3A_1508 = vector.bitcast %min3A_1507 : vector<16xi32> to vector<16xi32>
    %lt3A_1509 = arith.constant 1024 : i32
    %lt3A_1510 = vector.broadcast %lt3A_1509 : i32 to vector<16xi32>
    %lt3A_1511 = arith.cmpi slt, %bitcast3A_1508, %lt3A_1510 : vector<16xi32>
    %add3A_1512 = vector.broadcast %sub3A_118 : i32 to vector<16xi32>
    %add3A_1513 = arith.addi %bitcast3A_1508, %add3A_1512 : vector<16xi32>
    %select_n3A_1514 = arith.select %lt3A_1511, %bitcast3A_1508, %add3A_1513 : vector<16xi1>, vector<16xi32>
    %gather3A_1515 = tpu.vector_load_idx %arg8[%select_n3A_1514] : memref<2176xf32, #tpu.memory_space<vmem>>[vector<16xi32>], vector<16xf32>,
    %swap3A_1516 = arith.constant 352 : index
    %swap3A_1517 = tpu.vector_load %arg9[%swap3A_1516] {strides = array<i32>} : memref<1024xf32, #tpu.memory_space<vmem>>, vector<16xf32>,
    tpu.vector_store %arg9[%swap3A_1516], %gather3A_1515 {strides = array<i32>} : memref<1024xf32, #tpu.memory_space<vmem>>, vector<16xf32>,
    %add3A_1518 = arith.constant 368 : i32
    %add3A_1519 = arith.addi %mul3A_2, %add3A_1518 : i32
    %add3A_1520 = vector.broadcast %add3A_1519 : i32 to vector<16xi32>
    %add3A_1521 = arith.addi %iota3A, %add3A_1520 : vector<16xi32>
    %sub3A_1522 = arith.subi %add3A_1521, %broadcast_in_dim3A : vector<16xi32>
    %bitcast3A_1523 = vector.bitcast %sub3A_1522 : vector<16xi32> to vector<16xi32>
    %sub3A_1524 = arith.subi %add3A_1521, %broadcast_in_dim3A_24 : vector<16xi32>
    %bitcast3A_1525 = vector.bitcast %sub3A_1524 : vector<16xi32> to vector<16xi32>
    %sub3A_1526 = arith.subi %add3A_1521, %broadcast_in_dim3A_29 : vector<16xi32>
    %bitcast3A_1527 = vector.bitcast %sub3A_1526 : vector<16xi32> to vector<16xi32>
    %sub3A_1528 = arith.subi %add3A_1521, %broadcast_in_dim3A_34 : vector<16xi32>
    %bitcast3A_1529 = vector.bitcast %sub3A_1528 : vector<16xi32> to vector<16xi32>
    %sub3A_1530 = arith.subi %add3A_1521, %broadcast_in_dim3A_39 : vector<16xi32>
    %bitcast3A_1531 = vector.bitcast %sub3A_1530 : vector<16xi32> to vector<16xi32>
    %sub3A_1532 = arith.subi %add3A_1521, %broadcast_in_dim3A_44 : vector<16xi32>
    %bitcast3A_1533 = vector.bitcast %sub3A_1532 : vector<16xi32> to vector<16xi32>
    %sub3A_1534 = arith.subi %add3A_1521, %broadcast_in_dim3A_49 : vector<16xi32>
    %bitcast3A_1535 = vector.bitcast %sub3A_1534 : vector<16xi32> to vector<16xi32>
    %sub3A_1536 = arith.subi %add3A_1521, %broadcast_in_dim3A_54 : vector<16xi32>
    %bitcast3A_1537 = vector.bitcast %sub3A_1536 : vector<16xi32> to vector<16xi32>
    %sub3A_1538 = arith.subi %add3A_1521, %broadcast_in_dim3A_59 : vector<16xi32>
    %bitcast3A_1539 = vector.bitcast %sub3A_1538 : vector<16xi32> to vector<16xi32>
    %sub3A_1540 = arith.subi %add3A_1521, %broadcast_in_dim3A_64 : vector<16xi32>
    %bitcast3A_1541 = vector.bitcast %sub3A_1540 : vector<16xi32> to vector<16xi32>
    %sub3A_1542 = arith.subi %add3A_1521, %broadcast_in_dim3A_69 : vector<16xi32>
    %bitcast3A_1543 = vector.bitcast %sub3A_1542 : vector<16xi32> to vector<16xi32>
    %sub3A_1544 = arith.subi %add3A_1521, %broadcast_in_dim3A_74 : vector<16xi32>
    %bitcast3A_1545 = vector.bitcast %sub3A_1544 : vector<16xi32> to vector<16xi32>
    %sub3A_1546 = arith.subi %add3A_1521, %broadcast_in_dim3A_79 : vector<16xi32>
    %bitcast3A_1547 = vector.bitcast %sub3A_1546 : vector<16xi32> to vector<16xi32>
    %sub3A_1548 = arith.subi %add3A_1521, %broadcast_in_dim3A_84 : vector<16xi32>
    %bitcast3A_1549 = vector.bitcast %sub3A_1548 : vector<16xi32> to vector<16xi32>
    %sub3A_1550 = arith.subi %add3A_1521, %broadcast_in_dim3A_89 : vector<16xi32>
    %bitcast3A_1551 = vector.bitcast %sub3A_1550 : vector<16xi32> to vector<16xi32>
    %sub3A_1552 = arith.subi %add3A_1521, %broadcast_in_dim3A_94 : vector<16xi32>
    %bitcast3A_1553 = vector.bitcast %sub3A_1552 : vector<16xi32> to vector<16xi32>
    %min3A_1554 = arith.minui %bitcast3A_1523, %bitcast3A_1525 : vector<16xi32>
    %min3A_1555 = arith.minui %bitcast3A_1527, %bitcast3A_1529 : vector<16xi32>
    %min3A_1556 = arith.minui %bitcast3A_1531, %bitcast3A_1533 : vector<16xi32>
    %min3A_1557 = arith.minui %bitcast3A_1535, %bitcast3A_1537 : vector<16xi32>
    %min3A_1558 = arith.minui %bitcast3A_1539, %bitcast3A_1541 : vector<16xi32>
    %min3A_1559 = arith.minui %bitcast3A_1543, %bitcast3A_1545 : vector<16xi32>
    %min3A_1560 = arith.minui %bitcast3A_1547, %bitcast3A_1549 : vector<16xi32>
    %min3A_1561 = arith.minui %bitcast3A_1551, %bitcast3A_1553 : vector<16xi32>
    %min3A_1562 = arith.minui %min3A_1554, %min3A_1555 : vector<16xi32>
    %min3A_1563 = arith.minui %min3A_1556, %min3A_1557 : vector<16xi32>
    %min3A_1564 = arith.minui %min3A_1558, %min3A_1559 : vector<16xi32>
    %min3A_1565 = arith.minui %min3A_1560, %min3A_1561 : vector<16xi32>
    %min3A_1566 = arith.minui %min3A_1562, %min3A_1563 : vector<16xi32>
    %min3A_1567 = arith.minui %min3A_1564, %min3A_1565 : vector<16xi32>
    %min3A_1568 = arith.minui %min3A_1566, %min3A_1567 : vector<16xi32>
    %bitcast3A_1569 = vector.bitcast %min3A_1568 : vector<16xi32> to vector<16xi32>
    %lt3A_1570 = arith.constant 1024 : i32
    %lt3A_1571 = vector.broadcast %lt3A_1570 : i32 to vector<16xi32>
    %lt3A_1572 = arith.cmpi slt, %bitcast3A_1569, %lt3A_1571 : vector<16xi32>
    %add3A_1573 = vector.broadcast %sub3A_118 : i32 to vector<16xi32>
    %add3A_1574 = arith.addi %bitcast3A_1569, %add3A_1573 : vector<16xi32>
    %select_n3A_1575 = arith.select %lt3A_1572, %bitcast3A_1569, %add3A_1574 : vector<16xi1>, vector<16xi32>
    %gather3A_1576 = tpu.vector_load_idx %arg8[%select_n3A_1575] : memref<2176xf32, #tpu.memory_space<vmem>>[vector<16xi32>], vector<16xf32>,
    %swap3A_1577 = arith.constant 368 : index
    %swap3A_1578 = tpu.vector_load %arg9[%swap3A_1577] {strides = array<i32>} : memref<1024xf32, #tpu.memory_space<vmem>>, vector<16xf32>,
    tpu.vector_store %arg9[%swap3A_1577], %gather3A_1576 {strides = array<i32>} : memref<1024xf32, #tpu.memory_space<vmem>>, vector<16xf32>,
    %add3A_1579 = arith.constant 384 : i32
    %add3A_1580 = arith.addi %mul3A_2, %add3A_1579 : i32
    %add3A_1581 = vector.broadcast %add3A_1580 : i32 to vector<16xi32>
    %add3A_1582 = arith.addi %iota3A, %add3A_1581 : vector<16xi32>
    %sub3A_1583 = arith.subi %add3A_1582, %broadcast_in_dim3A : vector<16xi32>
    %bitcast3A_1584 = vector.bitcast %sub3A_1583 : vector<16xi32> to vector<16xi32>
    %sub3A_1585 = arith.subi %add3A_1582, %broadcast_in_dim3A_24 : vector<16xi32>
    %bitcast3A_1586 = vector.bitcast %sub3A_1585 : vector<16xi32> to vector<16xi32>
    %sub3A_1587 = arith.subi %add3A_1582, %broadcast_in_dim3A_29 : vector<16xi32>
    %bitcast3A_1588 = vector.bitcast %sub3A_1587 : vector<16xi32> to vector<16xi32>
    %sub3A_1589 = arith.subi %add3A_1582, %broadcast_in_dim3A_34 : vector<16xi32>
    %bitcast3A_1590 = vector.bitcast %sub3A_1589 : vector<16xi32> to vector<16xi32>
    %sub3A_1591 = arith.subi %add3A_1582, %broadcast_in_dim3A_39 : vector<16xi32>
    %bitcast3A_1592 = vector.bitcast %sub3A_1591 : vector<16xi32> to vector<16xi32>
    %sub3A_1593 = arith.subi %add3A_1582, %broadcast_in_dim3A_44 : vector<16xi32>
    %bitcast3A_1594 = vector.bitcast %sub3A_1593 : vector<16xi32> to vector<16xi32>
    %sub3A_1595 = arith.subi %add3A_1582, %broadcast_in_dim3A_49 : vector<16xi32>
    %bitcast3A_1596 = vector.bitcast %sub3A_1595 : vector<16xi32> to vector<16xi32>
    %sub3A_1597 = arith.subi %add3A_1582, %broadcast_in_dim3A_54 : vector<16xi32>
    %bitcast3A_1598 = vector.bitcast %sub3A_1597 : vector<16xi32> to vector<16xi32>
    %sub3A_1599 = arith.subi %add3A_1582, %broadcast_in_dim3A_59 : vector<16xi32>
    %bitcast3A_1600 = vector.bitcast %sub3A_1599 : vector<16xi32> to vector<16xi32>
    %sub3A_1601 = arith.subi %add3A_1582, %broadcast_in_dim3A_64 : vector<16xi32>
    %bitcast3A_1602 = vector.bitcast %sub3A_1601 : vector<16xi32> to vector<16xi32>
    %sub3A_1603 = arith.subi %add3A_1582, %broadcast_in_dim3A_69 : vector<16xi32>
    %bitcast3A_1604 = vector.bitcast %sub3A_1603 : vector<16xi32> to vector<16xi32>
    %sub3A_1605 = arith.subi %add3A_1582, %broadcast_in_dim3A_74 : vector<16xi32>
    %bitcast3A_1606 = vector.bitcast %sub3A_1605 : vector<16xi32> to vector<16xi32>
    %sub3A_1607 = arith.subi %add3A_1582, %broadcast_in_dim3A_79 : vector<16xi32>
    %bitcast3A_1608 = vector.bitcast %sub3A_1607 : vector<16xi32> to vector<16xi32>
    %sub3A_1609 = arith.subi %add3A_1582, %broadcast_in_dim3A_84 : vector<16xi32>
    %bitcast3A_1610 = vector.bitcast %sub3A_1609 : vector<16xi32> to vector<16xi32>
    %sub3A_1611 = arith.subi %add3A_1582, %broadcast_in_dim3A_89 : vector<16xi32>
    %bitcast3A_1612 = vector.bitcast %sub3A_1611 : vector<16xi32> to vector<16xi32>
    %sub3A_1613 = arith.subi %add3A_1582, %broadcast_in_dim3A_94 : vector<16xi32>
    %bitcast3A_1614 = vector.bitcast %sub3A_1613 : vector<16xi32> to vector<16xi32>
    %min3A_1615 = arith.minui %bitcast3A_1584, %bitcast3A_1586 : vector<16xi32>
    %min3A_1616 = arith.minui %bitcast3A_1588, %bitcast3A_1590 : vector<16xi32>
    %min3A_1617 = arith.minui %bitcast3A_1592, %bitcast3A_1594 : vector<16xi32>
    %min3A_1618 = arith.minui %bitcast3A_1596, %bitcast3A_1598 : vector<16xi32>
    %min3A_1619 = arith.minui %bitcast3A_1600, %bitcast3A_1602 : vector<16xi32>
    %min3A_1620 = arith.minui %bitcast3A_1604, %bitcast3A_1606 : vector<16xi32>
    %min3A_1621 = arith.minui %bitcast3A_1608, %bitcast3A_1610 : vector<16xi32>
    %min3A_1622 = arith.minui %bitcast3A_1612, %bitcast3A_1614 : vector<16xi32>
    %min3A_1623 = arith.minui %min3A_1615, %min3A_1616 : vector<16xi32>
    %min3A_1624 = arith.minui %min3A_1617, %min3A_1618 : vector<16xi32>
    %min3A_1625 = arith.minui %min3A_1619, %min3A_1620 : vector<16xi32>
    %min3A_1626 = arith.minui %min3A_1621, %min3A_1622 : vector<16xi32>
    %min3A_1627 = arith.minui %min3A_1623, %min3A_1624 : vector<16xi32>
    %min3A_1628 = arith.minui %min3A_1625, %min3A_1626 : vector<16xi32>
    %min3A_1629 = arith.minui %min3A_1627, %min3A_1628 : vector<16xi32>
    %bitcast3A_1630 = vector.bitcast %min3A_1629 : vector<16xi32> to vector<16xi32>
    %lt3A_1631 = arith.constant 1024 : i32
    %lt3A_1632 = vector.broadcast %lt3A_1631 : i32 to vector<16xi32>
    %lt3A_1633 = arith.cmpi slt, %bitcast3A_1630, %lt3A_1632 : vector<16xi32>
    %add3A_1634 = vector.broadcast %sub3A_118 : i32 to vector<16xi32>
    %add3A_1635 = arith.addi %bitcast3A_1630, %add3A_1634 : vector<16xi32>
    %select_n3A_1636 = arith.select %lt3A_1633, %bitcast3A_1630, %add3A_1635 : vector<16xi1>, vector<16xi32>
    %gather3A_1637 = tpu.vector_load_idx %arg8[%select_n3A_1636] : memref<2176xf32, #tpu.memory_space<vmem>>[vector<16xi32>], vector<16xf32>,
    %swap3A_1638 = arith.constant 384 : index
    %swap3A_1639 = tpu.vector_load %arg9[%swap3A_1638] {strides = array<i32>} : memref<1024xf32, #tpu.memory_space<vmem>>, vector<16xf32>,
    tpu.vector_store %arg9[%swap3A_1638], %gather3A_1637 {strides = array<i32>} : memref<1024xf32, #tpu.memory_space<vmem>>, vector<16xf32>,
    %add3A_1640 = arith.constant 400 : i32
    %add3A_1641 = arith.addi %mul3A_2, %add3A_1640 : i32
    %add3A_1642 = vector.broadcast %add3A_1641 : i32 to vector<16xi32>
    %add3A_1643 = arith.addi %iota3A, %add3A_1642 : vector<16xi32>
    %sub3A_1644 = arith.subi %add3A_1643, %broadcast_in_dim3A : vector<16xi32>
    %bitcast3A_1645 = vector.bitcast %sub3A_1644 : vector<16xi32> to vector<16xi32>
    %sub3A_1646 = arith.subi %add3A_1643, %broadcast_in_dim3A_24 : vector<16xi32>
    %bitcast3A_1647 = vector.bitcast %sub3A_1646 : vector<16xi32> to vector<16xi32>
    %sub3A_1648 = arith.subi %add3A_1643, %broadcast_in_dim3A_29 : vector<16xi32>
    %bitcast3A_1649 = vector.bitcast %sub3A_1648 : vector<16xi32> to vector<16xi32>
    %sub3A_1650 = arith.subi %add3A_1643, %broadcast_in_dim3A_34 : vector<16xi32>
    %bitcast3A_1651 = vector.bitcast %sub3A_1650 : vector<16xi32> to vector<16xi32>
    %sub3A_1652 = arith.subi %add3A_1643, %broadcast_in_dim3A_39 : vector<16xi32>
    %bitcast3A_1653 = vector.bitcast %sub3A_1652 : vector<16xi32> to vector<16xi32>
    %sub3A_1654 = arith.subi %add3A_1643, %broadcast_in_dim3A_44 : vector<16xi32>
    %bitcast3A_1655 = vector.bitcast %sub3A_1654 : vector<16xi32> to vector<16xi32>
    %sub3A_1656 = arith.subi %add3A_1643, %broadcast_in_dim3A_49 : vector<16xi32>
    %bitcast3A_1657 = vector.bitcast %sub3A_1656 : vector<16xi32> to vector<16xi32>
    %sub3A_1658 = arith.subi %add3A_1643, %broadcast_in_dim3A_54 : vector<16xi32>
    %bitcast3A_1659 = vector.bitcast %sub3A_1658 : vector<16xi32> to vector<16xi32>
    %sub3A_1660 = arith.subi %add3A_1643, %broadcast_in_dim3A_59 : vector<16xi32>
    %bitcast3A_1661 = vector.bitcast %sub3A_1660 : vector<16xi32> to vector<16xi32>
    %sub3A_1662 = arith.subi %add3A_1643, %broadcast_in_dim3A_64 : vector<16xi32>
    %bitcast3A_1663 = vector.bitcast %sub3A_1662 : vector<16xi32> to vector<16xi32>
    %sub3A_1664 = arith.subi %add3A_1643, %broadcast_in_dim3A_69 : vector<16xi32>
    %bitcast3A_1665 = vector.bitcast %sub3A_1664 : vector<16xi32> to vector<16xi32>
    %sub3A_1666 = arith.subi %add3A_1643, %broadcast_in_dim3A_74 : vector<16xi32>
    %bitcast3A_1667 = vector.bitcast %sub3A_1666 : vector<16xi32> to vector<16xi32>
    %sub3A_1668 = arith.subi %add3A_1643, %broadcast_in_dim3A_79 : vector<16xi32>
    %bitcast3A_1669 = vector.bitcast %sub3A_1668 : vector<16xi32> to vector<16xi32>
    %sub3A_1670 = arith.subi %add3A_1643, %broadcast_in_dim3A_84 : vector<16xi32>
    %bitcast3A_1671 = vector.bitcast %sub3A_1670 : vector<16xi32> to vector<16xi32>
    %sub3A_1672 = arith.subi %add3A_1643, %broadcast_in_dim3A_89 : vector<16xi32>
    %bitcast3A_1673 = vector.bitcast %sub3A_1672 : vector<16xi32> to vector<16xi32>
    %sub3A_1674 = arith.subi %add3A_1643, %broadcast_in_dim3A_94 : vector<16xi32>
    %bitcast3A_1675 = vector.bitcast %sub3A_1674 : vector<16xi32> to vector<16xi32>
    %min3A_1676 = arith.minui %bitcast3A_1645, %bitcast3A_1647 : vector<16xi32>
    %min3A_1677 = arith.minui %bitcast3A_1649, %bitcast3A_1651 : vector<16xi32>
    %min3A_1678 = arith.minui %bitcast3A_1653, %bitcast3A_1655 : vector<16xi32>
    %min3A_1679 = arith.minui %bitcast3A_1657, %bitcast3A_1659 : vector<16xi32>
    %min3A_1680 = arith.minui %bitcast3A_1661, %bitcast3A_1663 : vector<16xi32>
    %min3A_1681 = arith.minui %bitcast3A_1665, %bitcast3A_1667 : vector<16xi32>
    %min3A_1682 = arith.minui %bitcast3A_1669, %bitcast3A_1671 : vector<16xi32>
    %min3A_1683 = arith.minui %bitcast3A_1673, %bitcast3A_1675 : vector<16xi32>
    %min3A_1684 = arith.minui %min3A_1676, %min3A_1677 : vector<16xi32>
    %min3A_1685 = arith.minui %min3A_1678, %min3A_1679 : vector<16xi32>
    %min3A_1686 = arith.minui %min3A_1680, %min3A_1681 : vector<16xi32>
    %min3A_1687 = arith.minui %min3A_1682, %min3A_1683 : vector<16xi32>
    %min3A_1688 = arith.minui %min3A_1684, %min3A_1685 : vector<16xi32>
    %min3A_1689 = arith.minui %min3A_1686, %min3A_1687 : vector<16xi32>
    %min3A_1690 = arith.minui %min3A_1688, %min3A_1689 : vector<16xi32>
    %bitcast3A_1691 = vector.bitcast %min3A_1690 : vector<16xi32> to vector<16xi32>
    %lt3A_1692 = arith.constant 1024 : i32
    %lt3A_1693 = vector.broadcast %lt3A_1692 : i32 to vector<16xi32>
    %lt3A_1694 = arith.cmpi slt, %bitcast3A_1691, %lt3A_1693 : vector<16xi32>
    %add3A_1695 = vector.broadcast %sub3A_118 : i32 to vector<16xi32>
    %add3A_1696 = arith.addi %bitcast3A_1691, %add3A_1695 : vector<16xi32>
    %select_n3A_1697 = arith.select %lt3A_1694, %bitcast3A_1691, %add3A_1696 : vector<16xi1>, vector<16xi32>
    %gather3A_1698 = tpu.vector_load_idx %arg8[%select_n3A_1697] : memref<2176xf32, #tpu.memory_space<vmem>>[vector<16xi32>], vector<16xf32>,
    %swap3A_1699 = arith.constant 400 : index
    %swap3A_1700 = tpu.vector_load %arg9[%swap3A_1699] {strides = array<i32>} : memref<1024xf32, #tpu.memory_space<vmem>>, vector<16xf32>,
    tpu.vector_store %arg9[%swap3A_1699], %gather3A_1698 {strides = array<i32>} : memref<1024xf32, #tpu.memory_space<vmem>>, vector<16xf32>,
    %add3A_1701 = arith.constant 416 : i32
    %add3A_1702 = arith.addi %mul3A_2, %add3A_1701 : i32
    %add3A_1703 = vector.broadcast %add3A_1702 : i32 to vector<16xi32>
    %add3A_1704 = arith.addi %iota3A, %add3A_1703 : vector<16xi32>
    %sub3A_1705 = arith.subi %add3A_1704, %broadcast_in_dim3A : vector<16xi32>
    %bitcast3A_1706 = vector.bitcast %sub3A_1705 : vector<16xi32> to vector<16xi32>
    %sub3A_1707 = arith.subi %add3A_1704, %broadcast_in_dim3A_24 : vector<16xi32>
    %bitcast3A_1708 = vector.bitcast %sub3A_1707 : vector<16xi32> to vector<16xi32>
    %sub3A_1709 = arith.subi %add3A_1704, %broadcast_in_dim3A_29 : vector<16xi32>
    %bitcast3A_1710 = vector.bitcast %sub3A_1709 : vector<16xi32> to vector<16xi32>
    %sub3A_1711 = arith.subi %add3A_1704, %broadcast_in_dim3A_34 : vector<16xi32>
    %bitcast3A_1712 = vector.bitcast %sub3A_1711 : vector<16xi32> to vector<16xi32>
    %sub3A_1713 = arith.subi %add3A_1704, %broadcast_in_dim3A_39 : vector<16xi32>
    %bitcast3A_1714 = vector.bitcast %sub3A_1713 : vector<16xi32> to vector<16xi32>
    %sub3A_1715 = arith.subi %add3A_1704, %broadcast_in_dim3A_44 : vector<16xi32>
    %bitcast3A_1716 = vector.bitcast %sub3A_1715 : vector<16xi32> to vector<16xi32>
    %sub3A_1717 = arith.subi %add3A_1704, %broadcast_in_dim3A_49 : vector<16xi32>
    %bitcast3A_1718 = vector.bitcast %sub3A_1717 : vector<16xi32> to vector<16xi32>
    %sub3A_1719 = arith.subi %add3A_1704, %broadcast_in_dim3A_54 : vector<16xi32>
    %bitcast3A_1720 = vector.bitcast %sub3A_1719 : vector<16xi32> to vector<16xi32>
    %sub3A_1721 = arith.subi %add3A_1704, %broadcast_in_dim3A_59 : vector<16xi32>
    %bitcast3A_1722 = vector.bitcast %sub3A_1721 : vector<16xi32> to vector<16xi32>
    %sub3A_1723 = arith.subi %add3A_1704, %broadcast_in_dim3A_64 : vector<16xi32>
    %bitcast3A_1724 = vector.bitcast %sub3A_1723 : vector<16xi32> to vector<16xi32>
    %sub3A_1725 = arith.subi %add3A_1704, %broadcast_in_dim3A_69 : vector<16xi32>
    %bitcast3A_1726 = vector.bitcast %sub3A_1725 : vector<16xi32> to vector<16xi32>
    %sub3A_1727 = arith.subi %add3A_1704, %broadcast_in_dim3A_74 : vector<16xi32>
    %bitcast3A_1728 = vector.bitcast %sub3A_1727 : vector<16xi32> to vector<16xi32>
    %sub3A_1729 = arith.subi %add3A_1704, %broadcast_in_dim3A_79 : vector<16xi32>
    %bitcast3A_1730 = vector.bitcast %sub3A_1729 : vector<16xi32> to vector<16xi32>
    %sub3A_1731 = arith.subi %add3A_1704, %broadcast_in_dim3A_84 : vector<16xi32>
    %bitcast3A_1732 = vector.bitcast %sub3A_1731 : vector<16xi32> to vector<16xi32>
    %sub3A_1733 = arith.subi %add3A_1704, %broadcast_in_dim3A_89 : vector<16xi32>
    %bitcast3A_1734 = vector.bitcast %sub3A_1733 : vector<16xi32> to vector<16xi32>
    %sub3A_1735 = arith.subi %add3A_1704, %broadcast_in_dim3A_94 : vector<16xi32>
    %bitcast3A_1736 = vector.bitcast %sub3A_1735 : vector<16xi32> to vector<16xi32>
    %min3A_1737 = arith.minui %bitcast3A_1706, %bitcast3A_1708 : vector<16xi32>
    %min3A_1738 = arith.minui %bitcast3A_1710, %bitcast3A_1712 : vector<16xi32>
    %min3A_1739 = arith.minui %bitcast3A_1714, %bitcast3A_1716 : vector<16xi32>
    %min3A_1740 = arith.minui %bitcast3A_1718, %bitcast3A_1720 : vector<16xi32>
    %min3A_1741 = arith.minui %bitcast3A_1722, %bitcast3A_1724 : vector<16xi32>
    %min3A_1742 = arith.minui %bitcast3A_1726, %bitcast3A_1728 : vector<16xi32>
    %min3A_1743 = arith.minui %bitcast3A_1730, %bitcast3A_1732 : vector<16xi32>
    %min3A_1744 = arith.minui %bitcast3A_1734, %bitcast3A_1736 : vector<16xi32>
    %min3A_1745 = arith.minui %min3A_1737, %min3A_1738 : vector<16xi32>
    %min3A_1746 = arith.minui %min3A_1739, %min3A_1740 : vector<16xi32>
    %min3A_1747 = arith.minui %min3A_1741, %min3A_1742 : vector<16xi32>
    %min3A_1748 = arith.minui %min3A_1743, %min3A_1744 : vector<16xi32>
    %min3A_1749 = arith.minui %min3A_1745, %min3A_1746 : vector<16xi32>
    %min3A_1750 = arith.minui %min3A_1747, %min3A_1748 : vector<16xi32>
    %min3A_1751 = arith.minui %min3A_1749, %min3A_1750 : vector<16xi32>
    %bitcast3A_1752 = vector.bitcast %min3A_1751 : vector<16xi32> to vector<16xi32>
    %lt3A_1753 = arith.constant 1024 : i32
    %lt3A_1754 = vector.broadcast %lt3A_1753 : i32 to vector<16xi32>
    %lt3A_1755 = arith.cmpi slt, %bitcast3A_1752, %lt3A_1754 : vector<16xi32>
    %add3A_1756 = vector.broadcast %sub3A_118 : i32 to vector<16xi32>
    %add3A_1757 = arith.addi %bitcast3A_1752, %add3A_1756 : vector<16xi32>
    %select_n3A_1758 = arith.select %lt3A_1755, %bitcast3A_1752, %add3A_1757 : vector<16xi1>, vector<16xi32>
    %gather3A_1759 = tpu.vector_load_idx %arg8[%select_n3A_1758] : memref<2176xf32, #tpu.memory_space<vmem>>[vector<16xi32>], vector<16xf32>,
    %swap3A_1760 = arith.constant 416 : index
    %swap3A_1761 = tpu.vector_load %arg9[%swap3A_1760] {strides = array<i32>} : memref<1024xf32, #tpu.memory_space<vmem>>, vector<16xf32>,
    tpu.vector_store %arg9[%swap3A_1760], %gather3A_1759 {strides = array<i32>} : memref<1024xf32, #tpu.memory_space<vmem>>, vector<16xf32>,
    %add3A_1762 = arith.constant 432 : i32
    %add3A_1763 = arith.addi %mul3A_2, %add3A_1762 : i32
    %add3A_1764 = vector.broadcast %add3A_1763 : i32 to vector<16xi32>
    %add3A_1765 = arith.addi %iota3A, %add3A_1764 : vector<16xi32>
    %sub3A_1766 = arith.subi %add3A_1765, %broadcast_in_dim3A : vector<16xi32>
    %bitcast3A_1767 = vector.bitcast %sub3A_1766 : vector<16xi32> to vector<16xi32>
    %sub3A_1768 = arith.subi %add3A_1765, %broadcast_in_dim3A_24 : vector<16xi32>
    %bitcast3A_1769 = vector.bitcast %sub3A_1768 : vector<16xi32> to vector<16xi32>
    %sub3A_1770 = arith.subi %add3A_1765, %broadcast_in_dim3A_29 : vector<16xi32>
    %bitcast3A_1771 = vector.bitcast %sub3A_1770 : vector<16xi32> to vector<16xi32>
    %sub3A_1772 = arith.subi %add3A_1765, %broadcast_in_dim3A_34 : vector<16xi32>
    %bitcast3A_1773 = vector.bitcast %sub3A_1772 : vector<16xi32> to vector<16xi32>
    %sub3A_1774 = arith.subi %add3A_1765, %broadcast_in_dim3A_39 : vector<16xi32>
    %bitcast3A_1775 = vector.bitcast %sub3A_1774 : vector<16xi32> to vector<16xi32>
    %sub3A_1776 = arith.subi %add3A_1765, %broadcast_in_dim3A_44 : vector<16xi32>
    %bitcast3A_1777 = vector.bitcast %sub3A_1776 : vector<16xi32> to vector<16xi32>
    %sub3A_1778 = arith.subi %add3A_1765, %broadcast_in_dim3A_49 : vector<16xi32>
    %bitcast3A_1779 = vector.bitcast %sub3A_1778 : vector<16xi32> to vector<16xi32>
    %sub3A_1780 = arith.subi %add3A_1765, %broadcast_in_dim3A_54 : vector<16xi32>
    %bitcast3A_1781 = vector.bitcast %sub3A_1780 : vector<16xi32> to vector<16xi32>
    %sub3A_1782 = arith.subi %add3A_1765, %broadcast_in_dim3A_59 : vector<16xi32>
    %bitcast3A_1783 = vector.bitcast %sub3A_1782 : vector<16xi32> to vector<16xi32>
    %sub3A_1784 = arith.subi %add3A_1765, %broadcast_in_dim3A_64 : vector<16xi32>
    %bitcast3A_1785 = vector.bitcast %sub3A_1784 : vector<16xi32> to vector<16xi32>
    %sub3A_1786 = arith.subi %add3A_1765, %broadcast_in_dim3A_69 : vector<16xi32>
    %bitcast3A_1787 = vector.bitcast %sub3A_1786 : vector<16xi32> to vector<16xi32>
    %sub3A_1788 = arith.subi %add3A_1765, %broadcast_in_dim3A_74 : vector<16xi32>
    %bitcast3A_1789 = vector.bitcast %sub3A_1788 : vector<16xi32> to vector<16xi32>
    %sub3A_1790 = arith.subi %add3A_1765, %broadcast_in_dim3A_79 : vector<16xi32>
    %bitcast3A_1791 = vector.bitcast %sub3A_1790 : vector<16xi32> to vector<16xi32>
    %sub3A_1792 = arith.subi %add3A_1765, %broadcast_in_dim3A_84 : vector<16xi32>
    %bitcast3A_1793 = vector.bitcast %sub3A_1792 : vector<16xi32> to vector<16xi32>
    %sub3A_1794 = arith.subi %add3A_1765, %broadcast_in_dim3A_89 : vector<16xi32>
    %bitcast3A_1795 = vector.bitcast %sub3A_1794 : vector<16xi32> to vector<16xi32>
    %sub3A_1796 = arith.subi %add3A_1765, %broadcast_in_dim3A_94 : vector<16xi32>
    %bitcast3A_1797 = vector.bitcast %sub3A_1796 : vector<16xi32> to vector<16xi32>
    %min3A_1798 = arith.minui %bitcast3A_1767, %bitcast3A_1769 : vector<16xi32>
    %min3A_1799 = arith.minui %bitcast3A_1771, %bitcast3A_1773 : vector<16xi32>
    %min3A_1800 = arith.minui %bitcast3A_1775, %bitcast3A_1777 : vector<16xi32>
    %min3A_1801 = arith.minui %bitcast3A_1779, %bitcast3A_1781 : vector<16xi32>
    %min3A_1802 = arith.minui %bitcast3A_1783, %bitcast3A_1785 : vector<16xi32>
    %min3A_1803 = arith.minui %bitcast3A_1787, %bitcast3A_1789 : vector<16xi32>
    %min3A_1804 = arith.minui %bitcast3A_1791, %bitcast3A_1793 : vector<16xi32>
    %min3A_1805 = arith.minui %bitcast3A_1795, %bitcast3A_1797 : vector<16xi32>
    %min3A_1806 = arith.minui %min3A_1798, %min3A_1799 : vector<16xi32>
    %min3A_1807 = arith.minui %min3A_1800, %min3A_1801 : vector<16xi32>
    %min3A_1808 = arith.minui %min3A_1802, %min3A_1803 : vector<16xi32>
    %min3A_1809 = arith.minui %min3A_1804, %min3A_1805 : vector<16xi32>
    %min3A_1810 = arith.minui %min3A_1806, %min3A_1807 : vector<16xi32>
    %min3A_1811 = arith.minui %min3A_1808, %min3A_1809 : vector<16xi32>
    %min3A_1812 = arith.minui %min3A_1810, %min3A_1811 : vector<16xi32>
    %bitcast3A_1813 = vector.bitcast %min3A_1812 : vector<16xi32> to vector<16xi32>
    %lt3A_1814 = arith.constant 1024 : i32
    %lt3A_1815 = vector.broadcast %lt3A_1814 : i32 to vector<16xi32>
    %lt3A_1816 = arith.cmpi slt, %bitcast3A_1813, %lt3A_1815 : vector<16xi32>
    %add3A_1817 = vector.broadcast %sub3A_118 : i32 to vector<16xi32>
    %add3A_1818 = arith.addi %bitcast3A_1813, %add3A_1817 : vector<16xi32>
    %select_n3A_1819 = arith.select %lt3A_1816, %bitcast3A_1813, %add3A_1818 : vector<16xi1>, vector<16xi32>
    %gather3A_1820 = tpu.vector_load_idx %arg8[%select_n3A_1819] : memref<2176xf32, #tpu.memory_space<vmem>>[vector<16xi32>], vector<16xf32>,
    %swap3A_1821 = arith.constant 432 : index
    %swap3A_1822 = tpu.vector_load %arg9[%swap3A_1821] {strides = array<i32>} : memref<1024xf32, #tpu.memory_space<vmem>>, vector<16xf32>,
    tpu.vector_store %arg9[%swap3A_1821], %gather3A_1820 {strides = array<i32>} : memref<1024xf32, #tpu.memory_space<vmem>>, vector<16xf32>,
    %add3A_1823 = arith.constant 448 : i32
    %add3A_1824 = arith.addi %mul3A_2, %add3A_1823 : i32
    %add3A_1825 = vector.broadcast %add3A_1824 : i32 to vector<16xi32>
    %add3A_1826 = arith.addi %iota3A, %add3A_1825 : vector<16xi32>
    %sub3A_1827 = arith.subi %add3A_1826, %broadcast_in_dim3A : vector<16xi32>
    %bitcast3A_1828 = vector.bitcast %sub3A_1827 : vector<16xi32> to vector<16xi32>
    %sub3A_1829 = arith.subi %add3A_1826, %broadcast_in_dim3A_24 : vector<16xi32>
    %bitcast3A_1830 = vector.bitcast %sub3A_1829 : vector<16xi32> to vector<16xi32>
    %sub3A_1831 = arith.subi %add3A_1826, %broadcast_in_dim3A_29 : vector<16xi32>
    %bitcast3A_1832 = vector.bitcast %sub3A_1831 : vector<16xi32> to vector<16xi32>
    %sub3A_1833 = arith.subi %add3A_1826, %broadcast_in_dim3A_34 : vector<16xi32>
    %bitcast3A_1834 = vector.bitcast %sub3A_1833 : vector<16xi32> to vector<16xi32>
    %sub3A_1835 = arith.subi %add3A_1826, %broadcast_in_dim3A_39 : vector<16xi32>
    %bitcast3A_1836 = vector.bitcast %sub3A_1835 : vector<16xi32> to vector<16xi32>
    %sub3A_1837 = arith.subi %add3A_1826, %broadcast_in_dim3A_44 : vector<16xi32>
    %bitcast3A_1838 = vector.bitcast %sub3A_1837 : vector<16xi32> to vector<16xi32>
    %sub3A_1839 = arith.subi %add3A_1826, %broadcast_in_dim3A_49 : vector<16xi32>
    %bitcast3A_1840 = vector.bitcast %sub3A_1839 : vector<16xi32> to vector<16xi32>
    %sub3A_1841 = arith.subi %add3A_1826, %broadcast_in_dim3A_54 : vector<16xi32>
    %bitcast3A_1842 = vector.bitcast %sub3A_1841 : vector<16xi32> to vector<16xi32>
    %sub3A_1843 = arith.subi %add3A_1826, %broadcast_in_dim3A_59 : vector<16xi32>
    %bitcast3A_1844 = vector.bitcast %sub3A_1843 : vector<16xi32> to vector<16xi32>
    %sub3A_1845 = arith.subi %add3A_1826, %broadcast_in_dim3A_64 : vector<16xi32>
    %bitcast3A_1846 = vector.bitcast %sub3A_1845 : vector<16xi32> to vector<16xi32>
    %sub3A_1847 = arith.subi %add3A_1826, %broadcast_in_dim3A_69 : vector<16xi32>
    %bitcast3A_1848 = vector.bitcast %sub3A_1847 : vector<16xi32> to vector<16xi32>
    %sub3A_1849 = arith.subi %add3A_1826, %broadcast_in_dim3A_74 : vector<16xi32>
    %bitcast3A_1850 = vector.bitcast %sub3A_1849 : vector<16xi32> to vector<16xi32>
    %sub3A_1851 = arith.subi %add3A_1826, %broadcast_in_dim3A_79 : vector<16xi32>
    %bitcast3A_1852 = vector.bitcast %sub3A_1851 : vector<16xi32> to vector<16xi32>
    %sub3A_1853 = arith.subi %add3A_1826, %broadcast_in_dim3A_84 : vector<16xi32>
    %bitcast3A_1854 = vector.bitcast %sub3A_1853 : vector<16xi32> to vector<16xi32>
    %sub3A_1855 = arith.subi %add3A_1826, %broadcast_in_dim3A_89 : vector<16xi32>
    %bitcast3A_1856 = vector.bitcast %sub3A_1855 : vector<16xi32> to vector<16xi32>
    %sub3A_1857 = arith.subi %add3A_1826, %broadcast_in_dim3A_94 : vector<16xi32>
    %bitcast3A_1858 = vector.bitcast %sub3A_1857 : vector<16xi32> to vector<16xi32>
    %min3A_1859 = arith.minui %bitcast3A_1828, %bitcast3A_1830 : vector<16xi32>
    %min3A_1860 = arith.minui %bitcast3A_1832, %bitcast3A_1834 : vector<16xi32>
    %min3A_1861 = arith.minui %bitcast3A_1836, %bitcast3A_1838 : vector<16xi32>
    %min3A_1862 = arith.minui %bitcast3A_1840, %bitcast3A_1842 : vector<16xi32>
    %min3A_1863 = arith.minui %bitcast3A_1844, %bitcast3A_1846 : vector<16xi32>
    %min3A_1864 = arith.minui %bitcast3A_1848, %bitcast3A_1850 : vector<16xi32>
    %min3A_1865 = arith.minui %bitcast3A_1852, %bitcast3A_1854 : vector<16xi32>
    %min3A_1866 = arith.minui %bitcast3A_1856, %bitcast3A_1858 : vector<16xi32>
    %min3A_1867 = arith.minui %min3A_1859, %min3A_1860 : vector<16xi32>
    %min3A_1868 = arith.minui %min3A_1861, %min3A_1862 : vector<16xi32>
    %min3A_1869 = arith.minui %min3A_1863, %min3A_1864 : vector<16xi32>
    %min3A_1870 = arith.minui %min3A_1865, %min3A_1866 : vector<16xi32>
    %min3A_1871 = arith.minui %min3A_1867, %min3A_1868 : vector<16xi32>
    %min3A_1872 = arith.minui %min3A_1869, %min3A_1870 : vector<16xi32>
    %min3A_1873 = arith.minui %min3A_1871, %min3A_1872 : vector<16xi32>
    %bitcast3A_1874 = vector.bitcast %min3A_1873 : vector<16xi32> to vector<16xi32>
    %lt3A_1875 = arith.constant 1024 : i32
    %lt3A_1876 = vector.broadcast %lt3A_1875 : i32 to vector<16xi32>
    %lt3A_1877 = arith.cmpi slt, %bitcast3A_1874, %lt3A_1876 : vector<16xi32>
    %add3A_1878 = vector.broadcast %sub3A_118 : i32 to vector<16xi32>
    %add3A_1879 = arith.addi %bitcast3A_1874, %add3A_1878 : vector<16xi32>
    %select_n3A_1880 = arith.select %lt3A_1877, %bitcast3A_1874, %add3A_1879 : vector<16xi1>, vector<16xi32>
    %gather3A_1881 = tpu.vector_load_idx %arg8[%select_n3A_1880] : memref<2176xf32, #tpu.memory_space<vmem>>[vector<16xi32>], vector<16xf32>,
    %swap3A_1882 = arith.constant 448 : index
    %swap3A_1883 = tpu.vector_load %arg9[%swap3A_1882] {strides = array<i32>} : memref<1024xf32, #tpu.memory_space<vmem>>, vector<16xf32>,
    tpu.vector_store %arg9[%swap3A_1882], %gather3A_1881 {strides = array<i32>} : memref<1024xf32, #tpu.memory_space<vmem>>, vector<16xf32>,
    %add3A_1884 = arith.constant 464 : i32
    %add3A_1885 = arith.addi %mul3A_2, %add3A_1884 : i32
    %add3A_1886 = vector.broadcast %add3A_1885 : i32 to vector<16xi32>
    %add3A_1887 = arith.addi %iota3A, %add3A_1886 : vector<16xi32>
    %sub3A_1888 = arith.subi %add3A_1887, %broadcast_in_dim3A : vector<16xi32>
    %bitcast3A_1889 = vector.bitcast %sub3A_1888 : vector<16xi32> to vector<16xi32>
    %sub3A_1890 = arith.subi %add3A_1887, %broadcast_in_dim3A_24 : vector<16xi32>
    %bitcast3A_1891 = vector.bitcast %sub3A_1890 : vector<16xi32> to vector<16xi32>
    %sub3A_1892 = arith.subi %add3A_1887, %broadcast_in_dim3A_29 : vector<16xi32>
    %bitcast3A_1893 = vector.bitcast %sub3A_1892 : vector<16xi32> to vector<16xi32>
    %sub3A_1894 = arith.subi %add3A_1887, %broadcast_in_dim3A_34 : vector<16xi32>
    %bitcast3A_1895 = vector.bitcast %sub3A_1894 : vector<16xi32> to vector<16xi32>
    %sub3A_1896 = arith.subi %add3A_1887, %broadcast_in_dim3A_39 : vector<16xi32>
    %bitcast3A_1897 = vector.bitcast %sub3A_1896 : vector<16xi32> to vector<16xi32>
    %sub3A_1898 = arith.subi %add3A_1887, %broadcast_in_dim3A_44 : vector<16xi32>
    %bitcast3A_1899 = vector.bitcast %sub3A_1898 : vector<16xi32> to vector<16xi32>
    %sub3A_1900 = arith.subi %add3A_1887, %broadcast_in_dim3A_49 : vector<16xi32>
    %bitcast3A_1901 = vector.bitcast %sub3A_1900 : vector<16xi32> to vector<16xi32>
    %sub3A_1902 = arith.subi %add3A_1887, %broadcast_in_dim3A_54 : vector<16xi32>
    %bitcast3A_1903 = vector.bitcast %sub3A_1902 : vector<16xi32> to vector<16xi32>
    %sub3A_1904 = arith.subi %add3A_1887, %broadcast_in_dim3A_59 : vector<16xi32>
    %bitcast3A_1905 = vector.bitcast %sub3A_1904 : vector<16xi32> to vector<16xi32>
    %sub3A_1906 = arith.subi %add3A_1887, %broadcast_in_dim3A_64 : vector<16xi32>
    %bitcast3A_1907 = vector.bitcast %sub3A_1906 : vector<16xi32> to vector<16xi32>
    %sub3A_1908 = arith.subi %add3A_1887, %broadcast_in_dim3A_69 : vector<16xi32>
    %bitcast3A_1909 = vector.bitcast %sub3A_1908 : vector<16xi32> to vector<16xi32>
    %sub3A_1910 = arith.subi %add3A_1887, %broadcast_in_dim3A_74 : vector<16xi32>
    %bitcast3A_1911 = vector.bitcast %sub3A_1910 : vector<16xi32> to vector<16xi32>
    %sub3A_1912 = arith.subi %add3A_1887, %broadcast_in_dim3A_79 : vector<16xi32>
    %bitcast3A_1913 = vector.bitcast %sub3A_1912 : vector<16xi32> to vector<16xi32>
    %sub3A_1914 = arith.subi %add3A_1887, %broadcast_in_dim3A_84 : vector<16xi32>
    %bitcast3A_1915 = vector.bitcast %sub3A_1914 : vector<16xi32> to vector<16xi32>
    %sub3A_1916 = arith.subi %add3A_1887, %broadcast_in_dim3A_89 : vector<16xi32>
    %bitcast3A_1917 = vector.bitcast %sub3A_1916 : vector<16xi32> to vector<16xi32>
    %sub3A_1918 = arith.subi %add3A_1887, %broadcast_in_dim3A_94 : vector<16xi32>
    %bitcast3A_1919 = vector.bitcast %sub3A_1918 : vector<16xi32> to vector<16xi32>
    %min3A_1920 = arith.minui %bitcast3A_1889, %bitcast3A_1891 : vector<16xi32>
    %min3A_1921 = arith.minui %bitcast3A_1893, %bitcast3A_1895 : vector<16xi32>
    %min3A_1922 = arith.minui %bitcast3A_1897, %bitcast3A_1899 : vector<16xi32>
    %min3A_1923 = arith.minui %bitcast3A_1901, %bitcast3A_1903 : vector<16xi32>
    %min3A_1924 = arith.minui %bitcast3A_1905, %bitcast3A_1907 : vector<16xi32>
    %min3A_1925 = arith.minui %bitcast3A_1909, %bitcast3A_1911 : vector<16xi32>
    %min3A_1926 = arith.minui %bitcast3A_1913, %bitcast3A_1915 : vector<16xi32>
    %min3A_1927 = arith.minui %bitcast3A_1917, %bitcast3A_1919 : vector<16xi32>
    %min3A_1928 = arith.minui %min3A_1920, %min3A_1921 : vector<16xi32>
    %min3A_1929 = arith.minui %min3A_1922, %min3A_1923 : vector<16xi32>
    %min3A_1930 = arith.minui %min3A_1924, %min3A_1925 : vector<16xi32>
    %min3A_1931 = arith.minui %min3A_1926, %min3A_1927 : vector<16xi32>
    %min3A_1932 = arith.minui %min3A_1928, %min3A_1929 : vector<16xi32>
    %min3A_1933 = arith.minui %min3A_1930, %min3A_1931 : vector<16xi32>
    %min3A_1934 = arith.minui %min3A_1932, %min3A_1933 : vector<16xi32>
    %bitcast3A_1935 = vector.bitcast %min3A_1934 : vector<16xi32> to vector<16xi32>
    %lt3A_1936 = arith.constant 1024 : i32
    %lt3A_1937 = vector.broadcast %lt3A_1936 : i32 to vector<16xi32>
    %lt3A_1938 = arith.cmpi slt, %bitcast3A_1935, %lt3A_1937 : vector<16xi32>
    %add3A_1939 = vector.broadcast %sub3A_118 : i32 to vector<16xi32>
    %add3A_1940 = arith.addi %bitcast3A_1935, %add3A_1939 : vector<16xi32>
    %select_n3A_1941 = arith.select %lt3A_1938, %bitcast3A_1935, %add3A_1940 : vector<16xi1>, vector<16xi32>
    %gather3A_1942 = tpu.vector_load_idx %arg8[%select_n3A_1941] : memref<2176xf32, #tpu.memory_space<vmem>>[vector<16xi32>], vector<16xf32>,
    %swap3A_1943 = arith.constant 464 : index
    %swap3A_1944 = tpu.vector_load %arg9[%swap3A_1943] {strides = array<i32>} : memref<1024xf32, #tpu.memory_space<vmem>>, vector<16xf32>,
    tpu.vector_store %arg9[%swap3A_1943], %gather3A_1942 {strides = array<i32>} : memref<1024xf32, #tpu.memory_space<vmem>>, vector<16xf32>,
    %add3A_1945 = arith.constant 480 : i32
    %add3A_1946 = arith.addi %mul3A_2, %add3A_1945 : i32
    %add3A_1947 = vector.broadcast %add3A_1946 : i32 to vector<16xi32>
    %add3A_1948 = arith.addi %iota3A, %add3A_1947 : vector<16xi32>
    %sub3A_1949 = arith.subi %add3A_1948, %broadcast_in_dim3A : vector<16xi32>
    %bitcast3A_1950 = vector.bitcast %sub3A_1949 : vector<16xi32> to vector<16xi32>
    %sub3A_1951 = arith.subi %add3A_1948, %broadcast_in_dim3A_24 : vector<16xi32>
    %bitcast3A_1952 = vector.bitcast %sub3A_1951 : vector<16xi32> to vector<16xi32>
    %sub3A_1953 = arith.subi %add3A_1948, %broadcast_in_dim3A_29 : vector<16xi32>
    %bitcast3A_1954 = vector.bitcast %sub3A_1953 : vector<16xi32> to vector<16xi32>
    %sub3A_1955 = arith.subi %add3A_1948, %broadcast_in_dim3A_34 : vector<16xi32>
    %bitcast3A_1956 = vector.bitcast %sub3A_1955 : vector<16xi32> to vector<16xi32>
    %sub3A_1957 = arith.subi %add3A_1948, %broadcast_in_dim3A_39 : vector<16xi32>
    %bitcast3A_1958 = vector.bitcast %sub3A_1957 : vector<16xi32> to vector<16xi32>
    %sub3A_1959 = arith.subi %add3A_1948, %broadcast_in_dim3A_44 : vector<16xi32>
    %bitcast3A_1960 = vector.bitcast %sub3A_1959 : vector<16xi32> to vector<16xi32>
    %sub3A_1961 = arith.subi %add3A_1948, %broadcast_in_dim3A_49 : vector<16xi32>
    %bitcast3A_1962 = vector.bitcast %sub3A_1961 : vector<16xi32> to vector<16xi32>
    %sub3A_1963 = arith.subi %add3A_1948, %broadcast_in_dim3A_54 : vector<16xi32>
    %bitcast3A_1964 = vector.bitcast %sub3A_1963 : vector<16xi32> to vector<16xi32>
    %sub3A_1965 = arith.subi %add3A_1948, %broadcast_in_dim3A_59 : vector<16xi32>
    %bitcast3A_1966 = vector.bitcast %sub3A_1965 : vector<16xi32> to vector<16xi32>
    %sub3A_1967 = arith.subi %add3A_1948, %broadcast_in_dim3A_64 : vector<16xi32>
    %bitcast3A_1968 = vector.bitcast %sub3A_1967 : vector<16xi32> to vector<16xi32>
    %sub3A_1969 = arith.subi %add3A_1948, %broadcast_in_dim3A_69 : vector<16xi32>
    %bitcast3A_1970 = vector.bitcast %sub3A_1969 : vector<16xi32> to vector<16xi32>
    %sub3A_1971 = arith.subi %add3A_1948, %broadcast_in_dim3A_74 : vector<16xi32>
    %bitcast3A_1972 = vector.bitcast %sub3A_1971 : vector<16xi32> to vector<16xi32>
    %sub3A_1973 = arith.subi %add3A_1948, %broadcast_in_dim3A_79 : vector<16xi32>
    %bitcast3A_1974 = vector.bitcast %sub3A_1973 : vector<16xi32> to vector<16xi32>
    %sub3A_1975 = arith.subi %add3A_1948, %broadcast_in_dim3A_84 : vector<16xi32>
    %bitcast3A_1976 = vector.bitcast %sub3A_1975 : vector<16xi32> to vector<16xi32>
    %sub3A_1977 = arith.subi %add3A_1948, %broadcast_in_dim3A_89 : vector<16xi32>
    %bitcast3A_1978 = vector.bitcast %sub3A_1977 : vector<16xi32> to vector<16xi32>
    %sub3A_1979 = arith.subi %add3A_1948, %broadcast_in_dim3A_94 : vector<16xi32>
    %bitcast3A_1980 = vector.bitcast %sub3A_1979 : vector<16xi32> to vector<16xi32>
    %min3A_1981 = arith.minui %bitcast3A_1950, %bitcast3A_1952 : vector<16xi32>
    %min3A_1982 = arith.minui %bitcast3A_1954, %bitcast3A_1956 : vector<16xi32>
    %min3A_1983 = arith.minui %bitcast3A_1958, %bitcast3A_1960 : vector<16xi32>
    %min3A_1984 = arith.minui %bitcast3A_1962, %bitcast3A_1964 : vector<16xi32>
    %min3A_1985 = arith.minui %bitcast3A_1966, %bitcast3A_1968 : vector<16xi32>
    %min3A_1986 = arith.minui %bitcast3A_1970, %bitcast3A_1972 : vector<16xi32>
    %min3A_1987 = arith.minui %bitcast3A_1974, %bitcast3A_1976 : vector<16xi32>
    %min3A_1988 = arith.minui %bitcast3A_1978, %bitcast3A_1980 : vector<16xi32>
    %min3A_1989 = arith.minui %min3A_1981, %min3A_1982 : vector<16xi32>
    %min3A_1990 = arith.minui %min3A_1983, %min3A_1984 : vector<16xi32>
    %min3A_1991 = arith.minui %min3A_1985, %min3A_1986 : vector<16xi32>
    %min3A_1992 = arith.minui %min3A_1987, %min3A_1988 : vector<16xi32>
    %min3A_1993 = arith.minui %min3A_1989, %min3A_1990 : vector<16xi32>
    %min3A_1994 = arith.minui %min3A_1991, %min3A_1992 : vector<16xi32>
    %min3A_1995 = arith.minui %min3A_1993, %min3A_1994 : vector<16xi32>
    %bitcast3A_1996 = vector.bitcast %min3A_1995 : vector<16xi32> to vector<16xi32>
    %lt3A_1997 = arith.constant 1024 : i32
    %lt3A_1998 = vector.broadcast %lt3A_1997 : i32 to vector<16xi32>
    %lt3A_1999 = arith.cmpi slt, %bitcast3A_1996, %lt3A_1998 : vector<16xi32>
    %add3A_2000 = vector.broadcast %sub3A_118 : i32 to vector<16xi32>
    %add3A_2001 = arith.addi %bitcast3A_1996, %add3A_2000 : vector<16xi32>
    %select_n3A_2002 = arith.select %lt3A_1999, %bitcast3A_1996, %add3A_2001 : vector<16xi1>, vector<16xi32>
    %gather3A_2003 = tpu.vector_load_idx %arg8[%select_n3A_2002] : memref<2176xf32, #tpu.memory_space<vmem>>[vector<16xi32>], vector<16xf32>,
    %swap3A_2004 = arith.constant 480 : index
    %swap3A_2005 = tpu.vector_load %arg9[%swap3A_2004] {strides = array<i32>} : memref<1024xf32, #tpu.memory_space<vmem>>, vector<16xf32>,
    tpu.vector_store %arg9[%swap3A_2004], %gather3A_2003 {strides = array<i32>} : memref<1024xf32, #tpu.memory_space<vmem>>, vector<16xf32>,
    %add3A_2006 = arith.constant 496 : i32
    %add3A_2007 = arith.addi %mul3A_2, %add3A_2006 : i32
    %add3A_2008 = vector.broadcast %add3A_2007 : i32 to vector<16xi32>
    %add3A_2009 = arith.addi %iota3A, %add3A_2008 : vector<16xi32>
    %sub3A_2010 = arith.subi %add3A_2009, %broadcast_in_dim3A : vector<16xi32>
    %bitcast3A_2011 = vector.bitcast %sub3A_2010 : vector<16xi32> to vector<16xi32>
    %sub3A_2012 = arith.subi %add3A_2009, %broadcast_in_dim3A_24 : vector<16xi32>
    %bitcast3A_2013 = vector.bitcast %sub3A_2012 : vector<16xi32> to vector<16xi32>
    %sub3A_2014 = arith.subi %add3A_2009, %broadcast_in_dim3A_29 : vector<16xi32>
    %bitcast3A_2015 = vector.bitcast %sub3A_2014 : vector<16xi32> to vector<16xi32>
    %sub3A_2016 = arith.subi %add3A_2009, %broadcast_in_dim3A_34 : vector<16xi32>
    %bitcast3A_2017 = vector.bitcast %sub3A_2016 : vector<16xi32> to vector<16xi32>
    %sub3A_2018 = arith.subi %add3A_2009, %broadcast_in_dim3A_39 : vector<16xi32>
    %bitcast3A_2019 = vector.bitcast %sub3A_2018 : vector<16xi32> to vector<16xi32>
    %sub3A_2020 = arith.subi %add3A_2009, %broadcast_in_dim3A_44 : vector<16xi32>
    %bitcast3A_2021 = vector.bitcast %sub3A_2020 : vector<16xi32> to vector<16xi32>
    %sub3A_2022 = arith.subi %add3A_2009, %broadcast_in_dim3A_49 : vector<16xi32>
    %bitcast3A_2023 = vector.bitcast %sub3A_2022 : vector<16xi32> to vector<16xi32>
    %sub3A_2024 = arith.subi %add3A_2009, %broadcast_in_dim3A_54 : vector<16xi32>
    %bitcast3A_2025 = vector.bitcast %sub3A_2024 : vector<16xi32> to vector<16xi32>
    %sub3A_2026 = arith.subi %add3A_2009, %broadcast_in_dim3A_59 : vector<16xi32>
    %bitcast3A_2027 = vector.bitcast %sub3A_2026 : vector<16xi32> to vector<16xi32>
    %sub3A_2028 = arith.subi %add3A_2009, %broadcast_in_dim3A_64 : vector<16xi32>
    %bitcast3A_2029 = vector.bitcast %sub3A_2028 : vector<16xi32> to vector<16xi32>
    %sub3A_2030 = arith.subi %add3A_2009, %broadcast_in_dim3A_69 : vector<16xi32>
    %bitcast3A_2031 = vector.bitcast %sub3A_2030 : vector<16xi32> to vector<16xi32>
    %sub3A_2032 = arith.subi %add3A_2009, %broadcast_in_dim3A_74 : vector<16xi32>
    %bitcast3A_2033 = vector.bitcast %sub3A_2032 : vector<16xi32> to vector<16xi32>
    %sub3A_2034 = arith.subi %add3A_2009, %broadcast_in_dim3A_79 : vector<16xi32>
    %bitcast3A_2035 = vector.bitcast %sub3A_2034 : vector<16xi32> to vector<16xi32>
    %sub3A_2036 = arith.subi %add3A_2009, %broadcast_in_dim3A_84 : vector<16xi32>
    %bitcast3A_2037 = vector.bitcast %sub3A_2036 : vector<16xi32> to vector<16xi32>
    %sub3A_2038 = arith.subi %add3A_2009, %broadcast_in_dim3A_89 : vector<16xi32>
    %bitcast3A_2039 = vector.bitcast %sub3A_2038 : vector<16xi32> to vector<16xi32>
    %sub3A_2040 = arith.subi %add3A_2009, %broadcast_in_dim3A_94 : vector<16xi32>
    %bitcast3A_2041 = vector.bitcast %sub3A_2040 : vector<16xi32> to vector<16xi32>
    %min3A_2042 = arith.minui %bitcast3A_2011, %bitcast3A_2013 : vector<16xi32>
    %min3A_2043 = arith.minui %bitcast3A_2015, %bitcast3A_2017 : vector<16xi32>
    %min3A_2044 = arith.minui %bitcast3A_2019, %bitcast3A_2021 : vector<16xi32>
    %min3A_2045 = arith.minui %bitcast3A_2023, %bitcast3A_2025 : vector<16xi32>
    %min3A_2046 = arith.minui %bitcast3A_2027, %bitcast3A_2029 : vector<16xi32>
    %min3A_2047 = arith.minui %bitcast3A_2031, %bitcast3A_2033 : vector<16xi32>
    %min3A_2048 = arith.minui %bitcast3A_2035, %bitcast3A_2037 : vector<16xi32>
    %min3A_2049 = arith.minui %bitcast3A_2039, %bitcast3A_2041 : vector<16xi32>
    %min3A_2050 = arith.minui %min3A_2042, %min3A_2043 : vector<16xi32>
    %min3A_2051 = arith.minui %min3A_2044, %min3A_2045 : vector<16xi32>
    %min3A_2052 = arith.minui %min3A_2046, %min3A_2047 : vector<16xi32>
    %min3A_2053 = arith.minui %min3A_2048, %min3A_2049 : vector<16xi32>
    %min3A_2054 = arith.minui %min3A_2050, %min3A_2051 : vector<16xi32>
    %min3A_2055 = arith.minui %min3A_2052, %min3A_2053 : vector<16xi32>
    %min3A_2056 = arith.minui %min3A_2054, %min3A_2055 : vector<16xi32>
    %bitcast3A_2057 = vector.bitcast %min3A_2056 : vector<16xi32> to vector<16xi32>
    %lt3A_2058 = arith.constant 1024 : i32
    %lt3A_2059 = vector.broadcast %lt3A_2058 : i32 to vector<16xi32>
    %lt3A_2060 = arith.cmpi slt, %bitcast3A_2057, %lt3A_2059 : vector<16xi32>
    %add3A_2061 = vector.broadcast %sub3A_118 : i32 to vector<16xi32>
    %add3A_2062 = arith.addi %bitcast3A_2057, %add3A_2061 : vector<16xi32>
    %select_n3A_2063 = arith.select %lt3A_2060, %bitcast3A_2057, %add3A_2062 : vector<16xi1>, vector<16xi32>
    %gather3A_2064 = tpu.vector_load_idx %arg8[%select_n3A_2063] : memref<2176xf32, #tpu.memory_space<vmem>>[vector<16xi32>], vector<16xf32>,
    %swap3A_2065 = arith.constant 496 : index
    %swap3A_2066 = tpu.vector_load %arg9[%swap3A_2065] {strides = array<i32>} : memref<1024xf32, #tpu.memory_space<vmem>>, vector<16xf32>,
    tpu.vector_store %arg9[%swap3A_2065], %gather3A_2064 {strides = array<i32>} : memref<1024xf32, #tpu.memory_space<vmem>>, vector<16xf32>,
    %add3A_2067 = arith.constant 512 : i32
    %add3A_2068 = arith.addi %mul3A_2, %add3A_2067 : i32
    %add3A_2069 = vector.broadcast %add3A_2068 : i32 to vector<16xi32>
    %add3A_2070 = arith.addi %iota3A, %add3A_2069 : vector<16xi32>
    %sub3A_2071 = arith.subi %add3A_2070, %broadcast_in_dim3A : vector<16xi32>
    %bitcast3A_2072 = vector.bitcast %sub3A_2071 : vector<16xi32> to vector<16xi32>
    %sub3A_2073 = arith.subi %add3A_2070, %broadcast_in_dim3A_24 : vector<16xi32>
    %bitcast3A_2074 = vector.bitcast %sub3A_2073 : vector<16xi32> to vector<16xi32>
    %sub3A_2075 = arith.subi %add3A_2070, %broadcast_in_dim3A_29 : vector<16xi32>
    %bitcast3A_2076 = vector.bitcast %sub3A_2075 : vector<16xi32> to vector<16xi32>
    %sub3A_2077 = arith.subi %add3A_2070, %broadcast_in_dim3A_34 : vector<16xi32>
    %bitcast3A_2078 = vector.bitcast %sub3A_2077 : vector<16xi32> to vector<16xi32>
    %sub3A_2079 = arith.subi %add3A_2070, %broadcast_in_dim3A_39 : vector<16xi32>
    %bitcast3A_2080 = vector.bitcast %sub3A_2079 : vector<16xi32> to vector<16xi32>
    %sub3A_2081 = arith.subi %add3A_2070, %broadcast_in_dim3A_44 : vector<16xi32>
    %bitcast3A_2082 = vector.bitcast %sub3A_2081 : vector<16xi32> to vector<16xi32>
    %sub3A_2083 = arith.subi %add3A_2070, %broadcast_in_dim3A_49 : vector<16xi32>
    %bitcast3A_2084 = vector.bitcast %sub3A_2083 : vector<16xi32> to vector<16xi32>
    %sub3A_2085 = arith.subi %add3A_2070, %broadcast_in_dim3A_54 : vector<16xi32>
    %bitcast3A_2086 = vector.bitcast %sub3A_2085 : vector<16xi32> to vector<16xi32>
    %sub3A_2087 = arith.subi %add3A_2070, %broadcast_in_dim3A_59 : vector<16xi32>
    %bitcast3A_2088 = vector.bitcast %sub3A_2087 : vector<16xi32> to vector<16xi32>
    %sub3A_2089 = arith.subi %add3A_2070, %broadcast_in_dim3A_64 : vector<16xi32>
    %bitcast3A_2090 = vector.bitcast %sub3A_2089 : vector<16xi32> to vector<16xi32>
    %sub3A_2091 = arith.subi %add3A_2070, %broadcast_in_dim3A_69 : vector<16xi32>
    %bitcast3A_2092 = vector.bitcast %sub3A_2091 : vector<16xi32> to vector<16xi32>
    %sub3A_2093 = arith.subi %add3A_2070, %broadcast_in_dim3A_74 : vector<16xi32>
    %bitcast3A_2094 = vector.bitcast %sub3A_2093 : vector<16xi32> to vector<16xi32>
    %sub3A_2095 = arith.subi %add3A_2070, %broadcast_in_dim3A_79 : vector<16xi32>
    %bitcast3A_2096 = vector.bitcast %sub3A_2095 : vector<16xi32> to vector<16xi32>
    %sub3A_2097 = arith.subi %add3A_2070, %broadcast_in_dim3A_84 : vector<16xi32>
    %bitcast3A_2098 = vector.bitcast %sub3A_2097 : vector<16xi32> to vector<16xi32>
    %sub3A_2099 = arith.subi %add3A_2070, %broadcast_in_dim3A_89 : vector<16xi32>
    %bitcast3A_2100 = vector.bitcast %sub3A_2099 : vector<16xi32> to vector<16xi32>
    %sub3A_2101 = arith.subi %add3A_2070, %broadcast_in_dim3A_94 : vector<16xi32>
    %bitcast3A_2102 = vector.bitcast %sub3A_2101 : vector<16xi32> to vector<16xi32>
    %min3A_2103 = arith.minui %bitcast3A_2072, %bitcast3A_2074 : vector<16xi32>
    %min3A_2104 = arith.minui %bitcast3A_2076, %bitcast3A_2078 : vector<16xi32>
    %min3A_2105 = arith.minui %bitcast3A_2080, %bitcast3A_2082 : vector<16xi32>
    %min3A_2106 = arith.minui %bitcast3A_2084, %bitcast3A_2086 : vector<16xi32>
    %min3A_2107 = arith.minui %bitcast3A_2088, %bitcast3A_2090 : vector<16xi32>
    %min3A_2108 = arith.minui %bitcast3A_2092, %bitcast3A_2094 : vector<16xi32>
    %min3A_2109 = arith.minui %bitcast3A_2096, %bitcast3A_2098 : vector<16xi32>
    %min3A_2110 = arith.minui %bitcast3A_2100, %bitcast3A_2102 : vector<16xi32>
    %min3A_2111 = arith.minui %min3A_2103, %min3A_2104 : vector<16xi32>
    %min3A_2112 = arith.minui %min3A_2105, %min3A_2106 : vector<16xi32>
    %min3A_2113 = arith.minui %min3A_2107, %min3A_2108 : vector<16xi32>
    %min3A_2114 = arith.minui %min3A_2109, %min3A_2110 : vector<16xi32>
    %min3A_2115 = arith.minui %min3A_2111, %min3A_2112 : vector<16xi32>
    %min3A_2116 = arith.minui %min3A_2113, %min3A_2114 : vector<16xi32>
    %min3A_2117 = arith.minui %min3A_2115, %min3A_2116 : vector<16xi32>
    %bitcast3A_2118 = vector.bitcast %min3A_2117 : vector<16xi32> to vector<16xi32>
    %lt3A_2119 = arith.constant 1024 : i32
    %lt3A_2120 = vector.broadcast %lt3A_2119 : i32 to vector<16xi32>
    %lt3A_2121 = arith.cmpi slt, %bitcast3A_2118, %lt3A_2120 : vector<16xi32>
    %add3A_2122 = vector.broadcast %sub3A_118 : i32 to vector<16xi32>
    %add3A_2123 = arith.addi %bitcast3A_2118, %add3A_2122 : vector<16xi32>
    %select_n3A_2124 = arith.select %lt3A_2121, %bitcast3A_2118, %add3A_2123 : vector<16xi1>, vector<16xi32>
    %gather3A_2125 = tpu.vector_load_idx %arg8[%select_n3A_2124] : memref<2176xf32, #tpu.memory_space<vmem>>[vector<16xi32>], vector<16xf32>,
    %swap3A_2126 = arith.constant 512 : index
    %swap3A_2127 = tpu.vector_load %arg9[%swap3A_2126] {strides = array<i32>} : memref<1024xf32, #tpu.memory_space<vmem>>, vector<16xf32>,
    tpu.vector_store %arg9[%swap3A_2126], %gather3A_2125 {strides = array<i32>} : memref<1024xf32, #tpu.memory_space<vmem>>, vector<16xf32>,
    %add3A_2128 = arith.constant 528 : i32
    %add3A_2129 = arith.addi %mul3A_2, %add3A_2128 : i32
    %add3A_2130 = vector.broadcast %add3A_2129 : i32 to vector<16xi32>
    %add3A_2131 = arith.addi %iota3A, %add3A_2130 : vector<16xi32>
    %sub3A_2132 = arith.subi %add3A_2131, %broadcast_in_dim3A : vector<16xi32>
    %bitcast3A_2133 = vector.bitcast %sub3A_2132 : vector<16xi32> to vector<16xi32>
    %sub3A_2134 = arith.subi %add3A_2131, %broadcast_in_dim3A_24 : vector<16xi32>
    %bitcast3A_2135 = vector.bitcast %sub3A_2134 : vector<16xi32> to vector<16xi32>
    %sub3A_2136 = arith.subi %add3A_2131, %broadcast_in_dim3A_29 : vector<16xi32>
    %bitcast3A_2137 = vector.bitcast %sub3A_2136 : vector<16xi32> to vector<16xi32>
    %sub3A_2138 = arith.subi %add3A_2131, %broadcast_in_dim3A_34 : vector<16xi32>
    %bitcast3A_2139 = vector.bitcast %sub3A_2138 : vector<16xi32> to vector<16xi32>
    %sub3A_2140 = arith.subi %add3A_2131, %broadcast_in_dim3A_39 : vector<16xi32>
    %bitcast3A_2141 = vector.bitcast %sub3A_2140 : vector<16xi32> to vector<16xi32>
    %sub3A_2142 = arith.subi %add3A_2131, %broadcast_in_dim3A_44 : vector<16xi32>
    %bitcast3A_2143 = vector.bitcast %sub3A_2142 : vector<16xi32> to vector<16xi32>
    %sub3A_2144 = arith.subi %add3A_2131, %broadcast_in_dim3A_49 : vector<16xi32>
    %bitcast3A_2145 = vector.bitcast %sub3A_2144 : vector<16xi32> to vector<16xi32>
    %sub3A_2146 = arith.subi %add3A_2131, %broadcast_in_dim3A_54 : vector<16xi32>
    %bitcast3A_2147 = vector.bitcast %sub3A_2146 : vector<16xi32> to vector<16xi32>
    %sub3A_2148 = arith.subi %add3A_2131, %broadcast_in_dim3A_59 : vector<16xi32>
    %bitcast3A_2149 = vector.bitcast %sub3A_2148 : vector<16xi32> to vector<16xi32>
    %sub3A_2150 = arith.subi %add3A_2131, %broadcast_in_dim3A_64 : vector<16xi32>
    %bitcast3A_2151 = vector.bitcast %sub3A_2150 : vector<16xi32> to vector<16xi32>
    %sub3A_2152 = arith.subi %add3A_2131, %broadcast_in_dim3A_69 : vector<16xi32>
    %bitcast3A_2153 = vector.bitcast %sub3A_2152 : vector<16xi32> to vector<16xi32>
    %sub3A_2154 = arith.subi %add3A_2131, %broadcast_in_dim3A_74 : vector<16xi32>
    %bitcast3A_2155 = vector.bitcast %sub3A_2154 : vector<16xi32> to vector<16xi32>
    %sub3A_2156 = arith.subi %add3A_2131, %broadcast_in_dim3A_79 : vector<16xi32>
    %bitcast3A_2157 = vector.bitcast %sub3A_2156 : vector<16xi32> to vector<16xi32>
    %sub3A_2158 = arith.subi %add3A_2131, %broadcast_in_dim3A_84 : vector<16xi32>
    %bitcast3A_2159 = vector.bitcast %sub3A_2158 : vector<16xi32> to vector<16xi32>
    %sub3A_2160 = arith.subi %add3A_2131, %broadcast_in_dim3A_89 : vector<16xi32>
    %bitcast3A_2161 = vector.bitcast %sub3A_2160 : vector<16xi32> to vector<16xi32>
    %sub3A_2162 = arith.subi %add3A_2131, %broadcast_in_dim3A_94 : vector<16xi32>
    %bitcast3A_2163 = vector.bitcast %sub3A_2162 : vector<16xi32> to vector<16xi32>
    %min3A_2164 = arith.minui %bitcast3A_2133, %bitcast3A_2135 : vector<16xi32>
    %min3A_2165 = arith.minui %bitcast3A_2137, %bitcast3A_2139 : vector<16xi32>
    %min3A_2166 = arith.minui %bitcast3A_2141, %bitcast3A_2143 : vector<16xi32>
    %min3A_2167 = arith.minui %bitcast3A_2145, %bitcast3A_2147 : vector<16xi32>
    %min3A_2168 = arith.minui %bitcast3A_2149, %bitcast3A_2151 : vector<16xi32>
    %min3A_2169 = arith.minui %bitcast3A_2153, %bitcast3A_2155 : vector<16xi32>
    %min3A_2170 = arith.minui %bitcast3A_2157, %bitcast3A_2159 : vector<16xi32>
    %min3A_2171 = arith.minui %bitcast3A_2161, %bitcast3A_2163 : vector<16xi32>
    %min3A_2172 = arith.minui %min3A_2164, %min3A_2165 : vector<16xi32>
    %min3A_2173 = arith.minui %min3A_2166, %min3A_2167 : vector<16xi32>
    %min3A_2174 = arith.minui %min3A_2168, %min3A_2169 : vector<16xi32>
    %min3A_2175 = arith.minui %min3A_2170, %min3A_2171 : vector<16xi32>
    %min3A_2176 = arith.minui %min3A_2172, %min3A_2173 : vector<16xi32>
    %min3A_2177 = arith.minui %min3A_2174, %min3A_2175 : vector<16xi32>
    %min3A_2178 = arith.minui %min3A_2176, %min3A_2177 : vector<16xi32>
    %bitcast3A_2179 = vector.bitcast %min3A_2178 : vector<16xi32> to vector<16xi32>
    %lt3A_2180 = arith.constant 1024 : i32
    %lt3A_2181 = vector.broadcast %lt3A_2180 : i32 to vector<16xi32>
    %lt3A_2182 = arith.cmpi slt, %bitcast3A_2179, %lt3A_2181 : vector<16xi32>
    %add3A_2183 = vector.broadcast %sub3A_118 : i32 to vector<16xi32>
    %add3A_2184 = arith.addi %bitcast3A_2179, %add3A_2183 : vector<16xi32>
    %select_n3A_2185 = arith.select %lt3A_2182, %bitcast3A_2179, %add3A_2184 : vector<16xi1>, vector<16xi32>
    %gather3A_2186 = tpu.vector_load_idx %arg8[%select_n3A_2185] : memref<2176xf32, #tpu.memory_space<vmem>>[vector<16xi32>], vector<16xf32>,
    %swap3A_2187 = arith.constant 528 : index
    %swap3A_2188 = tpu.vector_load %arg9[%swap3A_2187] {strides = array<i32>} : memref<1024xf32, #tpu.memory_space<vmem>>, vector<16xf32>,
    tpu.vector_store %arg9[%swap3A_2187], %gather3A_2186 {strides = array<i32>} : memref<1024xf32, #tpu.memory_space<vmem>>, vector<16xf32>,
    %add3A_2189 = arith.constant 544 : i32
    %add3A_2190 = arith.addi %mul3A_2, %add3A_2189 : i32
    %add3A_2191 = vector.broadcast %add3A_2190 : i32 to vector<16xi32>
    %add3A_2192 = arith.addi %iota3A, %add3A_2191 : vector<16xi32>
    %sub3A_2193 = arith.subi %add3A_2192, %broadcast_in_dim3A : vector<16xi32>
    %bitcast3A_2194 = vector.bitcast %sub3A_2193 : vector<16xi32> to vector<16xi32>
    %sub3A_2195 = arith.subi %add3A_2192, %broadcast_in_dim3A_24 : vector<16xi32>
    %bitcast3A_2196 = vector.bitcast %sub3A_2195 : vector<16xi32> to vector<16xi32>
    %sub3A_2197 = arith.subi %add3A_2192, %broadcast_in_dim3A_29 : vector<16xi32>
    %bitcast3A_2198 = vector.bitcast %sub3A_2197 : vector<16xi32> to vector<16xi32>
    %sub3A_2199 = arith.subi %add3A_2192, %broadcast_in_dim3A_34 : vector<16xi32>
    %bitcast3A_2200 = vector.bitcast %sub3A_2199 : vector<16xi32> to vector<16xi32>
    %sub3A_2201 = arith.subi %add3A_2192, %broadcast_in_dim3A_39 : vector<16xi32>
    %bitcast3A_2202 = vector.bitcast %sub3A_2201 : vector<16xi32> to vector<16xi32>
    %sub3A_2203 = arith.subi %add3A_2192, %broadcast_in_dim3A_44 : vector<16xi32>
    %bitcast3A_2204 = vector.bitcast %sub3A_2203 : vector<16xi32> to vector<16xi32>
    %sub3A_2205 = arith.subi %add3A_2192, %broadcast_in_dim3A_49 : vector<16xi32>
    %bitcast3A_2206 = vector.bitcast %sub3A_2205 : vector<16xi32> to vector<16xi32>
    %sub3A_2207 = arith.subi %add3A_2192, %broadcast_in_dim3A_54 : vector<16xi32>
    %bitcast3A_2208 = vector.bitcast %sub3A_2207 : vector<16xi32> to vector<16xi32>
    %sub3A_2209 = arith.subi %add3A_2192, %broadcast_in_dim3A_59 : vector<16xi32>
    %bitcast3A_2210 = vector.bitcast %sub3A_2209 : vector<16xi32> to vector<16xi32>
    %sub3A_2211 = arith.subi %add3A_2192, %broadcast_in_dim3A_64 : vector<16xi32>
    %bitcast3A_2212 = vector.bitcast %sub3A_2211 : vector<16xi32> to vector<16xi32>
    %sub3A_2213 = arith.subi %add3A_2192, %broadcast_in_dim3A_69 : vector<16xi32>
    %bitcast3A_2214 = vector.bitcast %sub3A_2213 : vector<16xi32> to vector<16xi32>
    %sub3A_2215 = arith.subi %add3A_2192, %broadcast_in_dim3A_74 : vector<16xi32>
    %bitcast3A_2216 = vector.bitcast %sub3A_2215 : vector<16xi32> to vector<16xi32>
    %sub3A_2217 = arith.subi %add3A_2192, %broadcast_in_dim3A_79 : vector<16xi32>
    %bitcast3A_2218 = vector.bitcast %sub3A_2217 : vector<16xi32> to vector<16xi32>
    %sub3A_2219 = arith.subi %add3A_2192, %broadcast_in_dim3A_84 : vector<16xi32>
    %bitcast3A_2220 = vector.bitcast %sub3A_2219 : vector<16xi32> to vector<16xi32>
    %sub3A_2221 = arith.subi %add3A_2192, %broadcast_in_dim3A_89 : vector<16xi32>
    %bitcast3A_2222 = vector.bitcast %sub3A_2221 : vector<16xi32> to vector<16xi32>
    %sub3A_2223 = arith.subi %add3A_2192, %broadcast_in_dim3A_94 : vector<16xi32>
    %bitcast3A_2224 = vector.bitcast %sub3A_2223 : vector<16xi32> to vector<16xi32>
    %min3A_2225 = arith.minui %bitcast3A_2194, %bitcast3A_2196 : vector<16xi32>
    %min3A_2226 = arith.minui %bitcast3A_2198, %bitcast3A_2200 : vector<16xi32>
    %min3A_2227 = arith.minui %bitcast3A_2202, %bitcast3A_2204 : vector<16xi32>
    %min3A_2228 = arith.minui %bitcast3A_2206, %bitcast3A_2208 : vector<16xi32>
    %min3A_2229 = arith.minui %bitcast3A_2210, %bitcast3A_2212 : vector<16xi32>
    %min3A_2230 = arith.minui %bitcast3A_2214, %bitcast3A_2216 : vector<16xi32>
    %min3A_2231 = arith.minui %bitcast3A_2218, %bitcast3A_2220 : vector<16xi32>
    %min3A_2232 = arith.minui %bitcast3A_2222, %bitcast3A_2224 : vector<16xi32>
    %min3A_2233 = arith.minui %min3A_2225, %min3A_2226 : vector<16xi32>
    %min3A_2234 = arith.minui %min3A_2227, %min3A_2228 : vector<16xi32>
    %min3A_2235 = arith.minui %min3A_2229, %min3A_2230 : vector<16xi32>
    %min3A_2236 = arith.minui %min3A_2231, %min3A_2232 : vector<16xi32>
    %min3A_2237 = arith.minui %min3A_2233, %min3A_2234 : vector<16xi32>
    %min3A_2238 = arith.minui %min3A_2235, %min3A_2236 : vector<16xi32>
    %min3A_2239 = arith.minui %min3A_2237, %min3A_2238 : vector<16xi32>
    %bitcast3A_2240 = vector.bitcast %min3A_2239 : vector<16xi32> to vector<16xi32>
    %lt3A_2241 = arith.constant 1024 : i32
    %lt3A_2242 = vector.broadcast %lt3A_2241 : i32 to vector<16xi32>
    %lt3A_2243 = arith.cmpi slt, %bitcast3A_2240, %lt3A_2242 : vector<16xi32>
    %add3A_2244 = vector.broadcast %sub3A_118 : i32 to vector<16xi32>
    %add3A_2245 = arith.addi %bitcast3A_2240, %add3A_2244 : vector<16xi32>
    %select_n3A_2246 = arith.select %lt3A_2243, %bitcast3A_2240, %add3A_2245 : vector<16xi1>, vector<16xi32>
    %gather3A_2247 = tpu.vector_load_idx %arg8[%select_n3A_2246] : memref<2176xf32, #tpu.memory_space<vmem>>[vector<16xi32>], vector<16xf32>,
    %swap3A_2248 = arith.constant 544 : index
    %swap3A_2249 = tpu.vector_load %arg9[%swap3A_2248] {strides = array<i32>} : memref<1024xf32, #tpu.memory_space<vmem>>, vector<16xf32>,
    tpu.vector_store %arg9[%swap3A_2248], %gather3A_2247 {strides = array<i32>} : memref<1024xf32, #tpu.memory_space<vmem>>, vector<16xf32>,
    %add3A_2250 = arith.constant 560 : i32
    %add3A_2251 = arith.addi %mul3A_2, %add3A_2250 : i32
    %add3A_2252 = vector.broadcast %add3A_2251 : i32 to vector<16xi32>
    %add3A_2253 = arith.addi %iota3A, %add3A_2252 : vector<16xi32>
    %sub3A_2254 = arith.subi %add3A_2253, %broadcast_in_dim3A : vector<16xi32>
    %bitcast3A_2255 = vector.bitcast %sub3A_2254 : vector<16xi32> to vector<16xi32>
    %sub3A_2256 = arith.subi %add3A_2253, %broadcast_in_dim3A_24 : vector<16xi32>
    %bitcast3A_2257 = vector.bitcast %sub3A_2256 : vector<16xi32> to vector<16xi32>
    %sub3A_2258 = arith.subi %add3A_2253, %broadcast_in_dim3A_29 : vector<16xi32>
    %bitcast3A_2259 = vector.bitcast %sub3A_2258 : vector<16xi32> to vector<16xi32>
    %sub3A_2260 = arith.subi %add3A_2253, %broadcast_in_dim3A_34 : vector<16xi32>
    %bitcast3A_2261 = vector.bitcast %sub3A_2260 : vector<16xi32> to vector<16xi32>
    %sub3A_2262 = arith.subi %add3A_2253, %broadcast_in_dim3A_39 : vector<16xi32>
    %bitcast3A_2263 = vector.bitcast %sub3A_2262 : vector<16xi32> to vector<16xi32>
    %sub3A_2264 = arith.subi %add3A_2253, %broadcast_in_dim3A_44 : vector<16xi32>
    %bitcast3A_2265 = vector.bitcast %sub3A_2264 : vector<16xi32> to vector<16xi32>
    %sub3A_2266 = arith.subi %add3A_2253, %broadcast_in_dim3A_49 : vector<16xi32>
    %bitcast3A_2267 = vector.bitcast %sub3A_2266 : vector<16xi32> to vector<16xi32>
    %sub3A_2268 = arith.subi %add3A_2253, %broadcast_in_dim3A_54 : vector<16xi32>
    %bitcast3A_2269 = vector.bitcast %sub3A_2268 : vector<16xi32> to vector<16xi32>
    %sub3A_2270 = arith.subi %add3A_2253, %broadcast_in_dim3A_59 : vector<16xi32>
    %bitcast3A_2271 = vector.bitcast %sub3A_2270 : vector<16xi32> to vector<16xi32>
    %sub3A_2272 = arith.subi %add3A_2253, %broadcast_in_dim3A_64 : vector<16xi32>
    %bitcast3A_2273 = vector.bitcast %sub3A_2272 : vector<16xi32> to vector<16xi32>
    %sub3A_2274 = arith.subi %add3A_2253, %broadcast_in_dim3A_69 : vector<16xi32>
    %bitcast3A_2275 = vector.bitcast %sub3A_2274 : vector<16xi32> to vector<16xi32>
    %sub3A_2276 = arith.subi %add3A_2253, %broadcast_in_dim3A_74 : vector<16xi32>
    %bitcast3A_2277 = vector.bitcast %sub3A_2276 : vector<16xi32> to vector<16xi32>
    %sub3A_2278 = arith.subi %add3A_2253, %broadcast_in_dim3A_79 : vector<16xi32>
    %bitcast3A_2279 = vector.bitcast %sub3A_2278 : vector<16xi32> to vector<16xi32>
    %sub3A_2280 = arith.subi %add3A_2253, %broadcast_in_dim3A_84 : vector<16xi32>
    %bitcast3A_2281 = vector.bitcast %sub3A_2280 : vector<16xi32> to vector<16xi32>
    %sub3A_2282 = arith.subi %add3A_2253, %broadcast_in_dim3A_89 : vector<16xi32>
    %bitcast3A_2283 = vector.bitcast %sub3A_2282 : vector<16xi32> to vector<16xi32>
    %sub3A_2284 = arith.subi %add3A_2253, %broadcast_in_dim3A_94 : vector<16xi32>
    %bitcast3A_2285 = vector.bitcast %sub3A_2284 : vector<16xi32> to vector<16xi32>
    %min3A_2286 = arith.minui %bitcast3A_2255, %bitcast3A_2257 : vector<16xi32>
    %min3A_2287 = arith.minui %bitcast3A_2259, %bitcast3A_2261 : vector<16xi32>
    %min3A_2288 = arith.minui %bitcast3A_2263, %bitcast3A_2265 : vector<16xi32>
    %min3A_2289 = arith.minui %bitcast3A_2267, %bitcast3A_2269 : vector<16xi32>
    %min3A_2290 = arith.minui %bitcast3A_2271, %bitcast3A_2273 : vector<16xi32>
    %min3A_2291 = arith.minui %bitcast3A_2275, %bitcast3A_2277 : vector<16xi32>
    %min3A_2292 = arith.minui %bitcast3A_2279, %bitcast3A_2281 : vector<16xi32>
    %min3A_2293 = arith.minui %bitcast3A_2283, %bitcast3A_2285 : vector<16xi32>
    %min3A_2294 = arith.minui %min3A_2286, %min3A_2287 : vector<16xi32>
    %min3A_2295 = arith.minui %min3A_2288, %min3A_2289 : vector<16xi32>
    %min3A_2296 = arith.minui %min3A_2290, %min3A_2291 : vector<16xi32>
    %min3A_2297 = arith.minui %min3A_2292, %min3A_2293 : vector<16xi32>
    %min3A_2298 = arith.minui %min3A_2294, %min3A_2295 : vector<16xi32>
    %min3A_2299 = arith.minui %min3A_2296, %min3A_2297 : vector<16xi32>
    %min3A_2300 = arith.minui %min3A_2298, %min3A_2299 : vector<16xi32>
    %bitcast3A_2301 = vector.bitcast %min3A_2300 : vector<16xi32> to vector<16xi32>
    %lt3A_2302 = arith.constant 1024 : i32
    %lt3A_2303 = vector.broadcast %lt3A_2302 : i32 to vector<16xi32>
    %lt3A_2304 = arith.cmpi slt, %bitcast3A_2301, %lt3A_2303 : vector<16xi32>
    %add3A_2305 = vector.broadcast %sub3A_118 : i32 to vector<16xi32>
    %add3A_2306 = arith.addi %bitcast3A_2301, %add3A_2305 : vector<16xi32>
    %select_n3A_2307 = arith.select %lt3A_2304, %bitcast3A_2301, %add3A_2306 : vector<16xi1>, vector<16xi32>
    %gather3A_2308 = tpu.vector_load_idx %arg8[%select_n3A_2307] : memref<2176xf32, #tpu.memory_space<vmem>>[vector<16xi32>], vector<16xf32>,
    %swap3A_2309 = arith.constant 560 : index
    %swap3A_2310 = tpu.vector_load %arg9[%swap3A_2309] {strides = array<i32>} : memref<1024xf32, #tpu.memory_space<vmem>>, vector<16xf32>,
    tpu.vector_store %arg9[%swap3A_2309], %gather3A_2308 {strides = array<i32>} : memref<1024xf32, #tpu.memory_space<vmem>>, vector<16xf32>,
    %add3A_2311 = arith.constant 576 : i32
    %add3A_2312 = arith.addi %mul3A_2, %add3A_2311 : i32
    %add3A_2313 = vector.broadcast %add3A_2312 : i32 to vector<16xi32>
    %add3A_2314 = arith.addi %iota3A, %add3A_2313 : vector<16xi32>
    %sub3A_2315 = arith.subi %add3A_2314, %broadcast_in_dim3A : vector<16xi32>
    %bitcast3A_2316 = vector.bitcast %sub3A_2315 : vector<16xi32> to vector<16xi32>
    %sub3A_2317 = arith.subi %add3A_2314, %broadcast_in_dim3A_24 : vector<16xi32>
    %bitcast3A_2318 = vector.bitcast %sub3A_2317 : vector<16xi32> to vector<16xi32>
    %sub3A_2319 = arith.subi %add3A_2314, %broadcast_in_dim3A_29 : vector<16xi32>
    %bitcast3A_2320 = vector.bitcast %sub3A_2319 : vector<16xi32> to vector<16xi32>
    %sub3A_2321 = arith.subi %add3A_2314, %broadcast_in_dim3A_34 : vector<16xi32>
    %bitcast3A_2322 = vector.bitcast %sub3A_2321 : vector<16xi32> to vector<16xi32>
    %sub3A_2323 = arith.subi %add3A_2314, %broadcast_in_dim3A_39 : vector<16xi32>
    %bitcast3A_2324 = vector.bitcast %sub3A_2323 : vector<16xi32> to vector<16xi32>
    %sub3A_2325 = arith.subi %add3A_2314, %broadcast_in_dim3A_44 : vector<16xi32>
    %bitcast3A_2326 = vector.bitcast %sub3A_2325 : vector<16xi32> to vector<16xi32>
    %sub3A_2327 = arith.subi %add3A_2314, %broadcast_in_dim3A_49 : vector<16xi32>
    %bitcast3A_2328 = vector.bitcast %sub3A_2327 : vector<16xi32> to vector<16xi32>
    %sub3A_2329 = arith.subi %add3A_2314, %broadcast_in_dim3A_54 : vector<16xi32>
    %bitcast3A_2330 = vector.bitcast %sub3A_2329 : vector<16xi32> to vector<16xi32>
    %sub3A_2331 = arith.subi %add3A_2314, %broadcast_in_dim3A_59 : vector<16xi32>
    %bitcast3A_2332 = vector.bitcast %sub3A_2331 : vector<16xi32> to vector<16xi32>
    %sub3A_2333 = arith.subi %add3A_2314, %broadcast_in_dim3A_64 : vector<16xi32>
    %bitcast3A_2334 = vector.bitcast %sub3A_2333 : vector<16xi32> to vector<16xi32>
    %sub3A_2335 = arith.subi %add3A_2314, %broadcast_in_dim3A_69 : vector<16xi32>
    %bitcast3A_2336 = vector.bitcast %sub3A_2335 : vector<16xi32> to vector<16xi32>
    %sub3A_2337 = arith.subi %add3A_2314, %broadcast_in_dim3A_74 : vector<16xi32>
    %bitcast3A_2338 = vector.bitcast %sub3A_2337 : vector<16xi32> to vector<16xi32>
    %sub3A_2339 = arith.subi %add3A_2314, %broadcast_in_dim3A_79 : vector<16xi32>
    %bitcast3A_2340 = vector.bitcast %sub3A_2339 : vector<16xi32> to vector<16xi32>
    %sub3A_2341 = arith.subi %add3A_2314, %broadcast_in_dim3A_84 : vector<16xi32>
    %bitcast3A_2342 = vector.bitcast %sub3A_2341 : vector<16xi32> to vector<16xi32>
    %sub3A_2343 = arith.subi %add3A_2314, %broadcast_in_dim3A_89 : vector<16xi32>
    %bitcast3A_2344 = vector.bitcast %sub3A_2343 : vector<16xi32> to vector<16xi32>
    %sub3A_2345 = arith.subi %add3A_2314, %broadcast_in_dim3A_94 : vector<16xi32>
    %bitcast3A_2346 = vector.bitcast %sub3A_2345 : vector<16xi32> to vector<16xi32>
    %min3A_2347 = arith.minui %bitcast3A_2316, %bitcast3A_2318 : vector<16xi32>
    %min3A_2348 = arith.minui %bitcast3A_2320, %bitcast3A_2322 : vector<16xi32>
    %min3A_2349 = arith.minui %bitcast3A_2324, %bitcast3A_2326 : vector<16xi32>
    %min3A_2350 = arith.minui %bitcast3A_2328, %bitcast3A_2330 : vector<16xi32>
    %min3A_2351 = arith.minui %bitcast3A_2332, %bitcast3A_2334 : vector<16xi32>
    %min3A_2352 = arith.minui %bitcast3A_2336, %bitcast3A_2338 : vector<16xi32>
    %min3A_2353 = arith.minui %bitcast3A_2340, %bitcast3A_2342 : vector<16xi32>
    %min3A_2354 = arith.minui %bitcast3A_2344, %bitcast3A_2346 : vector<16xi32>
    %min3A_2355 = arith.minui %min3A_2347, %min3A_2348 : vector<16xi32>
    %min3A_2356 = arith.minui %min3A_2349, %min3A_2350 : vector<16xi32>
    %min3A_2357 = arith.minui %min3A_2351, %min3A_2352 : vector<16xi32>
    %min3A_2358 = arith.minui %min3A_2353, %min3A_2354 : vector<16xi32>
    %min3A_2359 = arith.minui %min3A_2355, %min3A_2356 : vector<16xi32>
    %min3A_2360 = arith.minui %min3A_2357, %min3A_2358 : vector<16xi32>
    %min3A_2361 = arith.minui %min3A_2359, %min3A_2360 : vector<16xi32>
    %bitcast3A_2362 = vector.bitcast %min3A_2361 : vector<16xi32> to vector<16xi32>
    %lt3A_2363 = arith.constant 1024 : i32
    %lt3A_2364 = vector.broadcast %lt3A_2363 : i32 to vector<16xi32>
    %lt3A_2365 = arith.cmpi slt, %bitcast3A_2362, %lt3A_2364 : vector<16xi32>
    %add3A_2366 = vector.broadcast %sub3A_118 : i32 to vector<16xi32>
    %add3A_2367 = arith.addi %bitcast3A_2362, %add3A_2366 : vector<16xi32>
    %select_n3A_2368 = arith.select %lt3A_2365, %bitcast3A_2362, %add3A_2367 : vector<16xi1>, vector<16xi32>
    %gather3A_2369 = tpu.vector_load_idx %arg8[%select_n3A_2368] : memref<2176xf32, #tpu.memory_space<vmem>>[vector<16xi32>], vector<16xf32>,
    %swap3A_2370 = arith.constant 576 : index
    %swap3A_2371 = tpu.vector_load %arg9[%swap3A_2370] {strides = array<i32>} : memref<1024xf32, #tpu.memory_space<vmem>>, vector<16xf32>,
    tpu.vector_store %arg9[%swap3A_2370], %gather3A_2369 {strides = array<i32>} : memref<1024xf32, #tpu.memory_space<vmem>>, vector<16xf32>,
    %add3A_2372 = arith.constant 592 : i32
    %add3A_2373 = arith.addi %mul3A_2, %add3A_2372 : i32
    %add3A_2374 = vector.broadcast %add3A_2373 : i32 to vector<16xi32>
    %add3A_2375 = arith.addi %iota3A, %add3A_2374 : vector<16xi32>
    %sub3A_2376 = arith.subi %add3A_2375, %broadcast_in_dim3A : vector<16xi32>
    %bitcast3A_2377 = vector.bitcast %sub3A_2376 : vector<16xi32> to vector<16xi32>
    %sub3A_2378 = arith.subi %add3A_2375, %broadcast_in_dim3A_24 : vector<16xi32>
    %bitcast3A_2379 = vector.bitcast %sub3A_2378 : vector<16xi32> to vector<16xi32>
    %sub3A_2380 = arith.subi %add3A_2375, %broadcast_in_dim3A_29 : vector<16xi32>
    %bitcast3A_2381 = vector.bitcast %sub3A_2380 : vector<16xi32> to vector<16xi32>
    %sub3A_2382 = arith.subi %add3A_2375, %broadcast_in_dim3A_34 : vector<16xi32>
    %bitcast3A_2383 = vector.bitcast %sub3A_2382 : vector<16xi32> to vector<16xi32>
    %sub3A_2384 = arith.subi %add3A_2375, %broadcast_in_dim3A_39 : vector<16xi32>
    %bitcast3A_2385 = vector.bitcast %sub3A_2384 : vector<16xi32> to vector<16xi32>
    %sub3A_2386 = arith.subi %add3A_2375, %broadcast_in_dim3A_44 : vector<16xi32>
    %bitcast3A_2387 = vector.bitcast %sub3A_2386 : vector<16xi32> to vector<16xi32>
    %sub3A_2388 = arith.subi %add3A_2375, %broadcast_in_dim3A_49 : vector<16xi32>
    %bitcast3A_2389 = vector.bitcast %sub3A_2388 : vector<16xi32> to vector<16xi32>
    %sub3A_2390 = arith.subi %add3A_2375, %broadcast_in_dim3A_54 : vector<16xi32>
    %bitcast3A_2391 = vector.bitcast %sub3A_2390 : vector<16xi32> to vector<16xi32>
    %sub3A_2392 = arith.subi %add3A_2375, %broadcast_in_dim3A_59 : vector<16xi32>
    %bitcast3A_2393 = vector.bitcast %sub3A_2392 : vector<16xi32> to vector<16xi32>
    %sub3A_2394 = arith.subi %add3A_2375, %broadcast_in_dim3A_64 : vector<16xi32>
    %bitcast3A_2395 = vector.bitcast %sub3A_2394 : vector<16xi32> to vector<16xi32>
    %sub3A_2396 = arith.subi %add3A_2375, %broadcast_in_dim3A_69 : vector<16xi32>
    %bitcast3A_2397 = vector.bitcast %sub3A_2396 : vector<16xi32> to vector<16xi32>
    %sub3A_2398 = arith.subi %add3A_2375, %broadcast_in_dim3A_74 : vector<16xi32>
    %bitcast3A_2399 = vector.bitcast %sub3A_2398 : vector<16xi32> to vector<16xi32>
    %sub3A_2400 = arith.subi %add3A_2375, %broadcast_in_dim3A_79 : vector<16xi32>
    %bitcast3A_2401 = vector.bitcast %sub3A_2400 : vector<16xi32> to vector<16xi32>
    %sub3A_2402 = arith.subi %add3A_2375, %broadcast_in_dim3A_84 : vector<16xi32>
    %bitcast3A_2403 = vector.bitcast %sub3A_2402 : vector<16xi32> to vector<16xi32>
    %sub3A_2404 = arith.subi %add3A_2375, %broadcast_in_dim3A_89 : vector<16xi32>
    %bitcast3A_2405 = vector.bitcast %sub3A_2404 : vector<16xi32> to vector<16xi32>
    %sub3A_2406 = arith.subi %add3A_2375, %broadcast_in_dim3A_94 : vector<16xi32>
    %bitcast3A_2407 = vector.bitcast %sub3A_2406 : vector<16xi32> to vector<16xi32>
    %min3A_2408 = arith.minui %bitcast3A_2377, %bitcast3A_2379 : vector<16xi32>
    %min3A_2409 = arith.minui %bitcast3A_2381, %bitcast3A_2383 : vector<16xi32>
    %min3A_2410 = arith.minui %bitcast3A_2385, %bitcast3A_2387 : vector<16xi32>
    %min3A_2411 = arith.minui %bitcast3A_2389, %bitcast3A_2391 : vector<16xi32>
    %min3A_2412 = arith.minui %bitcast3A_2393, %bitcast3A_2395 : vector<16xi32>
    %min3A_2413 = arith.minui %bitcast3A_2397, %bitcast3A_2399 : vector<16xi32>
    %min3A_2414 = arith.minui %bitcast3A_2401, %bitcast3A_2403 : vector<16xi32>
    %min3A_2415 = arith.minui %bitcast3A_2405, %bitcast3A_2407 : vector<16xi32>
    %min3A_2416 = arith.minui %min3A_2408, %min3A_2409 : vector<16xi32>
    %min3A_2417 = arith.minui %min3A_2410, %min3A_2411 : vector<16xi32>
    %min3A_2418 = arith.minui %min3A_2412, %min3A_2413 : vector<16xi32>
    %min3A_2419 = arith.minui %min3A_2414, %min3A_2415 : vector<16xi32>
    %min3A_2420 = arith.minui %min3A_2416, %min3A_2417 : vector<16xi32>
    %min3A_2421 = arith.minui %min3A_2418, %min3A_2419 : vector<16xi32>
    %min3A_2422 = arith.minui %min3A_2420, %min3A_2421 : vector<16xi32>
    %bitcast3A_2423 = vector.bitcast %min3A_2422 : vector<16xi32> to vector<16xi32>
    %lt3A_2424 = arith.constant 1024 : i32
    %lt3A_2425 = vector.broadcast %lt3A_2424 : i32 to vector<16xi32>
    %lt3A_2426 = arith.cmpi slt, %bitcast3A_2423, %lt3A_2425 : vector<16xi32>
    %add3A_2427 = vector.broadcast %sub3A_118 : i32 to vector<16xi32>
    %add3A_2428 = arith.addi %bitcast3A_2423, %add3A_2427 : vector<16xi32>
    %select_n3A_2429 = arith.select %lt3A_2426, %bitcast3A_2423, %add3A_2428 : vector<16xi1>, vector<16xi32>
    %gather3A_2430 = tpu.vector_load_idx %arg8[%select_n3A_2429] : memref<2176xf32, #tpu.memory_space<vmem>>[vector<16xi32>], vector<16xf32>,
    %swap3A_2431 = arith.constant 592 : index
    %swap3A_2432 = tpu.vector_load %arg9[%swap3A_2431] {strides = array<i32>} : memref<1024xf32, #tpu.memory_space<vmem>>, vector<16xf32>,
    tpu.vector_store %arg9[%swap3A_2431], %gather3A_2430 {strides = array<i32>} : memref<1024xf32, #tpu.memory_space<vmem>>, vector<16xf32>,
    %add3A_2433 = arith.constant 608 : i32
    %add3A_2434 = arith.addi %mul3A_2, %add3A_2433 : i32
    %add3A_2435 = vector.broadcast %add3A_2434 : i32 to vector<16xi32>
    %add3A_2436 = arith.addi %iota3A, %add3A_2435 : vector<16xi32>
    %sub3A_2437 = arith.subi %add3A_2436, %broadcast_in_dim3A : vector<16xi32>
    %bitcast3A_2438 = vector.bitcast %sub3A_2437 : vector<16xi32> to vector<16xi32>
    %sub3A_2439 = arith.subi %add3A_2436, %broadcast_in_dim3A_24 : vector<16xi32>
    %bitcast3A_2440 = vector.bitcast %sub3A_2439 : vector<16xi32> to vector<16xi32>
    %sub3A_2441 = arith.subi %add3A_2436, %broadcast_in_dim3A_29 : vector<16xi32>
    %bitcast3A_2442 = vector.bitcast %sub3A_2441 : vector<16xi32> to vector<16xi32>
    %sub3A_2443 = arith.subi %add3A_2436, %broadcast_in_dim3A_34 : vector<16xi32>
    %bitcast3A_2444 = vector.bitcast %sub3A_2443 : vector<16xi32> to vector<16xi32>
    %sub3A_2445 = arith.subi %add3A_2436, %broadcast_in_dim3A_39 : vector<16xi32>
    %bitcast3A_2446 = vector.bitcast %sub3A_2445 : vector<16xi32> to vector<16xi32>
    %sub3A_2447 = arith.subi %add3A_2436, %broadcast_in_dim3A_44 : vector<16xi32>
    %bitcast3A_2448 = vector.bitcast %sub3A_2447 : vector<16xi32> to vector<16xi32>
    %sub3A_2449 = arith.subi %add3A_2436, %broadcast_in_dim3A_49 : vector<16xi32>
    %bitcast3A_2450 = vector.bitcast %sub3A_2449 : vector<16xi32> to vector<16xi32>
    %sub3A_2451 = arith.subi %add3A_2436, %broadcast_in_dim3A_54 : vector<16xi32>
    %bitcast3A_2452 = vector.bitcast %sub3A_2451 : vector<16xi32> to vector<16xi32>
    %sub3A_2453 = arith.subi %add3A_2436, %broadcast_in_dim3A_59 : vector<16xi32>
    %bitcast3A_2454 = vector.bitcast %sub3A_2453 : vector<16xi32> to vector<16xi32>
    %sub3A_2455 = arith.subi %add3A_2436, %broadcast_in_dim3A_64 : vector<16xi32>
    %bitcast3A_2456 = vector.bitcast %sub3A_2455 : vector<16xi32> to vector<16xi32>
    %sub3A_2457 = arith.subi %add3A_2436, %broadcast_in_dim3A_69 : vector<16xi32>
    %bitcast3A_2458 = vector.bitcast %sub3A_2457 : vector<16xi32> to vector<16xi32>
    %sub3A_2459 = arith.subi %add3A_2436, %broadcast_in_dim3A_74 : vector<16xi32>
    %bitcast3A_2460 = vector.bitcast %sub3A_2459 : vector<16xi32> to vector<16xi32>
    %sub3A_2461 = arith.subi %add3A_2436, %broadcast_in_dim3A_79 : vector<16xi32>
    %bitcast3A_2462 = vector.bitcast %sub3A_2461 : vector<16xi32> to vector<16xi32>
    %sub3A_2463 = arith.subi %add3A_2436, %broadcast_in_dim3A_84 : vector<16xi32>
    %bitcast3A_2464 = vector.bitcast %sub3A_2463 : vector<16xi32> to vector<16xi32>
    %sub3A_2465 = arith.subi %add3A_2436, %broadcast_in_dim3A_89 : vector<16xi32>
    %bitcast3A_2466 = vector.bitcast %sub3A_2465 : vector<16xi32> to vector<16xi32>
    %sub3A_2467 = arith.subi %add3A_2436, %broadcast_in_dim3A_94 : vector<16xi32>
    %bitcast3A_2468 = vector.bitcast %sub3A_2467 : vector<16xi32> to vector<16xi32>
    %min3A_2469 = arith.minui %bitcast3A_2438, %bitcast3A_2440 : vector<16xi32>
    %min3A_2470 = arith.minui %bitcast3A_2442, %bitcast3A_2444 : vector<16xi32>
    %min3A_2471 = arith.minui %bitcast3A_2446, %bitcast3A_2448 : vector<16xi32>
    %min3A_2472 = arith.minui %bitcast3A_2450, %bitcast3A_2452 : vector<16xi32>
    %min3A_2473 = arith.minui %bitcast3A_2454, %bitcast3A_2456 : vector<16xi32>
    %min3A_2474 = arith.minui %bitcast3A_2458, %bitcast3A_2460 : vector<16xi32>
    %min3A_2475 = arith.minui %bitcast3A_2462, %bitcast3A_2464 : vector<16xi32>
    %min3A_2476 = arith.minui %bitcast3A_2466, %bitcast3A_2468 : vector<16xi32>
    %min3A_2477 = arith.minui %min3A_2469, %min3A_2470 : vector<16xi32>
    %min3A_2478 = arith.minui %min3A_2471, %min3A_2472 : vector<16xi32>
    %min3A_2479 = arith.minui %min3A_2473, %min3A_2474 : vector<16xi32>
    %min3A_2480 = arith.minui %min3A_2475, %min3A_2476 : vector<16xi32>
    %min3A_2481 = arith.minui %min3A_2477, %min3A_2478 : vector<16xi32>
    %min3A_2482 = arith.minui %min3A_2479, %min3A_2480 : vector<16xi32>
    %min3A_2483 = arith.minui %min3A_2481, %min3A_2482 : vector<16xi32>
    %bitcast3A_2484 = vector.bitcast %min3A_2483 : vector<16xi32> to vector<16xi32>
    %lt3A_2485 = arith.constant 1024 : i32
    %lt3A_2486 = vector.broadcast %lt3A_2485 : i32 to vector<16xi32>
    %lt3A_2487 = arith.cmpi slt, %bitcast3A_2484, %lt3A_2486 : vector<16xi32>
    %add3A_2488 = vector.broadcast %sub3A_118 : i32 to vector<16xi32>
    %add3A_2489 = arith.addi %bitcast3A_2484, %add3A_2488 : vector<16xi32>
    %select_n3A_2490 = arith.select %lt3A_2487, %bitcast3A_2484, %add3A_2489 : vector<16xi1>, vector<16xi32>
    %gather3A_2491 = tpu.vector_load_idx %arg8[%select_n3A_2490] : memref<2176xf32, #tpu.memory_space<vmem>>[vector<16xi32>], vector<16xf32>,
    %swap3A_2492 = arith.constant 608 : index
    %swap3A_2493 = tpu.vector_load %arg9[%swap3A_2492] {strides = array<i32>} : memref<1024xf32, #tpu.memory_space<vmem>>, vector<16xf32>,
    tpu.vector_store %arg9[%swap3A_2492], %gather3A_2491 {strides = array<i32>} : memref<1024xf32, #tpu.memory_space<vmem>>, vector<16xf32>,
    %add3A_2494 = arith.constant 624 : i32
    %add3A_2495 = arith.addi %mul3A_2, %add3A_2494 : i32
    %add3A_2496 = vector.broadcast %add3A_2495 : i32 to vector<16xi32>
    %add3A_2497 = arith.addi %iota3A, %add3A_2496 : vector<16xi32>
    %sub3A_2498 = arith.subi %add3A_2497, %broadcast_in_dim3A : vector<16xi32>
    %bitcast3A_2499 = vector.bitcast %sub3A_2498 : vector<16xi32> to vector<16xi32>
    %sub3A_2500 = arith.subi %add3A_2497, %broadcast_in_dim3A_24 : vector<16xi32>
    %bitcast3A_2501 = vector.bitcast %sub3A_2500 : vector<16xi32> to vector<16xi32>
    %sub3A_2502 = arith.subi %add3A_2497, %broadcast_in_dim3A_29 : vector<16xi32>
    %bitcast3A_2503 = vector.bitcast %sub3A_2502 : vector<16xi32> to vector<16xi32>
    %sub3A_2504 = arith.subi %add3A_2497, %broadcast_in_dim3A_34 : vector<16xi32>
    %bitcast3A_2505 = vector.bitcast %sub3A_2504 : vector<16xi32> to vector<16xi32>
    %sub3A_2506 = arith.subi %add3A_2497, %broadcast_in_dim3A_39 : vector<16xi32>
    %bitcast3A_2507 = vector.bitcast %sub3A_2506 : vector<16xi32> to vector<16xi32>
    %sub3A_2508 = arith.subi %add3A_2497, %broadcast_in_dim3A_44 : vector<16xi32>
    %bitcast3A_2509 = vector.bitcast %sub3A_2508 : vector<16xi32> to vector<16xi32>
    %sub3A_2510 = arith.subi %add3A_2497, %broadcast_in_dim3A_49 : vector<16xi32>
    %bitcast3A_2511 = vector.bitcast %sub3A_2510 : vector<16xi32> to vector<16xi32>
    %sub3A_2512 = arith.subi %add3A_2497, %broadcast_in_dim3A_54 : vector<16xi32>
    %bitcast3A_2513 = vector.bitcast %sub3A_2512 : vector<16xi32> to vector<16xi32>
    %sub3A_2514 = arith.subi %add3A_2497, %broadcast_in_dim3A_59 : vector<16xi32>
    %bitcast3A_2515 = vector.bitcast %sub3A_2514 : vector<16xi32> to vector<16xi32>
    %sub3A_2516 = arith.subi %add3A_2497, %broadcast_in_dim3A_64 : vector<16xi32>
    %bitcast3A_2517 = vector.bitcast %sub3A_2516 : vector<16xi32> to vector<16xi32>
    %sub3A_2518 = arith.subi %add3A_2497, %broadcast_in_dim3A_69 : vector<16xi32>
    %bitcast3A_2519 = vector.bitcast %sub3A_2518 : vector<16xi32> to vector<16xi32>
    %sub3A_2520 = arith.subi %add3A_2497, %broadcast_in_dim3A_74 : vector<16xi32>
    %bitcast3A_2521 = vector.bitcast %sub3A_2520 : vector<16xi32> to vector<16xi32>
    %sub3A_2522 = arith.subi %add3A_2497, %broadcast_in_dim3A_79 : vector<16xi32>
    %bitcast3A_2523 = vector.bitcast %sub3A_2522 : vector<16xi32> to vector<16xi32>
    %sub3A_2524 = arith.subi %add3A_2497, %broadcast_in_dim3A_84 : vector<16xi32>
    %bitcast3A_2525 = vector.bitcast %sub3A_2524 : vector<16xi32> to vector<16xi32>
    %sub3A_2526 = arith.subi %add3A_2497, %broadcast_in_dim3A_89 : vector<16xi32>
    %bitcast3A_2527 = vector.bitcast %sub3A_2526 : vector<16xi32> to vector<16xi32>
    %sub3A_2528 = arith.subi %add3A_2497, %broadcast_in_dim3A_94 : vector<16xi32>
    %bitcast3A_2529 = vector.bitcast %sub3A_2528 : vector<16xi32> to vector<16xi32>
    %min3A_2530 = arith.minui %bitcast3A_2499, %bitcast3A_2501 : vector<16xi32>
    %min3A_2531 = arith.minui %bitcast3A_2503, %bitcast3A_2505 : vector<16xi32>
    %min3A_2532 = arith.minui %bitcast3A_2507, %bitcast3A_2509 : vector<16xi32>
    %min3A_2533 = arith.minui %bitcast3A_2511, %bitcast3A_2513 : vector<16xi32>
    %min3A_2534 = arith.minui %bitcast3A_2515, %bitcast3A_2517 : vector<16xi32>
    %min3A_2535 = arith.minui %bitcast3A_2519, %bitcast3A_2521 : vector<16xi32>
    %min3A_2536 = arith.minui %bitcast3A_2523, %bitcast3A_2525 : vector<16xi32>
    %min3A_2537 = arith.minui %bitcast3A_2527, %bitcast3A_2529 : vector<16xi32>
    %min3A_2538 = arith.minui %min3A_2530, %min3A_2531 : vector<16xi32>
    %min3A_2539 = arith.minui %min3A_2532, %min3A_2533 : vector<16xi32>
    %min3A_2540 = arith.minui %min3A_2534, %min3A_2535 : vector<16xi32>
    %min3A_2541 = arith.minui %min3A_2536, %min3A_2537 : vector<16xi32>
    %min3A_2542 = arith.minui %min3A_2538, %min3A_2539 : vector<16xi32>
    %min3A_2543 = arith.minui %min3A_2540, %min3A_2541 : vector<16xi32>
    %min3A_2544 = arith.minui %min3A_2542, %min3A_2543 : vector<16xi32>
    %bitcast3A_2545 = vector.bitcast %min3A_2544 : vector<16xi32> to vector<16xi32>
    %lt3A_2546 = arith.constant 1024 : i32
    %lt3A_2547 = vector.broadcast %lt3A_2546 : i32 to vector<16xi32>
    %lt3A_2548 = arith.cmpi slt, %bitcast3A_2545, %lt3A_2547 : vector<16xi32>
    %add3A_2549 = vector.broadcast %sub3A_118 : i32 to vector<16xi32>
    %add3A_2550 = arith.addi %bitcast3A_2545, %add3A_2549 : vector<16xi32>
    %select_n3A_2551 = arith.select %lt3A_2548, %bitcast3A_2545, %add3A_2550 : vector<16xi1>, vector<16xi32>
    %gather3A_2552 = tpu.vector_load_idx %arg8[%select_n3A_2551] : memref<2176xf32, #tpu.memory_space<vmem>>[vector<16xi32>], vector<16xf32>,
    %swap3A_2553 = arith.constant 624 : index
    %swap3A_2554 = tpu.vector_load %arg9[%swap3A_2553] {strides = array<i32>} : memref<1024xf32, #tpu.memory_space<vmem>>, vector<16xf32>,
    tpu.vector_store %arg9[%swap3A_2553], %gather3A_2552 {strides = array<i32>} : memref<1024xf32, #tpu.memory_space<vmem>>, vector<16xf32>,
    %add3A_2555 = arith.constant 640 : i32
    %add3A_2556 = arith.addi %mul3A_2, %add3A_2555 : i32
    %add3A_2557 = vector.broadcast %add3A_2556 : i32 to vector<16xi32>
    %add3A_2558 = arith.addi %iota3A, %add3A_2557 : vector<16xi32>
    %sub3A_2559 = arith.subi %add3A_2558, %broadcast_in_dim3A : vector<16xi32>
    %bitcast3A_2560 = vector.bitcast %sub3A_2559 : vector<16xi32> to vector<16xi32>
    %sub3A_2561 = arith.subi %add3A_2558, %broadcast_in_dim3A_24 : vector<16xi32>
    %bitcast3A_2562 = vector.bitcast %sub3A_2561 : vector<16xi32> to vector<16xi32>
    %sub3A_2563 = arith.subi %add3A_2558, %broadcast_in_dim3A_29 : vector<16xi32>
    %bitcast3A_2564 = vector.bitcast %sub3A_2563 : vector<16xi32> to vector<16xi32>
    %sub3A_2565 = arith.subi %add3A_2558, %broadcast_in_dim3A_34 : vector<16xi32>
    %bitcast3A_2566 = vector.bitcast %sub3A_2565 : vector<16xi32> to vector<16xi32>
    %sub3A_2567 = arith.subi %add3A_2558, %broadcast_in_dim3A_39 : vector<16xi32>
    %bitcast3A_2568 = vector.bitcast %sub3A_2567 : vector<16xi32> to vector<16xi32>
    %sub3A_2569 = arith.subi %add3A_2558, %broadcast_in_dim3A_44 : vector<16xi32>
    %bitcast3A_2570 = vector.bitcast %sub3A_2569 : vector<16xi32> to vector<16xi32>
    %sub3A_2571 = arith.subi %add3A_2558, %broadcast_in_dim3A_49 : vector<16xi32>
    %bitcast3A_2572 = vector.bitcast %sub3A_2571 : vector<16xi32> to vector<16xi32>
    %sub3A_2573 = arith.subi %add3A_2558, %broadcast_in_dim3A_54 : vector<16xi32>
    %bitcast3A_2574 = vector.bitcast %sub3A_2573 : vector<16xi32> to vector<16xi32>
    %sub3A_2575 = arith.subi %add3A_2558, %broadcast_in_dim3A_59 : vector<16xi32>
    %bitcast3A_2576 = vector.bitcast %sub3A_2575 : vector<16xi32> to vector<16xi32>
    %sub3A_2577 = arith.subi %add3A_2558, %broadcast_in_dim3A_64 : vector<16xi32>
    %bitcast3A_2578 = vector.bitcast %sub3A_2577 : vector<16xi32> to vector<16xi32>
    %sub3A_2579 = arith.subi %add3A_2558, %broadcast_in_dim3A_69 : vector<16xi32>
    %bitcast3A_2580 = vector.bitcast %sub3A_2579 : vector<16xi32> to vector<16xi32>
    %sub3A_2581 = arith.subi %add3A_2558, %broadcast_in_dim3A_74 : vector<16xi32>
    %bitcast3A_2582 = vector.bitcast %sub3A_2581 : vector<16xi32> to vector<16xi32>
    %sub3A_2583 = arith.subi %add3A_2558, %broadcast_in_dim3A_79 : vector<16xi32>
    %bitcast3A_2584 = vector.bitcast %sub3A_2583 : vector<16xi32> to vector<16xi32>
    %sub3A_2585 = arith.subi %add3A_2558, %broadcast_in_dim3A_84 : vector<16xi32>
    %bitcast3A_2586 = vector.bitcast %sub3A_2585 : vector<16xi32> to vector<16xi32>
    %sub3A_2587 = arith.subi %add3A_2558, %broadcast_in_dim3A_89 : vector<16xi32>
    %bitcast3A_2588 = vector.bitcast %sub3A_2587 : vector<16xi32> to vector<16xi32>
    %sub3A_2589 = arith.subi %add3A_2558, %broadcast_in_dim3A_94 : vector<16xi32>
    %bitcast3A_2590 = vector.bitcast %sub3A_2589 : vector<16xi32> to vector<16xi32>
    %min3A_2591 = arith.minui %bitcast3A_2560, %bitcast3A_2562 : vector<16xi32>
    %min3A_2592 = arith.minui %bitcast3A_2564, %bitcast3A_2566 : vector<16xi32>
    %min3A_2593 = arith.minui %bitcast3A_2568, %bitcast3A_2570 : vector<16xi32>
    %min3A_2594 = arith.minui %bitcast3A_2572, %bitcast3A_2574 : vector<16xi32>
    %min3A_2595 = arith.minui %bitcast3A_2576, %bitcast3A_2578 : vector<16xi32>
    %min3A_2596 = arith.minui %bitcast3A_2580, %bitcast3A_2582 : vector<16xi32>
    %min3A_2597 = arith.minui %bitcast3A_2584, %bitcast3A_2586 : vector<16xi32>
    %min3A_2598 = arith.minui %bitcast3A_2588, %bitcast3A_2590 : vector<16xi32>
    %min3A_2599 = arith.minui %min3A_2591, %min3A_2592 : vector<16xi32>
    %min3A_2600 = arith.minui %min3A_2593, %min3A_2594 : vector<16xi32>
    %min3A_2601 = arith.minui %min3A_2595, %min3A_2596 : vector<16xi32>
    %min3A_2602 = arith.minui %min3A_2597, %min3A_2598 : vector<16xi32>
    %min3A_2603 = arith.minui %min3A_2599, %min3A_2600 : vector<16xi32>
    %min3A_2604 = arith.minui %min3A_2601, %min3A_2602 : vector<16xi32>
    %min3A_2605 = arith.minui %min3A_2603, %min3A_2604 : vector<16xi32>
    %bitcast3A_2606 = vector.bitcast %min3A_2605 : vector<16xi32> to vector<16xi32>
    %lt3A_2607 = arith.constant 1024 : i32
    %lt3A_2608 = vector.broadcast %lt3A_2607 : i32 to vector<16xi32>
    %lt3A_2609 = arith.cmpi slt, %bitcast3A_2606, %lt3A_2608 : vector<16xi32>
    %add3A_2610 = vector.broadcast %sub3A_118 : i32 to vector<16xi32>
    %add3A_2611 = arith.addi %bitcast3A_2606, %add3A_2610 : vector<16xi32>
    %select_n3A_2612 = arith.select %lt3A_2609, %bitcast3A_2606, %add3A_2611 : vector<16xi1>, vector<16xi32>
    %gather3A_2613 = tpu.vector_load_idx %arg8[%select_n3A_2612] : memref<2176xf32, #tpu.memory_space<vmem>>[vector<16xi32>], vector<16xf32>,
    %swap3A_2614 = arith.constant 640 : index
    %swap3A_2615 = tpu.vector_load %arg9[%swap3A_2614] {strides = array<i32>} : memref<1024xf32, #tpu.memory_space<vmem>>, vector<16xf32>,
    tpu.vector_store %arg9[%swap3A_2614], %gather3A_2613 {strides = array<i32>} : memref<1024xf32, #tpu.memory_space<vmem>>, vector<16xf32>,
    %add3A_2616 = arith.constant 656 : i32
    %add3A_2617 = arith.addi %mul3A_2, %add3A_2616 : i32
    %add3A_2618 = vector.broadcast %add3A_2617 : i32 to vector<16xi32>
    %add3A_2619 = arith.addi %iota3A, %add3A_2618 : vector<16xi32>
    %sub3A_2620 = arith.subi %add3A_2619, %broadcast_in_dim3A : vector<16xi32>
    %bitcast3A_2621 = vector.bitcast %sub3A_2620 : vector<16xi32> to vector<16xi32>
    %sub3A_2622 = arith.subi %add3A_2619, %broadcast_in_dim3A_24 : vector<16xi32>
    %bitcast3A_2623 = vector.bitcast %sub3A_2622 : vector<16xi32> to vector<16xi32>
    %sub3A_2624 = arith.subi %add3A_2619, %broadcast_in_dim3A_29 : vector<16xi32>
    %bitcast3A_2625 = vector.bitcast %sub3A_2624 : vector<16xi32> to vector<16xi32>
    %sub3A_2626 = arith.subi %add3A_2619, %broadcast_in_dim3A_34 : vector<16xi32>
    %bitcast3A_2627 = vector.bitcast %sub3A_2626 : vector<16xi32> to vector<16xi32>
    %sub3A_2628 = arith.subi %add3A_2619, %broadcast_in_dim3A_39 : vector<16xi32>
    %bitcast3A_2629 = vector.bitcast %sub3A_2628 : vector<16xi32> to vector<16xi32>
    %sub3A_2630 = arith.subi %add3A_2619, %broadcast_in_dim3A_44 : vector<16xi32>
    %bitcast3A_2631 = vector.bitcast %sub3A_2630 : vector<16xi32> to vector<16xi32>
    %sub3A_2632 = arith.subi %add3A_2619, %broadcast_in_dim3A_49 : vector<16xi32>
    %bitcast3A_2633 = vector.bitcast %sub3A_2632 : vector<16xi32> to vector<16xi32>
    %sub3A_2634 = arith.subi %add3A_2619, %broadcast_in_dim3A_54 : vector<16xi32>
    %bitcast3A_2635 = vector.bitcast %sub3A_2634 : vector<16xi32> to vector<16xi32>
    %sub3A_2636 = arith.subi %add3A_2619, %broadcast_in_dim3A_59 : vector<16xi32>
    %bitcast3A_2637 = vector.bitcast %sub3A_2636 : vector<16xi32> to vector<16xi32>
    %sub3A_2638 = arith.subi %add3A_2619, %broadcast_in_dim3A_64 : vector<16xi32>
    %bitcast3A_2639 = vector.bitcast %sub3A_2638 : vector<16xi32> to vector<16xi32>
    %sub3A_2640 = arith.subi %add3A_2619, %broadcast_in_dim3A_69 : vector<16xi32>
    %bitcast3A_2641 = vector.bitcast %sub3A_2640 : vector<16xi32> to vector<16xi32>
    %sub3A_2642 = arith.subi %add3A_2619, %broadcast_in_dim3A_74 : vector<16xi32>
    %bitcast3A_2643 = vector.bitcast %sub3A_2642 : vector<16xi32> to vector<16xi32>
    %sub3A_2644 = arith.subi %add3A_2619, %broadcast_in_dim3A_79 : vector<16xi32>
    %bitcast3A_2645 = vector.bitcast %sub3A_2644 : vector<16xi32> to vector<16xi32>
    %sub3A_2646 = arith.subi %add3A_2619, %broadcast_in_dim3A_84 : vector<16xi32>
    %bitcast3A_2647 = vector.bitcast %sub3A_2646 : vector<16xi32> to vector<16xi32>
    %sub3A_2648 = arith.subi %add3A_2619, %broadcast_in_dim3A_89 : vector<16xi32>
    %bitcast3A_2649 = vector.bitcast %sub3A_2648 : vector<16xi32> to vector<16xi32>
    %sub3A_2650 = arith.subi %add3A_2619, %broadcast_in_dim3A_94 : vector<16xi32>
    %bitcast3A_2651 = vector.bitcast %sub3A_2650 : vector<16xi32> to vector<16xi32>
    %min3A_2652 = arith.minui %bitcast3A_2621, %bitcast3A_2623 : vector<16xi32>
    %min3A_2653 = arith.minui %bitcast3A_2625, %bitcast3A_2627 : vector<16xi32>
    %min3A_2654 = arith.minui %bitcast3A_2629, %bitcast3A_2631 : vector<16xi32>
    %min3A_2655 = arith.minui %bitcast3A_2633, %bitcast3A_2635 : vector<16xi32>
    %min3A_2656 = arith.minui %bitcast3A_2637, %bitcast3A_2639 : vector<16xi32>
    %min3A_2657 = arith.minui %bitcast3A_2641, %bitcast3A_2643 : vector<16xi32>
    %min3A_2658 = arith.minui %bitcast3A_2645, %bitcast3A_2647 : vector<16xi32>
    %min3A_2659 = arith.minui %bitcast3A_2649, %bitcast3A_2651 : vector<16xi32>
    %min3A_2660 = arith.minui %min3A_2652, %min3A_2653 : vector<16xi32>
    %min3A_2661 = arith.minui %min3A_2654, %min3A_2655 : vector<16xi32>
    %min3A_2662 = arith.minui %min3A_2656, %min3A_2657 : vector<16xi32>
    %min3A_2663 = arith.minui %min3A_2658, %min3A_2659 : vector<16xi32>
    %min3A_2664 = arith.minui %min3A_2660, %min3A_2661 : vector<16xi32>
    %min3A_2665 = arith.minui %min3A_2662, %min3A_2663 : vector<16xi32>
    %min3A_2666 = arith.minui %min3A_2664, %min3A_2665 : vector<16xi32>
    %bitcast3A_2667 = vector.bitcast %min3A_2666 : vector<16xi32> to vector<16xi32>
    %lt3A_2668 = arith.constant 1024 : i32
    %lt3A_2669 = vector.broadcast %lt3A_2668 : i32 to vector<16xi32>
    %lt3A_2670 = arith.cmpi slt, %bitcast3A_2667, %lt3A_2669 : vector<16xi32>
    %add3A_2671 = vector.broadcast %sub3A_118 : i32 to vector<16xi32>
    %add3A_2672 = arith.addi %bitcast3A_2667, %add3A_2671 : vector<16xi32>
    %select_n3A_2673 = arith.select %lt3A_2670, %bitcast3A_2667, %add3A_2672 : vector<16xi1>, vector<16xi32>
    %gather3A_2674 = tpu.vector_load_idx %arg8[%select_n3A_2673] : memref<2176xf32, #tpu.memory_space<vmem>>[vector<16xi32>], vector<16xf32>,
    %swap3A_2675 = arith.constant 656 : index
    %swap3A_2676 = tpu.vector_load %arg9[%swap3A_2675] {strides = array<i32>} : memref<1024xf32, #tpu.memory_space<vmem>>, vector<16xf32>,
    tpu.vector_store %arg9[%swap3A_2675], %gather3A_2674 {strides = array<i32>} : memref<1024xf32, #tpu.memory_space<vmem>>, vector<16xf32>,
    %add3A_2677 = arith.constant 672 : i32
    %add3A_2678 = arith.addi %mul3A_2, %add3A_2677 : i32
    %add3A_2679 = vector.broadcast %add3A_2678 : i32 to vector<16xi32>
    %add3A_2680 = arith.addi %iota3A, %add3A_2679 : vector<16xi32>
    %sub3A_2681 = arith.subi %add3A_2680, %broadcast_in_dim3A : vector<16xi32>
    %bitcast3A_2682 = vector.bitcast %sub3A_2681 : vector<16xi32> to vector<16xi32>
    %sub3A_2683 = arith.subi %add3A_2680, %broadcast_in_dim3A_24 : vector<16xi32>
    %bitcast3A_2684 = vector.bitcast %sub3A_2683 : vector<16xi32> to vector<16xi32>
    %sub3A_2685 = arith.subi %add3A_2680, %broadcast_in_dim3A_29 : vector<16xi32>
    %bitcast3A_2686 = vector.bitcast %sub3A_2685 : vector<16xi32> to vector<16xi32>
    %sub3A_2687 = arith.subi %add3A_2680, %broadcast_in_dim3A_34 : vector<16xi32>
    %bitcast3A_2688 = vector.bitcast %sub3A_2687 : vector<16xi32> to vector<16xi32>
    %sub3A_2689 = arith.subi %add3A_2680, %broadcast_in_dim3A_39 : vector<16xi32>
    %bitcast3A_2690 = vector.bitcast %sub3A_2689 : vector<16xi32> to vector<16xi32>
    %sub3A_2691 = arith.subi %add3A_2680, %broadcast_in_dim3A_44 : vector<16xi32>
    %bitcast3A_2692 = vector.bitcast %sub3A_2691 : vector<16xi32> to vector<16xi32>
    %sub3A_2693 = arith.subi %add3A_2680, %broadcast_in_dim3A_49 : vector<16xi32>
    %bitcast3A_2694 = vector.bitcast %sub3A_2693 : vector<16xi32> to vector<16xi32>
    %sub3A_2695 = arith.subi %add3A_2680, %broadcast_in_dim3A_54 : vector<16xi32>
    %bitcast3A_2696 = vector.bitcast %sub3A_2695 : vector<16xi32> to vector<16xi32>
    %sub3A_2697 = arith.subi %add3A_2680, %broadcast_in_dim3A_59 : vector<16xi32>
    %bitcast3A_2698 = vector.bitcast %sub3A_2697 : vector<16xi32> to vector<16xi32>
    %sub3A_2699 = arith.subi %add3A_2680, %broadcast_in_dim3A_64 : vector<16xi32>
    %bitcast3A_2700 = vector.bitcast %sub3A_2699 : vector<16xi32> to vector<16xi32>
    %sub3A_2701 = arith.subi %add3A_2680, %broadcast_in_dim3A_69 : vector<16xi32>
    %bitcast3A_2702 = vector.bitcast %sub3A_2701 : vector<16xi32> to vector<16xi32>
    %sub3A_2703 = arith.subi %add3A_2680, %broadcast_in_dim3A_74 : vector<16xi32>
    %bitcast3A_2704 = vector.bitcast %sub3A_2703 : vector<16xi32> to vector<16xi32>
    %sub3A_2705 = arith.subi %add3A_2680, %broadcast_in_dim3A_79 : vector<16xi32>
    %bitcast3A_2706 = vector.bitcast %sub3A_2705 : vector<16xi32> to vector<16xi32>
    %sub3A_2707 = arith.subi %add3A_2680, %broadcast_in_dim3A_84 : vector<16xi32>
    %bitcast3A_2708 = vector.bitcast %sub3A_2707 : vector<16xi32> to vector<16xi32>
    %sub3A_2709 = arith.subi %add3A_2680, %broadcast_in_dim3A_89 : vector<16xi32>
    %bitcast3A_2710 = vector.bitcast %sub3A_2709 : vector<16xi32> to vector<16xi32>
    %sub3A_2711 = arith.subi %add3A_2680, %broadcast_in_dim3A_94 : vector<16xi32>
    %bitcast3A_2712 = vector.bitcast %sub3A_2711 : vector<16xi32> to vector<16xi32>
    %min3A_2713 = arith.minui %bitcast3A_2682, %bitcast3A_2684 : vector<16xi32>
    %min3A_2714 = arith.minui %bitcast3A_2686, %bitcast3A_2688 : vector<16xi32>
    %min3A_2715 = arith.minui %bitcast3A_2690, %bitcast3A_2692 : vector<16xi32>
    %min3A_2716 = arith.minui %bitcast3A_2694, %bitcast3A_2696 : vector<16xi32>
    %min3A_2717 = arith.minui %bitcast3A_2698, %bitcast3A_2700 : vector<16xi32>
    %min3A_2718 = arith.minui %bitcast3A_2702, %bitcast3A_2704 : vector<16xi32>
    %min3A_2719 = arith.minui %bitcast3A_2706, %bitcast3A_2708 : vector<16xi32>
    %min3A_2720 = arith.minui %bitcast3A_2710, %bitcast3A_2712 : vector<16xi32>
    %min3A_2721 = arith.minui %min3A_2713, %min3A_2714 : vector<16xi32>
    %min3A_2722 = arith.minui %min3A_2715, %min3A_2716 : vector<16xi32>
    %min3A_2723 = arith.minui %min3A_2717, %min3A_2718 : vector<16xi32>
    %min3A_2724 = arith.minui %min3A_2719, %min3A_2720 : vector<16xi32>
    %min3A_2725 = arith.minui %min3A_2721, %min3A_2722 : vector<16xi32>
    %min3A_2726 = arith.minui %min3A_2723, %min3A_2724 : vector<16xi32>
    %min3A_2727 = arith.minui %min3A_2725, %min3A_2726 : vector<16xi32>
    %bitcast3A_2728 = vector.bitcast %min3A_2727 : vector<16xi32> to vector<16xi32>
    %lt3A_2729 = arith.constant 1024 : i32
    %lt3A_2730 = vector.broadcast %lt3A_2729 : i32 to vector<16xi32>
    %lt3A_2731 = arith.cmpi slt, %bitcast3A_2728, %lt3A_2730 : vector<16xi32>
    %add3A_2732 = vector.broadcast %sub3A_118 : i32 to vector<16xi32>
    %add3A_2733 = arith.addi %bitcast3A_2728, %add3A_2732 : vector<16xi32>
    %select_n3A_2734 = arith.select %lt3A_2731, %bitcast3A_2728, %add3A_2733 : vector<16xi1>, vector<16xi32>
    %gather3A_2735 = tpu.vector_load_idx %arg8[%select_n3A_2734] : memref<2176xf32, #tpu.memory_space<vmem>>[vector<16xi32>], vector<16xf32>,
    %swap3A_2736 = arith.constant 672 : index
    %swap3A_2737 = tpu.vector_load %arg9[%swap3A_2736] {strides = array<i32>} : memref<1024xf32, #tpu.memory_space<vmem>>, vector<16xf32>,
    tpu.vector_store %arg9[%swap3A_2736], %gather3A_2735 {strides = array<i32>} : memref<1024xf32, #tpu.memory_space<vmem>>, vector<16xf32>,
    %add3A_2738 = arith.constant 688 : i32
    %add3A_2739 = arith.addi %mul3A_2, %add3A_2738 : i32
    %add3A_2740 = vector.broadcast %add3A_2739 : i32 to vector<16xi32>
    %add3A_2741 = arith.addi %iota3A, %add3A_2740 : vector<16xi32>
    %sub3A_2742 = arith.subi %add3A_2741, %broadcast_in_dim3A : vector<16xi32>
    %bitcast3A_2743 = vector.bitcast %sub3A_2742 : vector<16xi32> to vector<16xi32>
    %sub3A_2744 = arith.subi %add3A_2741, %broadcast_in_dim3A_24 : vector<16xi32>
    %bitcast3A_2745 = vector.bitcast %sub3A_2744 : vector<16xi32> to vector<16xi32>
    %sub3A_2746 = arith.subi %add3A_2741, %broadcast_in_dim3A_29 : vector<16xi32>
    %bitcast3A_2747 = vector.bitcast %sub3A_2746 : vector<16xi32> to vector<16xi32>
    %sub3A_2748 = arith.subi %add3A_2741, %broadcast_in_dim3A_34 : vector<16xi32>
    %bitcast3A_2749 = vector.bitcast %sub3A_2748 : vector<16xi32> to vector<16xi32>
    %sub3A_2750 = arith.subi %add3A_2741, %broadcast_in_dim3A_39 : vector<16xi32>
    %bitcast3A_2751 = vector.bitcast %sub3A_2750 : vector<16xi32> to vector<16xi32>
    %sub3A_2752 = arith.subi %add3A_2741, %broadcast_in_dim3A_44 : vector<16xi32>
    %bitcast3A_2753 = vector.bitcast %sub3A_2752 : vector<16xi32> to vector<16xi32>
    %sub3A_2754 = arith.subi %add3A_2741, %broadcast_in_dim3A_49 : vector<16xi32>
    %bitcast3A_2755 = vector.bitcast %sub3A_2754 : vector<16xi32> to vector<16xi32>
    %sub3A_2756 = arith.subi %add3A_2741, %broadcast_in_dim3A_54 : vector<16xi32>
    %bitcast3A_2757 = vector.bitcast %sub3A_2756 : vector<16xi32> to vector<16xi32>
    %sub3A_2758 = arith.subi %add3A_2741, %broadcast_in_dim3A_59 : vector<16xi32>
    %bitcast3A_2759 = vector.bitcast %sub3A_2758 : vector<16xi32> to vector<16xi32>
    %sub3A_2760 = arith.subi %add3A_2741, %broadcast_in_dim3A_64 : vector<16xi32>
    %bitcast3A_2761 = vector.bitcast %sub3A_2760 : vector<16xi32> to vector<16xi32>
    %sub3A_2762 = arith.subi %add3A_2741, %broadcast_in_dim3A_69 : vector<16xi32>
    %bitcast3A_2763 = vector.bitcast %sub3A_2762 : vector<16xi32> to vector<16xi32>
    %sub3A_2764 = arith.subi %add3A_2741, %broadcast_in_dim3A_74 : vector<16xi32>
    %bitcast3A_2765 = vector.bitcast %sub3A_2764 : vector<16xi32> to vector<16xi32>
    %sub3A_2766 = arith.subi %add3A_2741, %broadcast_in_dim3A_79 : vector<16xi32>
    %bitcast3A_2767 = vector.bitcast %sub3A_2766 : vector<16xi32> to vector<16xi32>
    %sub3A_2768 = arith.subi %add3A_2741, %broadcast_in_dim3A_84 : vector<16xi32>
    %bitcast3A_2769 = vector.bitcast %sub3A_2768 : vector<16xi32> to vector<16xi32>
    %sub3A_2770 = arith.subi %add3A_2741, %broadcast_in_dim3A_89 : vector<16xi32>
    %bitcast3A_2771 = vector.bitcast %sub3A_2770 : vector<16xi32> to vector<16xi32>
    %sub3A_2772 = arith.subi %add3A_2741, %broadcast_in_dim3A_94 : vector<16xi32>
    %bitcast3A_2773 = vector.bitcast %sub3A_2772 : vector<16xi32> to vector<16xi32>
    %min3A_2774 = arith.minui %bitcast3A_2743, %bitcast3A_2745 : vector<16xi32>
    %min3A_2775 = arith.minui %bitcast3A_2747, %bitcast3A_2749 : vector<16xi32>
    %min3A_2776 = arith.minui %bitcast3A_2751, %bitcast3A_2753 : vector<16xi32>
    %min3A_2777 = arith.minui %bitcast3A_2755, %bitcast3A_2757 : vector<16xi32>
    %min3A_2778 = arith.minui %bitcast3A_2759, %bitcast3A_2761 : vector<16xi32>
    %min3A_2779 = arith.minui %bitcast3A_2763, %bitcast3A_2765 : vector<16xi32>
    %min3A_2780 = arith.minui %bitcast3A_2767, %bitcast3A_2769 : vector<16xi32>
    %min3A_2781 = arith.minui %bitcast3A_2771, %bitcast3A_2773 : vector<16xi32>
    %min3A_2782 = arith.minui %min3A_2774, %min3A_2775 : vector<16xi32>
    %min3A_2783 = arith.minui %min3A_2776, %min3A_2777 : vector<16xi32>
    %min3A_2784 = arith.minui %min3A_2778, %min3A_2779 : vector<16xi32>
    %min3A_2785 = arith.minui %min3A_2780, %min3A_2781 : vector<16xi32>
    %min3A_2786 = arith.minui %min3A_2782, %min3A_2783 : vector<16xi32>
    %min3A_2787 = arith.minui %min3A_2784, %min3A_2785 : vector<16xi32>
    %min3A_2788 = arith.minui %min3A_2786, %min3A_2787 : vector<16xi32>
    %bitcast3A_2789 = vector.bitcast %min3A_2788 : vector<16xi32> to vector<16xi32>
    %lt3A_2790 = arith.constant 1024 : i32
    %lt3A_2791 = vector.broadcast %lt3A_2790 : i32 to vector<16xi32>
    %lt3A_2792 = arith.cmpi slt, %bitcast3A_2789, %lt3A_2791 : vector<16xi32>
    %add3A_2793 = vector.broadcast %sub3A_118 : i32 to vector<16xi32>
    %add3A_2794 = arith.addi %bitcast3A_2789, %add3A_2793 : vector<16xi32>
    %select_n3A_2795 = arith.select %lt3A_2792, %bitcast3A_2789, %add3A_2794 : vector<16xi1>, vector<16xi32>
    %gather3A_2796 = tpu.vector_load_idx %arg8[%select_n3A_2795] : memref<2176xf32, #tpu.memory_space<vmem>>[vector<16xi32>], vector<16xf32>,
    %swap3A_2797 = arith.constant 688 : index
    %swap3A_2798 = tpu.vector_load %arg9[%swap3A_2797] {strides = array<i32>} : memref<1024xf32, #tpu.memory_space<vmem>>, vector<16xf32>,
    tpu.vector_store %arg9[%swap3A_2797], %gather3A_2796 {strides = array<i32>} : memref<1024xf32, #tpu.memory_space<vmem>>, vector<16xf32>,
    %add3A_2799 = arith.constant 704 : i32
    %add3A_2800 = arith.addi %mul3A_2, %add3A_2799 : i32
    %add3A_2801 = vector.broadcast %add3A_2800 : i32 to vector<16xi32>
    %add3A_2802 = arith.addi %iota3A, %add3A_2801 : vector<16xi32>
    %sub3A_2803 = arith.subi %add3A_2802, %broadcast_in_dim3A : vector<16xi32>
    %bitcast3A_2804 = vector.bitcast %sub3A_2803 : vector<16xi32> to vector<16xi32>
    %sub3A_2805 = arith.subi %add3A_2802, %broadcast_in_dim3A_24 : vector<16xi32>
    %bitcast3A_2806 = vector.bitcast %sub3A_2805 : vector<16xi32> to vector<16xi32>
    %sub3A_2807 = arith.subi %add3A_2802, %broadcast_in_dim3A_29 : vector<16xi32>
    %bitcast3A_2808 = vector.bitcast %sub3A_2807 : vector<16xi32> to vector<16xi32>
    %sub3A_2809 = arith.subi %add3A_2802, %broadcast_in_dim3A_34 : vector<16xi32>
    %bitcast3A_2810 = vector.bitcast %sub3A_2809 : vector<16xi32> to vector<16xi32>
    %sub3A_2811 = arith.subi %add3A_2802, %broadcast_in_dim3A_39 : vector<16xi32>
    %bitcast3A_2812 = vector.bitcast %sub3A_2811 : vector<16xi32> to vector<16xi32>
    %sub3A_2813 = arith.subi %add3A_2802, %broadcast_in_dim3A_44 : vector<16xi32>
    %bitcast3A_2814 = vector.bitcast %sub3A_2813 : vector<16xi32> to vector<16xi32>
    %sub3A_2815 = arith.subi %add3A_2802, %broadcast_in_dim3A_49 : vector<16xi32>
    %bitcast3A_2816 = vector.bitcast %sub3A_2815 : vector<16xi32> to vector<16xi32>
    %sub3A_2817 = arith.subi %add3A_2802, %broadcast_in_dim3A_54 : vector<16xi32>
    %bitcast3A_2818 = vector.bitcast %sub3A_2817 : vector<16xi32> to vector<16xi32>
    %sub3A_2819 = arith.subi %add3A_2802, %broadcast_in_dim3A_59 : vector<16xi32>
    %bitcast3A_2820 = vector.bitcast %sub3A_2819 : vector<16xi32> to vector<16xi32>
    %sub3A_2821 = arith.subi %add3A_2802, %broadcast_in_dim3A_64 : vector<16xi32>
    %bitcast3A_2822 = vector.bitcast %sub3A_2821 : vector<16xi32> to vector<16xi32>
    %sub3A_2823 = arith.subi %add3A_2802, %broadcast_in_dim3A_69 : vector<16xi32>
    %bitcast3A_2824 = vector.bitcast %sub3A_2823 : vector<16xi32> to vector<16xi32>
    %sub3A_2825 = arith.subi %add3A_2802, %broadcast_in_dim3A_74 : vector<16xi32>
    %bitcast3A_2826 = vector.bitcast %sub3A_2825 : vector<16xi32> to vector<16xi32>
    %sub3A_2827 = arith.subi %add3A_2802, %broadcast_in_dim3A_79 : vector<16xi32>
    %bitcast3A_2828 = vector.bitcast %sub3A_2827 : vector<16xi32> to vector<16xi32>
    %sub3A_2829 = arith.subi %add3A_2802, %broadcast_in_dim3A_84 : vector<16xi32>
    %bitcast3A_2830 = vector.bitcast %sub3A_2829 : vector<16xi32> to vector<16xi32>
    %sub3A_2831 = arith.subi %add3A_2802, %broadcast_in_dim3A_89 : vector<16xi32>
    %bitcast3A_2832 = vector.bitcast %sub3A_2831 : vector<16xi32> to vector<16xi32>
    %sub3A_2833 = arith.subi %add3A_2802, %broadcast_in_dim3A_94 : vector<16xi32>
    %bitcast3A_2834 = vector.bitcast %sub3A_2833 : vector<16xi32> to vector<16xi32>
    %min3A_2835 = arith.minui %bitcast3A_2804, %bitcast3A_2806 : vector<16xi32>
    %min3A_2836 = arith.minui %bitcast3A_2808, %bitcast3A_2810 : vector<16xi32>
    %min3A_2837 = arith.minui %bitcast3A_2812, %bitcast3A_2814 : vector<16xi32>
    %min3A_2838 = arith.minui %bitcast3A_2816, %bitcast3A_2818 : vector<16xi32>
    %min3A_2839 = arith.minui %bitcast3A_2820, %bitcast3A_2822 : vector<16xi32>
    %min3A_2840 = arith.minui %bitcast3A_2824, %bitcast3A_2826 : vector<16xi32>
    %min3A_2841 = arith.minui %bitcast3A_2828, %bitcast3A_2830 : vector<16xi32>
    %min3A_2842 = arith.minui %bitcast3A_2832, %bitcast3A_2834 : vector<16xi32>
    %min3A_2843 = arith.minui %min3A_2835, %min3A_2836 : vector<16xi32>
    %min3A_2844 = arith.minui %min3A_2837, %min3A_2838 : vector<16xi32>
    %min3A_2845 = arith.minui %min3A_2839, %min3A_2840 : vector<16xi32>
    %min3A_2846 = arith.minui %min3A_2841, %min3A_2842 : vector<16xi32>
    %min3A_2847 = arith.minui %min3A_2843, %min3A_2844 : vector<16xi32>
    %min3A_2848 = arith.minui %min3A_2845, %min3A_2846 : vector<16xi32>
    %min3A_2849 = arith.minui %min3A_2847, %min3A_2848 : vector<16xi32>
    %bitcast3A_2850 = vector.bitcast %min3A_2849 : vector<16xi32> to vector<16xi32>
    %lt3A_2851 = arith.constant 1024 : i32
    %lt3A_2852 = vector.broadcast %lt3A_2851 : i32 to vector<16xi32>
    %lt3A_2853 = arith.cmpi slt, %bitcast3A_2850, %lt3A_2852 : vector<16xi32>
    %add3A_2854 = vector.broadcast %sub3A_118 : i32 to vector<16xi32>
    %add3A_2855 = arith.addi %bitcast3A_2850, %add3A_2854 : vector<16xi32>
    %select_n3A_2856 = arith.select %lt3A_2853, %bitcast3A_2850, %add3A_2855 : vector<16xi1>, vector<16xi32>
    %gather3A_2857 = tpu.vector_load_idx %arg8[%select_n3A_2856] : memref<2176xf32, #tpu.memory_space<vmem>>[vector<16xi32>], vector<16xf32>,
    %swap3A_2858 = arith.constant 704 : index
    %swap3A_2859 = tpu.vector_load %arg9[%swap3A_2858] {strides = array<i32>} : memref<1024xf32, #tpu.memory_space<vmem>>, vector<16xf32>,
    tpu.vector_store %arg9[%swap3A_2858], %gather3A_2857 {strides = array<i32>} : memref<1024xf32, #tpu.memory_space<vmem>>, vector<16xf32>,
    %add3A_2860 = arith.constant 720 : i32
    %add3A_2861 = arith.addi %mul3A_2, %add3A_2860 : i32
    %add3A_2862 = vector.broadcast %add3A_2861 : i32 to vector<16xi32>
    %add3A_2863 = arith.addi %iota3A, %add3A_2862 : vector<16xi32>
    %sub3A_2864 = arith.subi %add3A_2863, %broadcast_in_dim3A : vector<16xi32>
    %bitcast3A_2865 = vector.bitcast %sub3A_2864 : vector<16xi32> to vector<16xi32>
    %sub3A_2866 = arith.subi %add3A_2863, %broadcast_in_dim3A_24 : vector<16xi32>
    %bitcast3A_2867 = vector.bitcast %sub3A_2866 : vector<16xi32> to vector<16xi32>
    %sub3A_2868 = arith.subi %add3A_2863, %broadcast_in_dim3A_29 : vector<16xi32>
    %bitcast3A_2869 = vector.bitcast %sub3A_2868 : vector<16xi32> to vector<16xi32>
    %sub3A_2870 = arith.subi %add3A_2863, %broadcast_in_dim3A_34 : vector<16xi32>
    %bitcast3A_2871 = vector.bitcast %sub3A_2870 : vector<16xi32> to vector<16xi32>
    %sub3A_2872 = arith.subi %add3A_2863, %broadcast_in_dim3A_39 : vector<16xi32>
    %bitcast3A_2873 = vector.bitcast %sub3A_2872 : vector<16xi32> to vector<16xi32>
    %sub3A_2874 = arith.subi %add3A_2863, %broadcast_in_dim3A_44 : vector<16xi32>
    %bitcast3A_2875 = vector.bitcast %sub3A_2874 : vector<16xi32> to vector<16xi32>
    %sub3A_2876 = arith.subi %add3A_2863, %broadcast_in_dim3A_49 : vector<16xi32>
    %bitcast3A_2877 = vector.bitcast %sub3A_2876 : vector<16xi32> to vector<16xi32>
    %sub3A_2878 = arith.subi %add3A_2863, %broadcast_in_dim3A_54 : vector<16xi32>
    %bitcast3A_2879 = vector.bitcast %sub3A_2878 : vector<16xi32> to vector<16xi32>
    %sub3A_2880 = arith.subi %add3A_2863, %broadcast_in_dim3A_59 : vector<16xi32>
    %bitcast3A_2881 = vector.bitcast %sub3A_2880 : vector<16xi32> to vector<16xi32>
    %sub3A_2882 = arith.subi %add3A_2863, %broadcast_in_dim3A_64 : vector<16xi32>
    %bitcast3A_2883 = vector.bitcast %sub3A_2882 : vector<16xi32> to vector<16xi32>
    %sub3A_2884 = arith.subi %add3A_2863, %broadcast_in_dim3A_69 : vector<16xi32>
    %bitcast3A_2885 = vector.bitcast %sub3A_2884 : vector<16xi32> to vector<16xi32>
    %sub3A_2886 = arith.subi %add3A_2863, %broadcast_in_dim3A_74 : vector<16xi32>
    %bitcast3A_2887 = vector.bitcast %sub3A_2886 : vector<16xi32> to vector<16xi32>
    %sub3A_2888 = arith.subi %add3A_2863, %broadcast_in_dim3A_79 : vector<16xi32>
    %bitcast3A_2889 = vector.bitcast %sub3A_2888 : vector<16xi32> to vector<16xi32>
    %sub3A_2890 = arith.subi %add3A_2863, %broadcast_in_dim3A_84 : vector<16xi32>
    %bitcast3A_2891 = vector.bitcast %sub3A_2890 : vector<16xi32> to vector<16xi32>
    %sub3A_2892 = arith.subi %add3A_2863, %broadcast_in_dim3A_89 : vector<16xi32>
    %bitcast3A_2893 = vector.bitcast %sub3A_2892 : vector<16xi32> to vector<16xi32>
    %sub3A_2894 = arith.subi %add3A_2863, %broadcast_in_dim3A_94 : vector<16xi32>
    %bitcast3A_2895 = vector.bitcast %sub3A_2894 : vector<16xi32> to vector<16xi32>
    %min3A_2896 = arith.minui %bitcast3A_2865, %bitcast3A_2867 : vector<16xi32>
    %min3A_2897 = arith.minui %bitcast3A_2869, %bitcast3A_2871 : vector<16xi32>
    %min3A_2898 = arith.minui %bitcast3A_2873, %bitcast3A_2875 : vector<16xi32>
    %min3A_2899 = arith.minui %bitcast3A_2877, %bitcast3A_2879 : vector<16xi32>
    %min3A_2900 = arith.minui %bitcast3A_2881, %bitcast3A_2883 : vector<16xi32>
    %min3A_2901 = arith.minui %bitcast3A_2885, %bitcast3A_2887 : vector<16xi32>
    %min3A_2902 = arith.minui %bitcast3A_2889, %bitcast3A_2891 : vector<16xi32>
    %min3A_2903 = arith.minui %bitcast3A_2893, %bitcast3A_2895 : vector<16xi32>
    %min3A_2904 = arith.minui %min3A_2896, %min3A_2897 : vector<16xi32>
    %min3A_2905 = arith.minui %min3A_2898, %min3A_2899 : vector<16xi32>
    %min3A_2906 = arith.minui %min3A_2900, %min3A_2901 : vector<16xi32>
    %min3A_2907 = arith.minui %min3A_2902, %min3A_2903 : vector<16xi32>
    %min3A_2908 = arith.minui %min3A_2904, %min3A_2905 : vector<16xi32>
    %min3A_2909 = arith.minui %min3A_2906, %min3A_2907 : vector<16xi32>
    %min3A_2910 = arith.minui %min3A_2908, %min3A_2909 : vector<16xi32>
    %bitcast3A_2911 = vector.bitcast %min3A_2910 : vector<16xi32> to vector<16xi32>
    %lt3A_2912 = arith.constant 1024 : i32
    %lt3A_2913 = vector.broadcast %lt3A_2912 : i32 to vector<16xi32>
    %lt3A_2914 = arith.cmpi slt, %bitcast3A_2911, %lt3A_2913 : vector<16xi32>
    %add3A_2915 = vector.broadcast %sub3A_118 : i32 to vector<16xi32>
    %add3A_2916 = arith.addi %bitcast3A_2911, %add3A_2915 : vector<16xi32>
    %select_n3A_2917 = arith.select %lt3A_2914, %bitcast3A_2911, %add3A_2916 : vector<16xi1>, vector<16xi32>
    %gather3A_2918 = tpu.vector_load_idx %arg8[%select_n3A_2917] : memref<2176xf32, #tpu.memory_space<vmem>>[vector<16xi32>], vector<16xf32>,
    %swap3A_2919 = arith.constant 720 : index
    %swap3A_2920 = tpu.vector_load %arg9[%swap3A_2919] {strides = array<i32>} : memref<1024xf32, #tpu.memory_space<vmem>>, vector<16xf32>,
    tpu.vector_store %arg9[%swap3A_2919], %gather3A_2918 {strides = array<i32>} : memref<1024xf32, #tpu.memory_space<vmem>>, vector<16xf32>,
    %add3A_2921 = arith.constant 736 : i32
    %add3A_2922 = arith.addi %mul3A_2, %add3A_2921 : i32
    %add3A_2923 = vector.broadcast %add3A_2922 : i32 to vector<16xi32>
    %add3A_2924 = arith.addi %iota3A, %add3A_2923 : vector<16xi32>
    %sub3A_2925 = arith.subi %add3A_2924, %broadcast_in_dim3A : vector<16xi32>
    %bitcast3A_2926 = vector.bitcast %sub3A_2925 : vector<16xi32> to vector<16xi32>
    %sub3A_2927 = arith.subi %add3A_2924, %broadcast_in_dim3A_24 : vector<16xi32>
    %bitcast3A_2928 = vector.bitcast %sub3A_2927 : vector<16xi32> to vector<16xi32>
    %sub3A_2929 = arith.subi %add3A_2924, %broadcast_in_dim3A_29 : vector<16xi32>
    %bitcast3A_2930 = vector.bitcast %sub3A_2929 : vector<16xi32> to vector<16xi32>
    %sub3A_2931 = arith.subi %add3A_2924, %broadcast_in_dim3A_34 : vector<16xi32>
    %bitcast3A_2932 = vector.bitcast %sub3A_2931 : vector<16xi32> to vector<16xi32>
    %sub3A_2933 = arith.subi %add3A_2924, %broadcast_in_dim3A_39 : vector<16xi32>
    %bitcast3A_2934 = vector.bitcast %sub3A_2933 : vector<16xi32> to vector<16xi32>
    %sub3A_2935 = arith.subi %add3A_2924, %broadcast_in_dim3A_44 : vector<16xi32>
    %bitcast3A_2936 = vector.bitcast %sub3A_2935 : vector<16xi32> to vector<16xi32>
    %sub3A_2937 = arith.subi %add3A_2924, %broadcast_in_dim3A_49 : vector<16xi32>
    %bitcast3A_2938 = vector.bitcast %sub3A_2937 : vector<16xi32> to vector<16xi32>
    %sub3A_2939 = arith.subi %add3A_2924, %broadcast_in_dim3A_54 : vector<16xi32>
    %bitcast3A_2940 = vector.bitcast %sub3A_2939 : vector<16xi32> to vector<16xi32>
    %sub3A_2941 = arith.subi %add3A_2924, %broadcast_in_dim3A_59 : vector<16xi32>
    %bitcast3A_2942 = vector.bitcast %sub3A_2941 : vector<16xi32> to vector<16xi32>
    %sub3A_2943 = arith.subi %add3A_2924, %broadcast_in_dim3A_64 : vector<16xi32>
    %bitcast3A_2944 = vector.bitcast %sub3A_2943 : vector<16xi32> to vector<16xi32>
    %sub3A_2945 = arith.subi %add3A_2924, %broadcast_in_dim3A_69 : vector<16xi32>
    %bitcast3A_2946 = vector.bitcast %sub3A_2945 : vector<16xi32> to vector<16xi32>
    %sub3A_2947 = arith.subi %add3A_2924, %broadcast_in_dim3A_74 : vector<16xi32>
    %bitcast3A_2948 = vector.bitcast %sub3A_2947 : vector<16xi32> to vector<16xi32>
    %sub3A_2949 = arith.subi %add3A_2924, %broadcast_in_dim3A_79 : vector<16xi32>
    %bitcast3A_2950 = vector.bitcast %sub3A_2949 : vector<16xi32> to vector<16xi32>
    %sub3A_2951 = arith.subi %add3A_2924, %broadcast_in_dim3A_84 : vector<16xi32>
    %bitcast3A_2952 = vector.bitcast %sub3A_2951 : vector<16xi32> to vector<16xi32>
    %sub3A_2953 = arith.subi %add3A_2924, %broadcast_in_dim3A_89 : vector<16xi32>
    %bitcast3A_2954 = vector.bitcast %sub3A_2953 : vector<16xi32> to vector<16xi32>
    %sub3A_2955 = arith.subi %add3A_2924, %broadcast_in_dim3A_94 : vector<16xi32>
    %bitcast3A_2956 = vector.bitcast %sub3A_2955 : vector<16xi32> to vector<16xi32>
    %min3A_2957 = arith.minui %bitcast3A_2926, %bitcast3A_2928 : vector<16xi32>
    %min3A_2958 = arith.minui %bitcast3A_2930, %bitcast3A_2932 : vector<16xi32>
    %min3A_2959 = arith.minui %bitcast3A_2934, %bitcast3A_2936 : vector<16xi32>
    %min3A_2960 = arith.minui %bitcast3A_2938, %bitcast3A_2940 : vector<16xi32>
    %min3A_2961 = arith.minui %bitcast3A_2942, %bitcast3A_2944 : vector<16xi32>
    %min3A_2962 = arith.minui %bitcast3A_2946, %bitcast3A_2948 : vector<16xi32>
    %min3A_2963 = arith.minui %bitcast3A_2950, %bitcast3A_2952 : vector<16xi32>
    %min3A_2964 = arith.minui %bitcast3A_2954, %bitcast3A_2956 : vector<16xi32>
    %min3A_2965 = arith.minui %min3A_2957, %min3A_2958 : vector<16xi32>
    %min3A_2966 = arith.minui %min3A_2959, %min3A_2960 : vector<16xi32>
    %min3A_2967 = arith.minui %min3A_2961, %min3A_2962 : vector<16xi32>
    %min3A_2968 = arith.minui %min3A_2963, %min3A_2964 : vector<16xi32>
    %min3A_2969 = arith.minui %min3A_2965, %min3A_2966 : vector<16xi32>
    %min3A_2970 = arith.minui %min3A_2967, %min3A_2968 : vector<16xi32>
    %min3A_2971 = arith.minui %min3A_2969, %min3A_2970 : vector<16xi32>
    %bitcast3A_2972 = vector.bitcast %min3A_2971 : vector<16xi32> to vector<16xi32>
    %lt3A_2973 = arith.constant 1024 : i32
    %lt3A_2974 = vector.broadcast %lt3A_2973 : i32 to vector<16xi32>
    %lt3A_2975 = arith.cmpi slt, %bitcast3A_2972, %lt3A_2974 : vector<16xi32>
    %add3A_2976 = vector.broadcast %sub3A_118 : i32 to vector<16xi32>
    %add3A_2977 = arith.addi %bitcast3A_2972, %add3A_2976 : vector<16xi32>
    %select_n3A_2978 = arith.select %lt3A_2975, %bitcast3A_2972, %add3A_2977 : vector<16xi1>, vector<16xi32>
    %gather3A_2979 = tpu.vector_load_idx %arg8[%select_n3A_2978] : memref<2176xf32, #tpu.memory_space<vmem>>[vector<16xi32>], vector<16xf32>,
    %swap3A_2980 = arith.constant 736 : index
    %swap3A_2981 = tpu.vector_load %arg9[%swap3A_2980] {strides = array<i32>} : memref<1024xf32, #tpu.memory_space<vmem>>, vector<16xf32>,
    tpu.vector_store %arg9[%swap3A_2980], %gather3A_2979 {strides = array<i32>} : memref<1024xf32, #tpu.memory_space<vmem>>, vector<16xf32>,
    %add3A_2982 = arith.constant 752 : i32
    %add3A_2983 = arith.addi %mul3A_2, %add3A_2982 : i32
    %add3A_2984 = vector.broadcast %add3A_2983 : i32 to vector<16xi32>
    %add3A_2985 = arith.addi %iota3A, %add3A_2984 : vector<16xi32>
    %sub3A_2986 = arith.subi %add3A_2985, %broadcast_in_dim3A : vector<16xi32>
    %bitcast3A_2987 = vector.bitcast %sub3A_2986 : vector<16xi32> to vector<16xi32>
    %sub3A_2988 = arith.subi %add3A_2985, %broadcast_in_dim3A_24 : vector<16xi32>
    %bitcast3A_2989 = vector.bitcast %sub3A_2988 : vector<16xi32> to vector<16xi32>
    %sub3A_2990 = arith.subi %add3A_2985, %broadcast_in_dim3A_29 : vector<16xi32>
    %bitcast3A_2991 = vector.bitcast %sub3A_2990 : vector<16xi32> to vector<16xi32>
    %sub3A_2992 = arith.subi %add3A_2985, %broadcast_in_dim3A_34 : vector<16xi32>
    %bitcast3A_2993 = vector.bitcast %sub3A_2992 : vector<16xi32> to vector<16xi32>
    %sub3A_2994 = arith.subi %add3A_2985, %broadcast_in_dim3A_39 : vector<16xi32>
    %bitcast3A_2995 = vector.bitcast %sub3A_2994 : vector<16xi32> to vector<16xi32>
    %sub3A_2996 = arith.subi %add3A_2985, %broadcast_in_dim3A_44 : vector<16xi32>
    %bitcast3A_2997 = vector.bitcast %sub3A_2996 : vector<16xi32> to vector<16xi32>
    %sub3A_2998 = arith.subi %add3A_2985, %broadcast_in_dim3A_49 : vector<16xi32>
    %bitcast3A_2999 = vector.bitcast %sub3A_2998 : vector<16xi32> to vector<16xi32>
    %sub3A_3000 = arith.subi %add3A_2985, %broadcast_in_dim3A_54 : vector<16xi32>
    %bitcast3A_3001 = vector.bitcast %sub3A_3000 : vector<16xi32> to vector<16xi32>
    %sub3A_3002 = arith.subi %add3A_2985, %broadcast_in_dim3A_59 : vector<16xi32>
    %bitcast3A_3003 = vector.bitcast %sub3A_3002 : vector<16xi32> to vector<16xi32>
    %sub3A_3004 = arith.subi %add3A_2985, %broadcast_in_dim3A_64 : vector<16xi32>
    %bitcast3A_3005 = vector.bitcast %sub3A_3004 : vector<16xi32> to vector<16xi32>
    %sub3A_3006 = arith.subi %add3A_2985, %broadcast_in_dim3A_69 : vector<16xi32>
    %bitcast3A_3007 = vector.bitcast %sub3A_3006 : vector<16xi32> to vector<16xi32>
    %sub3A_3008 = arith.subi %add3A_2985, %broadcast_in_dim3A_74 : vector<16xi32>
    %bitcast3A_3009 = vector.bitcast %sub3A_3008 : vector<16xi32> to vector<16xi32>
    %sub3A_3010 = arith.subi %add3A_2985, %broadcast_in_dim3A_79 : vector<16xi32>
    %bitcast3A_3011 = vector.bitcast %sub3A_3010 : vector<16xi32> to vector<16xi32>
    %sub3A_3012 = arith.subi %add3A_2985, %broadcast_in_dim3A_84 : vector<16xi32>
    %bitcast3A_3013 = vector.bitcast %sub3A_3012 : vector<16xi32> to vector<16xi32>
    %sub3A_3014 = arith.subi %add3A_2985, %broadcast_in_dim3A_89 : vector<16xi32>
    %bitcast3A_3015 = vector.bitcast %sub3A_3014 : vector<16xi32> to vector<16xi32>
    %sub3A_3016 = arith.subi %add3A_2985, %broadcast_in_dim3A_94 : vector<16xi32>
    %bitcast3A_3017 = vector.bitcast %sub3A_3016 : vector<16xi32> to vector<16xi32>
    %min3A_3018 = arith.minui %bitcast3A_2987, %bitcast3A_2989 : vector<16xi32>
    %min3A_3019 = arith.minui %bitcast3A_2991, %bitcast3A_2993 : vector<16xi32>
    %min3A_3020 = arith.minui %bitcast3A_2995, %bitcast3A_2997 : vector<16xi32>
    %min3A_3021 = arith.minui %bitcast3A_2999, %bitcast3A_3001 : vector<16xi32>
    %min3A_3022 = arith.minui %bitcast3A_3003, %bitcast3A_3005 : vector<16xi32>
    %min3A_3023 = arith.minui %bitcast3A_3007, %bitcast3A_3009 : vector<16xi32>
    %min3A_3024 = arith.minui %bitcast3A_3011, %bitcast3A_3013 : vector<16xi32>
    %min3A_3025 = arith.minui %bitcast3A_3015, %bitcast3A_3017 : vector<16xi32>
    %min3A_3026 = arith.minui %min3A_3018, %min3A_3019 : vector<16xi32>
    %min3A_3027 = arith.minui %min3A_3020, %min3A_3021 : vector<16xi32>
    %min3A_3028 = arith.minui %min3A_3022, %min3A_3023 : vector<16xi32>
    %min3A_3029 = arith.minui %min3A_3024, %min3A_3025 : vector<16xi32>
    %min3A_3030 = arith.minui %min3A_3026, %min3A_3027 : vector<16xi32>
    %min3A_3031 = arith.minui %min3A_3028, %min3A_3029 : vector<16xi32>
    %min3A_3032 = arith.minui %min3A_3030, %min3A_3031 : vector<16xi32>
    %bitcast3A_3033 = vector.bitcast %min3A_3032 : vector<16xi32> to vector<16xi32>
    %lt3A_3034 = arith.constant 1024 : i32
    %lt3A_3035 = vector.broadcast %lt3A_3034 : i32 to vector<16xi32>
    %lt3A_3036 = arith.cmpi slt, %bitcast3A_3033, %lt3A_3035 : vector<16xi32>
    %add3A_3037 = vector.broadcast %sub3A_118 : i32 to vector<16xi32>
    %add3A_3038 = arith.addi %bitcast3A_3033, %add3A_3037 : vector<16xi32>
    %select_n3A_3039 = arith.select %lt3A_3036, %bitcast3A_3033, %add3A_3038 : vector<16xi1>, vector<16xi32>
    %gather3A_3040 = tpu.vector_load_idx %arg8[%select_n3A_3039] : memref<2176xf32, #tpu.memory_space<vmem>>[vector<16xi32>], vector<16xf32>,
    %swap3A_3041 = arith.constant 752 : index
    %swap3A_3042 = tpu.vector_load %arg9[%swap3A_3041] {strides = array<i32>} : memref<1024xf32, #tpu.memory_space<vmem>>, vector<16xf32>,
    tpu.vector_store %arg9[%swap3A_3041], %gather3A_3040 {strides = array<i32>} : memref<1024xf32, #tpu.memory_space<vmem>>, vector<16xf32>,
    %add3A_3043 = arith.constant 768 : i32
    %add3A_3044 = arith.addi %mul3A_2, %add3A_3043 : i32
    %add3A_3045 = vector.broadcast %add3A_3044 : i32 to vector<16xi32>
    %add3A_3046 = arith.addi %iota3A, %add3A_3045 : vector<16xi32>
    %sub3A_3047 = arith.subi %add3A_3046, %broadcast_in_dim3A : vector<16xi32>
    %bitcast3A_3048 = vector.bitcast %sub3A_3047 : vector<16xi32> to vector<16xi32>
    %sub3A_3049 = arith.subi %add3A_3046, %broadcast_in_dim3A_24 : vector<16xi32>
    %bitcast3A_3050 = vector.bitcast %sub3A_3049 : vector<16xi32> to vector<16xi32>
    %sub3A_3051 = arith.subi %add3A_3046, %broadcast_in_dim3A_29 : vector<16xi32>
    %bitcast3A_3052 = vector.bitcast %sub3A_3051 : vector<16xi32> to vector<16xi32>
    %sub3A_3053 = arith.subi %add3A_3046, %broadcast_in_dim3A_34 : vector<16xi32>
    %bitcast3A_3054 = vector.bitcast %sub3A_3053 : vector<16xi32> to vector<16xi32>
    %sub3A_3055 = arith.subi %add3A_3046, %broadcast_in_dim3A_39 : vector<16xi32>
    %bitcast3A_3056 = vector.bitcast %sub3A_3055 : vector<16xi32> to vector<16xi32>
    %sub3A_3057 = arith.subi %add3A_3046, %broadcast_in_dim3A_44 : vector<16xi32>
    %bitcast3A_3058 = vector.bitcast %sub3A_3057 : vector<16xi32> to vector<16xi32>
    %sub3A_3059 = arith.subi %add3A_3046, %broadcast_in_dim3A_49 : vector<16xi32>
    %bitcast3A_3060 = vector.bitcast %sub3A_3059 : vector<16xi32> to vector<16xi32>
    %sub3A_3061 = arith.subi %add3A_3046, %broadcast_in_dim3A_54 : vector<16xi32>
    %bitcast3A_3062 = vector.bitcast %sub3A_3061 : vector<16xi32> to vector<16xi32>
    %sub3A_3063 = arith.subi %add3A_3046, %broadcast_in_dim3A_59 : vector<16xi32>
    %bitcast3A_3064 = vector.bitcast %sub3A_3063 : vector<16xi32> to vector<16xi32>
    %sub3A_3065 = arith.subi %add3A_3046, %broadcast_in_dim3A_64 : vector<16xi32>
    %bitcast3A_3066 = vector.bitcast %sub3A_3065 : vector<16xi32> to vector<16xi32>
    %sub3A_3067 = arith.subi %add3A_3046, %broadcast_in_dim3A_69 : vector<16xi32>
    %bitcast3A_3068 = vector.bitcast %sub3A_3067 : vector<16xi32> to vector<16xi32>
    %sub3A_3069 = arith.subi %add3A_3046, %broadcast_in_dim3A_74 : vector<16xi32>
    %bitcast3A_3070 = vector.bitcast %sub3A_3069 : vector<16xi32> to vector<16xi32>
    %sub3A_3071 = arith.subi %add3A_3046, %broadcast_in_dim3A_79 : vector<16xi32>
    %bitcast3A_3072 = vector.bitcast %sub3A_3071 : vector<16xi32> to vector<16xi32>
    %sub3A_3073 = arith.subi %add3A_3046, %broadcast_in_dim3A_84 : vector<16xi32>
    %bitcast3A_3074 = vector.bitcast %sub3A_3073 : vector<16xi32> to vector<16xi32>
    %sub3A_3075 = arith.subi %add3A_3046, %broadcast_in_dim3A_89 : vector<16xi32>
    %bitcast3A_3076 = vector.bitcast %sub3A_3075 : vector<16xi32> to vector<16xi32>
    %sub3A_3077 = arith.subi %add3A_3046, %broadcast_in_dim3A_94 : vector<16xi32>
    %bitcast3A_3078 = vector.bitcast %sub3A_3077 : vector<16xi32> to vector<16xi32>
    %min3A_3079 = arith.minui %bitcast3A_3048, %bitcast3A_3050 : vector<16xi32>
    %min3A_3080 = arith.minui %bitcast3A_3052, %bitcast3A_3054 : vector<16xi32>
    %min3A_3081 = arith.minui %bitcast3A_3056, %bitcast3A_3058 : vector<16xi32>
    %min3A_3082 = arith.minui %bitcast3A_3060, %bitcast3A_3062 : vector<16xi32>
    %min3A_3083 = arith.minui %bitcast3A_3064, %bitcast3A_3066 : vector<16xi32>
    %min3A_3084 = arith.minui %bitcast3A_3068, %bitcast3A_3070 : vector<16xi32>
    %min3A_3085 = arith.minui %bitcast3A_3072, %bitcast3A_3074 : vector<16xi32>
    %min3A_3086 = arith.minui %bitcast3A_3076, %bitcast3A_3078 : vector<16xi32>
    %min3A_3087 = arith.minui %min3A_3079, %min3A_3080 : vector<16xi32>
    %min3A_3088 = arith.minui %min3A_3081, %min3A_3082 : vector<16xi32>
    %min3A_3089 = arith.minui %min3A_3083, %min3A_3084 : vector<16xi32>
    %min3A_3090 = arith.minui %min3A_3085, %min3A_3086 : vector<16xi32>
    %min3A_3091 = arith.minui %min3A_3087, %min3A_3088 : vector<16xi32>
    %min3A_3092 = arith.minui %min3A_3089, %min3A_3090 : vector<16xi32>
    %min3A_3093 = arith.minui %min3A_3091, %min3A_3092 : vector<16xi32>
    %bitcast3A_3094 = vector.bitcast %min3A_3093 : vector<16xi32> to vector<16xi32>
    %lt3A_3095 = arith.constant 1024 : i32
    %lt3A_3096 = vector.broadcast %lt3A_3095 : i32 to vector<16xi32>
    %lt3A_3097 = arith.cmpi slt, %bitcast3A_3094, %lt3A_3096 : vector<16xi32>
    %add3A_3098 = vector.broadcast %sub3A_118 : i32 to vector<16xi32>
    %add3A_3099 = arith.addi %bitcast3A_3094, %add3A_3098 : vector<16xi32>
    %select_n3A_3100 = arith.select %lt3A_3097, %bitcast3A_3094, %add3A_3099 : vector<16xi1>, vector<16xi32>
    %gather3A_3101 = tpu.vector_load_idx %arg8[%select_n3A_3100] : memref<2176xf32, #tpu.memory_space<vmem>>[vector<16xi32>], vector<16xf32>,
    %swap3A_3102 = arith.constant 768 : index
    %swap3A_3103 = tpu.vector_load %arg9[%swap3A_3102] {strides = array<i32>} : memref<1024xf32, #tpu.memory_space<vmem>>, vector<16xf32>,
    tpu.vector_store %arg9[%swap3A_3102], %gather3A_3101 {strides = array<i32>} : memref<1024xf32, #tpu.memory_space<vmem>>, vector<16xf32>,
    %add3A_3104 = arith.constant 784 : i32
    %add3A_3105 = arith.addi %mul3A_2, %add3A_3104 : i32
    %add3A_3106 = vector.broadcast %add3A_3105 : i32 to vector<16xi32>
    %add3A_3107 = arith.addi %iota3A, %add3A_3106 : vector<16xi32>
    %sub3A_3108 = arith.subi %add3A_3107, %broadcast_in_dim3A : vector<16xi32>
    %bitcast3A_3109 = vector.bitcast %sub3A_3108 : vector<16xi32> to vector<16xi32>
    %sub3A_3110 = arith.subi %add3A_3107, %broadcast_in_dim3A_24 : vector<16xi32>
    %bitcast3A_3111 = vector.bitcast %sub3A_3110 : vector<16xi32> to vector<16xi32>
    %sub3A_3112 = arith.subi %add3A_3107, %broadcast_in_dim3A_29 : vector<16xi32>
    %bitcast3A_3113 = vector.bitcast %sub3A_3112 : vector<16xi32> to vector<16xi32>
    %sub3A_3114 = arith.subi %add3A_3107, %broadcast_in_dim3A_34 : vector<16xi32>
    %bitcast3A_3115 = vector.bitcast %sub3A_3114 : vector<16xi32> to vector<16xi32>
    %sub3A_3116 = arith.subi %add3A_3107, %broadcast_in_dim3A_39 : vector<16xi32>
    %bitcast3A_3117 = vector.bitcast %sub3A_3116 : vector<16xi32> to vector<16xi32>
    %sub3A_3118 = arith.subi %add3A_3107, %broadcast_in_dim3A_44 : vector<16xi32>
    %bitcast3A_3119 = vector.bitcast %sub3A_3118 : vector<16xi32> to vector<16xi32>
    %sub3A_3120 = arith.subi %add3A_3107, %broadcast_in_dim3A_49 : vector<16xi32>
    %bitcast3A_3121 = vector.bitcast %sub3A_3120 : vector<16xi32> to vector<16xi32>
    %sub3A_3122 = arith.subi %add3A_3107, %broadcast_in_dim3A_54 : vector<16xi32>
    %bitcast3A_3123 = vector.bitcast %sub3A_3122 : vector<16xi32> to vector<16xi32>
    %sub3A_3124 = arith.subi %add3A_3107, %broadcast_in_dim3A_59 : vector<16xi32>
    %bitcast3A_3125 = vector.bitcast %sub3A_3124 : vector<16xi32> to vector<16xi32>
    %sub3A_3126 = arith.subi %add3A_3107, %broadcast_in_dim3A_64 : vector<16xi32>
    %bitcast3A_3127 = vector.bitcast %sub3A_3126 : vector<16xi32> to vector<16xi32>
    %sub3A_3128 = arith.subi %add3A_3107, %broadcast_in_dim3A_69 : vector<16xi32>
    %bitcast3A_3129 = vector.bitcast %sub3A_3128 : vector<16xi32> to vector<16xi32>
    %sub3A_3130 = arith.subi %add3A_3107, %broadcast_in_dim3A_74 : vector<16xi32>
    %bitcast3A_3131 = vector.bitcast %sub3A_3130 : vector<16xi32> to vector<16xi32>
    %sub3A_3132 = arith.subi %add3A_3107, %broadcast_in_dim3A_79 : vector<16xi32>
    %bitcast3A_3133 = vector.bitcast %sub3A_3132 : vector<16xi32> to vector<16xi32>
    %sub3A_3134 = arith.subi %add3A_3107, %broadcast_in_dim3A_84 : vector<16xi32>
    %bitcast3A_3135 = vector.bitcast %sub3A_3134 : vector<16xi32> to vector<16xi32>
    %sub3A_3136 = arith.subi %add3A_3107, %broadcast_in_dim3A_89 : vector<16xi32>
    %bitcast3A_3137 = vector.bitcast %sub3A_3136 : vector<16xi32> to vector<16xi32>
    %sub3A_3138 = arith.subi %add3A_3107, %broadcast_in_dim3A_94 : vector<16xi32>
    %bitcast3A_3139 = vector.bitcast %sub3A_3138 : vector<16xi32> to vector<16xi32>
    %min3A_3140 = arith.minui %bitcast3A_3109, %bitcast3A_3111 : vector<16xi32>
    %min3A_3141 = arith.minui %bitcast3A_3113, %bitcast3A_3115 : vector<16xi32>
    %min3A_3142 = arith.minui %bitcast3A_3117, %bitcast3A_3119 : vector<16xi32>
    %min3A_3143 = arith.minui %bitcast3A_3121, %bitcast3A_3123 : vector<16xi32>
    %min3A_3144 = arith.minui %bitcast3A_3125, %bitcast3A_3127 : vector<16xi32>
    %min3A_3145 = arith.minui %bitcast3A_3129, %bitcast3A_3131 : vector<16xi32>
    %min3A_3146 = arith.minui %bitcast3A_3133, %bitcast3A_3135 : vector<16xi32>
    %min3A_3147 = arith.minui %bitcast3A_3137, %bitcast3A_3139 : vector<16xi32>
    %min3A_3148 = arith.minui %min3A_3140, %min3A_3141 : vector<16xi32>
    %min3A_3149 = arith.minui %min3A_3142, %min3A_3143 : vector<16xi32>
    %min3A_3150 = arith.minui %min3A_3144, %min3A_3145 : vector<16xi32>
    %min3A_3151 = arith.minui %min3A_3146, %min3A_3147 : vector<16xi32>
    %min3A_3152 = arith.minui %min3A_3148, %min3A_3149 : vector<16xi32>
    %min3A_3153 = arith.minui %min3A_3150, %min3A_3151 : vector<16xi32>
    %min3A_3154 = arith.minui %min3A_3152, %min3A_3153 : vector<16xi32>
    %bitcast3A_3155 = vector.bitcast %min3A_3154 : vector<16xi32> to vector<16xi32>
    %lt3A_3156 = arith.constant 1024 : i32
    %lt3A_3157 = vector.broadcast %lt3A_3156 : i32 to vector<16xi32>
    %lt3A_3158 = arith.cmpi slt, %bitcast3A_3155, %lt3A_3157 : vector<16xi32>
    %add3A_3159 = vector.broadcast %sub3A_118 : i32 to vector<16xi32>
    %add3A_3160 = arith.addi %bitcast3A_3155, %add3A_3159 : vector<16xi32>
    %select_n3A_3161 = arith.select %lt3A_3158, %bitcast3A_3155, %add3A_3160 : vector<16xi1>, vector<16xi32>
    %gather3A_3162 = tpu.vector_load_idx %arg8[%select_n3A_3161] : memref<2176xf32, #tpu.memory_space<vmem>>[vector<16xi32>], vector<16xf32>,
    %swap3A_3163 = arith.constant 784 : index
    %swap3A_3164 = tpu.vector_load %arg9[%swap3A_3163] {strides = array<i32>} : memref<1024xf32, #tpu.memory_space<vmem>>, vector<16xf32>,
    tpu.vector_store %arg9[%swap3A_3163], %gather3A_3162 {strides = array<i32>} : memref<1024xf32, #tpu.memory_space<vmem>>, vector<16xf32>,
    %add3A_3165 = arith.constant 800 : i32
    %add3A_3166 = arith.addi %mul3A_2, %add3A_3165 : i32
    %add3A_3167 = vector.broadcast %add3A_3166 : i32 to vector<16xi32>
    %add3A_3168 = arith.addi %iota3A, %add3A_3167 : vector<16xi32>
    %sub3A_3169 = arith.subi %add3A_3168, %broadcast_in_dim3A : vector<16xi32>
    %bitcast3A_3170 = vector.bitcast %sub3A_3169 : vector<16xi32> to vector<16xi32>
    %sub3A_3171 = arith.subi %add3A_3168, %broadcast_in_dim3A_24 : vector<16xi32>
    %bitcast3A_3172 = vector.bitcast %sub3A_3171 : vector<16xi32> to vector<16xi32>
    %sub3A_3173 = arith.subi %add3A_3168, %broadcast_in_dim3A_29 : vector<16xi32>
    %bitcast3A_3174 = vector.bitcast %sub3A_3173 : vector<16xi32> to vector<16xi32>
    %sub3A_3175 = arith.subi %add3A_3168, %broadcast_in_dim3A_34 : vector<16xi32>
    %bitcast3A_3176 = vector.bitcast %sub3A_3175 : vector<16xi32> to vector<16xi32>
    %sub3A_3177 = arith.subi %add3A_3168, %broadcast_in_dim3A_39 : vector<16xi32>
    %bitcast3A_3178 = vector.bitcast %sub3A_3177 : vector<16xi32> to vector<16xi32>
    %sub3A_3179 = arith.subi %add3A_3168, %broadcast_in_dim3A_44 : vector<16xi32>
    %bitcast3A_3180 = vector.bitcast %sub3A_3179 : vector<16xi32> to vector<16xi32>
    %sub3A_3181 = arith.subi %add3A_3168, %broadcast_in_dim3A_49 : vector<16xi32>
    %bitcast3A_3182 = vector.bitcast %sub3A_3181 : vector<16xi32> to vector<16xi32>
    %sub3A_3183 = arith.subi %add3A_3168, %broadcast_in_dim3A_54 : vector<16xi32>
    %bitcast3A_3184 = vector.bitcast %sub3A_3183 : vector<16xi32> to vector<16xi32>
    %sub3A_3185 = arith.subi %add3A_3168, %broadcast_in_dim3A_59 : vector<16xi32>
    %bitcast3A_3186 = vector.bitcast %sub3A_3185 : vector<16xi32> to vector<16xi32>
    %sub3A_3187 = arith.subi %add3A_3168, %broadcast_in_dim3A_64 : vector<16xi32>
    %bitcast3A_3188 = vector.bitcast %sub3A_3187 : vector<16xi32> to vector<16xi32>
    %sub3A_3189 = arith.subi %add3A_3168, %broadcast_in_dim3A_69 : vector<16xi32>
    %bitcast3A_3190 = vector.bitcast %sub3A_3189 : vector<16xi32> to vector<16xi32>
    %sub3A_3191 = arith.subi %add3A_3168, %broadcast_in_dim3A_74 : vector<16xi32>
    %bitcast3A_3192 = vector.bitcast %sub3A_3191 : vector<16xi32> to vector<16xi32>
    %sub3A_3193 = arith.subi %add3A_3168, %broadcast_in_dim3A_79 : vector<16xi32>
    %bitcast3A_3194 = vector.bitcast %sub3A_3193 : vector<16xi32> to vector<16xi32>
    %sub3A_3195 = arith.subi %add3A_3168, %broadcast_in_dim3A_84 : vector<16xi32>
    %bitcast3A_3196 = vector.bitcast %sub3A_3195 : vector<16xi32> to vector<16xi32>
    %sub3A_3197 = arith.subi %add3A_3168, %broadcast_in_dim3A_89 : vector<16xi32>
    %bitcast3A_3198 = vector.bitcast %sub3A_3197 : vector<16xi32> to vector<16xi32>
    %sub3A_3199 = arith.subi %add3A_3168, %broadcast_in_dim3A_94 : vector<16xi32>
    %bitcast3A_3200 = vector.bitcast %sub3A_3199 : vector<16xi32> to vector<16xi32>
    %min3A_3201 = arith.minui %bitcast3A_3170, %bitcast3A_3172 : vector<16xi32>
    %min3A_3202 = arith.minui %bitcast3A_3174, %bitcast3A_3176 : vector<16xi32>
    %min3A_3203 = arith.minui %bitcast3A_3178, %bitcast3A_3180 : vector<16xi32>
    %min3A_3204 = arith.minui %bitcast3A_3182, %bitcast3A_3184 : vector<16xi32>
    %min3A_3205 = arith.minui %bitcast3A_3186, %bitcast3A_3188 : vector<16xi32>
    %min3A_3206 = arith.minui %bitcast3A_3190, %bitcast3A_3192 : vector<16xi32>
    %min3A_3207 = arith.minui %bitcast3A_3194, %bitcast3A_3196 : vector<16xi32>
    %min3A_3208 = arith.minui %bitcast3A_3198, %bitcast3A_3200 : vector<16xi32>
    %min3A_3209 = arith.minui %min3A_3201, %min3A_3202 : vector<16xi32>
    %min3A_3210 = arith.minui %min3A_3203, %min3A_3204 : vector<16xi32>
    %min3A_3211 = arith.minui %min3A_3205, %min3A_3206 : vector<16xi32>
    %min3A_3212 = arith.minui %min3A_3207, %min3A_3208 : vector<16xi32>
    %min3A_3213 = arith.minui %min3A_3209, %min3A_3210 : vector<16xi32>
    %min3A_3214 = arith.minui %min3A_3211, %min3A_3212 : vector<16xi32>
    %min3A_3215 = arith.minui %min3A_3213, %min3A_3214 : vector<16xi32>
    %bitcast3A_3216 = vector.bitcast %min3A_3215 : vector<16xi32> to vector<16xi32>
    %lt3A_3217 = arith.constant 1024 : i32
    %lt3A_3218 = vector.broadcast %lt3A_3217 : i32 to vector<16xi32>
    %lt3A_3219 = arith.cmpi slt, %bitcast3A_3216, %lt3A_3218 : vector<16xi32>
    %add3A_3220 = vector.broadcast %sub3A_118 : i32 to vector<16xi32>
    %add3A_3221 = arith.addi %bitcast3A_3216, %add3A_3220 : vector<16xi32>
    %select_n3A_3222 = arith.select %lt3A_3219, %bitcast3A_3216, %add3A_3221 : vector<16xi1>, vector<16xi32>
    %gather3A_3223 = tpu.vector_load_idx %arg8[%select_n3A_3222] : memref<2176xf32, #tpu.memory_space<vmem>>[vector<16xi32>], vector<16xf32>,
    %swap3A_3224 = arith.constant 800 : index
    %swap3A_3225 = tpu.vector_load %arg9[%swap3A_3224] {strides = array<i32>} : memref<1024xf32, #tpu.memory_space<vmem>>, vector<16xf32>,
    tpu.vector_store %arg9[%swap3A_3224], %gather3A_3223 {strides = array<i32>} : memref<1024xf32, #tpu.memory_space<vmem>>, vector<16xf32>,
    %add3A_3226 = arith.constant 816 : i32
    %add3A_3227 = arith.addi %mul3A_2, %add3A_3226 : i32
    %add3A_3228 = vector.broadcast %add3A_3227 : i32 to vector<16xi32>
    %add3A_3229 = arith.addi %iota3A, %add3A_3228 : vector<16xi32>
    %sub3A_3230 = arith.subi %add3A_3229, %broadcast_in_dim3A : vector<16xi32>
    %bitcast3A_3231 = vector.bitcast %sub3A_3230 : vector<16xi32> to vector<16xi32>
    %sub3A_3232 = arith.subi %add3A_3229, %broadcast_in_dim3A_24 : vector<16xi32>
    %bitcast3A_3233 = vector.bitcast %sub3A_3232 : vector<16xi32> to vector<16xi32>
    %sub3A_3234 = arith.subi %add3A_3229, %broadcast_in_dim3A_29 : vector<16xi32>
    %bitcast3A_3235 = vector.bitcast %sub3A_3234 : vector<16xi32> to vector<16xi32>
    %sub3A_3236 = arith.subi %add3A_3229, %broadcast_in_dim3A_34 : vector<16xi32>
    %bitcast3A_3237 = vector.bitcast %sub3A_3236 : vector<16xi32> to vector<16xi32>
    %sub3A_3238 = arith.subi %add3A_3229, %broadcast_in_dim3A_39 : vector<16xi32>
    %bitcast3A_3239 = vector.bitcast %sub3A_3238 : vector<16xi32> to vector<16xi32>
    %sub3A_3240 = arith.subi %add3A_3229, %broadcast_in_dim3A_44 : vector<16xi32>
    %bitcast3A_3241 = vector.bitcast %sub3A_3240 : vector<16xi32> to vector<16xi32>
    %sub3A_3242 = arith.subi %add3A_3229, %broadcast_in_dim3A_49 : vector<16xi32>
    %bitcast3A_3243 = vector.bitcast %sub3A_3242 : vector<16xi32> to vector<16xi32>
    %sub3A_3244 = arith.subi %add3A_3229, %broadcast_in_dim3A_54 : vector<16xi32>
    %bitcast3A_3245 = vector.bitcast %sub3A_3244 : vector<16xi32> to vector<16xi32>
    %sub3A_3246 = arith.subi %add3A_3229, %broadcast_in_dim3A_59 : vector<16xi32>
    %bitcast3A_3247 = vector.bitcast %sub3A_3246 : vector<16xi32> to vector<16xi32>
    %sub3A_3248 = arith.subi %add3A_3229, %broadcast_in_dim3A_64 : vector<16xi32>
    %bitcast3A_3249 = vector.bitcast %sub3A_3248 : vector<16xi32> to vector<16xi32>
    %sub3A_3250 = arith.subi %add3A_3229, %broadcast_in_dim3A_69 : vector<16xi32>
    %bitcast3A_3251 = vector.bitcast %sub3A_3250 : vector<16xi32> to vector<16xi32>
    %sub3A_3252 = arith.subi %add3A_3229, %broadcast_in_dim3A_74 : vector<16xi32>
    %bitcast3A_3253 = vector.bitcast %sub3A_3252 : vector<16xi32> to vector<16xi32>
    %sub3A_3254 = arith.subi %add3A_3229, %broadcast_in_dim3A_79 : vector<16xi32>
    %bitcast3A_3255 = vector.bitcast %sub3A_3254 : vector<16xi32> to vector<16xi32>
    %sub3A_3256 = arith.subi %add3A_3229, %broadcast_in_dim3A_84 : vector<16xi32>
    %bitcast3A_3257 = vector.bitcast %sub3A_3256 : vector<16xi32> to vector<16xi32>
    %sub3A_3258 = arith.subi %add3A_3229, %broadcast_in_dim3A_89 : vector<16xi32>
    %bitcast3A_3259 = vector.bitcast %sub3A_3258 : vector<16xi32> to vector<16xi32>
    %sub3A_3260 = arith.subi %add3A_3229, %broadcast_in_dim3A_94 : vector<16xi32>
    %bitcast3A_3261 = vector.bitcast %sub3A_3260 : vector<16xi32> to vector<16xi32>
    %min3A_3262 = arith.minui %bitcast3A_3231, %bitcast3A_3233 : vector<16xi32>
    %min3A_3263 = arith.minui %bitcast3A_3235, %bitcast3A_3237 : vector<16xi32>
    %min3A_3264 = arith.minui %bitcast3A_3239, %bitcast3A_3241 : vector<16xi32>
    %min3A_3265 = arith.minui %bitcast3A_3243, %bitcast3A_3245 : vector<16xi32>
    %min3A_3266 = arith.minui %bitcast3A_3247, %bitcast3A_3249 : vector<16xi32>
    %min3A_3267 = arith.minui %bitcast3A_3251, %bitcast3A_3253 : vector<16xi32>
    %min3A_3268 = arith.minui %bitcast3A_3255, %bitcast3A_3257 : vector<16xi32>
    %min3A_3269 = arith.minui %bitcast3A_3259, %bitcast3A_3261 : vector<16xi32>
    %min3A_3270 = arith.minui %min3A_3262, %min3A_3263 : vector<16xi32>
    %min3A_3271 = arith.minui %min3A_3264, %min3A_3265 : vector<16xi32>
    %min3A_3272 = arith.minui %min3A_3266, %min3A_3267 : vector<16xi32>
    %min3A_3273 = arith.minui %min3A_3268, %min3A_3269 : vector<16xi32>
    %min3A_3274 = arith.minui %min3A_3270, %min3A_3271 : vector<16xi32>
    %min3A_3275 = arith.minui %min3A_3272, %min3A_3273 : vector<16xi32>
    %min3A_3276 = arith.minui %min3A_3274, %min3A_3275 : vector<16xi32>
    %bitcast3A_3277 = vector.bitcast %min3A_3276 : vector<16xi32> to vector<16xi32>
    %lt3A_3278 = arith.constant 1024 : i32
    %lt3A_3279 = vector.broadcast %lt3A_3278 : i32 to vector<16xi32>
    %lt3A_3280 = arith.cmpi slt, %bitcast3A_3277, %lt3A_3279 : vector<16xi32>
    %add3A_3281 = vector.broadcast %sub3A_118 : i32 to vector<16xi32>
    %add3A_3282 = arith.addi %bitcast3A_3277, %add3A_3281 : vector<16xi32>
    %select_n3A_3283 = arith.select %lt3A_3280, %bitcast3A_3277, %add3A_3282 : vector<16xi1>, vector<16xi32>
    %gather3A_3284 = tpu.vector_load_idx %arg8[%select_n3A_3283] : memref<2176xf32, #tpu.memory_space<vmem>>[vector<16xi32>], vector<16xf32>,
    %swap3A_3285 = arith.constant 816 : index
    %swap3A_3286 = tpu.vector_load %arg9[%swap3A_3285] {strides = array<i32>} : memref<1024xf32, #tpu.memory_space<vmem>>, vector<16xf32>,
    tpu.vector_store %arg9[%swap3A_3285], %gather3A_3284 {strides = array<i32>} : memref<1024xf32, #tpu.memory_space<vmem>>, vector<16xf32>,
    %add3A_3287 = arith.constant 832 : i32
    %add3A_3288 = arith.addi %mul3A_2, %add3A_3287 : i32
    %add3A_3289 = vector.broadcast %add3A_3288 : i32 to vector<16xi32>
    %add3A_3290 = arith.addi %iota3A, %add3A_3289 : vector<16xi32>
    %sub3A_3291 = arith.subi %add3A_3290, %broadcast_in_dim3A : vector<16xi32>
    %bitcast3A_3292 = vector.bitcast %sub3A_3291 : vector<16xi32> to vector<16xi32>
    %sub3A_3293 = arith.subi %add3A_3290, %broadcast_in_dim3A_24 : vector<16xi32>
    %bitcast3A_3294 = vector.bitcast %sub3A_3293 : vector<16xi32> to vector<16xi32>
    %sub3A_3295 = arith.subi %add3A_3290, %broadcast_in_dim3A_29 : vector<16xi32>
    %bitcast3A_3296 = vector.bitcast %sub3A_3295 : vector<16xi32> to vector<16xi32>
    %sub3A_3297 = arith.subi %add3A_3290, %broadcast_in_dim3A_34 : vector<16xi32>
    %bitcast3A_3298 = vector.bitcast %sub3A_3297 : vector<16xi32> to vector<16xi32>
    %sub3A_3299 = arith.subi %add3A_3290, %broadcast_in_dim3A_39 : vector<16xi32>
    %bitcast3A_3300 = vector.bitcast %sub3A_3299 : vector<16xi32> to vector<16xi32>
    %sub3A_3301 = arith.subi %add3A_3290, %broadcast_in_dim3A_44 : vector<16xi32>
    %bitcast3A_3302 = vector.bitcast %sub3A_3301 : vector<16xi32> to vector<16xi32>
    %sub3A_3303 = arith.subi %add3A_3290, %broadcast_in_dim3A_49 : vector<16xi32>
    %bitcast3A_3304 = vector.bitcast %sub3A_3303 : vector<16xi32> to vector<16xi32>
    %sub3A_3305 = arith.subi %add3A_3290, %broadcast_in_dim3A_54 : vector<16xi32>
    %bitcast3A_3306 = vector.bitcast %sub3A_3305 : vector<16xi32> to vector<16xi32>
    %sub3A_3307 = arith.subi %add3A_3290, %broadcast_in_dim3A_59 : vector<16xi32>
    %bitcast3A_3308 = vector.bitcast %sub3A_3307 : vector<16xi32> to vector<16xi32>
    %sub3A_3309 = arith.subi %add3A_3290, %broadcast_in_dim3A_64 : vector<16xi32>
    %bitcast3A_3310 = vector.bitcast %sub3A_3309 : vector<16xi32> to vector<16xi32>
    %sub3A_3311 = arith.subi %add3A_3290, %broadcast_in_dim3A_69 : vector<16xi32>
    %bitcast3A_3312 = vector.bitcast %sub3A_3311 : vector<16xi32> to vector<16xi32>
    %sub3A_3313 = arith.subi %add3A_3290, %broadcast_in_dim3A_74 : vector<16xi32>
    %bitcast3A_3314 = vector.bitcast %sub3A_3313 : vector<16xi32> to vector<16xi32>
    %sub3A_3315 = arith.subi %add3A_3290, %broadcast_in_dim3A_79 : vector<16xi32>
    %bitcast3A_3316 = vector.bitcast %sub3A_3315 : vector<16xi32> to vector<16xi32>
    %sub3A_3317 = arith.subi %add3A_3290, %broadcast_in_dim3A_84 : vector<16xi32>
    %bitcast3A_3318 = vector.bitcast %sub3A_3317 : vector<16xi32> to vector<16xi32>
    %sub3A_3319 = arith.subi %add3A_3290, %broadcast_in_dim3A_89 : vector<16xi32>
    %bitcast3A_3320 = vector.bitcast %sub3A_3319 : vector<16xi32> to vector<16xi32>
    %sub3A_3321 = arith.subi %add3A_3290, %broadcast_in_dim3A_94 : vector<16xi32>
    %bitcast3A_3322 = vector.bitcast %sub3A_3321 : vector<16xi32> to vector<16xi32>
    %min3A_3323 = arith.minui %bitcast3A_3292, %bitcast3A_3294 : vector<16xi32>
    %min3A_3324 = arith.minui %bitcast3A_3296, %bitcast3A_3298 : vector<16xi32>
    %min3A_3325 = arith.minui %bitcast3A_3300, %bitcast3A_3302 : vector<16xi32>
    %min3A_3326 = arith.minui %bitcast3A_3304, %bitcast3A_3306 : vector<16xi32>
    %min3A_3327 = arith.minui %bitcast3A_3308, %bitcast3A_3310 : vector<16xi32>
    %min3A_3328 = arith.minui %bitcast3A_3312, %bitcast3A_3314 : vector<16xi32>
    %min3A_3329 = arith.minui %bitcast3A_3316, %bitcast3A_3318 : vector<16xi32>
    %min3A_3330 = arith.minui %bitcast3A_3320, %bitcast3A_3322 : vector<16xi32>
    %min3A_3331 = arith.minui %min3A_3323, %min3A_3324 : vector<16xi32>
    %min3A_3332 = arith.minui %min3A_3325, %min3A_3326 : vector<16xi32>
    %min3A_3333 = arith.minui %min3A_3327, %min3A_3328 : vector<16xi32>
    %min3A_3334 = arith.minui %min3A_3329, %min3A_3330 : vector<16xi32>
    %min3A_3335 = arith.minui %min3A_3331, %min3A_3332 : vector<16xi32>
    %min3A_3336 = arith.minui %min3A_3333, %min3A_3334 : vector<16xi32>
    %min3A_3337 = arith.minui %min3A_3335, %min3A_3336 : vector<16xi32>
    %bitcast3A_3338 = vector.bitcast %min3A_3337 : vector<16xi32> to vector<16xi32>
    %lt3A_3339 = arith.constant 1024 : i32
    %lt3A_3340 = vector.broadcast %lt3A_3339 : i32 to vector<16xi32>
    %lt3A_3341 = arith.cmpi slt, %bitcast3A_3338, %lt3A_3340 : vector<16xi32>
    %add3A_3342 = vector.broadcast %sub3A_118 : i32 to vector<16xi32>
    %add3A_3343 = arith.addi %bitcast3A_3338, %add3A_3342 : vector<16xi32>
    %select_n3A_3344 = arith.select %lt3A_3341, %bitcast3A_3338, %add3A_3343 : vector<16xi1>, vector<16xi32>
    %gather3A_3345 = tpu.vector_load_idx %arg8[%select_n3A_3344] : memref<2176xf32, #tpu.memory_space<vmem>>[vector<16xi32>], vector<16xf32>,
    %swap3A_3346 = arith.constant 832 : index
    %swap3A_3347 = tpu.vector_load %arg9[%swap3A_3346] {strides = array<i32>} : memref<1024xf32, #tpu.memory_space<vmem>>, vector<16xf32>,
    tpu.vector_store %arg9[%swap3A_3346], %gather3A_3345 {strides = array<i32>} : memref<1024xf32, #tpu.memory_space<vmem>>, vector<16xf32>,
    %add3A_3348 = arith.constant 848 : i32
    %add3A_3349 = arith.addi %mul3A_2, %add3A_3348 : i32
    %add3A_3350 = vector.broadcast %add3A_3349 : i32 to vector<16xi32>
    %add3A_3351 = arith.addi %iota3A, %add3A_3350 : vector<16xi32>
    %sub3A_3352 = arith.subi %add3A_3351, %broadcast_in_dim3A : vector<16xi32>
    %bitcast3A_3353 = vector.bitcast %sub3A_3352 : vector<16xi32> to vector<16xi32>
    %sub3A_3354 = arith.subi %add3A_3351, %broadcast_in_dim3A_24 : vector<16xi32>
    %bitcast3A_3355 = vector.bitcast %sub3A_3354 : vector<16xi32> to vector<16xi32>
    %sub3A_3356 = arith.subi %add3A_3351, %broadcast_in_dim3A_29 : vector<16xi32>
    %bitcast3A_3357 = vector.bitcast %sub3A_3356 : vector<16xi32> to vector<16xi32>
    %sub3A_3358 = arith.subi %add3A_3351, %broadcast_in_dim3A_34 : vector<16xi32>
    %bitcast3A_3359 = vector.bitcast %sub3A_3358 : vector<16xi32> to vector<16xi32>
    %sub3A_3360 = arith.subi %add3A_3351, %broadcast_in_dim3A_39 : vector<16xi32>
    %bitcast3A_3361 = vector.bitcast %sub3A_3360 : vector<16xi32> to vector<16xi32>
    %sub3A_3362 = arith.subi %add3A_3351, %broadcast_in_dim3A_44 : vector<16xi32>
    %bitcast3A_3363 = vector.bitcast %sub3A_3362 : vector<16xi32> to vector<16xi32>
    %sub3A_3364 = arith.subi %add3A_3351, %broadcast_in_dim3A_49 : vector<16xi32>
    %bitcast3A_3365 = vector.bitcast %sub3A_3364 : vector<16xi32> to vector<16xi32>
    %sub3A_3366 = arith.subi %add3A_3351, %broadcast_in_dim3A_54 : vector<16xi32>
    %bitcast3A_3367 = vector.bitcast %sub3A_3366 : vector<16xi32> to vector<16xi32>
    %sub3A_3368 = arith.subi %add3A_3351, %broadcast_in_dim3A_59 : vector<16xi32>
    %bitcast3A_3369 = vector.bitcast %sub3A_3368 : vector<16xi32> to vector<16xi32>
    %sub3A_3370 = arith.subi %add3A_3351, %broadcast_in_dim3A_64 : vector<16xi32>
    %bitcast3A_3371 = vector.bitcast %sub3A_3370 : vector<16xi32> to vector<16xi32>
    %sub3A_3372 = arith.subi %add3A_3351, %broadcast_in_dim3A_69 : vector<16xi32>
    %bitcast3A_3373 = vector.bitcast %sub3A_3372 : vector<16xi32> to vector<16xi32>
    %sub3A_3374 = arith.subi %add3A_3351, %broadcast_in_dim3A_74 : vector<16xi32>
    %bitcast3A_3375 = vector.bitcast %sub3A_3374 : vector<16xi32> to vector<16xi32>
    %sub3A_3376 = arith.subi %add3A_3351, %broadcast_in_dim3A_79 : vector<16xi32>
    %bitcast3A_3377 = vector.bitcast %sub3A_3376 : vector<16xi32> to vector<16xi32>
    %sub3A_3378 = arith.subi %add3A_3351, %broadcast_in_dim3A_84 : vector<16xi32>
    %bitcast3A_3379 = vector.bitcast %sub3A_3378 : vector<16xi32> to vector<16xi32>
    %sub3A_3380 = arith.subi %add3A_3351, %broadcast_in_dim3A_89 : vector<16xi32>
    %bitcast3A_3381 = vector.bitcast %sub3A_3380 : vector<16xi32> to vector<16xi32>
    %sub3A_3382 = arith.subi %add3A_3351, %broadcast_in_dim3A_94 : vector<16xi32>
    %bitcast3A_3383 = vector.bitcast %sub3A_3382 : vector<16xi32> to vector<16xi32>
    %min3A_3384 = arith.minui %bitcast3A_3353, %bitcast3A_3355 : vector<16xi32>
    %min3A_3385 = arith.minui %bitcast3A_3357, %bitcast3A_3359 : vector<16xi32>
    %min3A_3386 = arith.minui %bitcast3A_3361, %bitcast3A_3363 : vector<16xi32>
    %min3A_3387 = arith.minui %bitcast3A_3365, %bitcast3A_3367 : vector<16xi32>
    %min3A_3388 = arith.minui %bitcast3A_3369, %bitcast3A_3371 : vector<16xi32>
    %min3A_3389 = arith.minui %bitcast3A_3373, %bitcast3A_3375 : vector<16xi32>
    %min3A_3390 = arith.minui %bitcast3A_3377, %bitcast3A_3379 : vector<16xi32>
    %min3A_3391 = arith.minui %bitcast3A_3381, %bitcast3A_3383 : vector<16xi32>
    %min3A_3392 = arith.minui %min3A_3384, %min3A_3385 : vector<16xi32>
    %min3A_3393 = arith.minui %min3A_3386, %min3A_3387 : vector<16xi32>
    %min3A_3394 = arith.minui %min3A_3388, %min3A_3389 : vector<16xi32>
    %min3A_3395 = arith.minui %min3A_3390, %min3A_3391 : vector<16xi32>
    %min3A_3396 = arith.minui %min3A_3392, %min3A_3393 : vector<16xi32>
    %min3A_3397 = arith.minui %min3A_3394, %min3A_3395 : vector<16xi32>
    %min3A_3398 = arith.minui %min3A_3396, %min3A_3397 : vector<16xi32>
    %bitcast3A_3399 = vector.bitcast %min3A_3398 : vector<16xi32> to vector<16xi32>
    %lt3A_3400 = arith.constant 1024 : i32
    %lt3A_3401 = vector.broadcast %lt3A_3400 : i32 to vector<16xi32>
    %lt3A_3402 = arith.cmpi slt, %bitcast3A_3399, %lt3A_3401 : vector<16xi32>
    %add3A_3403 = vector.broadcast %sub3A_118 : i32 to vector<16xi32>
    %add3A_3404 = arith.addi %bitcast3A_3399, %add3A_3403 : vector<16xi32>
    %select_n3A_3405 = arith.select %lt3A_3402, %bitcast3A_3399, %add3A_3404 : vector<16xi1>, vector<16xi32>
    %gather3A_3406 = tpu.vector_load_idx %arg8[%select_n3A_3405] : memref<2176xf32, #tpu.memory_space<vmem>>[vector<16xi32>], vector<16xf32>,
    %swap3A_3407 = arith.constant 848 : index
    %swap3A_3408 = tpu.vector_load %arg9[%swap3A_3407] {strides = array<i32>} : memref<1024xf32, #tpu.memory_space<vmem>>, vector<16xf32>,
    tpu.vector_store %arg9[%swap3A_3407], %gather3A_3406 {strides = array<i32>} : memref<1024xf32, #tpu.memory_space<vmem>>, vector<16xf32>,
    %add3A_3409 = arith.constant 864 : i32
    %add3A_3410 = arith.addi %mul3A_2, %add3A_3409 : i32
    %add3A_3411 = vector.broadcast %add3A_3410 : i32 to vector<16xi32>
    %add3A_3412 = arith.addi %iota3A, %add3A_3411 : vector<16xi32>
    %sub3A_3413 = arith.subi %add3A_3412, %broadcast_in_dim3A : vector<16xi32>
    %bitcast3A_3414 = vector.bitcast %sub3A_3413 : vector<16xi32> to vector<16xi32>
    %sub3A_3415 = arith.subi %add3A_3412, %broadcast_in_dim3A_24 : vector<16xi32>
    %bitcast3A_3416 = vector.bitcast %sub3A_3415 : vector<16xi32> to vector<16xi32>
    %sub3A_3417 = arith.subi %add3A_3412, %broadcast_in_dim3A_29 : vector<16xi32>
    %bitcast3A_3418 = vector.bitcast %sub3A_3417 : vector<16xi32> to vector<16xi32>
    %sub3A_3419 = arith.subi %add3A_3412, %broadcast_in_dim3A_34 : vector<16xi32>
    %bitcast3A_3420 = vector.bitcast %sub3A_3419 : vector<16xi32> to vector<16xi32>
    %sub3A_3421 = arith.subi %add3A_3412, %broadcast_in_dim3A_39 : vector<16xi32>
    %bitcast3A_3422 = vector.bitcast %sub3A_3421 : vector<16xi32> to vector<16xi32>
    %sub3A_3423 = arith.subi %add3A_3412, %broadcast_in_dim3A_44 : vector<16xi32>
    %bitcast3A_3424 = vector.bitcast %sub3A_3423 : vector<16xi32> to vector<16xi32>
    %sub3A_3425 = arith.subi %add3A_3412, %broadcast_in_dim3A_49 : vector<16xi32>
    %bitcast3A_3426 = vector.bitcast %sub3A_3425 : vector<16xi32> to vector<16xi32>
    %sub3A_3427 = arith.subi %add3A_3412, %broadcast_in_dim3A_54 : vector<16xi32>
    %bitcast3A_3428 = vector.bitcast %sub3A_3427 : vector<16xi32> to vector<16xi32>
    %sub3A_3429 = arith.subi %add3A_3412, %broadcast_in_dim3A_59 : vector<16xi32>
    %bitcast3A_3430 = vector.bitcast %sub3A_3429 : vector<16xi32> to vector<16xi32>
    %sub3A_3431 = arith.subi %add3A_3412, %broadcast_in_dim3A_64 : vector<16xi32>
    %bitcast3A_3432 = vector.bitcast %sub3A_3431 : vector<16xi32> to vector<16xi32>
    %sub3A_3433 = arith.subi %add3A_3412, %broadcast_in_dim3A_69 : vector<16xi32>
    %bitcast3A_3434 = vector.bitcast %sub3A_3433 : vector<16xi32> to vector<16xi32>
    %sub3A_3435 = arith.subi %add3A_3412, %broadcast_in_dim3A_74 : vector<16xi32>
    %bitcast3A_3436 = vector.bitcast %sub3A_3435 : vector<16xi32> to vector<16xi32>
    %sub3A_3437 = arith.subi %add3A_3412, %broadcast_in_dim3A_79 : vector<16xi32>
    %bitcast3A_3438 = vector.bitcast %sub3A_3437 : vector<16xi32> to vector<16xi32>
    %sub3A_3439 = arith.subi %add3A_3412, %broadcast_in_dim3A_84 : vector<16xi32>
    %bitcast3A_3440 = vector.bitcast %sub3A_3439 : vector<16xi32> to vector<16xi32>
    %sub3A_3441 = arith.subi %add3A_3412, %broadcast_in_dim3A_89 : vector<16xi32>
    %bitcast3A_3442 = vector.bitcast %sub3A_3441 : vector<16xi32> to vector<16xi32>
    %sub3A_3443 = arith.subi %add3A_3412, %broadcast_in_dim3A_94 : vector<16xi32>
    %bitcast3A_3444 = vector.bitcast %sub3A_3443 : vector<16xi32> to vector<16xi32>
    %min3A_3445 = arith.minui %bitcast3A_3414, %bitcast3A_3416 : vector<16xi32>
    %min3A_3446 = arith.minui %bitcast3A_3418, %bitcast3A_3420 : vector<16xi32>
    %min3A_3447 = arith.minui %bitcast3A_3422, %bitcast3A_3424 : vector<16xi32>
    %min3A_3448 = arith.minui %bitcast3A_3426, %bitcast3A_3428 : vector<16xi32>
    %min3A_3449 = arith.minui %bitcast3A_3430, %bitcast3A_3432 : vector<16xi32>
    %min3A_3450 = arith.minui %bitcast3A_3434, %bitcast3A_3436 : vector<16xi32>
    %min3A_3451 = arith.minui %bitcast3A_3438, %bitcast3A_3440 : vector<16xi32>
    %min3A_3452 = arith.minui %bitcast3A_3442, %bitcast3A_3444 : vector<16xi32>
    %min3A_3453 = arith.minui %min3A_3445, %min3A_3446 : vector<16xi32>
    %min3A_3454 = arith.minui %min3A_3447, %min3A_3448 : vector<16xi32>
    %min3A_3455 = arith.minui %min3A_3449, %min3A_3450 : vector<16xi32>
    %min3A_3456 = arith.minui %min3A_3451, %min3A_3452 : vector<16xi32>
    %min3A_3457 = arith.minui %min3A_3453, %min3A_3454 : vector<16xi32>
    %min3A_3458 = arith.minui %min3A_3455, %min3A_3456 : vector<16xi32>
    %min3A_3459 = arith.minui %min3A_3457, %min3A_3458 : vector<16xi32>
    %bitcast3A_3460 = vector.bitcast %min3A_3459 : vector<16xi32> to vector<16xi32>
    %lt3A_3461 = arith.constant 1024 : i32
    %lt3A_3462 = vector.broadcast %lt3A_3461 : i32 to vector<16xi32>
    %lt3A_3463 = arith.cmpi slt, %bitcast3A_3460, %lt3A_3462 : vector<16xi32>
    %add3A_3464 = vector.broadcast %sub3A_118 : i32 to vector<16xi32>
    %add3A_3465 = arith.addi %bitcast3A_3460, %add3A_3464 : vector<16xi32>
    %select_n3A_3466 = arith.select %lt3A_3463, %bitcast3A_3460, %add3A_3465 : vector<16xi1>, vector<16xi32>
    %gather3A_3467 = tpu.vector_load_idx %arg8[%select_n3A_3466] : memref<2176xf32, #tpu.memory_space<vmem>>[vector<16xi32>], vector<16xf32>,
    %swap3A_3468 = arith.constant 864 : index
    %swap3A_3469 = tpu.vector_load %arg9[%swap3A_3468] {strides = array<i32>} : memref<1024xf32, #tpu.memory_space<vmem>>, vector<16xf32>,
    tpu.vector_store %arg9[%swap3A_3468], %gather3A_3467 {strides = array<i32>} : memref<1024xf32, #tpu.memory_space<vmem>>, vector<16xf32>,
    %add3A_3470 = arith.constant 880 : i32
    %add3A_3471 = arith.addi %mul3A_2, %add3A_3470 : i32
    %add3A_3472 = vector.broadcast %add3A_3471 : i32 to vector<16xi32>
    %add3A_3473 = arith.addi %iota3A, %add3A_3472 : vector<16xi32>
    %sub3A_3474 = arith.subi %add3A_3473, %broadcast_in_dim3A : vector<16xi32>
    %bitcast3A_3475 = vector.bitcast %sub3A_3474 : vector<16xi32> to vector<16xi32>
    %sub3A_3476 = arith.subi %add3A_3473, %broadcast_in_dim3A_24 : vector<16xi32>
    %bitcast3A_3477 = vector.bitcast %sub3A_3476 : vector<16xi32> to vector<16xi32>
    %sub3A_3478 = arith.subi %add3A_3473, %broadcast_in_dim3A_29 : vector<16xi32>
    %bitcast3A_3479 = vector.bitcast %sub3A_3478 : vector<16xi32> to vector<16xi32>
    %sub3A_3480 = arith.subi %add3A_3473, %broadcast_in_dim3A_34 : vector<16xi32>
    %bitcast3A_3481 = vector.bitcast %sub3A_3480 : vector<16xi32> to vector<16xi32>
    %sub3A_3482 = arith.subi %add3A_3473, %broadcast_in_dim3A_39 : vector<16xi32>
    %bitcast3A_3483 = vector.bitcast %sub3A_3482 : vector<16xi32> to vector<16xi32>
    %sub3A_3484 = arith.subi %add3A_3473, %broadcast_in_dim3A_44 : vector<16xi32>
    %bitcast3A_3485 = vector.bitcast %sub3A_3484 : vector<16xi32> to vector<16xi32>
    %sub3A_3486 = arith.subi %add3A_3473, %broadcast_in_dim3A_49 : vector<16xi32>
    %bitcast3A_3487 = vector.bitcast %sub3A_3486 : vector<16xi32> to vector<16xi32>
    %sub3A_3488 = arith.subi %add3A_3473, %broadcast_in_dim3A_54 : vector<16xi32>
    %bitcast3A_3489 = vector.bitcast %sub3A_3488 : vector<16xi32> to vector<16xi32>
    %sub3A_3490 = arith.subi %add3A_3473, %broadcast_in_dim3A_59 : vector<16xi32>
    %bitcast3A_3491 = vector.bitcast %sub3A_3490 : vector<16xi32> to vector<16xi32>
    %sub3A_3492 = arith.subi %add3A_3473, %broadcast_in_dim3A_64 : vector<16xi32>
    %bitcast3A_3493 = vector.bitcast %sub3A_3492 : vector<16xi32> to vector<16xi32>
    %sub3A_3494 = arith.subi %add3A_3473, %broadcast_in_dim3A_69 : vector<16xi32>
    %bitcast3A_3495 = vector.bitcast %sub3A_3494 : vector<16xi32> to vector<16xi32>
    %sub3A_3496 = arith.subi %add3A_3473, %broadcast_in_dim3A_74 : vector<16xi32>
    %bitcast3A_3497 = vector.bitcast %sub3A_3496 : vector<16xi32> to vector<16xi32>
    %sub3A_3498 = arith.subi %add3A_3473, %broadcast_in_dim3A_79 : vector<16xi32>
    %bitcast3A_3499 = vector.bitcast %sub3A_3498 : vector<16xi32> to vector<16xi32>
    %sub3A_3500 = arith.subi %add3A_3473, %broadcast_in_dim3A_84 : vector<16xi32>
    %bitcast3A_3501 = vector.bitcast %sub3A_3500 : vector<16xi32> to vector<16xi32>
    %sub3A_3502 = arith.subi %add3A_3473, %broadcast_in_dim3A_89 : vector<16xi32>
    %bitcast3A_3503 = vector.bitcast %sub3A_3502 : vector<16xi32> to vector<16xi32>
    %sub3A_3504 = arith.subi %add3A_3473, %broadcast_in_dim3A_94 : vector<16xi32>
    %bitcast3A_3505 = vector.bitcast %sub3A_3504 : vector<16xi32> to vector<16xi32>
    %min3A_3506 = arith.minui %bitcast3A_3475, %bitcast3A_3477 : vector<16xi32>
    %min3A_3507 = arith.minui %bitcast3A_3479, %bitcast3A_3481 : vector<16xi32>
    %min3A_3508 = arith.minui %bitcast3A_3483, %bitcast3A_3485 : vector<16xi32>
    %min3A_3509 = arith.minui %bitcast3A_3487, %bitcast3A_3489 : vector<16xi32>
    %min3A_3510 = arith.minui %bitcast3A_3491, %bitcast3A_3493 : vector<16xi32>
    %min3A_3511 = arith.minui %bitcast3A_3495, %bitcast3A_3497 : vector<16xi32>
    %min3A_3512 = arith.minui %bitcast3A_3499, %bitcast3A_3501 : vector<16xi32>
    %min3A_3513 = arith.minui %bitcast3A_3503, %bitcast3A_3505 : vector<16xi32>
    %min3A_3514 = arith.minui %min3A_3506, %min3A_3507 : vector<16xi32>
    %min3A_3515 = arith.minui %min3A_3508, %min3A_3509 : vector<16xi32>
    %min3A_3516 = arith.minui %min3A_3510, %min3A_3511 : vector<16xi32>
    %min3A_3517 = arith.minui %min3A_3512, %min3A_3513 : vector<16xi32>
    %min3A_3518 = arith.minui %min3A_3514, %min3A_3515 : vector<16xi32>
    %min3A_3519 = arith.minui %min3A_3516, %min3A_3517 : vector<16xi32>
    %min3A_3520 = arith.minui %min3A_3518, %min3A_3519 : vector<16xi32>
    %bitcast3A_3521 = vector.bitcast %min3A_3520 : vector<16xi32> to vector<16xi32>
    %lt3A_3522 = arith.constant 1024 : i32
    %lt3A_3523 = vector.broadcast %lt3A_3522 : i32 to vector<16xi32>
    %lt3A_3524 = arith.cmpi slt, %bitcast3A_3521, %lt3A_3523 : vector<16xi32>
    %add3A_3525 = vector.broadcast %sub3A_118 : i32 to vector<16xi32>
    %add3A_3526 = arith.addi %bitcast3A_3521, %add3A_3525 : vector<16xi32>
    %select_n3A_3527 = arith.select %lt3A_3524, %bitcast3A_3521, %add3A_3526 : vector<16xi1>, vector<16xi32>
    %gather3A_3528 = tpu.vector_load_idx %arg8[%select_n3A_3527] : memref<2176xf32, #tpu.memory_space<vmem>>[vector<16xi32>], vector<16xf32>,
    %swap3A_3529 = arith.constant 880 : index
    %swap3A_3530 = tpu.vector_load %arg9[%swap3A_3529] {strides = array<i32>} : memref<1024xf32, #tpu.memory_space<vmem>>, vector<16xf32>,
    tpu.vector_store %arg9[%swap3A_3529], %gather3A_3528 {strides = array<i32>} : memref<1024xf32, #tpu.memory_space<vmem>>, vector<16xf32>,
    %add3A_3531 = arith.constant 896 : i32
    %add3A_3532 = arith.addi %mul3A_2, %add3A_3531 : i32
    %add3A_3533 = vector.broadcast %add3A_3532 : i32 to vector<16xi32>
    %add3A_3534 = arith.addi %iota3A, %add3A_3533 : vector<16xi32>
    %sub3A_3535 = arith.subi %add3A_3534, %broadcast_in_dim3A : vector<16xi32>
    %bitcast3A_3536 = vector.bitcast %sub3A_3535 : vector<16xi32> to vector<16xi32>
    %sub3A_3537 = arith.subi %add3A_3534, %broadcast_in_dim3A_24 : vector<16xi32>
    %bitcast3A_3538 = vector.bitcast %sub3A_3537 : vector<16xi32> to vector<16xi32>
    %sub3A_3539 = arith.subi %add3A_3534, %broadcast_in_dim3A_29 : vector<16xi32>
    %bitcast3A_3540 = vector.bitcast %sub3A_3539 : vector<16xi32> to vector<16xi32>
    %sub3A_3541 = arith.subi %add3A_3534, %broadcast_in_dim3A_34 : vector<16xi32>
    %bitcast3A_3542 = vector.bitcast %sub3A_3541 : vector<16xi32> to vector<16xi32>
    %sub3A_3543 = arith.subi %add3A_3534, %broadcast_in_dim3A_39 : vector<16xi32>
    %bitcast3A_3544 = vector.bitcast %sub3A_3543 : vector<16xi32> to vector<16xi32>
    %sub3A_3545 = arith.subi %add3A_3534, %broadcast_in_dim3A_44 : vector<16xi32>
    %bitcast3A_3546 = vector.bitcast %sub3A_3545 : vector<16xi32> to vector<16xi32>
    %sub3A_3547 = arith.subi %add3A_3534, %broadcast_in_dim3A_49 : vector<16xi32>
    %bitcast3A_3548 = vector.bitcast %sub3A_3547 : vector<16xi32> to vector<16xi32>
    %sub3A_3549 = arith.subi %add3A_3534, %broadcast_in_dim3A_54 : vector<16xi32>
    %bitcast3A_3550 = vector.bitcast %sub3A_3549 : vector<16xi32> to vector<16xi32>
    %sub3A_3551 = arith.subi %add3A_3534, %broadcast_in_dim3A_59 : vector<16xi32>
    %bitcast3A_3552 = vector.bitcast %sub3A_3551 : vector<16xi32> to vector<16xi32>
    %sub3A_3553 = arith.subi %add3A_3534, %broadcast_in_dim3A_64 : vector<16xi32>
    %bitcast3A_3554 = vector.bitcast %sub3A_3553 : vector<16xi32> to vector<16xi32>
    %sub3A_3555 = arith.subi %add3A_3534, %broadcast_in_dim3A_69 : vector<16xi32>
    %bitcast3A_3556 = vector.bitcast %sub3A_3555 : vector<16xi32> to vector<16xi32>
    %sub3A_3557 = arith.subi %add3A_3534, %broadcast_in_dim3A_74 : vector<16xi32>
    %bitcast3A_3558 = vector.bitcast %sub3A_3557 : vector<16xi32> to vector<16xi32>
    %sub3A_3559 = arith.subi %add3A_3534, %broadcast_in_dim3A_79 : vector<16xi32>
    %bitcast3A_3560 = vector.bitcast %sub3A_3559 : vector<16xi32> to vector<16xi32>
    %sub3A_3561 = arith.subi %add3A_3534, %broadcast_in_dim3A_84 : vector<16xi32>
    %bitcast3A_3562 = vector.bitcast %sub3A_3561 : vector<16xi32> to vector<16xi32>
    %sub3A_3563 = arith.subi %add3A_3534, %broadcast_in_dim3A_89 : vector<16xi32>
    %bitcast3A_3564 = vector.bitcast %sub3A_3563 : vector<16xi32> to vector<16xi32>
    %sub3A_3565 = arith.subi %add3A_3534, %broadcast_in_dim3A_94 : vector<16xi32>
    %bitcast3A_3566 = vector.bitcast %sub3A_3565 : vector<16xi32> to vector<16xi32>
    %min3A_3567 = arith.minui %bitcast3A_3536, %bitcast3A_3538 : vector<16xi32>
    %min3A_3568 = arith.minui %bitcast3A_3540, %bitcast3A_3542 : vector<16xi32>
    %min3A_3569 = arith.minui %bitcast3A_3544, %bitcast3A_3546 : vector<16xi32>
    %min3A_3570 = arith.minui %bitcast3A_3548, %bitcast3A_3550 : vector<16xi32>
    %min3A_3571 = arith.minui %bitcast3A_3552, %bitcast3A_3554 : vector<16xi32>
    %min3A_3572 = arith.minui %bitcast3A_3556, %bitcast3A_3558 : vector<16xi32>
    %min3A_3573 = arith.minui %bitcast3A_3560, %bitcast3A_3562 : vector<16xi32>
    %min3A_3574 = arith.minui %bitcast3A_3564, %bitcast3A_3566 : vector<16xi32>
    %min3A_3575 = arith.minui %min3A_3567, %min3A_3568 : vector<16xi32>
    %min3A_3576 = arith.minui %min3A_3569, %min3A_3570 : vector<16xi32>
    %min3A_3577 = arith.minui %min3A_3571, %min3A_3572 : vector<16xi32>
    %min3A_3578 = arith.minui %min3A_3573, %min3A_3574 : vector<16xi32>
    %min3A_3579 = arith.minui %min3A_3575, %min3A_3576 : vector<16xi32>
    %min3A_3580 = arith.minui %min3A_3577, %min3A_3578 : vector<16xi32>
    %min3A_3581 = arith.minui %min3A_3579, %min3A_3580 : vector<16xi32>
    %bitcast3A_3582 = vector.bitcast %min3A_3581 : vector<16xi32> to vector<16xi32>
    %lt3A_3583 = arith.constant 1024 : i32
    %lt3A_3584 = vector.broadcast %lt3A_3583 : i32 to vector<16xi32>
    %lt3A_3585 = arith.cmpi slt, %bitcast3A_3582, %lt3A_3584 : vector<16xi32>
    %add3A_3586 = vector.broadcast %sub3A_118 : i32 to vector<16xi32>
    %add3A_3587 = arith.addi %bitcast3A_3582, %add3A_3586 : vector<16xi32>
    %select_n3A_3588 = arith.select %lt3A_3585, %bitcast3A_3582, %add3A_3587 : vector<16xi1>, vector<16xi32>
    %gather3A_3589 = tpu.vector_load_idx %arg8[%select_n3A_3588] : memref<2176xf32, #tpu.memory_space<vmem>>[vector<16xi32>], vector<16xf32>,
    %swap3A_3590 = arith.constant 896 : index
    %swap3A_3591 = tpu.vector_load %arg9[%swap3A_3590] {strides = array<i32>} : memref<1024xf32, #tpu.memory_space<vmem>>, vector<16xf32>,
    tpu.vector_store %arg9[%swap3A_3590], %gather3A_3589 {strides = array<i32>} : memref<1024xf32, #tpu.memory_space<vmem>>, vector<16xf32>,
    %add3A_3592 = arith.constant 912 : i32
    %add3A_3593 = arith.addi %mul3A_2, %add3A_3592 : i32
    %add3A_3594 = vector.broadcast %add3A_3593 : i32 to vector<16xi32>
    %add3A_3595 = arith.addi %iota3A, %add3A_3594 : vector<16xi32>
    %sub3A_3596 = arith.subi %add3A_3595, %broadcast_in_dim3A : vector<16xi32>
    %bitcast3A_3597 = vector.bitcast %sub3A_3596 : vector<16xi32> to vector<16xi32>
    %sub3A_3598 = arith.subi %add3A_3595, %broadcast_in_dim3A_24 : vector<16xi32>
    %bitcast3A_3599 = vector.bitcast %sub3A_3598 : vector<16xi32> to vector<16xi32>
    %sub3A_3600 = arith.subi %add3A_3595, %broadcast_in_dim3A_29 : vector<16xi32>
    %bitcast3A_3601 = vector.bitcast %sub3A_3600 : vector<16xi32> to vector<16xi32>
    %sub3A_3602 = arith.subi %add3A_3595, %broadcast_in_dim3A_34 : vector<16xi32>
    %bitcast3A_3603 = vector.bitcast %sub3A_3602 : vector<16xi32> to vector<16xi32>
    %sub3A_3604 = arith.subi %add3A_3595, %broadcast_in_dim3A_39 : vector<16xi32>
    %bitcast3A_3605 = vector.bitcast %sub3A_3604 : vector<16xi32> to vector<16xi32>
    %sub3A_3606 = arith.subi %add3A_3595, %broadcast_in_dim3A_44 : vector<16xi32>
    %bitcast3A_3607 = vector.bitcast %sub3A_3606 : vector<16xi32> to vector<16xi32>
    %sub3A_3608 = arith.subi %add3A_3595, %broadcast_in_dim3A_49 : vector<16xi32>
    %bitcast3A_3609 = vector.bitcast %sub3A_3608 : vector<16xi32> to vector<16xi32>
    %sub3A_3610 = arith.subi %add3A_3595, %broadcast_in_dim3A_54 : vector<16xi32>
    %bitcast3A_3611 = vector.bitcast %sub3A_3610 : vector<16xi32> to vector<16xi32>
    %sub3A_3612 = arith.subi %add3A_3595, %broadcast_in_dim3A_59 : vector<16xi32>
    %bitcast3A_3613 = vector.bitcast %sub3A_3612 : vector<16xi32> to vector<16xi32>
    %sub3A_3614 = arith.subi %add3A_3595, %broadcast_in_dim3A_64 : vector<16xi32>
    %bitcast3A_3615 = vector.bitcast %sub3A_3614 : vector<16xi32> to vector<16xi32>
    %sub3A_3616 = arith.subi %add3A_3595, %broadcast_in_dim3A_69 : vector<16xi32>
    %bitcast3A_3617 = vector.bitcast %sub3A_3616 : vector<16xi32> to vector<16xi32>
    %sub3A_3618 = arith.subi %add3A_3595, %broadcast_in_dim3A_74 : vector<16xi32>
    %bitcast3A_3619 = vector.bitcast %sub3A_3618 : vector<16xi32> to vector<16xi32>
    %sub3A_3620 = arith.subi %add3A_3595, %broadcast_in_dim3A_79 : vector<16xi32>
    %bitcast3A_3621 = vector.bitcast %sub3A_3620 : vector<16xi32> to vector<16xi32>
    %sub3A_3622 = arith.subi %add3A_3595, %broadcast_in_dim3A_84 : vector<16xi32>
    %bitcast3A_3623 = vector.bitcast %sub3A_3622 : vector<16xi32> to vector<16xi32>
    %sub3A_3624 = arith.subi %add3A_3595, %broadcast_in_dim3A_89 : vector<16xi32>
    %bitcast3A_3625 = vector.bitcast %sub3A_3624 : vector<16xi32> to vector<16xi32>
    %sub3A_3626 = arith.subi %add3A_3595, %broadcast_in_dim3A_94 : vector<16xi32>
    %bitcast3A_3627 = vector.bitcast %sub3A_3626 : vector<16xi32> to vector<16xi32>
    %min3A_3628 = arith.minui %bitcast3A_3597, %bitcast3A_3599 : vector<16xi32>
    %min3A_3629 = arith.minui %bitcast3A_3601, %bitcast3A_3603 : vector<16xi32>
    %min3A_3630 = arith.minui %bitcast3A_3605, %bitcast3A_3607 : vector<16xi32>
    %min3A_3631 = arith.minui %bitcast3A_3609, %bitcast3A_3611 : vector<16xi32>
    %min3A_3632 = arith.minui %bitcast3A_3613, %bitcast3A_3615 : vector<16xi32>
    %min3A_3633 = arith.minui %bitcast3A_3617, %bitcast3A_3619 : vector<16xi32>
    %min3A_3634 = arith.minui %bitcast3A_3621, %bitcast3A_3623 : vector<16xi32>
    %min3A_3635 = arith.minui %bitcast3A_3625, %bitcast3A_3627 : vector<16xi32>
    %min3A_3636 = arith.minui %min3A_3628, %min3A_3629 : vector<16xi32>
    %min3A_3637 = arith.minui %min3A_3630, %min3A_3631 : vector<16xi32>
    %min3A_3638 = arith.minui %min3A_3632, %min3A_3633 : vector<16xi32>
    %min3A_3639 = arith.minui %min3A_3634, %min3A_3635 : vector<16xi32>
    %min3A_3640 = arith.minui %min3A_3636, %min3A_3637 : vector<16xi32>
    %min3A_3641 = arith.minui %min3A_3638, %min3A_3639 : vector<16xi32>
    %min3A_3642 = arith.minui %min3A_3640, %min3A_3641 : vector<16xi32>
    %bitcast3A_3643 = vector.bitcast %min3A_3642 : vector<16xi32> to vector<16xi32>
    %lt3A_3644 = arith.constant 1024 : i32
    %lt3A_3645 = vector.broadcast %lt3A_3644 : i32 to vector<16xi32>
    %lt3A_3646 = arith.cmpi slt, %bitcast3A_3643, %lt3A_3645 : vector<16xi32>
    %add3A_3647 = vector.broadcast %sub3A_118 : i32 to vector<16xi32>
    %add3A_3648 = arith.addi %bitcast3A_3643, %add3A_3647 : vector<16xi32>
    %select_n3A_3649 = arith.select %lt3A_3646, %bitcast3A_3643, %add3A_3648 : vector<16xi1>, vector<16xi32>
    %gather3A_3650 = tpu.vector_load_idx %arg8[%select_n3A_3649] : memref<2176xf32, #tpu.memory_space<vmem>>[vector<16xi32>], vector<16xf32>,
    %swap3A_3651 = arith.constant 912 : index
    %swap3A_3652 = tpu.vector_load %arg9[%swap3A_3651] {strides = array<i32>} : memref<1024xf32, #tpu.memory_space<vmem>>, vector<16xf32>,
    tpu.vector_store %arg9[%swap3A_3651], %gather3A_3650 {strides = array<i32>} : memref<1024xf32, #tpu.memory_space<vmem>>, vector<16xf32>,
    %add3A_3653 = arith.constant 928 : i32
    %add3A_3654 = arith.addi %mul3A_2, %add3A_3653 : i32
    %add3A_3655 = vector.broadcast %add3A_3654 : i32 to vector<16xi32>
    %add3A_3656 = arith.addi %iota3A, %add3A_3655 : vector<16xi32>
    %sub3A_3657 = arith.subi %add3A_3656, %broadcast_in_dim3A : vector<16xi32>
    %bitcast3A_3658 = vector.bitcast %sub3A_3657 : vector<16xi32> to vector<16xi32>
    %sub3A_3659 = arith.subi %add3A_3656, %broadcast_in_dim3A_24 : vector<16xi32>
    %bitcast3A_3660 = vector.bitcast %sub3A_3659 : vector<16xi32> to vector<16xi32>
    %sub3A_3661 = arith.subi %add3A_3656, %broadcast_in_dim3A_29 : vector<16xi32>
    %bitcast3A_3662 = vector.bitcast %sub3A_3661 : vector<16xi32> to vector<16xi32>
    %sub3A_3663 = arith.subi %add3A_3656, %broadcast_in_dim3A_34 : vector<16xi32>
    %bitcast3A_3664 = vector.bitcast %sub3A_3663 : vector<16xi32> to vector<16xi32>
    %sub3A_3665 = arith.subi %add3A_3656, %broadcast_in_dim3A_39 : vector<16xi32>
    %bitcast3A_3666 = vector.bitcast %sub3A_3665 : vector<16xi32> to vector<16xi32>
    %sub3A_3667 = arith.subi %add3A_3656, %broadcast_in_dim3A_44 : vector<16xi32>
    %bitcast3A_3668 = vector.bitcast %sub3A_3667 : vector<16xi32> to vector<16xi32>
    %sub3A_3669 = arith.subi %add3A_3656, %broadcast_in_dim3A_49 : vector<16xi32>
    %bitcast3A_3670 = vector.bitcast %sub3A_3669 : vector<16xi32> to vector<16xi32>
    %sub3A_3671 = arith.subi %add3A_3656, %broadcast_in_dim3A_54 : vector<16xi32>
    %bitcast3A_3672 = vector.bitcast %sub3A_3671 : vector<16xi32> to vector<16xi32>
    %sub3A_3673 = arith.subi %add3A_3656, %broadcast_in_dim3A_59 : vector<16xi32>
    %bitcast3A_3674 = vector.bitcast %sub3A_3673 : vector<16xi32> to vector<16xi32>
    %sub3A_3675 = arith.subi %add3A_3656, %broadcast_in_dim3A_64 : vector<16xi32>
    %bitcast3A_3676 = vector.bitcast %sub3A_3675 : vector<16xi32> to vector<16xi32>
    %sub3A_3677 = arith.subi %add3A_3656, %broadcast_in_dim3A_69 : vector<16xi32>
    %bitcast3A_3678 = vector.bitcast %sub3A_3677 : vector<16xi32> to vector<16xi32>
    %sub3A_3679 = arith.subi %add3A_3656, %broadcast_in_dim3A_74 : vector<16xi32>
    %bitcast3A_3680 = vector.bitcast %sub3A_3679 : vector<16xi32> to vector<16xi32>
    %sub3A_3681 = arith.subi %add3A_3656, %broadcast_in_dim3A_79 : vector<16xi32>
    %bitcast3A_3682 = vector.bitcast %sub3A_3681 : vector<16xi32> to vector<16xi32>
    %sub3A_3683 = arith.subi %add3A_3656, %broadcast_in_dim3A_84 : vector<16xi32>
    %bitcast3A_3684 = vector.bitcast %sub3A_3683 : vector<16xi32> to vector<16xi32>
    %sub3A_3685 = arith.subi %add3A_3656, %broadcast_in_dim3A_89 : vector<16xi32>
    %bitcast3A_3686 = vector.bitcast %sub3A_3685 : vector<16xi32> to vector<16xi32>
    %sub3A_3687 = arith.subi %add3A_3656, %broadcast_in_dim3A_94 : vector<16xi32>
    %bitcast3A_3688 = vector.bitcast %sub3A_3687 : vector<16xi32> to vector<16xi32>
    %min3A_3689 = arith.minui %bitcast3A_3658, %bitcast3A_3660 : vector<16xi32>
    %min3A_3690 = arith.minui %bitcast3A_3662, %bitcast3A_3664 : vector<16xi32>
    %min3A_3691 = arith.minui %bitcast3A_3666, %bitcast3A_3668 : vector<16xi32>
    %min3A_3692 = arith.minui %bitcast3A_3670, %bitcast3A_3672 : vector<16xi32>
    %min3A_3693 = arith.minui %bitcast3A_3674, %bitcast3A_3676 : vector<16xi32>
    %min3A_3694 = arith.minui %bitcast3A_3678, %bitcast3A_3680 : vector<16xi32>
    %min3A_3695 = arith.minui %bitcast3A_3682, %bitcast3A_3684 : vector<16xi32>
    %min3A_3696 = arith.minui %bitcast3A_3686, %bitcast3A_3688 : vector<16xi32>
    %min3A_3697 = arith.minui %min3A_3689, %min3A_3690 : vector<16xi32>
    %min3A_3698 = arith.minui %min3A_3691, %min3A_3692 : vector<16xi32>
    %min3A_3699 = arith.minui %min3A_3693, %min3A_3694 : vector<16xi32>
    %min3A_3700 = arith.minui %min3A_3695, %min3A_3696 : vector<16xi32>
    %min3A_3701 = arith.minui %min3A_3697, %min3A_3698 : vector<16xi32>
    %min3A_3702 = arith.minui %min3A_3699, %min3A_3700 : vector<16xi32>
    %min3A_3703 = arith.minui %min3A_3701, %min3A_3702 : vector<16xi32>
    %bitcast3A_3704 = vector.bitcast %min3A_3703 : vector<16xi32> to vector<16xi32>
    %lt3A_3705 = arith.constant 1024 : i32
    %lt3A_3706 = vector.broadcast %lt3A_3705 : i32 to vector<16xi32>
    %lt3A_3707 = arith.cmpi slt, %bitcast3A_3704, %lt3A_3706 : vector<16xi32>
    %add3A_3708 = vector.broadcast %sub3A_118 : i32 to vector<16xi32>
    %add3A_3709 = arith.addi %bitcast3A_3704, %add3A_3708 : vector<16xi32>
    %select_n3A_3710 = arith.select %lt3A_3707, %bitcast3A_3704, %add3A_3709 : vector<16xi1>, vector<16xi32>
    %gather3A_3711 = tpu.vector_load_idx %arg8[%select_n3A_3710] : memref<2176xf32, #tpu.memory_space<vmem>>[vector<16xi32>], vector<16xf32>,
    %swap3A_3712 = arith.constant 928 : index
    %swap3A_3713 = tpu.vector_load %arg9[%swap3A_3712] {strides = array<i32>} : memref<1024xf32, #tpu.memory_space<vmem>>, vector<16xf32>,
    tpu.vector_store %arg9[%swap3A_3712], %gather3A_3711 {strides = array<i32>} : memref<1024xf32, #tpu.memory_space<vmem>>, vector<16xf32>,
    %add3A_3714 = arith.constant 944 : i32
    %add3A_3715 = arith.addi %mul3A_2, %add3A_3714 : i32
    %add3A_3716 = vector.broadcast %add3A_3715 : i32 to vector<16xi32>
    %add3A_3717 = arith.addi %iota3A, %add3A_3716 : vector<16xi32>
    %sub3A_3718 = arith.subi %add3A_3717, %broadcast_in_dim3A : vector<16xi32>
    %bitcast3A_3719 = vector.bitcast %sub3A_3718 : vector<16xi32> to vector<16xi32>
    %sub3A_3720 = arith.subi %add3A_3717, %broadcast_in_dim3A_24 : vector<16xi32>
    %bitcast3A_3721 = vector.bitcast %sub3A_3720 : vector<16xi32> to vector<16xi32>
    %sub3A_3722 = arith.subi %add3A_3717, %broadcast_in_dim3A_29 : vector<16xi32>
    %bitcast3A_3723 = vector.bitcast %sub3A_3722 : vector<16xi32> to vector<16xi32>
    %sub3A_3724 = arith.subi %add3A_3717, %broadcast_in_dim3A_34 : vector<16xi32>
    %bitcast3A_3725 = vector.bitcast %sub3A_3724 : vector<16xi32> to vector<16xi32>
    %sub3A_3726 = arith.subi %add3A_3717, %broadcast_in_dim3A_39 : vector<16xi32>
    %bitcast3A_3727 = vector.bitcast %sub3A_3726 : vector<16xi32> to vector<16xi32>
    %sub3A_3728 = arith.subi %add3A_3717, %broadcast_in_dim3A_44 : vector<16xi32>
    %bitcast3A_3729 = vector.bitcast %sub3A_3728 : vector<16xi32> to vector<16xi32>
    %sub3A_3730 = arith.subi %add3A_3717, %broadcast_in_dim3A_49 : vector<16xi32>
    %bitcast3A_3731 = vector.bitcast %sub3A_3730 : vector<16xi32> to vector<16xi32>
    %sub3A_3732 = arith.subi %add3A_3717, %broadcast_in_dim3A_54 : vector<16xi32>
    %bitcast3A_3733 = vector.bitcast %sub3A_3732 : vector<16xi32> to vector<16xi32>
    %sub3A_3734 = arith.subi %add3A_3717, %broadcast_in_dim3A_59 : vector<16xi32>
    %bitcast3A_3735 = vector.bitcast %sub3A_3734 : vector<16xi32> to vector<16xi32>
    %sub3A_3736 = arith.subi %add3A_3717, %broadcast_in_dim3A_64 : vector<16xi32>
    %bitcast3A_3737 = vector.bitcast %sub3A_3736 : vector<16xi32> to vector<16xi32>
    %sub3A_3738 = arith.subi %add3A_3717, %broadcast_in_dim3A_69 : vector<16xi32>
    %bitcast3A_3739 = vector.bitcast %sub3A_3738 : vector<16xi32> to vector<16xi32>
    %sub3A_3740 = arith.subi %add3A_3717, %broadcast_in_dim3A_74 : vector<16xi32>
    %bitcast3A_3741 = vector.bitcast %sub3A_3740 : vector<16xi32> to vector<16xi32>
    %sub3A_3742 = arith.subi %add3A_3717, %broadcast_in_dim3A_79 : vector<16xi32>
    %bitcast3A_3743 = vector.bitcast %sub3A_3742 : vector<16xi32> to vector<16xi32>
    %sub3A_3744 = arith.subi %add3A_3717, %broadcast_in_dim3A_84 : vector<16xi32>
    %bitcast3A_3745 = vector.bitcast %sub3A_3744 : vector<16xi32> to vector<16xi32>
    %sub3A_3746 = arith.subi %add3A_3717, %broadcast_in_dim3A_89 : vector<16xi32>
    %bitcast3A_3747 = vector.bitcast %sub3A_3746 : vector<16xi32> to vector<16xi32>
    %sub3A_3748 = arith.subi %add3A_3717, %broadcast_in_dim3A_94 : vector<16xi32>
    %bitcast3A_3749 = vector.bitcast %sub3A_3748 : vector<16xi32> to vector<16xi32>
    %min3A_3750 = arith.minui %bitcast3A_3719, %bitcast3A_3721 : vector<16xi32>
    %min3A_3751 = arith.minui %bitcast3A_3723, %bitcast3A_3725 : vector<16xi32>
    %min3A_3752 = arith.minui %bitcast3A_3727, %bitcast3A_3729 : vector<16xi32>
    %min3A_3753 = arith.minui %bitcast3A_3731, %bitcast3A_3733 : vector<16xi32>
    %min3A_3754 = arith.minui %bitcast3A_3735, %bitcast3A_3737 : vector<16xi32>
    %min3A_3755 = arith.minui %bitcast3A_3739, %bitcast3A_3741 : vector<16xi32>
    %min3A_3756 = arith.minui %bitcast3A_3743, %bitcast3A_3745 : vector<16xi32>
    %min3A_3757 = arith.minui %bitcast3A_3747, %bitcast3A_3749 : vector<16xi32>
    %min3A_3758 = arith.minui %min3A_3750, %min3A_3751 : vector<16xi32>
    %min3A_3759 = arith.minui %min3A_3752, %min3A_3753 : vector<16xi32>
    %min3A_3760 = arith.minui %min3A_3754, %min3A_3755 : vector<16xi32>
    %min3A_3761 = arith.minui %min3A_3756, %min3A_3757 : vector<16xi32>
    %min3A_3762 = arith.minui %min3A_3758, %min3A_3759 : vector<16xi32>
    %min3A_3763 = arith.minui %min3A_3760, %min3A_3761 : vector<16xi32>
    %min3A_3764 = arith.minui %min3A_3762, %min3A_3763 : vector<16xi32>
    %bitcast3A_3765 = vector.bitcast %min3A_3764 : vector<16xi32> to vector<16xi32>
    %lt3A_3766 = arith.constant 1024 : i32
    %lt3A_3767 = vector.broadcast %lt3A_3766 : i32 to vector<16xi32>
    %lt3A_3768 = arith.cmpi slt, %bitcast3A_3765, %lt3A_3767 : vector<16xi32>
    %add3A_3769 = vector.broadcast %sub3A_118 : i32 to vector<16xi32>
    %add3A_3770 = arith.addi %bitcast3A_3765, %add3A_3769 : vector<16xi32>
    %select_n3A_3771 = arith.select %lt3A_3768, %bitcast3A_3765, %add3A_3770 : vector<16xi1>, vector<16xi32>
    %gather3A_3772 = tpu.vector_load_idx %arg8[%select_n3A_3771] : memref<2176xf32, #tpu.memory_space<vmem>>[vector<16xi32>], vector<16xf32>,
    %swap3A_3773 = arith.constant 944 : index
    %swap3A_3774 = tpu.vector_load %arg9[%swap3A_3773] {strides = array<i32>} : memref<1024xf32, #tpu.memory_space<vmem>>, vector<16xf32>,
    tpu.vector_store %arg9[%swap3A_3773], %gather3A_3772 {strides = array<i32>} : memref<1024xf32, #tpu.memory_space<vmem>>, vector<16xf32>,
    %add3A_3775 = arith.constant 960 : i32
    %add3A_3776 = arith.addi %mul3A_2, %add3A_3775 : i32
    %add3A_3777 = vector.broadcast %add3A_3776 : i32 to vector<16xi32>
    %add3A_3778 = arith.addi %iota3A, %add3A_3777 : vector<16xi32>
    %sub3A_3779 = arith.subi %add3A_3778, %broadcast_in_dim3A : vector<16xi32>
    %bitcast3A_3780 = vector.bitcast %sub3A_3779 : vector<16xi32> to vector<16xi32>
    %sub3A_3781 = arith.subi %add3A_3778, %broadcast_in_dim3A_24 : vector<16xi32>
    %bitcast3A_3782 = vector.bitcast %sub3A_3781 : vector<16xi32> to vector<16xi32>
    %sub3A_3783 = arith.subi %add3A_3778, %broadcast_in_dim3A_29 : vector<16xi32>
    %bitcast3A_3784 = vector.bitcast %sub3A_3783 : vector<16xi32> to vector<16xi32>
    %sub3A_3785 = arith.subi %add3A_3778, %broadcast_in_dim3A_34 : vector<16xi32>
    %bitcast3A_3786 = vector.bitcast %sub3A_3785 : vector<16xi32> to vector<16xi32>
    %sub3A_3787 = arith.subi %add3A_3778, %broadcast_in_dim3A_39 : vector<16xi32>
    %bitcast3A_3788 = vector.bitcast %sub3A_3787 : vector<16xi32> to vector<16xi32>
    %sub3A_3789 = arith.subi %add3A_3778, %broadcast_in_dim3A_44 : vector<16xi32>
    %bitcast3A_3790 = vector.bitcast %sub3A_3789 : vector<16xi32> to vector<16xi32>
    %sub3A_3791 = arith.subi %add3A_3778, %broadcast_in_dim3A_49 : vector<16xi32>
    %bitcast3A_3792 = vector.bitcast %sub3A_3791 : vector<16xi32> to vector<16xi32>
    %sub3A_3793 = arith.subi %add3A_3778, %broadcast_in_dim3A_54 : vector<16xi32>
    %bitcast3A_3794 = vector.bitcast %sub3A_3793 : vector<16xi32> to vector<16xi32>
    %sub3A_3795 = arith.subi %add3A_3778, %broadcast_in_dim3A_59 : vector<16xi32>
    %bitcast3A_3796 = vector.bitcast %sub3A_3795 : vector<16xi32> to vector<16xi32>
    %sub3A_3797 = arith.subi %add3A_3778, %broadcast_in_dim3A_64 : vector<16xi32>
    %bitcast3A_3798 = vector.bitcast %sub3A_3797 : vector<16xi32> to vector<16xi32>
    %sub3A_3799 = arith.subi %add3A_3778, %broadcast_in_dim3A_69 : vector<16xi32>
    %bitcast3A_3800 = vector.bitcast %sub3A_3799 : vector<16xi32> to vector<16xi32>
    %sub3A_3801 = arith.subi %add3A_3778, %broadcast_in_dim3A_74 : vector<16xi32>
    %bitcast3A_3802 = vector.bitcast %sub3A_3801 : vector<16xi32> to vector<16xi32>
    %sub3A_3803 = arith.subi %add3A_3778, %broadcast_in_dim3A_79 : vector<16xi32>
    %bitcast3A_3804 = vector.bitcast %sub3A_3803 : vector<16xi32> to vector<16xi32>
    %sub3A_3805 = arith.subi %add3A_3778, %broadcast_in_dim3A_84 : vector<16xi32>
    %bitcast3A_3806 = vector.bitcast %sub3A_3805 : vector<16xi32> to vector<16xi32>
    %sub3A_3807 = arith.subi %add3A_3778, %broadcast_in_dim3A_89 : vector<16xi32>
    %bitcast3A_3808 = vector.bitcast %sub3A_3807 : vector<16xi32> to vector<16xi32>
    %sub3A_3809 = arith.subi %add3A_3778, %broadcast_in_dim3A_94 : vector<16xi32>
    %bitcast3A_3810 = vector.bitcast %sub3A_3809 : vector<16xi32> to vector<16xi32>
    %min3A_3811 = arith.minui %bitcast3A_3780, %bitcast3A_3782 : vector<16xi32>
    %min3A_3812 = arith.minui %bitcast3A_3784, %bitcast3A_3786 : vector<16xi32>
    %min3A_3813 = arith.minui %bitcast3A_3788, %bitcast3A_3790 : vector<16xi32>
    %min3A_3814 = arith.minui %bitcast3A_3792, %bitcast3A_3794 : vector<16xi32>
    %min3A_3815 = arith.minui %bitcast3A_3796, %bitcast3A_3798 : vector<16xi32>
    %min3A_3816 = arith.minui %bitcast3A_3800, %bitcast3A_3802 : vector<16xi32>
    %min3A_3817 = arith.minui %bitcast3A_3804, %bitcast3A_3806 : vector<16xi32>
    %min3A_3818 = arith.minui %bitcast3A_3808, %bitcast3A_3810 : vector<16xi32>
    %min3A_3819 = arith.minui %min3A_3811, %min3A_3812 : vector<16xi32>
    %min3A_3820 = arith.minui %min3A_3813, %min3A_3814 : vector<16xi32>
    %min3A_3821 = arith.minui %min3A_3815, %min3A_3816 : vector<16xi32>
    %min3A_3822 = arith.minui %min3A_3817, %min3A_3818 : vector<16xi32>
    %min3A_3823 = arith.minui %min3A_3819, %min3A_3820 : vector<16xi32>
    %min3A_3824 = arith.minui %min3A_3821, %min3A_3822 : vector<16xi32>
    %min3A_3825 = arith.minui %min3A_3823, %min3A_3824 : vector<16xi32>
    %bitcast3A_3826 = vector.bitcast %min3A_3825 : vector<16xi32> to vector<16xi32>
    %lt3A_3827 = arith.constant 1024 : i32
    %lt3A_3828 = vector.broadcast %lt3A_3827 : i32 to vector<16xi32>
    %lt3A_3829 = arith.cmpi slt, %bitcast3A_3826, %lt3A_3828 : vector<16xi32>
    %add3A_3830 = vector.broadcast %sub3A_118 : i32 to vector<16xi32>
    %add3A_3831 = arith.addi %bitcast3A_3826, %add3A_3830 : vector<16xi32>
    %select_n3A_3832 = arith.select %lt3A_3829, %bitcast3A_3826, %add3A_3831 : vector<16xi1>, vector<16xi32>
    %gather3A_3833 = tpu.vector_load_idx %arg8[%select_n3A_3832] : memref<2176xf32, #tpu.memory_space<vmem>>[vector<16xi32>], vector<16xf32>,
    %swap3A_3834 = arith.constant 960 : index
    %swap3A_3835 = tpu.vector_load %arg9[%swap3A_3834] {strides = array<i32>} : memref<1024xf32, #tpu.memory_space<vmem>>, vector<16xf32>,
    tpu.vector_store %arg9[%swap3A_3834], %gather3A_3833 {strides = array<i32>} : memref<1024xf32, #tpu.memory_space<vmem>>, vector<16xf32>,
    %add3A_3836 = arith.constant 976 : i32
    %add3A_3837 = arith.addi %mul3A_2, %add3A_3836 : i32
    %add3A_3838 = vector.broadcast %add3A_3837 : i32 to vector<16xi32>
    %add3A_3839 = arith.addi %iota3A, %add3A_3838 : vector<16xi32>
    %sub3A_3840 = arith.subi %add3A_3839, %broadcast_in_dim3A : vector<16xi32>
    %bitcast3A_3841 = vector.bitcast %sub3A_3840 : vector<16xi32> to vector<16xi32>
    %sub3A_3842 = arith.subi %add3A_3839, %broadcast_in_dim3A_24 : vector<16xi32>
    %bitcast3A_3843 = vector.bitcast %sub3A_3842 : vector<16xi32> to vector<16xi32>
    %sub3A_3844 = arith.subi %add3A_3839, %broadcast_in_dim3A_29 : vector<16xi32>
    %bitcast3A_3845 = vector.bitcast %sub3A_3844 : vector<16xi32> to vector<16xi32>
    %sub3A_3846 = arith.subi %add3A_3839, %broadcast_in_dim3A_34 : vector<16xi32>
    %bitcast3A_3847 = vector.bitcast %sub3A_3846 : vector<16xi32> to vector<16xi32>
    %sub3A_3848 = arith.subi %add3A_3839, %broadcast_in_dim3A_39 : vector<16xi32>
    %bitcast3A_3849 = vector.bitcast %sub3A_3848 : vector<16xi32> to vector<16xi32>
    %sub3A_3850 = arith.subi %add3A_3839, %broadcast_in_dim3A_44 : vector<16xi32>
    %bitcast3A_3851 = vector.bitcast %sub3A_3850 : vector<16xi32> to vector<16xi32>
    %sub3A_3852 = arith.subi %add3A_3839, %broadcast_in_dim3A_49 : vector<16xi32>
    %bitcast3A_3853 = vector.bitcast %sub3A_3852 : vector<16xi32> to vector<16xi32>
    %sub3A_3854 = arith.subi %add3A_3839, %broadcast_in_dim3A_54 : vector<16xi32>
    %bitcast3A_3855 = vector.bitcast %sub3A_3854 : vector<16xi32> to vector<16xi32>
    %sub3A_3856 = arith.subi %add3A_3839, %broadcast_in_dim3A_59 : vector<16xi32>
    %bitcast3A_3857 = vector.bitcast %sub3A_3856 : vector<16xi32> to vector<16xi32>
    %sub3A_3858 = arith.subi %add3A_3839, %broadcast_in_dim3A_64 : vector<16xi32>
    %bitcast3A_3859 = vector.bitcast %sub3A_3858 : vector<16xi32> to vector<16xi32>
    %sub3A_3860 = arith.subi %add3A_3839, %broadcast_in_dim3A_69 : vector<16xi32>
    %bitcast3A_3861 = vector.bitcast %sub3A_3860 : vector<16xi32> to vector<16xi32>
    %sub3A_3862 = arith.subi %add3A_3839, %broadcast_in_dim3A_74 : vector<16xi32>
    %bitcast3A_3863 = vector.bitcast %sub3A_3862 : vector<16xi32> to vector<16xi32>
    %sub3A_3864 = arith.subi %add3A_3839, %broadcast_in_dim3A_79 : vector<16xi32>
    %bitcast3A_3865 = vector.bitcast %sub3A_3864 : vector<16xi32> to vector<16xi32>
    %sub3A_3866 = arith.subi %add3A_3839, %broadcast_in_dim3A_84 : vector<16xi32>
    %bitcast3A_3867 = vector.bitcast %sub3A_3866 : vector<16xi32> to vector<16xi32>
    %sub3A_3868 = arith.subi %add3A_3839, %broadcast_in_dim3A_89 : vector<16xi32>
    %bitcast3A_3869 = vector.bitcast %sub3A_3868 : vector<16xi32> to vector<16xi32>
    %sub3A_3870 = arith.subi %add3A_3839, %broadcast_in_dim3A_94 : vector<16xi32>
    %bitcast3A_3871 = vector.bitcast %sub3A_3870 : vector<16xi32> to vector<16xi32>
    %min3A_3872 = arith.minui %bitcast3A_3841, %bitcast3A_3843 : vector<16xi32>
    %min3A_3873 = arith.minui %bitcast3A_3845, %bitcast3A_3847 : vector<16xi32>
    %min3A_3874 = arith.minui %bitcast3A_3849, %bitcast3A_3851 : vector<16xi32>
    %min3A_3875 = arith.minui %bitcast3A_3853, %bitcast3A_3855 : vector<16xi32>
    %min3A_3876 = arith.minui %bitcast3A_3857, %bitcast3A_3859 : vector<16xi32>
    %min3A_3877 = arith.minui %bitcast3A_3861, %bitcast3A_3863 : vector<16xi32>
    %min3A_3878 = arith.minui %bitcast3A_3865, %bitcast3A_3867 : vector<16xi32>
    %min3A_3879 = arith.minui %bitcast3A_3869, %bitcast3A_3871 : vector<16xi32>
    %min3A_3880 = arith.minui %min3A_3872, %min3A_3873 : vector<16xi32>
    %min3A_3881 = arith.minui %min3A_3874, %min3A_3875 : vector<16xi32>
    %min3A_3882 = arith.minui %min3A_3876, %min3A_3877 : vector<16xi32>
    %min3A_3883 = arith.minui %min3A_3878, %min3A_3879 : vector<16xi32>
    %min3A_3884 = arith.minui %min3A_3880, %min3A_3881 : vector<16xi32>
    %min3A_3885 = arith.minui %min3A_3882, %min3A_3883 : vector<16xi32>
    %min3A_3886 = arith.minui %min3A_3884, %min3A_3885 : vector<16xi32>
    %bitcast3A_3887 = vector.bitcast %min3A_3886 : vector<16xi32> to vector<16xi32>
    %lt3A_3888 = arith.constant 1024 : i32
    %lt3A_3889 = vector.broadcast %lt3A_3888 : i32 to vector<16xi32>
    %lt3A_3890 = arith.cmpi slt, %bitcast3A_3887, %lt3A_3889 : vector<16xi32>
    %add3A_3891 = vector.broadcast %sub3A_118 : i32 to vector<16xi32>
    %add3A_3892 = arith.addi %bitcast3A_3887, %add3A_3891 : vector<16xi32>
    %select_n3A_3893 = arith.select %lt3A_3890, %bitcast3A_3887, %add3A_3892 : vector<16xi1>, vector<16xi32>
    %gather3A_3894 = tpu.vector_load_idx %arg8[%select_n3A_3893] : memref<2176xf32, #tpu.memory_space<vmem>>[vector<16xi32>], vector<16xf32>,
    %swap3A_3895 = arith.constant 976 : index
    %swap3A_3896 = tpu.vector_load %arg9[%swap3A_3895] {strides = array<i32>} : memref<1024xf32, #tpu.memory_space<vmem>>, vector<16xf32>,
    tpu.vector_store %arg9[%swap3A_3895], %gather3A_3894 {strides = array<i32>} : memref<1024xf32, #tpu.memory_space<vmem>>, vector<16xf32>,
    %add3A_3897 = arith.constant 992 : i32
    %add3A_3898 = arith.addi %mul3A_2, %add3A_3897 : i32
    %add3A_3899 = vector.broadcast %add3A_3898 : i32 to vector<16xi32>
    %add3A_3900 = arith.addi %iota3A, %add3A_3899 : vector<16xi32>
    %sub3A_3901 = arith.subi %add3A_3900, %broadcast_in_dim3A : vector<16xi32>
    %bitcast3A_3902 = vector.bitcast %sub3A_3901 : vector<16xi32> to vector<16xi32>
    %sub3A_3903 = arith.subi %add3A_3900, %broadcast_in_dim3A_24 : vector<16xi32>
    %bitcast3A_3904 = vector.bitcast %sub3A_3903 : vector<16xi32> to vector<16xi32>
    %sub3A_3905 = arith.subi %add3A_3900, %broadcast_in_dim3A_29 : vector<16xi32>
    %bitcast3A_3906 = vector.bitcast %sub3A_3905 : vector<16xi32> to vector<16xi32>
    %sub3A_3907 = arith.subi %add3A_3900, %broadcast_in_dim3A_34 : vector<16xi32>
    %bitcast3A_3908 = vector.bitcast %sub3A_3907 : vector<16xi32> to vector<16xi32>
    %sub3A_3909 = arith.subi %add3A_3900, %broadcast_in_dim3A_39 : vector<16xi32>
    %bitcast3A_3910 = vector.bitcast %sub3A_3909 : vector<16xi32> to vector<16xi32>
    %sub3A_3911 = arith.subi %add3A_3900, %broadcast_in_dim3A_44 : vector<16xi32>
    %bitcast3A_3912 = vector.bitcast %sub3A_3911 : vector<16xi32> to vector<16xi32>
    %sub3A_3913 = arith.subi %add3A_3900, %broadcast_in_dim3A_49 : vector<16xi32>
    %bitcast3A_3914 = vector.bitcast %sub3A_3913 : vector<16xi32> to vector<16xi32>
    %sub3A_3915 = arith.subi %add3A_3900, %broadcast_in_dim3A_54 : vector<16xi32>
    %bitcast3A_3916 = vector.bitcast %sub3A_3915 : vector<16xi32> to vector<16xi32>
    %sub3A_3917 = arith.subi %add3A_3900, %broadcast_in_dim3A_59 : vector<16xi32>
    %bitcast3A_3918 = vector.bitcast %sub3A_3917 : vector<16xi32> to vector<16xi32>
    %sub3A_3919 = arith.subi %add3A_3900, %broadcast_in_dim3A_64 : vector<16xi32>
    %bitcast3A_3920 = vector.bitcast %sub3A_3919 : vector<16xi32> to vector<16xi32>
    %sub3A_3921 = arith.subi %add3A_3900, %broadcast_in_dim3A_69 : vector<16xi32>
    %bitcast3A_3922 = vector.bitcast %sub3A_3921 : vector<16xi32> to vector<16xi32>
    %sub3A_3923 = arith.subi %add3A_3900, %broadcast_in_dim3A_74 : vector<16xi32>
    %bitcast3A_3924 = vector.bitcast %sub3A_3923 : vector<16xi32> to vector<16xi32>
    %sub3A_3925 = arith.subi %add3A_3900, %broadcast_in_dim3A_79 : vector<16xi32>
    %bitcast3A_3926 = vector.bitcast %sub3A_3925 : vector<16xi32> to vector<16xi32>
    %sub3A_3927 = arith.subi %add3A_3900, %broadcast_in_dim3A_84 : vector<16xi32>
    %bitcast3A_3928 = vector.bitcast %sub3A_3927 : vector<16xi32> to vector<16xi32>
    %sub3A_3929 = arith.subi %add3A_3900, %broadcast_in_dim3A_89 : vector<16xi32>
    %bitcast3A_3930 = vector.bitcast %sub3A_3929 : vector<16xi32> to vector<16xi32>
    %sub3A_3931 = arith.subi %add3A_3900, %broadcast_in_dim3A_94 : vector<16xi32>
    %bitcast3A_3932 = vector.bitcast %sub3A_3931 : vector<16xi32> to vector<16xi32>
    %min3A_3933 = arith.minui %bitcast3A_3902, %bitcast3A_3904 : vector<16xi32>
    %min3A_3934 = arith.minui %bitcast3A_3906, %bitcast3A_3908 : vector<16xi32>
    %min3A_3935 = arith.minui %bitcast3A_3910, %bitcast3A_3912 : vector<16xi32>
    %min3A_3936 = arith.minui %bitcast3A_3914, %bitcast3A_3916 : vector<16xi32>
    %min3A_3937 = arith.minui %bitcast3A_3918, %bitcast3A_3920 : vector<16xi32>
    %min3A_3938 = arith.minui %bitcast3A_3922, %bitcast3A_3924 : vector<16xi32>
    %min3A_3939 = arith.minui %bitcast3A_3926, %bitcast3A_3928 : vector<16xi32>
    %min3A_3940 = arith.minui %bitcast3A_3930, %bitcast3A_3932 : vector<16xi32>
    %min3A_3941 = arith.minui %min3A_3933, %min3A_3934 : vector<16xi32>
    %min3A_3942 = arith.minui %min3A_3935, %min3A_3936 : vector<16xi32>
    %min3A_3943 = arith.minui %min3A_3937, %min3A_3938 : vector<16xi32>
    %min3A_3944 = arith.minui %min3A_3939, %min3A_3940 : vector<16xi32>
    %min3A_3945 = arith.minui %min3A_3941, %min3A_3942 : vector<16xi32>
    %min3A_3946 = arith.minui %min3A_3943, %min3A_3944 : vector<16xi32>
    %min3A_3947 = arith.minui %min3A_3945, %min3A_3946 : vector<16xi32>
    %bitcast3A_3948 = vector.bitcast %min3A_3947 : vector<16xi32> to vector<16xi32>
    %lt3A_3949 = arith.constant 1024 : i32
    %lt3A_3950 = vector.broadcast %lt3A_3949 : i32 to vector<16xi32>
    %lt3A_3951 = arith.cmpi slt, %bitcast3A_3948, %lt3A_3950 : vector<16xi32>
    %add3A_3952 = vector.broadcast %sub3A_118 : i32 to vector<16xi32>
    %add3A_3953 = arith.addi %bitcast3A_3948, %add3A_3952 : vector<16xi32>
    %select_n3A_3954 = arith.select %lt3A_3951, %bitcast3A_3948, %add3A_3953 : vector<16xi1>, vector<16xi32>
    %gather3A_3955 = tpu.vector_load_idx %arg8[%select_n3A_3954] : memref<2176xf32, #tpu.memory_space<vmem>>[vector<16xi32>], vector<16xf32>,
    %swap3A_3956 = arith.constant 992 : index
    %swap3A_3957 = tpu.vector_load %arg9[%swap3A_3956] {strides = array<i32>} : memref<1024xf32, #tpu.memory_space<vmem>>, vector<16xf32>,
    tpu.vector_store %arg9[%swap3A_3956], %gather3A_3955 {strides = array<i32>} : memref<1024xf32, #tpu.memory_space<vmem>>, vector<16xf32>,
    %add3A_3958 = arith.constant 1008 : i32
    %add3A_3959 = arith.addi %mul3A_2, %add3A_3958 : i32
    %add3A_3960 = vector.broadcast %add3A_3959 : i32 to vector<16xi32>
    %add3A_3961 = arith.addi %iota3A, %add3A_3960 : vector<16xi32>
    %sub3A_3962 = arith.subi %add3A_3961, %broadcast_in_dim3A : vector<16xi32>
    %bitcast3A_3963 = vector.bitcast %sub3A_3962 : vector<16xi32> to vector<16xi32>
    %sub3A_3964 = arith.subi %add3A_3961, %broadcast_in_dim3A_24 : vector<16xi32>
    %bitcast3A_3965 = vector.bitcast %sub3A_3964 : vector<16xi32> to vector<16xi32>
    %sub3A_3966 = arith.subi %add3A_3961, %broadcast_in_dim3A_29 : vector<16xi32>
    %bitcast3A_3967 = vector.bitcast %sub3A_3966 : vector<16xi32> to vector<16xi32>
    %sub3A_3968 = arith.subi %add3A_3961, %broadcast_in_dim3A_34 : vector<16xi32>
    %bitcast3A_3969 = vector.bitcast %sub3A_3968 : vector<16xi32> to vector<16xi32>
    %sub3A_3970 = arith.subi %add3A_3961, %broadcast_in_dim3A_39 : vector<16xi32>
    %bitcast3A_3971 = vector.bitcast %sub3A_3970 : vector<16xi32> to vector<16xi32>
    %sub3A_3972 = arith.subi %add3A_3961, %broadcast_in_dim3A_44 : vector<16xi32>
    %bitcast3A_3973 = vector.bitcast %sub3A_3972 : vector<16xi32> to vector<16xi32>
    %sub3A_3974 = arith.subi %add3A_3961, %broadcast_in_dim3A_49 : vector<16xi32>
    %bitcast3A_3975 = vector.bitcast %sub3A_3974 : vector<16xi32> to vector<16xi32>
    %sub3A_3976 = arith.subi %add3A_3961, %broadcast_in_dim3A_54 : vector<16xi32>
    %bitcast3A_3977 = vector.bitcast %sub3A_3976 : vector<16xi32> to vector<16xi32>
    %sub3A_3978 = arith.subi %add3A_3961, %broadcast_in_dim3A_59 : vector<16xi32>
    %bitcast3A_3979 = vector.bitcast %sub3A_3978 : vector<16xi32> to vector<16xi32>
    %sub3A_3980 = arith.subi %add3A_3961, %broadcast_in_dim3A_64 : vector<16xi32>
    %bitcast3A_3981 = vector.bitcast %sub3A_3980 : vector<16xi32> to vector<16xi32>
    %sub3A_3982 = arith.subi %add3A_3961, %broadcast_in_dim3A_69 : vector<16xi32>
    %bitcast3A_3983 = vector.bitcast %sub3A_3982 : vector<16xi32> to vector<16xi32>
    %sub3A_3984 = arith.subi %add3A_3961, %broadcast_in_dim3A_74 : vector<16xi32>
    %bitcast3A_3985 = vector.bitcast %sub3A_3984 : vector<16xi32> to vector<16xi32>
    %sub3A_3986 = arith.subi %add3A_3961, %broadcast_in_dim3A_79 : vector<16xi32>
    %bitcast3A_3987 = vector.bitcast %sub3A_3986 : vector<16xi32> to vector<16xi32>
    %sub3A_3988 = arith.subi %add3A_3961, %broadcast_in_dim3A_84 : vector<16xi32>
    %bitcast3A_3989 = vector.bitcast %sub3A_3988 : vector<16xi32> to vector<16xi32>
    %sub3A_3990 = arith.subi %add3A_3961, %broadcast_in_dim3A_89 : vector<16xi32>
    %bitcast3A_3991 = vector.bitcast %sub3A_3990 : vector<16xi32> to vector<16xi32>
    %sub3A_3992 = arith.subi %add3A_3961, %broadcast_in_dim3A_94 : vector<16xi32>
    %bitcast3A_3993 = vector.bitcast %sub3A_3992 : vector<16xi32> to vector<16xi32>
    %min3A_3994 = arith.minui %bitcast3A_3963, %bitcast3A_3965 : vector<16xi32>
    %min3A_3995 = arith.minui %bitcast3A_3967, %bitcast3A_3969 : vector<16xi32>
    %min3A_3996 = arith.minui %bitcast3A_3971, %bitcast3A_3973 : vector<16xi32>
    %min3A_3997 = arith.minui %bitcast3A_3975, %bitcast3A_3977 : vector<16xi32>
    %min3A_3998 = arith.minui %bitcast3A_3979, %bitcast3A_3981 : vector<16xi32>
    %min3A_3999 = arith.minui %bitcast3A_3983, %bitcast3A_3985 : vector<16xi32>
    %min3A_4000 = arith.minui %bitcast3A_3987, %bitcast3A_3989 : vector<16xi32>
    %min3A_4001 = arith.minui %bitcast3A_3991, %bitcast3A_3993 : vector<16xi32>
    %min3A_4002 = arith.minui %min3A_3994, %min3A_3995 : vector<16xi32>
    %min3A_4003 = arith.minui %min3A_3996, %min3A_3997 : vector<16xi32>
    %min3A_4004 = arith.minui %min3A_3998, %min3A_3999 : vector<16xi32>
    %min3A_4005 = arith.minui %min3A_4000, %min3A_4001 : vector<16xi32>
    %min3A_4006 = arith.minui %min3A_4002, %min3A_4003 : vector<16xi32>
    %min3A_4007 = arith.minui %min3A_4004, %min3A_4005 : vector<16xi32>
    %min3A_4008 = arith.minui %min3A_4006, %min3A_4007 : vector<16xi32>
    %bitcast3A_4009 = vector.bitcast %min3A_4008 : vector<16xi32> to vector<16xi32>
    %lt3A_4010 = arith.constant 1024 : i32
    %lt3A_4011 = vector.broadcast %lt3A_4010 : i32 to vector<16xi32>
    %lt3A_4012 = arith.cmpi slt, %bitcast3A_4009, %lt3A_4011 : vector<16xi32>
    %add3A_4013 = vector.broadcast %sub3A_118 : i32 to vector<16xi32>
    %add3A_4014 = arith.addi %bitcast3A_4009, %add3A_4013 : vector<16xi32>
    %select_n3A_4015 = arith.select %lt3A_4012, %bitcast3A_4009, %add3A_4014 : vector<16xi1>, vector<16xi32>
    %gather3A_4016 = tpu.vector_load_idx %arg8[%select_n3A_4015] : memref<2176xf32, #tpu.memory_space<vmem>>[vector<16xi32>], vector<16xf32>,
    %swap3A_4017 = arith.constant 1008 : index
    %swap3A_4018 = tpu.vector_load %arg9[%swap3A_4017] {strides = array<i32>} : memref<1024xf32, #tpu.memory_space<vmem>>, vector<16xf32>,
    tpu.vector_store %arg9[%swap3A_4017], %gather3A_4016 {strides = array<i32>} : memref<1024xf32, #tpu.memory_space<vmem>>, vector<16xf32>,
    %dma_start3A_4019 = tpu.memref_slice %arg6[%mul3A_2] : memref<32768xf32, #tpu.memory_space<hbm>> -> memref<1024xf32, #tpu.memory_space<hbm>>
    %dma_start3A_4020 = tpu.memref_slice %arg6[%mul3A_2] : memref<32768xf32, #tpu.memory_space<hbm>> -> memref<1024xf32, #tpu.memory_space<hbm>>
    tpu.enqueue_dma source(%arg9 : memref<1024xf32, #tpu.memory_space<vmem>>) target(%dma_start3A_4020 : memref<1024xf32, #tpu.memory_space<hbm>>) target_semaphore(%arg11 : memref<!tpu.dma_semaphore, #tpu.memory_space<semaphore_mem>>)
    %dma_wait3A_4021 = tpu.memref_slice %arg2[%mul3A_2] : memref<32768xi32, #tpu.memory_space<hbm>> -> memref<1024xi32, #tpu.memory_space<hbm>>
    %dma_wait3A_4022 = tpu.memref_slice %arg2[%mul3A_2] : memref<32768xi32, #tpu.memory_space<hbm>> -> memref<1024xi32, #tpu.memory_space<hbm>>
    tpu.wait_dma2 semaphore(%arg12 : memref<!tpu.dma_semaphore, #tpu.memory_space<semaphore_mem>>) src(%dma_wait3A_4022 : memref<1024xi32, #tpu.memory_space<hbm>>) dst(%arg10 : memref<1024xi32, #tpu.memory_space<vmem>>)
    %dma_start3A_4023 = tpu.memref_slice %arg5[%mul3A_2] : memref<32768xi32, #tpu.memory_space<hbm>> -> memref<1024xi32, #tpu.memory_space<hbm>>
    %dma_start3A_4024 = tpu.memref_slice %arg5[%mul3A_2] : memref<32768xi32, #tpu.memory_space<hbm>> -> memref<1024xi32, #tpu.memory_space<hbm>>
    tpu.enqueue_dma source(%arg10 : memref<1024xi32, #tpu.memory_space<vmem>>) target(%dma_start3A_4024 : memref<1024xi32, #tpu.memory_space<hbm>>) target_semaphore(%arg12 : memref<!tpu.dma_semaphore, #tpu.memory_space<semaphore_mem>>)
    %dma_wait3A_4025 = tpu.memref_slice %arg6[%mul3A_2] : memref<32768xf32, #tpu.memory_space<hbm>> -> memref<1024xf32, #tpu.memory_space<hbm>>
    %dma_wait3A_4026 = tpu.memref_slice %arg6[%mul3A_2] : memref<32768xf32, #tpu.memory_space<hbm>> -> memref<1024xf32, #tpu.memory_space<hbm>>
    tpu.wait_dma2 semaphore(%arg11 : memref<!tpu.dma_semaphore, #tpu.memory_space<semaphore_mem>>) src(%arg9 : memref<1024xf32, #tpu.memory_space<vmem>>) dst(%dma_wait3A_4026 : memref<1024xf32, #tpu.memory_space<hbm>>)
    %dma_wait3A_4027 = tpu.memref_slice %arg5[%mul3A_2] : memref<32768xi32, #tpu.memory_space<hbm>> -> memref<1024xi32, #tpu.memory_space<hbm>>
    %dma_wait3A_4028 = tpu.memref_slice %arg5[%mul3A_2] : memref<32768xi32, #tpu.memory_space<hbm>> -> memref<1024xi32, #tpu.memory_space<hbm>>
    tpu.wait_dma2 semaphore(%arg12 : memref<!tpu.dma_semaphore, #tpu.memory_space<semaphore_mem>>) src(%arg10 : memref<1024xi32, #tpu.memory_space<vmem>>) dst(%dma_wait3A_4028 : memref<1024xi32, #tpu.memory_space<hbm>>)
    return
  }
}

</mosaic_0001>

<sc_bundles>
// kernel: _position_weights.3.cloned.1.call-start
scs
__scs_entry_jumppad:
0x0: {  	(pc) =	sbr.rel $0x88, $3  }
0x1: {  	(tag) =	ssettag $0x0;
	lr =	simm.s32 $0x1  }
0x2: {  	[smem:$0x3F9E] =	sst lr;
	_ =	strace $0xD0000000  }
0x3: {  	_ = 	snop  }
0x4: {  	_ = 	snop  }
0x5: {  	_ = 	snop  }
0x6: {  	_ = 	snop  }
0x7: {  	_ = 	snop  }
__scs_overlays_trampoline_lowered:
0x8: {  	[smem:$0x3FAD] =	sst s0  }
0x9: {  	[smem:$0x3FAE] =	sst s1  }
0xa: {  	[smem:$0x3FAF] =	sst s2  }
0xb: {  	[smem:$0x3FB0] =	sst s3  }
0xc: {  	[smem:$0x3FB1] =	sst s4  }
0xd: {  	[smem:$0x3FB2] =	sst s5  }
0xe: {  	[smem:$0x3FB3] =	sst s6  }
0xf: {  	[smem:$0x3FB4] =	sst s7  }
0x10: {  	[smem:$0x3FB5] =	sst s8  }
0x11: {  	[smem:$0x3FB6] =	sst s9;
	s0 =	simm.s32 @!p0 $0x0  }
0x12: {  	s1 =	sld [smem:$0x3F9C];
	s0 =	simm.s32 @p0 $0x1  }
0x13: {  	[smem:$0x3FB7] =	sst s0;
	s0 =	simm.s32 @!p1 $0x0  }
0x14: {  	s2 =	sld [smem:$0x3F9B];
	s0 =	simm.s32 @p1 $0x1  }
0x15: {  	[smem:$0x3FB8] =	sst s0;
	s0 =	simm.s32 @!p2 $0x0  }
0x16: {  	s3 =	sld [smem:$0x3FDB];
	s0 =	simm.s32 @p2 $0x1  }
0x17: {  	s4 =	simm.s32 $0x1BF5;
	[smem:$0x3FBA] =	sst s0  }
0x18: {  	s0 =	sld [smem:$0x3F9D];
	_ =	swait.ge [sflag:s4], $0x0  }
0x19: {  	s7 =	sld [smem:$0x3F9E]  }
0x1a: {  	s8 =	sadd.s32 $0xFFFFE003, lr  }
0x1b: {  	s9 =	sadd.s32 $0xFFFFFEF7, lr;
	s5 =	simm.s32 $0xFFFFFFFF;
	p2 =	slt.u32 s8, $0xFFFFF086  }
0x1c: {  	p1 =	slt.u32 s9, $0xF7A;
	s5 =	simm.s32 @!p2 $0x0  }
0x1d: {  	s5 =	simm.s32 @p1 $0x1;
	p0 =	seq.s32 s7, s2  }
0x1e: {  	s7 =	smul.u32 @!p0 $0xF7A, s2;
	p2 =	seq.s32 @!p0 s5, $0x0  }
0x1f: {  	s9 =	smul.u32 $0xF7A, s1;
	s8 =	simm.s32 @!p0 $0x1BF5;
	p2 =	por !p2, p0  }
0x20: {  	[sflag:s8] =	ssyncset.s32 @!p0 $0xFFFFF086;
	s6 =	sadd.s32 @!p0 s3, s7;
	s7 =	simm.s32 @!p0 $0x108  }
0x21: {  	s3 =	sadd.s32 s3, s9;
	s6 =	sadd.s32 @!p0 $0x88, s6;
	s7 =	simm.s32 @p2 $0x1082  }
0x22: {  	[simem:s7], [sflag:s8] =	dma.local @!p0 [hbm:s6], $0xF7A  }
0x23: {  	s9 =	sor.u32 $0xD0000000, s2;
	s6 =	simm.s32 $0x108;
	_ =	swait.ge @!p0 [sflag:s8], $0x0  }
0x24: {  	s3 =	sadd.s32 $0x88, s3;
	s6 =	simm.s32 @!p1 $0x1082;
	[sflag:s4] =	ssyncset.s32 $0xFFFFF086  }
0x25: {  	[simem:s6], [sflag:s4] =	dma.local [hbm:s3], $0xF7A  }
0x26: {  	[smem:$0x3F9E] =	sst s1;
	(tag) =	ssettag s2;
	_ =	strace s9  }
0x27: {  	s1 =	sld [smem:$0x3FAE]  }
0x28: {  	s2 =	sld [smem:$0x3FAF]  }
0x29: {  	s4 =	sld [smem:$0x3FB1]  }
0x2a: {  	p0 =	seq.s32 s5, $0x0;
	s5 =	sld [smem:$0x3FB2]  }
0x2b: {  	s6 =	sld [smem:$0x3FB3]  }
0x2c: {  	s7 =	sld [smem:$0x3FB4]  }
0x2d: {  	s3 =	simm.s32 $0x108;
	s8 =	sld [smem:$0x3FB5]  }
0x2e: {  	s3 =	simm.s32 @!p0 $0x1082;
	s9 =	sld [smem:$0x3FB6]  }
0x2f: {  	lr =	sadd.s32 s0, s3;
	s0 =	sld [smem:$0x3FAD]  }
0x30: {  	s3 =	sld [smem:$0x3FB0]  }
0x31: {  	[smem:$0x3FB9] =	sst s10  }
0x32: {  	s10 =	sld [smem:$0x3FB7];
	_ =	sdelay $0x3  }
0x33: {  	p0 =	seq.s32 s10, $0x1;
	s10 =	sld [smem:$0x3FB9];
	_ =	sdelay $0x3  }
0x34: {  	[smem:$0x3FB9] =	sst s10  }
0x35: {  	s10 =	sld [smem:$0x3FB8];
	_ =	sdelay $0x3  }
0x36: {  	p1 =	seq.s32 s10, $0x1;
	s10 =	sld [smem:$0x3FB9];
	_ =	sdelay $0x3  }
0x37: {  	[smem:$0x3FB9] =	sst s10  }
0x38: {  	s10 =	sld [smem:$0x3FBA]  }
0x39: {  	_ = 	snop;
	(pc) =	sbr.ind lr, $3  }
0x3a: {  	_ = 	snop  }
0x3b: {  	_ = 	snop  }
0x3c: {  	p2 =	seq.s32 s10, $0x1;
	s10 =	sld [smem:$0x3FB9]  }
0x3d: {  	_ =	shalt  }
0x3e: {  	_ =	shalt  }
0x3f: {  	_ =	shalt  }
0x40: {  	_ =	shalt  }
0x41: {  	_ =	shalt  }
0x42: {  	_ =	shalt  }
0x43: {  	_ =	shalt  }
0x44: {  	_ =	shalt  }
0x45: {  	_ =	shalt  }
0x46: {  	_ =	shalt  }
0x47: {  	_ =	shalt  }
0x48: {  	_ =	shalt  }
0x49: {  	_ =	shalt  }
0x4a: {  	_ =	shalt  }
0x4b: {  	_ =	shalt  }
0x4c: {  	_ =	shalt  }
0x4d: {  	_ =	shalt  }
0x4e: {  	_ =	shalt  }
0x4f: {  	_ =	shalt  }
0x50: {  	_ =	shalt  }
0x51: {  	_ =	shalt  }
0x52: {  	_ =	shalt  }
0x53: {  	_ =	shalt  }
0x54: {  	_ =	shalt  }
0x55: {  	_ =	shalt  }
0x56: {  	_ =	shalt  }
0x57: {  	_ =	shalt  }
0x58: {  	_ =	shalt  }
0x59: {  	_ =	shalt  }
0x5a: {  	_ =	shalt  }
0x5b: {  	_ =	shalt  }
0x5c: {  	_ =	shalt  }
0x5d: {  	_ =	shalt  }
0x5e: {  	_ =	shalt  }
0x5f: {  	_ =	shalt  }
0x60: {  	_ =	shalt  }
0x61: {  	_ =	shalt  }
0x62: {  	_ =	shalt  }
0x63: {  	_ =	shalt  }
0x64: {  	_ =	shalt  }
0x65: {  	_ =	shalt  }
0x66: {  	_ =	shalt  }
0x67: {  	_ =	shalt  }
0x68: {  	_ =	shalt  }
0x69: {  	_ =	shalt  }
0x6a: {  	_ =	shalt  }
0x6b: {  	_ =	shalt  }
0x6c: {  	_ =	shalt  }
0x6d: {  	_ =	shalt  }
0x6e: {  	_ =	shalt  }
0x6f: {  	_ =	shalt  }
0x70: {  	_ =	shalt  }
0x71: {  	_ =	shalt  }
0x72: {  	_ =	shalt  }
0x73: {  	_ =	shalt  }
0x74: {  	_ =	shalt  }
0x75: {  	_ =	shalt  }
0x76: {  	_ =	shalt  }
0x77: {  	_ =	shalt  }
0x78: {  	_ =	shalt  }
0x79: {  	_ =	shalt  }
0x7a: {  	_ =	shalt  }
0x7b: {  	_ =	shalt  }
0x7c: {  	_ =	shalt  }
0x7d: {  	_ =	shalt  }
0x7e: {  	_ =	shalt  }
0x7f: {  	_ =	shalt  }
0x80: {  	_ =	shalt  }
0x81: {  	_ =	shalt  }
0x82: {  	_ =	shalt  }
0x83: {  	_ =	shalt  }
0x84: {  	_ =	shalt  }
0x85: {  	_ =	shalt  }
0x86: {  	_ =	shalt  }
0x87: {  	_ =	shalt  }
.Lfunc_end0:
.L_simem_size_0:
called_computation_lowered:
.L_overlay_start_0:
0x88: {  	s2 =	sld [smem:$0x3FD9]  }
0x89: {  	s3 =	sld [smem:$0x3FFE];
	_ =	sdelay $0x1  }
0x8a: {  	s1 =	srdreg.scid  }
0x8b: {  	s0 =	sand.u32 $0x1, s1  }
0x8c: {  	s15 =	sshll.u32 s0, $0xA;
	s2 =	sadd.s32 s3, s2  }
0x8d: {  	s2 =	sadd.s32 s2, s15  }
0x8e: {  	[smem:$0x3FC5] =	sst s2  }
0x8f: {  	_ = 	snop  }
0x90: {  	s2 =	sld [smem:$0x3FD0]  }
0x91: {  	s16 =	sld [smem:$0x3FC9]  }
0x92: {  	s4 =	sld [smem:$0x3FC8]  }
0x93: {  	s6 =	simm.s32 $0xA;
	s7 =	simm.s32 $0x10;
	s5 =	sld [smem:$0x3FC7]  }
0x94: {  	[smem:s7], [sflag:s6] =	dma.local [hbm:s2], $0x1  }
0x95: {  	_ =	swait.eq [sflag:s6], $0x1  }
0x96: {  	[sflag:s6] =	ssyncset.done $0x0  }
0x97: {  	s17 =	sld [smem:$0x10];
	[sflag:s6] =	ssyncadd.s32 $0xFFFFFFFF  }
0x98: {  	s18 =	sld [smem:$0x11];
	(tm) =	ssettm $0x1  }
0x99: {  	s19 =	sld [smem:$0x3FFB];
	_ =	sdelay $0x3  }
0x9a: {  	_ =	strace s19  }
0x9b: {  	s7 =	sld [smem:$0x3FFC];
	_ =	sdelay $0x3  }
0x9c: {  	_ =	strace s7  }
0x9d: {  	s7 =	sld [smem:$0x3FFD];
	_ =	sdelay $0x3  }
0x9e: {  	_ =	strace s7  }
0x9f: {  	_ =	strace $0x8FFFFFFF  }
0xa0: {  	s20 =	sld [smem:$0x3FDB];
	_ =	sdelay $0x1  }
0xa1: {  	s8 =	simm.s32 $_scs_section_size  }
0xa2: {  	s9 =	simm.s32 $_size__tile_overlayer_lowered;
	s10 =	simm.s32 $_tile_overlayer_lowered  }
0xa3: {  	s23 =	simm.s32 $0x1BFF;
	s22 =	sshll.u32 s10, $0x1;
	s7 =	sadd.s32 s8, s20  }
0xa4: {  	s11 =	simm.s32 $0x0;
	s21 =	sshll.u32 s9, $0x1;
	s9 =	sadd.s32 s22, s7  }
0xa5: {  	[timem:s11], [sflag:s23] =	dma.local [hbm:s9], s21  }
0xa6: {  	_ =	swait.ge [sflag:s23], s21  }
0xa7: {  	s8 =	ssub.s32 $0x0, s21;
	[sflag:s23] =	ssyncset.done $0x0  }
0xa8: {  	[sflag:s23] =	ssyncadd.s32 s8;
	_ =	sdelay $0x1  }
0xa9: {  	s24 =	simm.s32 $0x1B8B  }
0xaa: {  	_ =	swait.ge [sflag:s24], $0x1  }
0xab: {  	[sflag:s24] =	ssyncset.done $0x0  }
0xac: {  	s25 =	simm.s32 $0x1B8E;
	[sflag:s24] =	ssyncadd.s32 $0xFFFFFFFF  }
0xad: {  	s26 =	simm.s32 $execute0_lowered;
	[smem:$0x3FD2] =	sst s25  }
0xae: {  	s8 =	sshll.u32 s26, $0x1;
	_ =	strace $0x80000046;
	[dreg:$0x1] =	wrdreg $0xFFFFFFFF  }
0xaf: {  	s28 =	simm.s32 $_size_execute0_lowered;
	s7 =	sadd.s32 s7, s8;
	[dreg:$0x0] =	wrdreg $0x0  }
0xb0: {  	s8 =	sshll.u32 s28, $0x1;
	[dreg:$0x2] =	wrdreg s7  }
0xb1: {  	[dreg:$0x3] =	wrdreg s8  }
0xb2: {  	[dreg:$0x4] =	wrdreg $0xC0  }
0xb3: {  	_ =	task [dreg:s11], $0x5FFFF  }
0xb4: {  	[dreg:$0x1] =	wrdreg $0xFFFFFFFF  }
0xb5: {  	[dreg:$0x0] =	wrdreg $0x60  }
0xb6: {  	[dreg:$0x2] =	wrdreg s16  }
0xb7: {  	[dreg:$0x3] =	wrdreg s4  }
0xb8: {  	[dreg:$0x4] =	wrdreg s5  }
0xb9: {  	[dreg:$0x5] =	wrdreg s17  }
0xba: {  	[dreg:$0x6] =	wrdreg s18  }
0xbb: {  	[dreg:$0x7] =	wrdreg $0x9  }
0xbc: {  	_ =	task.clear_ibuf [dreg:s11], $0x8FFFF;
	_ =	strace $0x90000046  }
0xbd: {  	s29 =	simm.s32 $0x9;
	_ =	strace $0x80000048  }
0xbe: {  	_ =	swait.ge [sflag:s29], $0x1  }
0xbf: {  	[sflag:s29] =	ssyncadd.s32 $0xFFFFFFFF  }
0xc0: {  	_ =	strace $0x90000048  }
0xc1: {  	_ =	sfence  }
0xc2: {  	s30 =	sld [smem:$0x0];
	_ =	sdelay $0x2  }
0xc3: {  	s31 =	sshll.u32 s1, $0xD;
	s1 =	sshrl.u32 s1, $0x2  }
0xc4: {  	s3 =	sand.u32 $0x4000, s31;
	s1 =	sadd.s32 s1, s30  }
0xc5: {  	s0 =	sor.u32 s3, s0;
	s1 =	sshll.u32 s1, $0x11  }
0xc6: {  	s0 =	sor.u32 s1, s0  }
0xc7: {  	s0 =	sadd.s32 $0x8F2B, s0  }
0xc8: {  	[sflag:s0] =	ssyncadd.remote.s32 $0x1  }
0xc9: {  	_ =	sfence.sel $0xFFFF  }
0xca: {  	[dreg:$0x0] =	wrdreg $0xFFFFFFFF;
	(pc) =	sbr.abs _section_cstart, $3  }
0xcb: {  	[dreg:$0x1] =	wrdreg $0xFFFFFFFF  }
0xcc: {  	_ =	task.clear_ibuf [dreg:s11], $0x2FFFF;
	_ =	strace $0x9FFFFFFF  }
0xcd: {  	(tm) =	ssettm $0x7FFFFFFF  }
tec
execute0_lowered:
.L_overlay_start_1:
0x0: {  	(tag) =	ssettag $0x1  }
0x1: {  	s6 =	rddreg [dreg:$0x0]  }
0x2: {  	s0 =	rddreg [dreg:$0x1];
	s2 =	srdreg.scid  }
0x3: {  	[dreg:$0x6] =	wrdreg s0;
	s0 =	stileid.u32;
	s7 =	sand.u32 $0x1, s2  }
0x4: {  	s1 =	rddreg [dreg:$0x2];
	s4 =	sshll.u32 s0, $0xB;
	s9 =	sshll.u32 s7, $0xA  }
0x5: {  	s5 =	rddreg [dreg:$0x3];
	s4 =	sor.u32 s9, s4  }
0x6: {  	s8 =	rddreg [dreg:$0x4];
	s3 =	simm.s32 $0x0;
	v0 =	vlaneseq.u32;
	s21 =	sor.u32 $0x10, s4  }
0x7: {  	[smem:$0x7FF] =	sst s3;
	s22 =	sor.u32 $0x20, s4;
	v1 =	vor.u32 s21, v0  }
0x8: {  	s2 =	rddreg [dreg:$0x5];
	_ =	strace $0x80000047;
	s23 =	sor.u32 $0x30, s4;
	v28 =	vor.u32 s22, v0;
	[tilespmem:$0x1FDB0] =	vst v1  }
0x9: {  	s12 =	sor.u32 $0x40, s4;
	v29 =	vor.u32 s23, v0;
	[tilespmem:$0x1FDC0] =	vst v28  }
0xa: {  	s13 =	sor.u32 $0x50, s4;
	v30 =	vor.u32 s12, v0;
	[tilespmem:$0x1FDD0] =	vst v29  }
0xb: {  	s14 =	sor.u32 $0x60, s4;
	v31 =	vor.u32 s13, v0;
	[tilespmem:$0x1FDE0] =	vst v30  }
0xc: {  	s15 =	sor.u32 $0x70, s4;
	v32 =	vor.u32 s14, v0;
	[tilespmem:$0x1FDF0] =	vst v31  }
0xd: {  	s16 =	sor.u32 $0x80, s4;
	v33 =	vor.u32 s15, v0;
	[tilespmem:$0x1FE00] =	vst v32  }
0xe: {  	s17 =	sor.u32 $0x90, s4;
	v34 =	vor.u32 s16, v0;
	[tilespmem:$0x1FE10] =	vst v33  }
0xf: {  	s18 =	sor.u32 $0xA0, s4;
	v35 =	vor.u32 s17, v0;
	[tilespmem:$0x1FE20] =	vst v34  }
0x10: {  	s24 =	sor.u32 $0xB0, s4;
	v36 =	vor.u32 s18, v0;
	[tilespmem:$0x1FE30] =	vst v35  }
0x11: {  	s19 =	sor.u32 $0xC0, s4;
	v37 =	vor.u32 s24, v0;
	[tilespmem:$0x1FE40] =	vst v36  }
0x12: {  	s25 =	sor.u32 $0xE0, s4;
	v38 =	vor.u32 s19, v0;
	[tilespmem:$0x1FE50] =	vst v37  }
0x13: {  	s26 =	sor.u32 $0xF0, s4;
	v40 =	vor.u32 s25, v0;
	[tilespmem:$0x1FE60] =	vst v38  }
0x14: {  	s28 =	sor.u32 $0x100, s4;
	v41 =	vor.u32 s26, v0;
	[tilespmem:$0x1FE80] =	vst v40  }
0x15: {  	s29 =	sor.u32 $0x110, s4;
	v42 =	vor.u32 s28, v0;
	[tilespmem:$0x1FE90] =	vst v41  }
0x16: {  	s20 =	ssub.s32 $0x2, s7;
	s30 =	sor.u32 $0x120, s4;
	v43 =	vor.u32 s29, v0;
	[tilespmem:$0x1FEA0] =	vst v42  }
0x17: {  	s10 =	sshrl.u32 s20, $0x1;
	s7 =	sshrl.u32 s4, $0x3;
	s31 =	sor.u32 $0x130, s4;
	v44 =	vor.u32 s30, v0;
	[tilespmem:$0x1FEB0] =	vst v43  }
0x18: {  	s11 =	sadd.s32 s6, s7;
	s6 =	ssub.s32 s20, s10;
	s20 =	sor.u32 $0xD0, s4;
	v45 =	vor.u32 s31, v0;
	[tilespmem:$0x1FEC0] =	vst v44  }
0x19: {  	s18 =	sor.u32 $0x140, s4;
	v39 =	vor.u32 s20, v0;
	[tilespmem:$0x1FED0] =	vst v45  }
0x1a: {  	s9 =	simm.s32 $0x2;
	s21 =	sor.u32 $0x150, s4;
	s22 =	sor.u32 $0x160, s4;
	v46 =	vor.u32 s18, v0;
	[tilespmem:$0x1FE70] =	vst v39  }
0x1b: {  	s23 =	sor.u32 $0x180, s4;
	s24 =	sor.u32 $0x190, s4;
	s25 =	sor.u32 $0x1A0, s4;
	v47 =	vor.u32 s21, v0;
	[tilespmem:$0x1FEE0] =	vst v46  }
0x1c: {  	s26 =	sor.u32 $0x1B0, s4;
	s28 =	sor.u32 $0x1C0, s4;
	s29 =	sor.u32 $0x1D0, s4;
	v48 =	vor.u32 s22, v0;
	[tilespmem:$0x1FEF0] =	vst v47  }
0x1d: {  	s30 =	sor.u32 $0x1E0, s4;
	s31 =	sor.u32 $0x1F0, s4;
	s8 =	sadd.s32 s8, s7;
	v50 =	vor.u32 s23, v0;
	[tilespmem:$0x1FF00] =	vst v48  }
0x1e: {  	s5 =	sadd.s32 s5, s7;
	s7 =	simm.s32 $0xD00;
	[dreg:$0x7] =	wrdreg s11;
	v51 =	vor.u32 s24, v0;
	[tilespmem:$0x1FF20] =	vst v50  }
0x1f: {  	s20 =	sor.u32 $0x170, s4;
	s18 =	sor.u32 $0x200, s4;
	s21 =	sor.u32 $0x210, s4;
	v52 =	vor.u32 s25, v0;
	[tilespmem:$0x1FF30] =	vst v51  }
0x20: {  	s22 =	sor.u32 $0x220, s4;
	s23 =	sor.u32 $0x240, s4;
	s24 =	sor.u32 $0x250, s4;
	v53 =	vor.u32 s26, v0;
	v54 =	vor.u32 s28, v0;
	v55 =	vor.u32 s29, v0;
	[tilespmem:$0x1FF40] =	vst v52  }
0x21: {  	s25 =	sor.u32 $0x260, s4;
	s26 =	sor.u32 $0x270, s4;
	s28 =	sor.u32 $0x280, s4;
	v56 =	vor.u32 s30, v0;
	v57 =	vor.u32 s31, v0;
	v49 =	vor.u32 s20, v0;
	[tilespmem:$0x1FF50] =	vst v53  }
0x22: {  	s29 =	sor.u32 $0x290, s4;
	s30 =	sor.u32 $0x2A0, s4;
	[dreg:$0x9] =	wrdreg s8;
	[tilespmem:$0x1FF60] =	vst v54;
	v58 =	vor.u32 s18, v0;
	v59 =	vor.u32 s21, v0;
	v60 =	vor.u32 s22, v0  }
0x23: {  	s31 =	sor.u32 $0x2B0, s4;
	[dreg:$0xb] =	wrdreg s5;
	s5 =	smax.u32 s6, $0x1;
	[tilespmem:$0x1FF70] =	vst v55;
	v62 =	vor.u32 s23, v0;
	v63 =	vor.u32 s24, v0;
	v37 =	vor.u32 s25, v0  }
0x24: {  	s20 =	sor.u32 $0x230, s4;
	[tilespmem:$0x1FF80] =	vst v56;
	s18 =	sor.u32 $0x2C0, s4;
	s21 =	sor.u32 $0x2D0, s4;
	v38 =	vor.u32 s26, v0;
	v39 =	vor.u32 s28, v0;
	v40 =	vor.u32 s29, v0  }
0x25: {  	[tilespmem:$0x1FF90] =	vst v57;
	s22 =	sor.u32 $0x2E0, s4;
	s23 =	sor.u32 $0x300, s4;
	s24 =	sor.u32 $0x310, s4;
	v41 =	vor.u32 s30, v0;
	v42 =	vor.u32 s31, v0;
	v61 =	vor.u32 s20, v0  }
0x26: {  	s25 =	sor.u32 $0x320, s4;
	s26 =	sor.u32 $0x330, s4;
	s28 =	sor.u32 $0x340, s4;
	[tilespmem:$0x1FF10] =	vst v49;
	v43 =	vor.u32 s18, v0;
	v44 =	vor.u32 s21, v0;
	v45 =	vor.u32 s22, v0  }
0x27: {  	s29 =	sor.u32 $0x350, s4;
	s30 =	sor.u32 $0x360, s4;
	s31 =	sor.u32 $0x370, s4;
	[tilespmem:$0x1FFA0] =	vst v58;
	v47 =	vor.u32 s23, v0;
	v48 =	vor.u32 s24, v0;
	v49 =	vor.u32 s25, v0  }
0x28: {  	[tilespmem:$0x1FFB0] =	vst v59;
	s20 =	sor.u32 $0x2F0, s4;
	s21 =	sor.u32 $0x380, s4;
	s22 =	sor.u32 $0x390, s4;
	v50 =	vor.u32 s26, v0;
	v51 =	vor.u32 s28, v0;
	v52 =	vor.u32 s29, v0  }
0x29: {  	[tilespmem:$0x1FFC0] =	vst v60;
	s23 =	sor.u32 $0x3A0, s4;
	s24 =	sor.u32 $0x3B0, s4;
	s25 =	sor.u32 $0x3C0, s4;
	v53 =	vor.u32 s30, v0;
	v54 =	vor.u32 s31, v0;
	v46 =	vor.u32 s20, v0  }
0x2a: {  	[tilespmem:$0x1FFE0] =	vst v62;
	s26 =	sor.u32 $0x3D0, s4;
	s28 =	sor.u32 $0x3E0, s4;
	s30 =	simm.s32 $0x480;
	v55 =	vor.u32 s21, v0;
	v56 =	vor.u32 s22, v0;
	v57 =	vor.u32 s23, v0  }
0x2b: {  	[tilespmem:$0x1FFF0] =	vst v63;
	s29 =	sor.u32 $0x3F0, s4;
	s31 =	simm.s32 $0x900;
	v58 =	vor.u32 s24, v0;
	v59 =	vor.u32 s25, v0;
	v60 =	vor.u32 s26, v0;
	[dreg:$0x8] =	wrdreg s30  }
0x2c: {  	s6 =	simm.s32 $0x80;
	s8 =	simm.s32 $0x1;
	[tilespmem:$0x1FFD0] =	vst v61;
	v61 =	vor.u32 s4, v0;
	v62 =	vor.u32 s28, v0;
	v63 =	vor.u32 s29, v0;
	[dreg:$0xa] =	wrdreg s31  }
.LBB2_1:
0x2d: {  	s10 =	rddreg [dreg:$0x6]  }
0x2e: {  	[tilespmem:s3], [sflag:$0x1] =	stream.linear.gather [hbm4b:s10+s3], $0x10, $0x38;
	[tilespmem:$0x1100] =	vst v63  }
0x2f: {  	_ = 	snop  }
0x30: {  	[tilespmem:s6], [sflag:$0x2] =	stream.linear.gather [hbm4b:s1+s3], $0x400, $0x38;
	[tilespmem:$0x1100] =	vst v63  }
0x31: {  	s25 =	rddreg [dreg:$0x7]  }
0x32: {  	[tilespmem:s7], [sflag:$0x2] =	stream.linear.gather [hbm4b:s25+s3], $0x400, $0x38;
	[tilespmem:$0x1100] =	vst v63  }
0x33: {  	_ =	swait.ge [sflag:s8], $0x10  }
0x34: {  	[sflag:s8] =	ssyncset.done $0x0  }
0x35: {  	[sflag:s8] =	ssyncadd.s32 $0xFFFFFFF0  }
0x36: {  	v3 =	vld [tilespmem:$0x0];
	_ =	sdelay $0x4  }
0x37: {  	(v2sf) =	vpush v3, $0xF  }
0x38: {  	(v2sf) =	vpush v3, $0xE  }
0x39: {  	(v2sf) =	vpush v3, $0xD  }
0x3a: {  	(v2sf) =	vpush v3, $0xC  }
0x3b: {  	(v2sf) =	vpush v3, $0xB  }
0x3c: {  	(v2sf) =	vpush v3, $0xA  }
0x3d: {  	(v2sf) =	vpush v3, $0x9  }
0x3e: {  	(v2sf) =	vpush v3, $0x8  }
0x3f: {  	(v2sf) =	vpush v3, $0x7  }
0x40: {  	(v2sf) =	vpush v3, $0x6  }
0x41: {  	(v2sf) =	vpush v3, $0x5  }
0x42: {  	(v2sf) =	vpush v3, $0x4  }
0x43: {  	(v2sf) =	vpush v3, $0x3  }
0x44: {  	(v2sf) =	vpush v3, $0x2  }
0x45: {  	(v2sf) =	vpush v3, $0x1  }
0x46: {  	s10 =	spop (v2sf);
	(v2sf) =	vpush v3, $0x0  }
0x47: {  	s11 =	spop (v2sf)  }
0x48: {  	s12 =	spop (v2sf)  }
0x49: {  	s13 =	spop (v2sf)  }
0x4a: {  	s14 =	spop (v2sf)  }
0x4b: {  	s15 =	spop (v2sf)  }
0x4c: {  	s16 =	spop (v2sf)  }
0x4d: {  	s17 =	spop (v2sf)  }
0x4e: {  	s18 =	spop (v2sf)  }
0x4f: {  	s19 =	spop (v2sf)  }
0x50: {  	s20 =	spop (v2sf)  }
0x51: {  	s21 =	spop (v2sf)  }
0x52: {  	s22 =	spop (v2sf)  }
0x53: {  	s23 =	spop (v2sf)  }
0x54: {  	v9 =	vbroadcast v3, $0x0;
	v4 =	vbroadcast v3, $0x1;
	s24 =	spop (v2sf)  }
0x55: {  	v10 =	vbroadcast v3, $0x2;
	v11 =	vbroadcast v3, $0x3;
	s25 =	spop (v2sf)  }
0x56: {  	v5 =	vbroadcast v3, $0x4;
	v6 =	vbroadcast v3, $0x5;
	p0 =	sgt.s32 s25, s4  }
0x57: {  	v12 =	vbroadcast v3, $0x6;
	v13 =	vbroadcast v3, $0x7;
	s25 =	simm.s32 @p0 $0x0;
	p0 =	sgt.s32 s24, s4  }
0x58: {  	v7 =	vbroadcast v3, $0x8;
	v8 =	vbroadcast v3, $0x9;
	s24 =	smov.u32 @p0 s25;
	p0 =	sgt.s32 s23, s4  }
0x59: {  	v16 =	vsub.s32 v61, v9;
	v17 =	vsub.s32 v61, v4;
	v18 =	vsub.s32 v61, v10;
	s23 =	smov.u32 @p0 s24;
	p0 =	sgt.s32 s22, s4  }
0x5a: {  	v19 =	vsub.s32 v61, v11;
	v20 =	vsub.s32 v61, v5;
	v21 =	vsub.s32 v61, v6;
	s22 =	smov.u32 @p0 s23;
	p0 =	sgt.s32 s21, s4  }
0x5b: {  	v22 =	vsub.s32 v61, v12;
	v23 =	vsub.s32 v61, v13;
	v16 =	vmin.u32 v16, v17;
	s21 =	smov.u32 @p0 s22;
	p0 =	sgt.s32 s20, s4  }
0x5c: {  	v34 =	vmin.u32 v18, v19;
	v35 =	vmin.u32 v20, v21;
	v36 =	vmin.u32 v22, v23;
	s20 =	smov.u32 @p0 s21;
	p0 =	sgt.s32 s19, s4  }
0x5d: {  	v14 =	vbroadcast v3, $0xA;
	v16 =	vmin.u32 v16, v34;
	v32 =	vmin.u32 v35, v36;
	s19 =	smov.u32 @p0 s20;
	p0 =	sgt.s32 s18, s4  }
0x5e: {  	v15 =	vbroadcast v3, $0xB;
	v1 =	vbroadcast v3, $0xC;
	v16 =	vmin.u32 v16, v32;
	v32 =	vld [tilespmem:$0x1FDB0];
	s18 =	smov.u32 @p0 s19;
	p0 =	sgt.s32 s17, s4  }
0x5f: {  	v0 =	vbroadcast v3, $0xD;
	v2 =	vbroadcast v3, $0xE;
	s17 =	smov.u32 @p0 s18;
	p0 =	sgt.s32 s16, s4  }
0x60: {  	v24 =	vsub.s32 v61, v7;
	v25 =	vsub.s32 v61, v8;
	v26 =	vsub.s32 v61, v14;
	s16 =	smov.u32 @p0 s17;
	p0 =	sgt.s32 s15, s4  }
0x61: {  	v27 =	vsub.s32 v61, v15;
	v28 =	vsub.s32 v61, v1;
	v29 =	vsub.s32 v61, v0;
	s15 =	smov.u32 @p0 s16;
	p0 =	sgt.s32 s14, s4  }
0x62: {  	v30 =	vsub.s32 v61, v2;
	v25 =	vmin.u32 v24, v25;
	v27 =	vmin.u32 v26, v27;
	s14 =	smov.u32 @p0 s15;
	p0 =	sgt.s32 s13, s4  }
0x63: {  	v29 =	vmin.u32 v28, v29;
	v33 =	vmin.u32 v25, v27;
	v18 =	vsub.s32 v32, v4;
	s13 =	smov.u32 @p0 s14;
	p0 =	sgt.s32 s12, s4  }
0x64: {  	v19 =	vsub.s32 v32, v10;
	v20 =	vsub.s32 v32, v11;
	v3 =	vbroadcast v3, $0xF;
	s12 =	smov.u32 @p0 s13;
	p0 =	sgt.s32 s11, s4  }
0x65: {  	v21 =	vsub.s32 v32, v5;
	v22 =	vsub.s32 v32, v6;
	v23 =	vsub.s32 v32, v12;
	s11 =	smov.u32 @p0 s12;
	p0 =	sgt.s32 s10, s4  }
0x66: {  	v24 =	vsub.s32 v32, v13;
	v25 =	vsub.s32 v32, v7;
	v31 =	vsub.s32 v61, v3;
	s10 =	smov.u32 @p0 s11  }
0x67: {  	v27 =	vsub.s32 v32, v14;
	v36 =	vsub.s32 v32, v15;
	v31 =	vmin.u32 v30, v31;
	s10 =	ssub.s32 s4, s10  }
0x68: {  	v26 =	vsub.s32 v32, v8;
	v36 =	vmin.u32 v27, v36;
	v34 =	vmin.u32 v29, v31;
	s10 =	sand.u32 $0xFFFFFF80, s10  }
0x69: {  	v30 =	vsub.s32 v32, v0;
	v29 =	vsub.s32 v32, v1;
	v35 =	vmin.u32 v33, v34;
	p0 =	slt.s32 s10, $0x7B80  }
0x6a: {  	v33 =	vmin.u32 v21, v22;
	v17 =	vmin.u32 v16, v35;
	v16 =	vsub.s32 v32, v9;
	s10 =	simm.s32 @!p0 $0x7B80  }
0x6b: {  	v34 =	vmin.u32 v23, v24;
	v16 =	vmin.u32 v16, v18;
	v18 =	vmin.u32 v19, v20;
	s26 =	ssub.s32 $0x400, s10  }
0x6c: {  	vm0 =	vlt.s32 v17, $0x400;
	v18 =	vmin.u32 v16, v18;
	v16 =	vmov s26  }
0x6d: {  	v35 =	vmin.u32 v25, v26;
	v19 =	vmin.u32 v33, v34;
	v33 =	vsel vm0, $0x0, v16  }
0x6e: {  	v28 =	vmin.u32 v29, v30;
	v30 =	vmin.u32 v35, v36;
	v36 =	vadd.s32 v17, v33;
	v33 =	vld [tilespmem:$0x1FDC0]  }
0x6f: {  	v31 =	vsub.s32 v32, v2;
	v32 =	vsub.s32 v32, v3  }
0x70: {  	v29 =	vmin.u32 v31, v32  }
0x71: {  	v31 =	vmin.u32 v28, v29  }
0x72: {  	v18 =	vmin.u32 v18, v19;
	v32 =	vmin.u32 v30, v31  }
0x73: {  	v18 =	vmin.u32 v18, v32;
	v17 =	vsub.s32 v33, v9  }
0x74: {  	v19 =	vsub.s32 v33, v4;
	v20 =	vsub.s32 v33, v10;
	v21 =	vsub.s32 v33, v11  }
0x75: {  	v22 =	vsub.s32 v33, v5;
	v23 =	vsub.s32 v33, v6;
	v24 =	vsub.s32 v33, v12  }
0x76: {  	v25 =	vsub.s32 v33, v13;
	v26 =	vsub.s32 v33, v7;
	v27 =	vsub.s32 v33, v8  }
0x77: {  	v28 =	vsub.s32 v33, v14;
	v29 =	vsub.s32 v33, v15;
	v30 =	vsub.s32 v33, v1  }
0x78: {  	v31 =	vsub.s32 v33, v0;
	v32 =	vsub.s32 v33, v2;
	v33 =	vsub.s32 v33, v3  }
0x79: {  	v31 =	vmin.u32 v30, v31;
	v33 =	vmin.u32 v32, v33  }
0x7a: {  	vm14 =	vlt.s32 v18, $0x400;
	v35 =	vmin.u32 v26, v27;
	v26 =	vmin.u32 v31, v33;
	v33 =	vld [tilespmem:$0x1FDD0]  }
0x7b: {  	v17 =	vmin.u32 v17, v19;
	v19 =	vmin.u32 v20, v21;
	v20 =	vmin.u32 v22, v23  }
0x7c: {  	v34 =	vmin.u32 v24, v25;
	v29 =	vmin.u32 v28, v29;
	v27 =	vsel vm14, $0x0, v16  }
0x7d: {  	v17 =	vmin.u32 v17, v19;
	v34 =	vmin.u32 v20, v34;
	v35 =	vmin.u32 v35, v29  }
0x7e: {  	v18 =	vadd.s32 v18, v27;
	v17 =	vmin.u32 v17, v34;
	v28 =	vmin.u32 v35, v26  }
0x7f: {  	[tilespmem:$0x1FB40] =	vst v18;
	v17 =	vmin.u32 v17, v28;
	v18 =	vsub.s32 v33, v9;
	v19 =	vsub.s32 v33, v4  }
0x80: {  	v20 =	vsub.s32 v33, v10;
	v21 =	vsub.s32 v33, v11;
	v22 =	vsub.s32 v33, v5  }
0x81: {  	v23 =	vsub.s32 v33, v6;
	v24 =	vsub.s32 v33, v12;
	v25 =	vsub.s32 v33, v13  }
0x82: {  	v26 =	vsub.s32 v33, v7;
	v27 =	vsub.s32 v33, v8;
	v28 =	vsub.s32 v33, v14  }
0x83: {  	v29 =	vsub.s32 v33, v15;
	v30 =	vsub.s32 v33, v1;
	v31 =	vsub.s32 v33, v0  }
0x84: {  	v32 =	vsub.s32 v33, v2;
	v33 =	vsub.s32 v33, v3;
	v18 =	vmin.u32 v18, v19  }
0x85: {  	v19 =	vmin.u32 v20, v21;
	v20 =	vmin.u32 v22, v23;
	v22 =	vmin.u32 v26, v27  }
0x86: {  	v29 =	vmin.u32 v28, v29;
	v34 =	vmin.u32 v30, v31;
	v35 =	vmin.u32 v32, v33  }
0x87: {  	v28 =	vmin.u32 v22, v29;
	v29 =	vmin.u32 v34, v35;
	v35 =	vld [tilespmem:$0x1FDE0]  }
0x88: {  	v21 =	vmin.u32 v24, v25  }
0x89: {  	vm15 =	vlt.s32 v17, $0x400;
	v18 =	vmin.u32 v18, v19;
	v27 =	vmin.u32 v20, v21  }
0x8a: {  	v20 =	vsel vm15, $0x0, v16;
	v18 =	vmin.u32 v18, v27;
	v30 =	vmin.u32 v28, v29  }
0x8b: {  	v17 =	vadd.s32 v17, v20;
	v18 =	vmin.u32 v18, v30  }
0x8c: {  	vm4 =	vlt.s32 v18, $0x400;
	v19 =	vsub.s32 v35, v9;
	v21 =	vsub.s32 v35, v4  }
0x8d: {  	v22 =	vsub.s32 v35, v10;
	v23 =	vsub.s32 v35, v11;
	v24 =	vsub.s32 v35, v5  }
0x8e: {  	v25 =	vsub.s32 v35, v6;
	v26 =	vsub.s32 v35, v12;
	v27 =	vsub.s32 v35, v13  }
0x8f: {  	v28 =	vsub.s32 v35, v7;
	v29 =	vsub.s32 v35, v8;
	v30 =	vsub.s32 v35, v14  }
0x90: {  	v31 =	vsub.s32 v35, v15;
	v32 =	vsub.s32 v35, v1;
	v33 =	vsub.s32 v35, v0  }
0x91: {  	v34 =	vsub.s32 v35, v2;
	v35 =	vsub.s32 v35, v3;
	v19 =	vmin.u32 v19, v21  }
0x92: {  	v21 =	vmin.u32 v22, v23;
	v22 =	vmin.u32 v24, v25;
	v24 =	vmin.u32 v28, v29  }
0x93: {  	v31 =	vmin.u32 v30, v31;
	v33 =	vmin.u32 v32, v33;
	v35 =	vmin.u32 v34, v35  }
0x94: {  	v30 =	vmin.u32 v24, v31;
	v31 =	vmin.u32 v33, v35;
	v33 =	vsel vm4, $0x0, v16  }
0x95: {  	[tilespmem:$0x1FB50] =	vst v17;
	v17 =	vadd.s32 v18, v33;
	v33 =	vld [tilespmem:$0x1FDF0];
	_ =	sdelay $0x1  }
0x96: {  	v23 =	vmin.u32 v26, v27  }
0x97: {  	v19 =	vmin.u32 v19, v21;
	v29 =	vmin.u32 v22, v23  }
0x98: {  	v19 =	vmin.u32 v19, v29;
	v32 =	vmin.u32 v30, v31  }
0x99: {  	v19 =	vmin.u32 v19, v32;
	[tilespmem:$0x1FB60] =	vst v17;
	v17 =	vsub.s32 v33, v9  }
0x9a: {  	v18 =	vsub.s32 v33, v4;
	v20 =	vsub.s32 v33, v10;
	v21 =	vsub.s32 v33, v11  }
0x9b: {  	v22 =	vsub.s32 v33, v5;
	v23 =	vsub.s32 v33, v6;
	v24 =	vsub.s32 v33, v12  }
0x9c: {  	v25 =	vsub.s32 v33, v13;
	v26 =	vsub.s32 v33, v7;
	v27 =	vsub.s32 v33, v8  }
0x9d: {  	v28 =	vsub.s32 v33, v14;
	v29 =	vsub.s32 v33, v15;
	v30 =	vsub.s32 v33, v1  }
0x9e: {  	v31 =	vsub.s32 v33, v0;
	v32 =	vsub.s32 v33, v2;
	v33 =	vsub.s32 v33, v3  }
0x9f: {  	v31 =	vmin.u32 v30, v31;
	v33 =	vmin.u32 v32, v33  }
0xa0: {  	vm5 =	vlt.s32 v19, $0x400;
	v35 =	vmin.u32 v26, v27;
	v26 =	vmin.u32 v31, v33;
	v33 =	vld [tilespmem:$0x1FE00]  }
0xa1: {  	v17 =	vmin.u32 v17, v18;
	v18 =	vmin.u32 v20, v21;
	v20 =	vmin.u32 v22, v23  }
0xa2: {  	v34 =	vmin.u32 v24, v25;
	v29 =	vmin.u32 v28, v29;
	v27 =	vsel vm5, $0x0, v16  }
0xa3: {  	v17 =	vmin.u32 v17, v18;
	v34 =	vmin.u32 v20, v34;
	v35 =	vmin.u32 v35, v29  }
0xa4: {  	v19 =	vadd.s32 v19, v27;
	v17 =	vmin.u32 v17, v34;
	v28 =	vmin.u32 v35, v26  }
0xa5: {  	[tilespmem:$0x1FB70] =	vst v19;
	v17 =	vmin.u32 v17, v28;
	v18 =	vsub.s32 v33, v9;
	v19 =	vsub.s32 v33, v4  }
0xa6: {  	v20 =	vsub.s32 v33, v10;
	v21 =	vsub.s32 v33, v11;
	v22 =	vsub.s32 v33, v5  }
0xa7: {  	v23 =	vsub.s32 v33, v6;
	v24 =	vsub.s32 v33, v12;
	v25 =	vsub.s32 v33, v13  }
0xa8: {  	v26 =	vsub.s32 v33, v7;
	v27 =	vsub.s32 v33, v8;
	v28 =	vsub.s32 v33, v14  }
0xa9: {  	v29 =	vsub.s32 v33, v15;
	v30 =	vsub.s32 v33, v1;
	v31 =	vsub.s32 v33, v0  }
0xaa: {  	v32 =	vsub.s32 v33, v2;
	v33 =	vsub.s32 v33, v3;
	v18 =	vmin.u32 v18, v19  }
0xab: {  	v19 =	vmin.u32 v20, v21;
	v20 =	vmin.u32 v22, v23;
	v22 =	vmin.u32 v26, v27  }
0xac: {  	v29 =	vmin.u32 v28, v29;
	v34 =	vmin.u32 v30, v31;
	v35 =	vmin.u32 v32, v33  }
0xad: {  	v28 =	vmin.u32 v22, v29;
	v29 =	vmin.u32 v34, v35;
	v35 =	vld [tilespmem:$0x1FE10]  }
0xae: {  	v21 =	vmin.u32 v24, v25  }
0xaf: {  	vm6 =	vlt.s32 v17, $0x400;
	v18 =	vmin.u32 v18, v19;
	v27 =	vmin.u32 v20, v21  }
0xb0: {  	v20 =	vsel vm6, $0x0, v16;
	v18 =	vmin.u32 v18, v27;
	v30 =	vmin.u32 v28, v29  }
0xb1: {  	v17 =	vadd.s32 v17, v20;
	v18 =	vmin.u32 v18, v30  }
0xb2: {  	vm7 =	vlt.s32 v18, $0x400;
	v19 =	vsub.s32 v35, v9;
	v21 =	vsub.s32 v35, v4  }
0xb3: {  	v22 =	vsub.s32 v35, v10;
	v23 =	vsub.s32 v35, v11;
	v24 =	vsub.s32 v35, v5  }
0xb4: {  	v25 =	vsub.s32 v35, v6;
	v26 =	vsub.s32 v35, v12;
	v27 =	vsub.s32 v35, v13  }
0xb5: {  	v28 =	vsub.s32 v35, v7;
	v29 =	vsub.s32 v35, v8;
	v30 =	vsub.s32 v35, v14  }
0xb6: {  	v31 =	vsub.s32 v35, v15;
	v32 =	vsub.s32 v35, v1;
	v33 =	vsub.s32 v35, v0  }
0xb7: {  	v34 =	vsub.s32 v35, v2;
	v35 =	vsub.s32 v35, v3;
	v19 =	vmin.u32 v19, v21  }
0xb8: {  	v21 =	vmin.u32 v22, v23;
	v22 =	vmin.u32 v24, v25;
	v24 =	vmin.u32 v28, v29  }
0xb9: {  	v31 =	vmin.u32 v30, v31;
	v33 =	vmin.u32 v32, v33;
	v35 =	vmin.u32 v34, v35  }
0xba: {  	v30 =	vmin.u32 v24, v31;
	v31 =	vmin.u32 v33, v35;
	v33 =	vsel vm7, $0x0, v16  }
0xbb: {  	[tilespmem:$0x1FB80] =	vst v17;
	v17 =	vadd.s32 v18, v33;
	v33 =	vld [tilespmem:$0x1FE20];
	_ =	sdelay $0x1  }
0xbc: {  	v23 =	vmin.u32 v26, v27  }
0xbd: {  	v19 =	vmin.u32 v19, v21;
	v29 =	vmin.u32 v22, v23  }
0xbe: {  	v19 =	vmin.u32 v19, v29;
	v32 =	vmin.u32 v30, v31  }
0xbf: {  	v19 =	vmin.u32 v19, v32;
	[tilespmem:$0x1FB90] =	vst v17;
	v17 =	vsub.s32 v33, v9  }
0xc0: {  	v18 =	vsub.s32 v33, v4;
	v20 =	vsub.s32 v33, v10;
	v21 =	vsub.s32 v33, v11  }
0xc1: {  	v22 =	vsub.s32 v33, v5;
	v23 =	vsub.s32 v33, v6;
	v24 =	vsub.s32 v33, v12  }
0xc2: {  	v25 =	vsub.s32 v33, v13;
	v26 =	vsub.s32 v33, v7;
	v27 =	vsub.s32 v33, v8  }
0xc3: {  	v28 =	vsub.s32 v33, v14;
	v29 =	vsub.s32 v33, v15;
	v30 =	vsub.s32 v33, v1  }
0xc4: {  	v31 =	vsub.s32 v33, v0;
	v32 =	vsub.s32 v33, v2;
	v33 =	vsub.s32 v33, v3  }
0xc5: {  	v31 =	vmin.u32 v30, v31;
	v33 =	vmin.u32 v32, v33  }
0xc6: {  	vm8 =	vlt.s32 v19, $0x400;
	v35 =	vmin.u32 v26, v27;
	v26 =	vmin.u32 v31, v33;
	v33 =	vld [tilespmem:$0x1FE30]  }
0xc7: {  	v17 =	vmin.u32 v17, v18;
	v18 =	vmin.u32 v20, v21;
	v20 =	vmin.u32 v22, v23  }
0xc8: {  	v34 =	vmin.u32 v24, v25;
	v29 =	vmin.u32 v28, v29;
	v27 =	vsel vm8, $0x0, v16  }
0xc9: {  	v17 =	vmin.u32 v17, v18;
	v34 =	vmin.u32 v20, v34;
	v35 =	vmin.u32 v35, v29  }
0xca: {  	v19 =	vadd.s32 v19, v27;
	v17 =	vmin.u32 v17, v34;
	v28 =	vmin.u32 v35, v26  }
0xcb: {  	[tilespmem:$0x1FBA0] =	vst v19;
	v17 =	vmin.u32 v17, v28;
	v18 =	vsub.s32 v33, v9;
	v19 =	vsub.s32 v33, v4  }
0xcc: {  	v20 =	vsub.s32 v33, v10;
	v21 =	vsub.s32 v33, v11;
	v22 =	vsub.s32 v33, v5  }
0xcd: {  	v23 =	vsub.s32 v33, v6;
	v24 =	vsub.s32 v33, v12;
	v25 =	vsub.s32 v33, v13  }
0xce: {  	v26 =	vsub.s32 v33, v7;
	v27 =	vsub.s32 v33, v8;
	v28 =	vsub.s32 v33, v14  }
0xcf: {  	v29 =	vsub.s32 v33, v15;
	v30 =	vsub.s32 v33, v1;
	v31 =	vsub.s32 v33, v0  }
0xd0: {  	v32 =	vsub.s32 v33, v2;
	v33 =	vsub.s32 v33, v3;
	v18 =	vmin.u32 v18, v19  }
0xd1: {  	v19 =	vmin.u32 v20, v21;
	v20 =	vmin.u32 v22, v23;
	v22 =	vmin.u32 v26, v27  }
0xd2: {  	v29 =	vmin.u32 v28, v29;
	v34 =	vmin.u32 v30, v31;
	v35 =	vmin.u32 v32, v33  }
0xd3: {  	v28 =	vmin.u32 v22, v29;
	v29 =	vmin.u32 v34, v35;
	v35 =	vld [tilespmem:$0x1FE40]  }
0xd4: {  	v21 =	vmin.u32 v24, v25  }
0xd5: {  	vm9 =	vlt.s32 v17, $0x400;
	v18 =	vmin.u32 v18, v19;
	v27 =	vmin.u32 v20, v21  }
0xd6: {  	v20 =	vsel vm9, $0x0, v16;
	v18 =	vmin.u32 v18, v27;
	v30 =	vmin.u32 v28, v29  }
0xd7: {  	v17 =	vadd.s32 v17, v20;
	v18 =	vmin.u32 v18, v30  }
0xd8: {  	vm10 =	vlt.s32 v18, $0x400;
	v19 =	vsub.s32 v35, v9;
	v21 =	vsub.s32 v35, v4  }
0xd9: {  	v22 =	vsub.s32 v35, v10;
	v23 =	vsub.s32 v35, v11;
	v24 =	vsub.s32 v35, v5  }
0xda: {  	v25 =	vsub.s32 v35, v6;
	v26 =	vsub.s32 v35, v12;
	v27 =	vsub.s32 v35, v13  }
0xdb: {  	v28 =	vsub.s32 v35, v7;
	v29 =	vsub.s32 v35, v8;
	v30 =	vsub.s32 v35, v14  }
0xdc: {  	v31 =	vsub.s32 v35, v15;
	v32 =	vsub.s32 v35, v1;
	v33 =	vsub.s32 v35, v0  }
0xdd: {  	v34 =	vsub.s32 v35, v2;
	v35 =	vsub.s32 v35, v3;
	v19 =	vmin.u32 v19, v21  }
0xde: {  	v21 =	vmin.u32 v22, v23;
	v22 =	vmin.u32 v24, v25;
	v24 =	vmin.u32 v28, v29  }
0xdf: {  	v31 =	vmin.u32 v30, v31;
	v33 =	vmin.u32 v32, v33;
	v35 =	vmin.u32 v34, v35  }
0xe0: {  	v30 =	vmin.u32 v24, v31;
	v31 =	vmin.u32 v33, v35;
	v33 =	vsel vm10, $0x0, v16  }
0xe1: {  	[tilespmem:$0x1FBB0] =	vst v17;
	v17 =	vadd.s32 v18, v33;
	v33 =	vld [tilespmem:$0x1FE50];
	_ =	sdelay $0x1  }
0xe2: {  	v23 =	vmin.u32 v26, v27  }
0xe3: {  	v19 =	vmin.u32 v19, v21;
	v29 =	vmin.u32 v22, v23  }
0xe4: {  	v19 =	vmin.u32 v19, v29;
	v32 =	vmin.u32 v30, v31  }
0xe5: {  	v19 =	vmin.u32 v19, v32;
	[tilespmem:$0x1FBC0] =	vst v17;
	v17 =	vsub.s32 v33, v9  }
0xe6: {  	v18 =	vsub.s32 v33, v4;
	v20 =	vsub.s32 v33, v10;
	v21 =	vsub.s32 v33, v11  }
0xe7: {  	v22 =	vsub.s32 v33, v5;
	v23 =	vsub.s32 v33, v6;
	v24 =	vsub.s32 v33, v12  }
0xe8: {  	v25 =	vsub.s32 v33, v13;
	v26 =	vsub.s32 v33, v7;
	v27 =	vsub.s32 v33, v8  }
0xe9: {  	v28 =	vsub.s32 v33, v14;
	v29 =	vsub.s32 v33, v15;
	v30 =	vsub.s32 v33, v1  }
0xea: {  	v31 =	vsub.s32 v33, v0;
	v32 =	vsub.s32 v33, v2;
	v33 =	vsub.s32 v33, v3  }
0xeb: {  	v31 =	vmin.u32 v30, v31;
	v33 =	vmin.u32 v32, v33  }
0xec: {  	vm11 =	vlt.s32 v19, $0x400;
	v35 =	vmin.u32 v26, v27;
	v26 =	vmin.u32 v31, v33;
	v33 =	vld [tilespmem:$0x1FE60]  }
0xed: {  	v17 =	vmin.u32 v17, v18;
	v18 =	vmin.u32 v20, v21;
	v20 =	vmin.u32 v22, v23  }
0xee: {  	v34 =	vmin.u32 v24, v25;
	v29 =	vmin.u32 v28, v29;
	v27 =	vsel vm11, $0x0, v16  }
0xef: {  	v17 =	vmin.u32 v17, v18;
	v34 =	vmin.u32 v20, v34;
	v35 =	vmin.u32 v35, v29  }
0xf0: {  	v19 =	vadd.s32 v19, v27;
	v17 =	vmin.u32 v17, v34;
	v28 =	vmin.u32 v35, v26  }
0xf1: {  	[tilespmem:$0x1FBD0] =	vst v19;
	v17 =	vmin.u32 v17, v28;
	v18 =	vsub.s32 v33, v9;
	v19 =	vsub.s32 v33, v4  }
0xf2: {  	v20 =	vsub.s32 v33, v10;
	v21 =	vsub.s32 v33, v11;
	v22 =	vsub.s32 v33, v5  }
0xf3: {  	v23 =	vsub.s32 v33, v6;
	v24 =	vsub.s32 v33, v12;
	v25 =	vsub.s32 v33, v13  }
0xf4: {  	v26 =	vsub.s32 v33, v7;
	v27 =	vsub.s32 v33, v8;
	v28 =	vsub.s32 v33, v14  }
0xf5: {  	v29 =	vsub.s32 v33, v15;
	v30 =	vsub.s32 v33, v1;
	v31 =	vsub.s32 v33, v0  }
0xf6: {  	v32 =	vsub.s32 v33, v2;
	v33 =	vsub.s32 v33, v3;
	v18 =	vmin.u32 v18, v19  }
0xf7: {  	v19 =	vmin.u32 v20, v21;
	v20 =	vmin.u32 v22, v23;
	v22 =	vmin.u32 v26, v27  }
0xf8: {  	v29 =	vmin.u32 v28, v29;
	v34 =	vmin.u32 v30, v31;
	v35 =	vmin.u32 v32, v33  }
0xf9: {  	v28 =	vmin.u32 v22, v29;
	v29 =	vmin.u32 v34, v35;
	v35 =	vld [tilespmem:$0x1FE70]  }
0xfa: {  	v21 =	vmin.u32 v24, v25  }
0xfb: {  	vm12 =	vlt.s32 v17, $0x400;
	v18 =	vmin.u32 v18, v19;
	v27 =	vmin.u32 v20, v21  }
0xfc: {  	v20 =	vsel vm12, $0x0, v16;
	v18 =	vmin.u32 v18, v27;
	v30 =	vmin.u32 v28, v29  }
0xfd: {  	v17 =	vadd.s32 v17, v20;
	v18 =	vmin.u32 v18, v30  }
0xfe: {  	vm13 =	vlt.s32 v18, $0x400;
	v19 =	vsub.s32 v35, v9;
	v21 =	vsub.s32 v35, v4  }
0xff: {  	v22 =	vsub.s32 v35, v10;
	v23 =	vsub.s32 v35, v11;
	v24 =	vsub.s32 v35, v5  }
0x100: {  	v25 =	vsub.s32 v35, v6;
	v26 =	vsub.s32 v35, v12;
	v27 =	vsub.s32 v35, v13  }
0x101: {  	v28 =	vsub.s32 v35, v7;
	v29 =	vsub.s32 v35, v8;
	v30 =	vsub.s32 v35, v14  }
0x102: {  	v31 =	vsub.s32 v35, v15;
	v32 =	vsub.s32 v35, v1;
	v33 =	vsub.s32 v35, v0  }
0x103: {  	v34 =	vsub.s32 v35, v2;
	v35 =	vsub.s32 v35, v3;
	v19 =	vmin.u32 v19, v21  }
0x104: {  	v21 =	vmin.u32 v22, v23;
	v22 =	vmin.u32 v24, v25;
	v24 =	vmin.u32 v28, v29  }
0x105: {  	v31 =	vmin.u32 v30, v31;
	v33 =	vmin.u32 v32, v33;
	v35 =	vmin.u32 v34, v35  }
0x106: {  	v30 =	vmin.u32 v24, v31;
	v31 =	vmin.u32 v33, v35;
	v33 =	vsel vm13, $0x0, v16  }
0x107: {  	[tilespmem:$0x1FBE0] =	vst v17;
	v17 =	vadd.s32 v18, v33;
	v33 =	vld [tilespmem:$0x1FE80];
	_ =	sdelay $0x1  }
0x108: {  	v23 =	vmin.u32 v26, v27  }
0x109: {  	v19 =	vmin.u32 v19, v21;
	v29 =	vmin.u32 v22, v23  }
0x10a: {  	v19 =	vmin.u32 v19, v29;
	v32 =	vmin.u32 v30, v31  }
0x10b: {  	v19 =	vmin.u32 v19, v32;
	[tilespmem:$0x1FBF0] =	vst v17;
	v17 =	vsub.s32 v33, v9  }
0x10c: {  	v18 =	vsub.s32 v33, v4;
	v20 =	vsub.s32 v33, v10;
	v21 =	vsub.s32 v33, v11  }
0x10d: {  	v22 =	vsub.s32 v33, v5;
	v23 =	vsub.s32 v33, v6;
	v24 =	vsub.s32 v33, v12  }
0x10e: {  	v25 =	vsub.s32 v33, v13;
	v26 =	vsub.s32 v33, v7;
	v27 =	vsub.s32 v33, v8  }
0x10f: {  	v28 =	vsub.s32 v33, v14;
	v29 =	vsub.s32 v33, v15;
	v30 =	vsub.s32 v33, v1  }
0x110: {  	v31 =	vsub.s32 v33, v0;
	v32 =	vsub.s32 v33, v2;
	v33 =	vsub.s32 v33, v3  }
0x111: {  	v31 =	vmin.u32 v30, v31;
	v33 =	vmin.u32 v32, v33  }
0x112: {  	vm14 =	vlt.s32 v19, $0x400;
	v35 =	vmin.u32 v26, v27;
	v26 =	vmin.u32 v31, v33;
	v33 =	vld [tilespmem:$0x1FE90]  }
0x113: {  	v17 =	vmin.u32 v17, v18;
	v18 =	vmin.u32 v20, v21;
	v20 =	vmin.u32 v22, v23  }
0x114: {  	v34 =	vmin.u32 v24, v25;
	v29 =	vmin.u32 v28, v29;
	v27 =	vsel vm14, $0x0, v16  }
0x115: {  	v17 =	vmin.u32 v17, v18;
	v34 =	vmin.u32 v20, v34;
	v35 =	vmin.u32 v35, v29  }
0x116: {  	v19 =	vadd.s32 v19, v27;
	v17 =	vmin.u32 v17, v34;
	v28 =	vmin.u32 v35, v26  }
0x117: {  	[tilespmem:$0x1FC00] =	vst v19;
	v17 =	vmin.u32 v17, v28;
	v18 =	vsub.s32 v33, v9;
	v19 =	vsub.s32 v33, v4  }
0x118: {  	v20 =	vsub.s32 v33, v10;
	v21 =	vsub.s32 v33, v11;
	v22 =	vsub.s32 v33, v5  }
0x119: {  	v23 =	vsub.s32 v33, v6;
	v24 =	vsub.s32 v33, v12;
	v25 =	vsub.s32 v33, v13  }
0x11a: {  	v26 =	vsub.s32 v33, v7;
	v27 =	vsub.s32 v33, v8;
	v28 =	vsub.s32 v33, v14  }
0x11b: {  	v29 =	vsub.s32 v33, v15;
	v30 =	vsub.s32 v33, v1;
	v31 =	vsub.s32 v33, v0  }
0x11c: {  	v32 =	vsub.s32 v33, v2;
	v33 =	vsub.s32 v33, v3;
	v18 =	vmin.u32 v18, v19  }
0x11d: {  	v19 =	vmin.u32 v20, v21;
	v20 =	vmin.u32 v22, v23;
	v22 =	vmin.u32 v26, v27  }
0x11e: {  	v29 =	vmin.u32 v28, v29;
	v34 =	vmin.u32 v30, v31;
	v35 =	vmin.u32 v32, v33  }
0x11f: {  	v28 =	vmin.u32 v22, v29;
	v29 =	vmin.u32 v34, v35;
	v35 =	vld [tilespmem:$0x1FEA0]  }
0x120: {  	v21 =	vmin.u32 v24, v25  }
0x121: {  	vm15 =	vlt.s32 v17, $0x400;
	v18 =	vmin.u32 v18, v19;
	v27 =	vmin.u32 v20, v21  }
0x122: {  	v20 =	vsel vm15, $0x0, v16;
	v18 =	vmin.u32 v18, v27;
	v30 =	vmin.u32 v28, v29  }
0x123: {  	v17 =	vadd.s32 v17, v20;
	v18 =	vmin.u32 v18, v30  }
0x124: {  	vm4 =	vlt.s32 v18, $0x400;
	v19 =	vsub.s32 v35, v9;
	v21 =	vsub.s32 v35, v4  }
0x125: {  	v22 =	vsub.s32 v35, v10;
	v23 =	vsub.s32 v35, v11;
	v24 =	vsub.s32 v35, v5  }
0x126: {  	v25 =	vsub.s32 v35, v6;
	v26 =	vsub.s32 v35, v12;
	v27 =	vsub.s32 v35, v13  }
0x127: {  	v28 =	vsub.s32 v35, v7;
	v29 =	vsub.s32 v35, v8;
	v30 =	vsub.s32 v35, v14  }
0x128: {  	v31 =	vsub.s32 v35, v15;
	v32 =	vsub.s32 v35, v1;
	v33 =	vsub.s32 v35, v0  }
0x129: {  	v34 =	vsub.s32 v35, v2;
	v35 =	vsub.s32 v35, v3;
	v19 =	vmin.u32 v19, v21  }
0x12a: {  	v21 =	vmin.u32 v22, v23;
	v22 =	vmin.u32 v24, v25;
	v24 =	vmin.u32 v28, v29  }
0x12b: {  	v31 =	vmin.u32 v30, v31;
	v33 =	vmin.u32 v32, v33;
	v35 =	vmin.u32 v34, v35  }
0x12c: {  	v30 =	vmin.u32 v24, v31;
	v31 =	vmin.u32 v33, v35;
	v33 =	vsel vm4, $0x0, v16  }
0x12d: {  	[tilespmem:$0x1FC10] =	vst v17;
	v17 =	vadd.s32 v18, v33;
	v33 =	vld [tilespmem:$0x1FEB0];
	_ =	sdelay $0x1  }
0x12e: {  	v23 =	vmin.u32 v26, v27  }
0x12f: {  	v19 =	vmin.u32 v19, v21;
	v29 =	vmin.u32 v22, v23  }
0x130: {  	v19 =	vmin.u32 v19, v29;
	v32 =	vmin.u32 v30, v31  }
0x131: {  	v19 =	vmin.u32 v19, v32;
	[tilespmem:$0x1FC20] =	vst v17;
	v17 =	vsub.s32 v33, v9  }
0x132: {  	v18 =	vsub.s32 v33, v4;
	v20 =	vsub.s32 v33, v10;
	v21 =	vsub.s32 v33, v11  }
0x133: {  	v22 =	vsub.s32 v33, v5;
	v23 =	vsub.s32 v33, v6;
	v24 =	vsub.s32 v33, v12  }
0x134: {  	v25 =	vsub.s32 v33, v13;
	v26 =	vsub.s32 v33, v7;
	v27 =	vsub.s32 v33, v8  }
0x135: {  	v28 =	vsub.s32 v33, v14;
	v29 =	vsub.s32 v33, v15;
	v30 =	vsub.s32 v33, v1  }
0x136: {  	v31 =	vsub.s32 v33, v0;
	v32 =	vsub.s32 v33, v2;
	v33 =	vsub.s32 v33, v3  }
0x137: {  	v31 =	vmin.u32 v30, v31;
	v33 =	vmin.u32 v32, v33  }
0x138: {  	vm5 =	vlt.s32 v19, $0x400;
	v35 =	vmin.u32 v26, v27;
	v26 =	vmin.u32 v31, v33;
	v33 =	vld [tilespmem:$0x1FEC0]  }
0x139: {  	v17 =	vmin.u32 v17, v18;
	v18 =	vmin.u32 v20, v21;
	v20 =	vmin.u32 v22, v23  }
0x13a: {  	v34 =	vmin.u32 v24, v25;
	v29 =	vmin.u32 v28, v29;
	v27 =	vsel vm5, $0x0, v16  }
0x13b: {  	v17 =	vmin.u32 v17, v18;
	v34 =	vmin.u32 v20, v34;
	v35 =	vmin.u32 v35, v29  }
0x13c: {  	v19 =	vadd.s32 v19, v27;
	v17 =	vmin.u32 v17, v34;
	v28 =	vmin.u32 v35, v26  }
0x13d: {  	[tilespmem:$0x1FC30] =	vst v19;
	v17 =	vmin.u32 v17, v28;
	v18 =	vsub.s32 v33, v9;
	v19 =	vsub.s32 v33, v4  }
0x13e: {  	v20 =	vsub.s32 v33, v10;
	v21 =	vsub.s32 v33, v11;
	v22 =	vsub.s32 v33, v5  }
0x13f: {  	v23 =	vsub.s32 v33, v6;
	v24 =	vsub.s32 v33, v12;
	v25 =	vsub.s32 v33, v13  }
0x140: {  	v26 =	vsub.s32 v33, v7;
	v27 =	vsub.s32 v33, v8;
	v28 =	vsub.s32 v33, v14  }
0x141: {  	v29 =	vsub.s32 v33, v15;
	v30 =	vsub.s32 v33, v1;
	v31 =	vsub.s32 v33, v0  }
0x142: {  	v32 =	vsub.s32 v33, v2;
	v33 =	vsub.s32 v33, v3;
	v18 =	vmin.u32 v18, v19  }
0x143: {  	v19 =	vmin.u32 v20, v21;
	v20 =	vmin.u32 v22, v23;
	v22 =	vmin.u32 v26, v27  }
0x144: {  	v29 =	vmin.u32 v28, v29;
	v34 =	vmin.u32 v30, v31;
	v35 =	vmin.u32 v32, v33  }
0x145: {  	v28 =	vmin.u32 v22, v29;
	v29 =	vmin.u32 v34, v35;
	v35 =	vld [tilespmem:$0x1FED0]  }
0x146: {  	v21 =	vmin.u32 v24, v25  }
0x147: {  	vm6 =	vlt.s32 v17, $0x400;
	v18 =	vmin.u32 v18, v19;
	v27 =	vmin.u32 v20, v21  }
0x148: {  	v20 =	vsel vm6, $0x0, v16;
	v18 =	vmin.u32 v18, v27;
	v30 =	vmin.u32 v28, v29  }
0x149: {  	v17 =	vadd.s32 v17, v20;
	v18 =	vmin.u32 v18, v30  }
0x14a: {  	vm7 =	vlt.s32 v18, $0x400;
	v19 =	vsub.s32 v35, v9;
	v21 =	vsub.s32 v35, v4  }
0x14b: {  	v22 =	vsub.s32 v35, v10;
	v23 =	vsub.s32 v35, v11;
	v24 =	vsub.s32 v35, v5  }
0x14c: {  	v25 =	vsub.s32 v35, v6;
	v26 =	vsub.s32 v35, v12;
	v27 =	vsub.s32 v35, v13  }
0x14d: {  	v28 =	vsub.s32 v35, v7;
	v29 =	vsub.s32 v35, v8;
	v30 =	vsub.s32 v35, v14  }
0x14e: {  	v31 =	vsub.s32 v35, v15;
	v32 =	vsub.s32 v35, v1;
	v33 =	vsub.s32 v35, v0  }
0x14f: {  	v34 =	vsub.s32 v35, v2;
	v35 =	vsub.s32 v35, v3;
	v19 =	vmin.u32 v19, v21  }
0x150: {  	v21 =	vmin.u32 v22, v23;
	v22 =	vmin.u32 v24, v25;
	v24 =	vmin.u32 v28, v29  }
0x151: {  	v31 =	vmin.u32 v30, v31;
	v33 =	vmin.u32 v32, v33;
	v35 =	vmin.u32 v34, v35  }
0x152: {  	v30 =	vmin.u32 v24, v31;
	v31 =	vmin.u32 v33, v35;
	v33 =	vsel vm7, $0x0, v16  }
0x153: {  	[tilespmem:$0x1FC40] =	vst v17;
	v17 =	vadd.s32 v18, v33;
	v33 =	vld [tilespmem:$0x1FEE0];
	_ =	sdelay $0x1  }
0x154: {  	v23 =	vmin.u32 v26, v27  }
0x155: {  	v19 =	vmin.u32 v19, v21;
	v29 =	vmin.u32 v22, v23  }
0x156: {  	v19 =	vmin.u32 v19, v29;
	v32 =	vmin.u32 v30, v31  }
0x157: {  	v19 =	vmin.u32 v19, v32;
	[tilespmem:$0x1FC50] =	vst v17;
	v17 =	vsub.s32 v33, v9  }
0x158: {  	v18 =	vsub.s32 v33, v4;
	v20 =	vsub.s32 v33, v10;
	v21 =	vsub.s32 v33, v11  }
0x159: {  	v22 =	vsub.s32 v33, v5;
	v23 =	vsub.s32 v33, v6;
	v24 =	vsub.s32 v33, v12  }
0x15a: {  	v25 =	vsub.s32 v33, v13;
	v26 =	vsub.s32 v33, v7;
	v27 =	vsub.s32 v33, v8  }
0x15b: {  	v28 =	vsub.s32 v33, v14;
	v29 =	vsub.s32 v33, v15;
	v30 =	vsub.s32 v33, v1  }
0x15c: {  	v31 =	vsub.s32 v33, v0;
	v32 =	vsub.s32 v33, v2;
	v33 =	vsub.s32 v33, v3  }
0x15d: {  	v31 =	vmin.u32 v30, v31;
	v33 =	vmin.u32 v32, v33  }
0x15e: {  	vm8 =	vlt.s32 v19, $0x400;
	v35 =	vmin.u32 v26, v27;
	v26 =	vmin.u32 v31, v33;
	v33 =	vld [tilespmem:$0x1FEF0]  }
0x15f: {  	v17 =	vmin.u32 v17, v18;
	v18 =	vmin.u32 v20, v21;
	v20 =	vmin.u32 v22, v23  }
0x160: {  	v34 =	vmin.u32 v24, v25;
	v29 =	vmin.u32 v28, v29;
	v27 =	vsel vm8, $0x0, v16  }
0x161: {  	v17 =	vmin.u32 v17, v18;
	v34 =	vmin.u32 v20, v34;
	v35 =	vmin.u32 v35, v29  }
0x162: {  	v19 =	vadd.s32 v19, v27;
	v17 =	vmin.u32 v17, v34;
	v28 =	vmin.u32 v35, v26  }
0x163: {  	[tilespmem:$0x1FC60] =	vst v19;
	v17 =	vmin.u32 v17, v28;
	v18 =	vsub.s32 v33, v9;
	v19 =	vsub.s32 v33, v4  }
0x164: {  	v20 =	vsub.s32 v33, v10;
	v21 =	vsub.s32 v33, v11;
	v22 =	vsub.s32 v33, v5  }
0x165: {  	v23 =	vsub.s32 v33, v6;
	v24 =	vsub.s32 v33, v12;
	v25 =	vsub.s32 v33, v13  }
0x166: {  	v26 =	vsub.s32 v33, v7;
	v27 =	vsub.s32 v33, v8;
	v28 =	vsub.s32 v33, v14  }
0x167: {  	v29 =	vsub.s32 v33, v15;
	v30 =	vsub.s32 v33, v1;
	v31 =	vsub.s32 v33, v0  }
0x168: {  	v32 =	vsub.s32 v33, v2;
	v33 =	vsub.s32 v33, v3;
	v18 =	vmin.u32 v18, v19  }
0x169: {  	v19 =	vmin.u32 v20, v21;
	v20 =	vmin.u32 v22, v23;
	v22 =	vmin.u32 v26, v27  }
0x16a: {  	v29 =	vmin.u32 v28, v29;
	v34 =	vmin.u32 v30, v31;
	v35 =	vmin.u32 v32, v33  }
0x16b: {  	v28 =	vmin.u32 v22, v29;
	v29 =	vmin.u32 v34, v35;
	v35 =	vld [tilespmem:$0x1FF00]  }
0x16c: {  	v21 =	vmin.u32 v24, v25  }
0x16d: {  	vm9 =	vlt.s32 v17, $0x400;
	v18 =	vmin.u32 v18, v19;
	v27 =	vmin.u32 v20, v21  }
0x16e: {  	v20 =	vsel vm9, $0x0, v16;
	v18 =	vmin.u32 v18, v27;
	v30 =	vmin.u32 v28, v29  }
0x16f: {  	v17 =	vadd.s32 v17, v20;
	v18 =	vmin.u32 v18, v30  }
0x170: {  	vm10 =	vlt.s32 v18, $0x400;
	v19 =	vsub.s32 v35, v9;
	v21 =	vsub.s32 v35, v4  }
0x171: {  	v22 =	vsub.s32 v35, v10;
	v23 =	vsub.s32 v35, v11;
	v24 =	vsub.s32 v35, v5  }
0x172: {  	v25 =	vsub.s32 v35, v6;
	v26 =	vsub.s32 v35, v12;
	v27 =	vsub.s32 v35, v13  }
0x173: {  	v28 =	vsub.s32 v35, v7;
	v29 =	vsub.s32 v35, v8;
	v30 =	vsub.s32 v35, v14  }
0x174: {  	v31 =	vsub.s32 v35, v15;
	v32 =	vsub.s32 v35, v1;
	v33 =	vsub.s32 v35, v0  }
0x175: {  	v34 =	vsub.s32 v35, v2;
	v35 =	vsub.s32 v35, v3;
	v19 =	vmin.u32 v19, v21  }
0x176: {  	v21 =	vmin.u32 v22, v23;
	v22 =	vmin.u32 v24, v25;
	v24 =	vmin.u32 v28, v29  }
0x177: {  	v31 =	vmin.u32 v30, v31;
	v33 =	vmin.u32 v32, v33;
	v35 =	vmin.u32 v34, v35  }
0x178: {  	v30 =	vmin.u32 v24, v31;
	v31 =	vmin.u32 v33, v35;
	v33 =	vsel vm10, $0x0, v16  }
0x179: {  	[tilespmem:$0x1FC70] =	vst v17;
	v17 =	vadd.s32 v18, v33;
	v33 =	vld [tilespmem:$0x1FF10];
	_ =	sdelay $0x1  }
0x17a: {  	v23 =	vmin.u32 v26, v27  }
0x17b: {  	v19 =	vmin.u32 v19, v21;
	v29 =	vmin.u32 v22, v23  }
0x17c: {  	v19 =	vmin.u32 v19, v29;
	v32 =	vmin.u32 v30, v31  }
0x17d: {  	v19 =	vmin.u32 v19, v32;
	[tilespmem:$0x1FC80] =	vst v17;
	v17 =	vsub.s32 v33, v9  }
0x17e: {  	v18 =	vsub.s32 v33, v4;
	v20 =	vsub.s32 v33, v10;
	v21 =	vsub.s32 v33, v11  }
0x17f: {  	v22 =	vsub.s32 v33, v5;
	v23 =	vsub.s32 v33, v6;
	v24 =	vsub.s32 v33, v12  }
0x180: {  	v25 =	vsub.s32 v33, v13;
	v26 =	vsub.s32 v33, v7;
	v27 =	vsub.s32 v33, v8  }
0x181: {  	v28 =	vsub.s32 v33, v14;
	v29 =	vsub.s32 v33, v15;
	v30 =	vsub.s32 v33, v1  }
0x182: {  	v31 =	vsub.s32 v33, v0;
	v32 =	vsub.s32 v33, v2;
	v33 =	vsub.s32 v33, v3  }
0x183: {  	v31 =	vmin.u32 v30, v31;
	v33 =	vmin.u32 v32, v33  }
0x184: {  	vm11 =	vlt.s32 v19, $0x400;
	v35 =	vmin.u32 v26, v27;
	v26 =	vmin.u32 v31, v33;
	v33 =	vld [tilespmem:$0x1FF20]  }
0x185: {  	v17 =	vmin.u32 v17, v18;
	v18 =	vmin.u32 v20, v21;
	v20 =	vmin.u32 v22, v23  }
0x186: {  	v34 =	vmin.u32 v24, v25;
	v29 =	vmin.u32 v28, v29;
	v27 =	vsel vm11, $0x0, v16  }
0x187: {  	v17 =	vmin.u32 v17, v18;
	v34 =	vmin.u32 v20, v34;
	v35 =	vmin.u32 v35, v29  }
0x188: {  	v19 =	vadd.s32 v19, v27;
	v17 =	vmin.u32 v17, v34;
	v28 =	vmin.u32 v35, v26  }
0x189: {  	[tilespmem:$0x1FC90] =	vst v19;
	v17 =	vmin.u32 v17, v28;
	v18 =	vsub.s32 v33, v9;
	v19 =	vsub.s32 v33, v4  }
0x18a: {  	v20 =	vsub.s32 v33, v10;
	v21 =	vsub.s32 v33, v11;
	v22 =	vsub.s32 v33, v5  }
0x18b: {  	v23 =	vsub.s32 v33, v6;
	v24 =	vsub.s32 v33, v12;
	v25 =	vsub.s32 v33, v13  }
0x18c: {  	v26 =	vsub.s32 v33, v7;
	v27 =	vsub.s32 v33, v8;
	v28 =	vsub.s32 v33, v14  }
0x18d: {  	v29 =	vsub.s32 v33, v15;
	v30 =	vsub.s32 v33, v1;
	v31 =	vsub.s32 v33, v0  }
0x18e: {  	v32 =	vsub.s32 v33, v2;
	v33 =	vsub.s32 v33, v3;
	v18 =	vmin.u32 v18, v19  }
0x18f: {  	v19 =	vmin.u32 v20, v21;
	v20 =	vmin.u32 v22, v23;
	v22 =	vmin.u32 v26, v27  }
0x190: {  	v29 =	vmin.u32 v28, v29;
	v34 =	vmin.u32 v30, v31;
	v35 =	vmin.u32 v32, v33  }
0x191: {  	v28 =	vmin.u32 v22, v29;
	v29 =	vmin.u32 v34, v35;
	v35 =	vld [tilespmem:$0x1FF30];
	_ =	sdelay $0x1  }
0x192: {  	v21 =	vmin.u32 v24, v25  }
0x193: {  	v18 =	vmin.u32 v18, v19;
	v27 =	vmin.u32 v20, v21  }
0x194: {  	v18 =	vmin.u32 v18, v27;
	v30 =	vmin.u32 v28, v29  }
0x195: {  	vm12 =	vlt.s32 v17, $0x400;
	v18 =	vmin.u32 v18, v30;
	v19 =	vsub.s32 v35, v9  }
0x196: {  	v21 =	vsub.s32 v35, v4;
	v22 =	vsub.s32 v35, v10;
	v23 =	vsub.s32 v35, v11  }
0x197: {  	v24 =	vsub.s32 v35, v5;
	v25 =	vsub.s32 v35, v6;
	v26 =	vsub.s32 v35, v12  }
0x198: {  	v27 =	vsub.s32 v35, v13;
	v28 =	vsub.s32 v35, v7;
	v29 =	vsub.s32 v35, v8  }
0x199: {  	v30 =	vsub.s32 v35, v14;
	v31 =	vsub.s32 v35, v15;
	v32 =	vsub.s32 v35, v1  }
0x19a: {  	v33 =	vsub.s32 v35, v0;
	v34 =	vsub.s32 v35, v2;
	v35 =	vsub.s32 v35, v3  }
0x19b: {  	v20 =	vsel vm12, $0x0, v16;
	v33 =	vmin.u32 v32, v33;
	v35 =	vmin.u32 v34, v35  }
0x19c: {  	vm13 =	vlt.s32 v18, $0x400;
	v31 =	vmin.u32 v30, v31;
	v30 =	vmin.u32 v33, v35;
	v33 =	vld [tilespmem:$0x1FF40]  }
0x19d: {  	v19 =	vmin.u32 v19, v21;
	v21 =	vmin.u32 v22, v23;
	v22 =	vmin.u32 v24, v25  }
0x19e: {  	v23 =	vmin.u32 v26, v27;
	v24 =	vmin.u32 v28, v29;
	v32 =	vsel vm13, $0x0, v16  }
0x19f: {  	v19 =	vmin.u32 v19, v21;
	v28 =	vmin.u32 v22, v23;
	v29 =	vmin.u32 v24, v31  }
0x1a0: {  	v35 =	vadd.s32 v17, v20;
	v19 =	vmin.u32 v19, v28;
	v31 =	vmin.u32 v29, v30  }
0x1a1: {  	v34 =	vadd.s32 v18, v32;
	v19 =	vmin.u32 v19, v31;
	v17 =	vsub.s32 v33, v9  }
0x1a2: {  	v18 =	vsub.s32 v33, v4;
	v20 =	vsub.s32 v33, v10;
	v21 =	vsub.s32 v33, v11  }
0x1a3: {  	v22 =	vsub.s32 v33, v5;
	v23 =	vsub.s32 v33, v6;
	v24 =	vsub.s32 v33, v12  }
0x1a4: {  	v25 =	vsub.s32 v33, v13;
	v26 =	vsub.s32 v33, v7;
	v27 =	vsub.s32 v33, v8  }
0x1a5: {  	v28 =	vsub.s32 v33, v14;
	v29 =	vsub.s32 v33, v15;
	v30 =	vsub.s32 v33, v1  }
0x1a6: {  	v31 =	vsub.s32 v33, v0;
	v32 =	vsub.s32 v33, v2;
	v17 =	vmin.u32 v17, v18  }
0x1a7: {  	v18 =	vsub.s32 v33, v3;
	v33 =	vmin.u32 v26, v27;
	v29 =	vmin.u32 v28, v29  }
0x1a8: {  	v18 =	vmin.u32 v32, v18;
	v32 =	vmin.u32 v33, v29;
	v33 =	vld [tilespmem:$0x1FF50]  }
0x1a9: {  	v20 =	vmin.u32 v20, v21  }
0x1aa: {  	v21 =	vmin.u32 v22, v23;
	v22 =	vmin.u32 v24, v25;
	v30 =	vmin.u32 v30, v31  }
0x1ab: {  	v17 =	vmin.u32 v17, v20;
	v31 =	vmin.u32 v21, v22;
	v18 =	vmin.u32 v30, v18  }
0x1ac: {  	v17 =	vmin.u32 v17, v31;
	v18 =	vmin.u32 v32, v18  }
0x1ad: {  	vm14 =	vlt.s32 v19, $0x400;
	v17 =	vmin.u32 v17, v18;
	v20 =	vsub.s32 v33, v9  }
0x1ae: {  	v21 =	vsub.s32 v33, v4;
	v22 =	vsub.s32 v33, v10;
	v23 =	vsub.s32 v33, v11  }
0x1af: {  	v24 =	vsub.s32 v33, v5;
	v25 =	vsub.s32 v33, v6;
	v26 =	vsub.s32 v33, v12  }
0x1b0: {  	v27 =	vsub.s32 v33, v13;
	v28 =	vsub.s32 v33, v7;
	v29 =	vsub.s32 v33, v8  }
0x1b1: {  	v32 =	vsub.s32 v33, v1;
	v20 =	vmin.u32 v20, v21;
	v21 =	vsub.s32 v33, v0  }
0x1b2: {  	v22 =	vmin.u32 v22, v23;
	v24 =	vmin.u32 v24, v25;
	v26 =	vmin.u32 v26, v27  }
0x1b3: {  	v21 =	vmin.u32 v32, v21;
	v20 =	vmin.u32 v20, v22;
	v32 =	vmin.u32 v24, v26  }
0x1b4: {  	v30 =	vsub.s32 v33, v14;
	v27 =	vmin.u32 v28, v29;
	v28 =	vmin.u32 v20, v32;
	v32 =	vld [tilespmem:$0x1FF60]  }
0x1b5: {  	v31 =	vsub.s32 v33, v15;
	v23 =	vsub.s32 v33, v2;
	v25 =	vsub.s32 v33, v3  }
0x1b6: {  	vm15 =	vlt.s32 v17, $0x400;
	v33 =	vmin.u32 v30, v31;
	v23 =	vmin.u32 v23, v25  }
0x1b7: {  	v30 =	vsel vm14, $0x0, v16;
	v33 =	vmin.u32 v27, v33;
	v21 =	vmin.u32 v21, v23  }
0x1b8: {  	v31 =	vsel vm15, $0x0, v16;
	v19 =	vadd.s32 v19, v30;
	v29 =	vmin.u32 v33, v21  }
0x1b9: {  	[tilespmem:$0x1FCA0] =	vst v19;
	v33 =	vadd.s32 v17, v31;
	v18 =	vmin.u32 v28, v29;
	v19 =	vsub.s32 v32, v9  }
0x1ba: {  	v20 =	vsub.s32 v32, v4;
	v21 =	vsub.s32 v32, v10;
	v22 =	vsub.s32 v32, v11  }
0x1bb: {  	v23 =	vsub.s32 v32, v5;
	v24 =	vsub.s32 v32, v6;
	v25 =	vsub.s32 v32, v12  }
0x1bc: {  	v26 =	vsub.s32 v32, v13;
	v27 =	vsub.s32 v32, v7;
	v28 =	vsub.s32 v32, v8  }
0x1bd: {  	v29 =	vsub.s32 v32, v14;
	v30 =	vsub.s32 v32, v15;
	v31 =	vsub.s32 v32, v1  }
0x1be: {  	v19 =	vmin.u32 v19, v20;
	v20 =	vsub.s32 v32, v0;
	v21 =	vmin.u32 v21, v22  }
0x1bf: {  	v22 =	vsub.s32 v32, v2;
	v23 =	vmin.u32 v23, v24;
	v24 =	vsub.s32 v32, v3  }
0x1c0: {  	v25 =	vmin.u32 v25, v26;
	v26 =	vmin.u32 v27, v28;
	v32 =	vmin.u32 v29, v30  }
0x1c1: {  	v20 =	vmin.u32 v31, v20;
	v31 =	vmin.u32 v26, v32;
	v32 =	vld [tilespmem:$0x1FF70];
	_ =	sdelay $0x1  }
0x1c2: {  	vm4 =	vlt.s32 v18, $0x400  }
0x1c3: {  	v17 =	vsel vm4, $0x0, v16;
	v22 =	vmin.u32 v22, v24  }
0x1c4: {  	v19 =	vmin.u32 v19, v21;
	v30 =	vmin.u32 v23, v25;
	v20 =	vmin.u32 v20, v22  }
0x1c5: {  	v19 =	vmin.u32 v19, v30;
	v20 =	vmin.u32 v31, v20;
	v21 =	vsub.s32 v32, v9  }
0x1c6: {  	v22 =	vsub.s32 v32, v4;
	v23 =	vsub.s32 v32, v10;
	v24 =	vsub.s32 v32, v11  }
0x1c7: {  	v25 =	vsub.s32 v32, v5;
	v26 =	vsub.s32 v32, v6;
	v27 =	vsub.s32 v32, v12  }
0x1c8: {  	v28 =	vsub.s32 v32, v13;
	v29 =	vsub.s32 v32, v7;
	v30 =	vsub.s32 v32, v8  }
0x1c9: {  	v31 =	vsub.s32 v32, v14;
	v21 =	vmin.u32 v21, v22;
	v22 =	vsub.s32 v32, v15  }
0x1ca: {  	v23 =	vmin.u32 v23, v24;
	v24 =	vsub.s32 v32, v1;
	v25 =	vmin.u32 v25, v26  }
0x1cb: {  	v26 =	vsub.s32 v32, v0;
	v27 =	vmin.u32 v27, v28;
	v28 =	vsub.s32 v32, v2  }
0x1cc: {  	v29 =	vmin.u32 v29, v30;
	v30 =	vsub.s32 v32, v3;
	v22 =	vmin.u32 v31, v22  }
0x1cd: {  	v24 =	vmin.u32 v24, v26;
	v32 =	vmin.u32 v28, v30;
	v21 =	vmin.u32 v21, v23  }
0x1ce: {  	v28 =	vmin.u32 v25, v27;
	v22 =	vmin.u32 v29, v22;
	v24 =	vmin.u32 v24, v32  }
0x1cf: {  	v17 =	vadd.s32 v18, v17;
	v30 =	vmin.u32 v21, v28;
	v31 =	vmin.u32 v22, v24  }
0x1d0: {  	[tilespmem:$0x1FCB0] =	vst v17;
	v17 =	vmin.u32 v30, v31;
	v30 =	vld [tilespmem:$0x1FF80];
	_ =	sdelay $0x3  }
0x1d1: {  	v19 =	vmin.u32 v19, v20  }
0x1d2: {  	v20 =	vsub.s32 v30, v9;
	v21 =	vsub.s32 v30, v4;
	v22 =	vsub.s32 v30, v10  }
0x1d3: {  	v32 =	vsub.s32 v30, v11;
	v24 =	vsub.s32 v30, v5;
	v25 =	vsub.s32 v30, v6  }
0x1d4: {  	v26 =	vsub.s32 v30, v12;
	v27 =	vsub.s32 v30, v13;
	v28 =	vsub.s32 v30, v7  }
0x1d5: {  	v29 =	vsub.s32 v30, v8;
	v20 =	vmin.u32 v20, v21;
	v21 =	vsub.s32 v30, v14  }
0x1d6: {  	s10 =	sshrl.u32 s10, $0x3;
	v22 =	vmin.u32 v22, v32;
	v32 =	vsub.s32 v30, v15;
	v24 =	vmin.u32 v24, v25  }
0x1d7: {  	s28 =	rddreg [dreg:$0x8];
	s10 =	sadd.s32 s1, s10;
	v25 =	vsub.s32 v30, v1;
	v26 =	vmin.u32 v26, v27;
	v27 =	vsub.s32 v30, v0  }
0x1d8: {  	[tilespmem:s28], [sflag:$0x1] =	stream.linear.gather [hbm4b:s10+s3], $0x480, $0x38;
	v28 =	vmin.u32 v28, v29;
	v29 =	vsub.s32 v30, v2;
	v21 =	vmin.u32 v21, v32;
	[tilespmem:$0x1100] =	vst v63  }
0x1d9: {  	_ =	swait.ge [sflag:s9], $0x400;
	v32 =	vsub.s32 v30, v3;
	v20 =	vmin.u32 v20, v22;
	v30 =	vmin.u32 v24, v26  }
0x1da: {  	vm5 =	vlt.s32 v19, $0x400;
	v20 =	vmin.u32 v20, v30;
	v30 =	vld [tilespmem:$0x1FF90]  }
0x1db: {  	vm6 =	vlt.s32 v17, $0x400;
	v25 =	vmin.u32 v25, v27;
	v23 =	vmin.u32 v29, v32  }
0x1dc: {  	v31 =	vsel vm6, $0x0, v16;
	v21 =	vmin.u32 v28, v21;
	v23 =	vmin.u32 v25, v23  }
0x1dd: {  	v18 =	vsel vm5, $0x0, v16;
	v17 =	vadd.s32 v17, v31;
	v21 =	vmin.u32 v21, v23  }
0x1de: {  	v18 =	vadd.s32 v19, v18;
	[sflag:s9] =	ssyncset.done $0x0;
	[tilespmem:$0x1FCD0] =	vst v17;
	v17 =	vmin.u32 v20, v21  }
0x1df: {  	[tilespmem:$0x1FCC0] =	vst v18;
	[sflag:s9] =	ssyncadd.s32 $0xFFFFFC00;
	v18 =	vsub.s32 v30, v9;
	v19 =	vsub.s32 v30, v4;
	v20 =	vsub.s32 v30, v10  }
0x1e0: {  	_ =	swait.ge [sflag:s8], $0x480;
	v21 =	vsub.s32 v30, v11;
	v22 =	vsub.s32 v30, v5;
	v23 =	vsub.s32 v30, v6  }
0x1e1: {  	[sflag:s8] =	ssyncset.done $0x0;
	v24 =	vsub.s32 v30, v12;
	v32 =	vsub.s32 v30, v13;
	v26 =	vsub.s32 v30, v7  }
0x1e2: {  	[sflag:s8] =	ssyncadd.s32 $0xFFFFFB80;
	v27 =	vsub.s32 v30, v8;
	v28 =	vsub.s32 v30, v14;
	v31 =	vsub.s32 v30, v0  }
0x1e3: {  	v29 =	vld.idx.msk [tilespmem:v36+s6+$0x0], $0xffff;
	v36 =	vsub.s32 v30, v3;
	v18 =	vmin.u32 v18, v19;
	v19 =	vsub.s32 v30, v15  }
0x1e4: {  	v20 =	vmin.u32 v20, v21;
	v24 =	vmin.u32 v24, v32;
	v32 =	vsub.s32 v30, v2  }
0x1e5: {  	v21 =	vsub.s32 v30, v1;
	v22 =	vmin.u32 v22, v23;
	v30 =	vmin.u32 v32, v36;
	v32 =	vld [tilespmem:$0x1FB40]  }
0x1e6: {  	v21 =	vmin.u32 v21, v31;
	v18 =	vmin.u32 v18, v20;
	v31 =	vmin.u32 v22, v24  }
0x1e7: {  	v18 =	vmin.u32 v18, v31;
	v31 =	vld [tilespmem:$0x1FFA0];
	_ =	sdelay $0x2  }
0x1e8: {  	v26 =	vmin.u32 v26, v27;
	v19 =	vmin.u32 v28, v19  }
0x1e9: {  	v19 =	vmin.u32 v26, v19  }
0x1ea: {  	v21 =	vmin.u32 v21, v30;
	[tilespmem:$0x900] =	vst v29;
	v20 =	vsub.s32 v31, v9;
	v22 =	vsub.s32 v31, v4  }
0x1eb: {  	v23 =	vsub.s32 v31, v10;
	v24 =	vsub.s32 v31, v11;
	v26 =	vsub.s32 v31, v5;
	v25 =	vld.idx.msk [tilespmem:v32+s6+$0x0], $0xffff  }
0x1ec: {  	v36 =	vsub.s32 v31, v6;
	v30 =	vsub.s32 v31, v7;
	v23 =	vmin.u32 v23, v24  }
0x1ed: {  	v24 =	vsub.s32 v31, v14;
	v26 =	vmin.u32 v26, v36;
	v36 =	vsub.s32 v31, v15  }
0x1ee: {  	v20 =	vmin.u32 v20, v22;
	v32 =	vsub.s32 v31, v8;
	v24 =	vmin.u32 v24, v36  }
0x1ef: {  	v36 =	vsub.s32 v31, v3;
	v22 =	vmin.u32 v30, v32;
	v32 =	vsub.s32 v31, v2  }
0x1f0: {  	[tilespmem:$0x910] =	vst v25;
	v25 =	vmin.u32 v32, v36;
	v32 =	vld [tilespmem:$0x1FB50];
	_ =	sdelay $0x1  }
0x1f1: {  	v28 =	vsub.s32 v31, v12;
	v29 =	vsub.s32 v31, v13  }
0x1f2: {  	vm7 =	vlt.s32 v17, $0x400;
	v19 =	vmin.u32 v19, v21;
	v28 =	vmin.u32 v28, v29  }
0x1f3: {  	v29 =	vsub.s32 v31, v1;
	v20 =	vmin.u32 v20, v23;
	v30 =	vsub.s32 v31, v0  }
0x1f4: {  	v26 =	vmin.u32 v26, v28;
	v28 =	vsel vm7, $0x0, v16;
	v31 =	vld [tilespmem:$0x1FB60];
	v29 =	vmin.u32 v29, v30  }
0x1f5: {  	v17 =	vadd.s32 v17, v28;
	v28 =	vld [tilespmem:$0x1FFB0];
	v22 =	vmin.u32 v22, v24;
	v36 =	vmin.u32 v29, v25  }
0x1f6: {  	v18 =	vmin.u32 v18, v19;
	v20 =	vmin.u32 v20, v26;
	v26 =	vmin.u32 v22, v36  }
0x1f7: {  	vm8 =	vlt.s32 v18, $0x400;
	v27 =	vmin.u32 v20, v26;
	v23 =	vld.idx.msk [tilespmem:v32+s6+$0x0], $0xffff  }
0x1f8: {  	v29 =	vsel vm8, $0x0, v16;
	vm1 =	vlt.s32 v27, $0x400  }
0x1f9: {  	[tilespmem:$0x1FCE0] =	vst v17;
	v17 =	vadd.s32 v18, v29;
	v30 =	vsel vm1, $0x0, v16  }
0x1fa: {  	v29 =	vsub.s32 v28, v5;
	v36 =	vadd.s32 v27, v30;
	v30 =	vsub.s32 v28, v6  }
0x1fb: {  	[tilespmem:$0x1FCF0] =	vst v17;
	v22 =	vmin.u32 v29, v30;
	v30 =	vld [tilespmem:$0x1FB70]  }
0x1fc: {  	v19 =	vsub.s32 v28, v10;
	v24 =	vsub.s32 v28, v12;
	v17 =	vsub.s32 v28, v9;
	[tilespmem:$0x920] =	vst v23  }
0x1fd: {  	v20 =	vsub.s32 v28, v11;
	v32 =	vsub.s32 v28, v4;
	v21 =	vld.idx.msk [tilespmem:v31+s6+$0x0], $0xffff;
	v31 =	vsub.s32 v28, v13  }
0x1fe: {  	v19 =	vmin.u32 v19, v20;
	v17 =	vmin.u32 v17, v32;
	v24 =	vmin.u32 v24, v31  }
0x1ff: {  	v17 =	vmin.u32 v17, v19;
	v29 =	vmin.u32 v22, v24  }
0x200: {  	v23 =	vsub.s32 v28, v1;
	v31 =	vsub.s32 v28, v0;
	v17 =	vmin.u32 v17, v29;
	v29 =	vld [tilespmem:$0x1FFC0]  }
0x201: {  	v26 =	vsub.s32 v28, v7;
	v32 =	vsub.s32 v28, v8;
	v23 =	vmin.u32 v23, v31;
	v31 =	vld [tilespmem:$0x1FB80]  }
0x202: {  	v20 =	vsub.s32 v28, v14;
	v18 =	vmin.u32 v26, v32;
	[tilespmem:$0x930] =	vst v21  }
0x203: {  	v32 =	vsub.s32 v28, v2;
	v21 =	vsub.s32 v28, v15;
	v28 =	vsub.s32 v28, v3;
	v27 =	vld.idx.msk [tilespmem:v30+s6+$0x0], $0xffff  }
0x204: {  	v20 =	vmin.u32 v20, v21;
	v21 =	vmin.u32 v32, v28  }
0x205: {  	v30 =	vmin.u32 v23, v21;
	v21 =	vsub.s32 v29, v10;
	v22 =	vsub.s32 v29, v11  }
0x206: {  	v24 =	vsub.s32 v29, v5;
	v32 =	vsub.s32 v29, v6;
	v21 =	vmin.u32 v21, v22  }
0x207: {  	v22 =	vsub.s32 v29, v14;
	v24 =	vmin.u32 v24, v32;
	v32 =	vsub.s32 v29, v15  }
0x208: {  	v18 =	vmin.u32 v18, v20;
	v22 =	vmin.u32 v22, v32;
	v32 =	vld [tilespmem:$0x1FB90];
	[tilespmem:$0x940] =	vst v27  }
0x209: {  	v18 =	vmin.u32 v18, v30;
	v19 =	vsub.s32 v29, v9;
	v23 =	vld.idx.msk [tilespmem:v31+s6+$0x0], $0xffff  }
0x20a: {  	v20 =	vsub.s32 v29, v4;
	v28 =	vsub.s32 v29, v7;
	v31 =	vsub.s32 v29, v8  }
0x20b: {  	v26 =	vsub.s32 v29, v12;
	v19 =	vmin.u32 v19, v20;
	v20 =	vmin.u32 v28, v31;
	v31 =	vld [tilespmem:$0x1FFD0]  }
0x20c: {  	v25 =	vsub.s32 v29, v3;
	v17 =	vmin.u32 v17, v18;
	v27 =	vsub.s32 v29, v13  }
0x20d: {  	v26 =	vmin.u32 v26, v27;
	v27 =	vsub.s32 v29, v1;
	v28 =	vsub.s32 v29, v0  }
0x20e: {  	v30 =	vld [tilespmem:$0x1FBA0];
	v19 =	vmin.u32 v19, v21;
	v27 =	vmin.u32 v27, v28;
	[tilespmem:$0x950] =	vst v23;
	v23 =	vsub.s32 v29, v2  }
0x20f: {  	v20 =	vmin.u32 v20, v22;
	v23 =	vmin.u32 v23, v25;
	v25 =	vmin.u32 v24, v26  }
0x210: {  	v29 =	vld.idx.msk [tilespmem:v32+s6+$0x0], $0xffff;
	v21 =	vsub.s32 v31, v10;
	v22 =	vsub.s32 v31, v11;
	v24 =	vsub.s32 v31, v6  }
0x211: {  	v32 =	vsub.s32 v31, v3;
	v26 =	vmin.u32 v27, v23;
	v27 =	vmin.u32 v19, v25  }
0x212: {  	v19 =	vsub.s32 v31, v9;
	v23 =	vsub.s32 v31, v5;
	v25 =	vsub.s32 v31, v12  }
0x213: {  	v21 =	vmin.u32 v21, v22;
	v22 =	vsub.s32 v31, v1;
	v28 =	vmin.u32 v20, v26  }
0x214: {  	v20 =	vsub.s32 v31, v4;
	v23 =	vmin.u32 v23, v24;
	v24 =	vsub.s32 v31, v0  }
0x215: {  	v18 =	vmin.u32 v27, v28;
	v27 =	vsub.s32 v31, v13;
	v28 =	vsub.s32 v31, v7;
	[tilespmem:$0x960] =	vst v29  }
0x216: {  	v19 =	vmin.u32 v19, v20;
	v20 =	vsub.s32 v31, v15;
	v25 =	vmin.u32 v25, v27;
	v26 =	vld.idx.msk [tilespmem:v30+s6+$0x0], $0xffff  }
0x217: {  	v27 =	vsub.s32 v31, v2;
	v29 =	vsub.s32 v31, v8;
	v30 =	vsub.s32 v31, v14;
	v31 =	vld [tilespmem:$0x1FBB0];
	_ =	sdelay $0x4  }
0x218: {  	v20 =	vmin.u32 v30, v20;
	v30 =	vmin.u32 v27, v32;
	v32 =	vld [tilespmem:$0x1FFE0];
	_ =	sdelay $0x1  }
0x219: {  	[tilespmem:$0x970] =	vst v26  }
0x21a: {  	v19 =	vmin.u32 v19, v21;
	v23 =	vmin.u32 v23, v25;
	v21 =	vld.idx.msk [tilespmem:v31+s6+$0x0], $0xffff  }
0x21b: {  	v22 =	vmin.u32 v22, v24;
	v28 =	vmin.u32 v28, v29;
	v19 =	vmin.u32 v19, v23  }
0x21c: {  	v20 =	vmin.u32 v28, v20;
	v22 =	vmin.u32 v22, v30;
	v23 =	vsub.s32 v32, v9  }
0x21d: {  	v24 =	vsub.s32 v32, v4;
	v25 =	vsub.s32 v32, v10;
	v26 =	vsub.s32 v32, v11  }
0x21e: {  	v27 =	vsub.s32 v32, v5;
	v28 =	vsub.s32 v32, v6;
	v29 =	vsub.s32 v32, v12  }
0x21f: {  	v30 =	vsub.s32 v32, v13;
	[tilespmem:$0x980] =	vst v21;
	v21 =	vmin.u32 v25, v26;
	v26 =	vmin.u32 v27, v28;
	v27 =	vld [tilespmem:$0x1FBC0]  }
0x220: {  	v23 =	vmin.u32 v23, v24;
	v24 =	vsub.s32 v32, v8;
	v31 =	vsub.s32 v32, v7  }
0x221: {  	v29 =	vmin.u32 v29, v30;
	v30 =	vsub.s32 v32, v1;
	v24 =	vmin.u32 v31, v24  }
0x222: {  	v31 =	vsub.s32 v32, v0;
	v25 =	vsub.s32 v32, v14;
	v28 =	vsub.s32 v32, v15  }
0x223: {  	v30 =	vmin.u32 v30, v31;
	v31 =	vsub.s32 v32, v3;
	v25 =	vmin.u32 v25, v28  }
0x224: {  	v28 =	vsub.s32 v32, v2;
	v21 =	vmin.u32 v23, v21;
	v32 =	vmin.u32 v26, v29  }
0x225: {  	v28 =	vmin.u32 v28, v31;
	v21 =	vmin.u32 v21, v32;
	v32 =	vld [tilespmem:$0x1FBD0]  }
0x226: {  	v24 =	vmin.u32 v24, v25;
	v29 =	vmin.u32 v30, v28  }
0x227: {  	v30 =	vmin.u32 v24, v29;
	v27 =	vld.idx.msk [tilespmem:v27+s6+$0x0], $0xffff  }
0x228: {  	vm9 =	vlt.s32 v17, $0x400;
	v20 =	vmin.u32 v20, v22;
	v24 =	vmin.u32 v21, v30;
	v30 =	vld [tilespmem:$0x1FFF0]  }
0x229: {  	v19 =	vmin.u32 v19, v20;
	v31 =	vsel vm9, $0x0, v16  }
0x22a: {  	vm11 =	vlt.s32 v19, $0x400;
	v17 =	vadd.s32 v17, v31  }
0x22b: {  	vm10 =	vlt.s32 v18, $0x400;
	v26 =	vsel vm11, $0x0, v16;
	[tilespmem:$0x1FD00] =	vst v17;
	v29 =	vld [tilespmem:$0x1FBE0]  }
0x22c: {  	v25 =	vsel vm10, $0x0, v16;
	v17 =	vadd.s32 v19, v26;
	[tilespmem:$0x990] =	vst v27  }
0x22d: {  	[tilespmem:$0x1FD10] =	vst v17;
	vm12 =	vlt.s32 v24, $0x400;
	v17 =	vsub.s32 v30, v9;
	v19 =	vsub.s32 v30, v10;
	v23 =	vld.idx.msk [tilespmem:v32+s6+$0x0], $0xffff  }
0x22e: {  	v20 =	vsub.s32 v30, v11;
	v21 =	vsub.s32 v30, v5;
	v22 =	vsub.s32 v30, v6  }
0x22f: {  	v26 =	vsub.s32 v30, v7;
	v31 =	vsub.s32 v30, v3;
	v19 =	vmin.u32 v19, v20  }
0x230: {  	v20 =	vsub.s32 v30, v0;
	v21 =	vmin.u32 v21, v22;
	v27 =	vsel vm12, $0x0, v16  }
0x231: {  	v22 =	vsub.s32 v30, v2;
	v32 =	vadd.s32 v18, v25;
	v28 =	vadd.s32 v24, v27  }
0x232: {  	v18 =	vsub.s32 v30, v4;
	v24 =	vsub.s32 v30, v12;
	v25 =	vsub.s32 v30, v13;
	[tilespmem:$0x9A0] =	vst v23  }
0x233: {  	v27 =	vsub.s32 v30, v8;
	[tilespmem:$0x1FD20] =	vst v28;
	v28 =	vsub.s32 v30, v14;
	v23 =	vld.idx.msk [tilespmem:v29+s6+$0x0], $0xffff  }
0x234: {  	v17 =	vmin.u32 v17, v18;
	v18 =	vsub.s32 v30, v1;
	v29 =	vsub.s32 v30, v15;
	v30 =	vld [tilespmem:$0x1FBF0];
	_ =	sdelay $0x6  }
0x235: {  	[tilespmem:$0x9B0] =	vst v23  }
0x236: {  	v28 =	vmin.u32 v28, v29;
	v29 =	vmin.u32 v22, v31;
	v22 =	vld.idx.msk [tilespmem:v30+s6+$0x0], $0xffff;
	_ =	sdelay $0x2  }
0x237: {  	v24 =	vmin.u32 v24, v25  }
0x238: {  	v31 =	vmin.u32 v21, v24;
	v24 =	vsub.s32 v37, v11;
	v23 =	vsub.s32 v37, v10  }
0x239: {  	[tilespmem:$0x9C0] =	vst v22;
	v22 =	vmin.u32 v23, v24;
	v24 =	vld [tilespmem:$0x1FC00];
	_ =	sdelay $0x4  }
0x23a: {  	v18 =	vmin.u32 v18, v20  }
0x23b: {  	v17 =	vmin.u32 v17, v19;
	v19 =	vsub.s32 v37, v9;
	v20 =	vsub.s32 v37, v4  }
0x23c: {  	v19 =	vmin.u32 v19, v20;
	v20 =	vsub.s32 v37, v14;
	v18 =	vmin.u32 v18, v29  }
0x23d: {  	v29 =	vsub.s32 v37, v7;
	v30 =	vsub.s32 v37, v8;
	v23 =	vld.idx.msk [tilespmem:v24+s6+$0x0], $0xffff;
	v24 =	vsub.s32 v37, v15  }
0x23e: {  	v29 =	vmin.u32 v29, v30;
	v20 =	vmin.u32 v20, v24  }
0x23f: {  	v20 =	vmin.u32 v29, v20;
	v29 =	vld [tilespmem:$0x1FC10];
	_ =	sdelay $0x2  }
0x240: {  	v26 =	vmin.u32 v26, v27;
	v25 =	vsub.s32 v37, v5;
	v27 =	vsub.s32 v37, v12  }
0x241: {  	v21 =	vmin.u32 v26, v28;
	v17 =	vmin.u32 v17, v31;
	v26 =	vsub.s32 v37, v6  }
0x242: {  	v28 =	vsub.s32 v37, v13;
	v31 =	vsub.s32 v37, v3;
	v25 =	vmin.u32 v25, v26  }
0x243: {  	v26 =	vsub.s32 v37, v1;
	v27 =	vmin.u32 v27, v28;
	v28 =	vsub.s32 v37, v0  }
0x244: {  	v18 =	vmin.u32 v21, v18;
	v26 =	vmin.u32 v26, v28;
	v30 =	vsub.s32 v37, v2;
	[tilespmem:$0x9D0] =	vst v23  }
0x245: {  	v28 =	vmin.u32 v25, v27;
	v17 =	vmin.u32 v17, v18;
	v24 =	vmin.u32 v30, v31;
	v21 =	vld.idx.msk [tilespmem:v29+s6+$0x0], $0xffff  }
0x246: {  	v19 =	vmin.u32 v19, v22;
	v22 =	vsub.s32 v38, v10;
	v24 =	vmin.u32 v26, v24;
	v29 =	vld [tilespmem:$0x1FC20]  }
0x247: {  	v19 =	vmin.u32 v19, v28;
	v28 =	vsub.s32 v38, v7;
	v20 =	vmin.u32 v20, v24  }
0x248: {  	v18 =	vmin.u32 v19, v20;
	v19 =	vsub.s32 v38, v9;
	v20 =	vsub.s32 v38, v4  }
0x249: {  	v30 =	vsub.s32 v38, v3;
	v23 =	vsub.s32 v38, v11;
	v19 =	vmin.u32 v19, v20  }
0x24a: {  	v20 =	vsub.s32 v38, v8;
	v22 =	vmin.u32 v22, v23;
	v23 =	vsub.s32 v38, v14  }
0x24b: {  	v20 =	vmin.u32 v28, v20;
	v28 =	vsub.s32 v38, v2;
	[tilespmem:$0x9E0] =	vst v21;
	v21 =	vsub.s32 v38, v15  }
0x24c: {  	v21 =	vmin.u32 v23, v21;
	v23 =	vmin.u32 v28, v30;
	v28 =	vld [tilespmem:$0x1FC30];
	_ =	sdelay $0x1  }
0x24d: {  	vm13 =	vlt.s32 v17, $0x400;
	v29 =	vld.idx.msk [tilespmem:v29+s6+$0x0], $0xffff  }
0x24e: {  	v25 =	vsub.s32 v38, v6;
	v27 =	vsub.s32 v38, v13;
	v31 =	vsel vm13, $0x0, v16  }
0x24f: {  	v26 =	vsub.s32 v38, v12;
	v17 =	vadd.s32 v17, v31;
	v31 =	vsub.s32 v39, v11  }
0x250: {  	v24 =	vsub.s32 v38, v5;
	v26 =	vmin.u32 v26, v27;
	v27 =	vsub.s32 v38, v0  }
0x251: {  	v24 =	vmin.u32 v24, v25;
	v25 =	vsub.s32 v38, v1;
	vm14 =	vlt.s32 v18, $0x400  }
0x252: {  	v25 =	vmin.u32 v25, v27;
	v24 =	vmin.u32 v24, v26;
	v26 =	vsel vm14, $0x0, v16;
	[tilespmem:$0x9F0] =	vst v29  }
0x253: {  	v19 =	vmin.u32 v19, v22;
	v22 =	vsub.s32 v39, v15;
	v20 =	vmin.u32 v20, v21;
	v21 =	vld.idx.msk [tilespmem:v28+s6+$0x0], $0xffff  }
0x254: {  	v19 =	vmin.u32 v19, v24;
	v24 =	vsub.s32 v39, v6;
	v25 =	vmin.u32 v25, v23;
	v28 =	vld [tilespmem:$0x1FC40]  }
0x255: {  	v30 =	vsub.s32 v39, v10;
	v23 =	vsub.s32 v39, v5;
	v20 =	vmin.u32 v20, v25  }
0x256: {  	[tilespmem:$0x1FD30] =	vst v17;
	v23 =	vmin.u32 v23, v24;
	v24 =	vsub.s32 v39, v1;
	v29 =	vadd.s32 v18, v26  }
0x257: {  	v17 =	vmin.u32 v19, v20;
	v20 =	vmin.u32 v30, v31;
	v30 =	vsub.s32 v39, v0;
	[tilespmem:$0x1FD40] =	vst v29  }
0x258: {  	v31 =	vsub.s32 v39, v2;
	v29 =	vsub.s32 v39, v3;
	[tilespmem:$0xA00] =	vst v21;
	v21 =	vsub.s32 v39, v14  }
0x259: {  	v24 =	vmin.u32 v24, v30;
	v21 =	vmin.u32 v21, v22;
	v22 =	vmin.u32 v31, v29  }
0x25a: {  	v31 =	vmin.u32 v24, v22;
	v24 =	vld [tilespmem:$0x1FC50];
	_ =	sdelay $0x1  }
0x25b: {  	v25 =	vsub.s32 v39, v12;
	v28 =	vld.idx.msk [tilespmem:v28+s6+$0x0], $0xffff  }
0x25c: {  	v19 =	vsub.s32 v39, v4;
	v18 =	vsub.s32 v39, v9;
	v26 =	vsub.s32 v39, v13  }
0x25d: {  	v18 =	vmin.u32 v18, v19;
	v25 =	vmin.u32 v25, v26  }
0x25e: {  	v18 =	vmin.u32 v18, v20;
	v30 =	vmin.u32 v23, v25  }
0x25f: {  	v18 =	vmin.u32 v18, v30;
	v30 =	vld [tilespmem:$0x1FC60]  }
0x260: {  	[tilespmem:$0xA10] =	vst v28  }
0x261: {  	v22 =	vld.idx.msk [tilespmem:v24+s6+$0x0], $0xffff;
	_ =	sdelay $0x4  }
0x262: {  	[tilespmem:$0xA20] =	vst v22  }
0x263: {  	v30 =	vld.idx.msk [tilespmem:v30+s6+$0x0], $0xffff;
	_ =	sdelay $0x1  }
0x264: {  	v27 =	vsub.s32 v39, v7;
	vm15 =	vlt.s32 v17, $0x400;
	v19 =	vsub.s32 v39, v8  }
0x265: {  	v26 =	vsub.s32 v40, v6;
	v19 =	vmin.u32 v27, v19;
	v20 =	vsub.s32 v40, v9  }
0x266: {  	v23 =	vsub.s32 v40, v10;
	v25 =	vsub.s32 v40, v5;
	v27 =	vsub.s32 v40, v12  }
0x267: {  	v25 =	vmin.u32 v25, v26;
	v19 =	vmin.u32 v19, v21;
	v21 =	vsub.s32 v40, v4;
	[tilespmem:$0xA30] =	vst v30;
	v30 =	vld [tilespmem:$0x1FC70]  }
0x268: {  	v29 =	vsub.s32 v40, v7;
	v20 =	vmin.u32 v20, v21;
	v21 =	vsub.s32 v40, v8  }
0x269: {  	v26 =	vsub.s32 v40, v15;
	v21 =	vmin.u32 v29, v21;
	v28 =	vsub.s32 v40, v13  }
0x26a: {  	v29 =	vsub.s32 v40, v2;
	v27 =	vmin.u32 v27, v28;
	v24 =	vsub.s32 v40, v11  }
0x26b: {  	v28 =	vsub.s32 v40, v1;
	v23 =	vmin.u32 v23, v24;
	v24 =	vsub.s32 v40, v14  }
0x26c: {  	v24 =	vmin.u32 v24, v26;
	v26 =	vsub.s32 v40, v3;
	v22 =	vsub.s32 v40, v0  }
0x26d: {  	v19 =	vmin.u32 v19, v31;
	v26 =	vmin.u32 v29, v26;
	v22 =	vmin.u32 v28, v22  }
0x26e: {  	v31 =	vsub.s32 v41, v3;
	v21 =	vmin.u32 v21, v24;
	v22 =	vmin.u32 v22, v26  }
0x26f: {  	v25 =	vmin.u32 v25, v27;
	v20 =	vmin.u32 v20, v23;
	v29 =	vmin.u32 v21, v22;
	v21 =	vld.idx.msk [tilespmem:v30+s6+$0x0], $0xffff  }
0x270: {  	v23 =	vsub.s32 v41, v10;
	v27 =	vmin.u32 v20, v25;
	v28 =	vsel vm15, $0x0, v16  }
0x271: {  	v20 =	vsub.s32 v41, v9;
	v24 =	vsub.s32 v41, v11;
	v17 =	vadd.s32 v17, v28  }
0x272: {  	v25 =	vsub.s32 v41, v5;
	v28 =	vsub.s32 v41, v13;
	[tilespmem:$0x1FD50] =	vst v17;
	v17 =	vmin.u32 v27, v29  }
0x273: {  	v27 =	vsub.s32 v41, v12;
	v29 =	vsub.s32 v41, v7;
	v30 =	vsub.s32 v41, v8  }
0x274: {  	v23 =	vmin.u32 v23, v24;
	[tilespmem:$0xA40] =	vst v21;
	v21 =	vmin.u32 v27, v28;
	v28 =	vmin.u32 v29, v30;
	v29 =	vld [tilespmem:$0x1FC80]  }
0x275: {  	v24 =	vsub.s32 v41, v15;
	v26 =	vsub.s32 v41, v6;
	v22 =	vsub.s32 v41, v4  }
0x276: {  	v25 =	vmin.u32 v25, v26;
	v26 =	vsub.s32 v41, v1;
	v20 =	vmin.u32 v20, v22  }
0x277: {  	v22 =	vsub.s32 v41, v14;
	v27 =	vsub.s32 v41, v0;
	v30 =	vsub.s32 v41, v2  }
0x278: {  	v22 =	vmin.u32 v22, v24;
	v26 =	vmin.u32 v26, v27;
	v24 =	vmin.u32 v30, v31  }
0x279: {  	v22 =	vmin.u32 v28, v22;
	v31 =	vmin.u32 v26, v24  }
0x27a: {  	v30 =	vmin.u32 v22, v31;
	v31 =	vld [tilespmem:$0x1FC90]  }
0x27b: {  	v18 =	vmin.u32 v18, v19  }
0x27c: {  	vm4 =	vlt.s32 v18, $0x400;
	v29 =	vld.idx.msk [tilespmem:v29+s6+$0x0], $0xffff  }
0x27d: {  	v19 =	vsel vm4, $0x0, v16  }
0x27e: {  	v18 =	vadd.s32 v18, v19  }
0x27f: {  	v19 =	vsub.s32 v42, v4;
	[tilespmem:$0x1FD60] =	vst v18;
	v18 =	vsub.s32 v42, v9  }
0x280: {  	v18 =	vmin.u32 v18, v19  }
0x281: {  	v19 =	vsub.s32 v42, v1;
	v20 =	vmin.u32 v20, v23;
	v21 =	vmin.u32 v25, v21;
	[tilespmem:$0xA50] =	vst v29  }
0x282: {  	vm5 =	vlt.s32 v17, $0x400;
	v23 =	vsub.s32 v42, v5;
	v20 =	vmin.u32 v20, v21;
	v21 =	vld.idx.msk [tilespmem:v31+s6+$0x0], $0xffff  }
0x283: {  	v28 =	vsel vm5, $0x0, v16;
	v25 =	vsub.s32 v42, v12;
	v27 =	vsub.s32 v42, v7  }
0x284: {  	v17 =	vadd.s32 v17, v28;
	v24 =	vsub.s32 v42, v6;
	v26 =	vsub.s32 v42, v13  }
0x285: {  	v28 =	vsub.s32 v42, v8;
	v22 =	vsub.s32 v42, v11;
	v23 =	vmin.u32 v23, v24  }
0x286: {  	[tilespmem:$0x1FD70] =	vst v17;
	v24 =	vsub.s32 v42, v2;
	v17 =	vmin.u32 v20, v30;
	v20 =	vsub.s32 v42, v10  }
0x287: {  	v30 =	vsub.s32 v42, v15;
	v20 =	vmin.u32 v20, v22;
	v22 =	vsub.s32 v42, v0;
	[tilespmem:$0xA60] =	vst v21  }
0x288: {  	v19 =	vmin.u32 v19, v22;
	v21 =	vmin.u32 v25, v26;
	v26 =	vmin.u32 v27, v28;
	v27 =	vld.idx.msk [tilespmem:v35+s6+$0x0], $0xffff  }
0x289: {  	v18 =	vmin.u32 v18, v20;
	v20 =	vsub.s32 v43, v9;
	v22 =	vsub.s32 v43, v4  }
0x28a: {  	v20 =	vmin.u32 v20, v22;
	v22 =	vsub.s32 v43, v14;
	v29 =	vsub.s32 v42, v14  }
0x28b: {  	v25 =	vsub.s32 v42, v3;
	v35 =	vmin.u32 v29, v30;
	v31 =	vmin.u32 v23, v21  }
0x28c: {  	v23 =	vsub.s32 v43, v10;
	v21 =	vmin.u32 v26, v35;
	v35 =	vsub.s32 v43, v11  }
0x28d: {  	v18 =	vmin.u32 v18, v31;
	v23 =	vmin.u32 v23, v35;
	v35 =	vsub.s32 v43, v15;
	[tilespmem:$0xA70] =	vst v27  }
0x28e: {  	v22 =	vmin.u32 v22, v35;
	v35 =	vsub.s32 v43, v3;
	v31 =	vld.idx.msk [tilespmem:v34+s6+$0x0], $0xffff;
	v34 =	vsub.s32 v43, v2  }
0x28f: {  	v30 =	vmin.u32 v24, v25;
	v24 =	vmin.u32 v34, v35;
	v35 =	vld [tilespmem:$0x1FCA0];
	_ =	sdelay $0x1  }
0x290: {  	vm6 =	vlt.s32 v17, $0x400;
	v28 =	vsub.s32 v43, v12;
	v25 =	vsub.s32 v43, v5  }
0x291: {  	v29 =	vsub.s32 v43, v7;
	v19 =	vmin.u32 v19, v30;
	v26 =	vsub.s32 v43, v6  }
0x292: {  	v30 =	vsub.s32 v43, v8;
	v25 =	vmin.u32 v25, v26;
	v26 =	vsub.s32 v43, v1  }
0x293: {  	v29 =	vmin.u32 v29, v30;
	v19 =	vmin.u32 v21, v19;
	v27 =	vsub.s32 v43, v13  }
0x294: {  	v20 =	vmin.u32 v20, v23;
	v27 =	vmin.u32 v28, v27;
	v28 =	vsub.s32 v43, v0  }
0x295: {  	v18 =	vmin.u32 v18, v19;
	v19 =	vsub.s32 v44, v10;
	v26 =	vmin.u32 v26, v28;
	[tilespmem:$0xA80] =	vst v31  }
0x296: {  	v22 =	vmin.u32 v29, v22;
	v34 =	vmin.u32 v25, v27;
	v24 =	vmin.u32 v26, v24;
	v25 =	vld.idx.msk [tilespmem:v35+s6+$0x0], $0xffff  }
0x297: {  	v23 =	vsub.s32 v44, v6;
	v20 =	vmin.u32 v20, v34;
	v26 =	vmin.u32 v22, v24  }
0x298: {  	vm7 =	vlt.s32 v18, $0x400;
	v28 =	vsel vm6, $0x0, v16;
	v27 =	vmin.u32 v20, v26  }
0x299: {  	v29 =	vsel vm7, $0x0, v16;
	v17 =	vadd.s32 v17, v28;
	vm8 =	vlt.s32 v27, $0x400  }
0x29a: {  	v34 =	vsub.s32 v44, v8;
	v28 =	vsub.s32 v44, v14;
	[tilespmem:$0x1FD80] =	vst v17;
	v30 =	vsel vm8, $0x0, v16  }
0x29b: {  	v17 =	vsub.s32 v44, v9;
	v22 =	vsub.s32 v44, v5;
	v31 =	vadd.s32 v27, v30;
	[tilespmem:$0xA90] =	vst v25  }
0x29c: {  	v30 =	vsub.s32 v44, v15;
	v35 =	vadd.s32 v18, v29;
	v18 =	vsub.s32 v44, v4;
	v21 =	vld.idx.msk [tilespmem:v33+s6+$0x0], $0xffff  }
0x29d: {  	v20 =	vsub.s32 v44, v11;
	v17 =	vmin.u32 v17, v18;
	v18 =	vmin.u32 v28, v30;
	v30 =	vld [tilespmem:$0x1FCB0]  }
0x29e: {  	v24 =	vsub.s32 v44, v12;
	v26 =	vsub.s32 v44, v7;
	v19 =	vmin.u32 v19, v20  }
0x29f: {  	v20 =	vsub.s32 v44, v1;
	[tilespmem:$0x1FD90] =	vst v31;
	v31 =	vsub.s32 v44, v0;
	v33 =	vsub.s32 v44, v13  }
0x2a0: {  	v22 =	vmin.u32 v22, v23;
	v20 =	vmin.u32 v20, v31;
	v24 =	vmin.u32 v24, v33  }
0x2a1: {  	v33 =	vsub.s32 v44, v2;
	[tilespmem:$0xAA0] =	vst v21;
	v21 =	vmin.u32 v26, v34;
	v34 =	vsub.s32 v44, v3  }
0x2a2: {  	v17 =	vmin.u32 v17, v19;
	v31 =	vmin.u32 v33, v34;
	v33 =	vmin.u32 v22, v24  }
0x2a3: {  	v17 =	vmin.u32 v17, v33;
	v33 =	vld [tilespmem:$0x1FCC0];
	_ =	sdelay $0x1  }
0x2a4: {  	v27 =	vld.idx.msk [tilespmem:v30+s6+$0x0], $0xffff;
	_ =	sdelay $0x3  }
0x2a5: {  	v23 =	vsub.s32 v45, v5;
	v19 =	vsub.s32 v45, v9  }
0x2a6: {  	v25 =	vsub.s32 v45, v12;
	v26 =	vsub.s32 v45, v13;
	v18 =	vmin.u32 v21, v18;
	[tilespmem:$0xAB0] =	vst v27  }
0x2a7: {  	v21 =	vsub.s32 v45, v10;
	v34 =	vsub.s32 v45, v11;
	v24 =	vsub.s32 v45, v6;
	v29 =	vld.idx.msk [tilespmem:v33+s6+$0x0], $0xffff  }
0x2a8: {  	v25 =	vmin.u32 v25, v26;
	v30 =	vld [tilespmem:$0x1FCD0];
	v20 =	vmin.u32 v20, v31;
	v21 =	vmin.u32 v21, v34  }
0x2a9: {  	v34 =	vsub.s32 v45, v15;
	v18 =	vmin.u32 v18, v20;
	v20 =	vsub.s32 v45, v4  }
0x2aa: {  	v23 =	vmin.u32 v23, v24;
	v19 =	vmin.u32 v19, v20;
	v20 =	vsub.s32 v45, v14  }
0x2ab: {  	v20 =	vmin.u32 v20, v34;
	v34 =	vsub.s32 v45, v3;
	v33 =	vsub.s32 v45, v2  }
0x2ac: {  	v19 =	vmin.u32 v19, v21;
	v22 =	vmin.u32 v33, v34;
	[tilespmem:$0xAC0] =	vst v29;
	v29 =	vmin.u32 v23, v25  }
0x2ad: {  	v34 =	vsub.s32 v46, v4;
	v31 =	vmin.u32 v19, v29;
	v19 =	vsub.s32 v46, v9  }
0x2ae: {  	v19 =	vmin.u32 v19, v34;
	v34 =	vld [tilespmem:$0x1FCE0];
	_ =	sdelay $0x1  }
0x2af: {  	v28 =	vsub.s32 v45, v8;
	v23 =	vld.idx.msk [tilespmem:v30+s6+$0x0], $0xffff  }
0x2b0: {  	v26 =	vsub.s32 v45, v0;
	v24 =	vsub.s32 v45, v1;
	v27 =	vsub.s32 v45, v7  }
0x2b1: {  	v24 =	vmin.u32 v24, v26;
	v27 =	vmin.u32 v27, v28  }
0x2b2: {  	v26 =	vsub.s32 v46, v12;
	v20 =	vmin.u32 v27, v20;
	v22 =	vmin.u32 v24, v22  }
0x2b3: {  	v17 =	vmin.u32 v17, v18;
	v28 =	vsub.s32 v46, v7;
	v33 =	vmin.u32 v20, v22  }
0x2b4: {  	v29 =	vsub.s32 v46, v8;
	v18 =	vmin.u32 v31, v33;
	v33 =	vsub.s32 v46, v13;
	[tilespmem:$0xAD0] =	vst v23  }
0x2b5: {  	v26 =	vmin.u32 v26, v33;
	v33 =	vsub.s32 v46, v2;
	v30 =	vld.idx.msk [tilespmem:v34+s6+$0x0], $0xffff;
	v34 =	vsub.s32 v46, v3  }
0x2b6: {  	v28 =	vmin.u32 v28, v29;
	v29 =	vmin.u32 v33, v34;
	v33 =	vld [tilespmem:$0x1FCF0];
	_ =	sdelay $0x1  }
0x2b7: {  	v21 =	vsub.s32 v46, v10;
	v27 =	vsub.s32 v47, v5;
	v22 =	vsub.s32 v46, v11  }
0x2b8: {  	v24 =	vsub.s32 v46, v5;
	v21 =	vmin.u32 v21, v22;
	v25 =	vsub.s32 v46, v6  }
0x2b9: {  	v22 =	vsub.s32 v46, v1;
	v24 =	vmin.u32 v24, v25;
	v25 =	vsub.s32 v46, v0  }
0x2ba: {  	v20 =	vsub.s32 v46, v15;
	v22 =	vmin.u32 v22, v25;
	v25 =	vsub.s32 v47, v10  }
0x2bb: {  	v19 =	vmin.u32 v19, v21;
	v21 =	vsub.s32 v47, v9;
	v31 =	vmin.u32 v24, v26  }
0x2bc: {  	v26 =	vsub.s32 v47, v11;
	v19 =	vmin.u32 v19, v31;
	v23 =	vsub.s32 v46, v14;
	[tilespmem:$0xAE0] =	vst v30  }
0x2bd: {  	v31 =	vsub.s32 v47, v7;
	v25 =	vmin.u32 v25, v26;
	v20 =	vmin.u32 v23, v20;
	v24 =	vld.idx.msk [tilespmem:v33+s6+$0x0], $0xffff  }
0x2be: {  	v26 =	vsub.s32 v47, v14;
	v23 =	vsub.s32 v47, v4;
	v20 =	vmin.u32 v28, v20  }
0x2bf: {  	v21 =	vmin.u32 v21, v23;
	v34 =	vsub.s32 v47, v6;
	v22 =	vmin.u32 v22, v29  }
0x2c0: {  	v29 =	vsub.s32 v47, v12;
	v27 =	vmin.u32 v27, v34;
	v34 =	vsub.s32 v47, v15  }
0x2c1: {  	v26 =	vmin.u32 v26, v34;
	v34 =	vsub.s32 v47, v2;
	v30 =	vsub.s32 v47, v13  }
0x2c2: {  	v29 =	vmin.u32 v29, v30;
	v30 =	vsub.s32 v47, v1;
	v33 =	vsub.s32 v47, v8;
	[tilespmem:$0xAF0] =	vst v24  }
0x2c3: {  	v23 =	vmin.u32 v31, v33;
	v33 =	vsub.s32 v47, v0;
	v28 =	vld.idx.msk [tilespmem:v36+s6+$0x0], $0xffff;
	v36 =	vsub.s32 v47, v3  }
0x2c4: {  	v24 =	vmin.u32 v30, v33;
	v30 =	vmin.u32 v34, v36;
	v34 =	vld [tilespmem:$0x1FD00];
	_ =	sdelay $0x3  }
0x2c5: {  	v21 =	vmin.u32 v21, v25  }
0x2c6: {  	v23 =	vmin.u32 v23, v26;
	v36 =	vmin.u32 v27, v29;
	v24 =	vmin.u32 v24, v30  }
0x2c7: {  	v21 =	vmin.u32 v21, v36;
	v29 =	vmin.u32 v23, v24  }
0x2c8: {  	vm9 =	vlt.s32 v17, $0x400;
	v21 =	vmin.u32 v21, v29;
	[tilespmem:$0xB00] =	vst v28  }
0x2c9: {  	v20 =	vmin.u32 v20, v22;
	v33 =	vsel vm9, $0x0, v16;
	vm12 =	vlt.s32 v21, $0x400;
	v36 =	vld.idx.msk [tilespmem:v34+s6+$0x0], $0xffff  }
0x2ca: {  	v20 =	vmin.u32 v19, v20;
	v19 =	vadd.s32 v17, v33;
	v33 =	vsel vm12, $0x0, v16  }
0x2cb: {  	vm11 =	vlt.s32 v20, $0x400;
	v34 =	vadd.s32 v21, v33  }
0x2cc: {  	v31 =	vsel vm11, $0x0, v16;
	v33 =	vsub.s32 v48, v2;
	[tilespmem:$0x1FDA0] =	vst v34;
	v34 =	vsub.s32 v48, v3  }
0x2cd: {  	v17 =	vadd.s32 v20, v31;
	v31 =	vmin.u32 v33, v34;
	v34 =	vld [tilespmem:$0x1FD10]  }
0x2ce: {  	[tilespmem:$0xB10] =	vst v36  }
0x2cf: {  	v32 =	vld.idx.msk [tilespmem:v32+s6+$0x0], $0xffff;
	_ =	sdelay $0x1  }
0x2d0: {  	vm10 =	vlt.s32 v18, $0x400  }
0x2d1: {  	v22 =	vsub.s32 v48, v10;
	v20 =	vsub.s32 v48, v9;
	v24 =	vsub.s32 v48, v11  }
0x2d2: {  	v30 =	vsel vm10, $0x0, v16;
	v22 =	vmin.u32 v22, v24;
	v21 =	vsub.s32 v48, v4  }
0x2d3: {  	v24 =	vsub.s32 v48, v0;
	v20 =	vmin.u32 v20, v21;
	v21 =	vsub.s32 v48, v1;
	[tilespmem:$0xB20] =	vst v32  }
0x2d4: {  	v18 =	vadd.s32 v18, v30;
	v21 =	vmin.u32 v21, v24;
	v24 =	vld.idx.msk [tilespmem:v34+s6+$0x0], $0xffff  }
0x2d5: {  	v23 =	vsub.s32 v48, v8;
	v30 =	vsub.s32 v48, v14;
	v29 =	vsub.s32 v48, v7  }
0x2d6: {  	v23 =	vmin.u32 v29, v23;
	v21 =	vmin.u32 v21, v31;
	v36 =	vsub.s32 v48, v15  }
0x2d7: {  	v31 =	vsub.s32 v49, v13;
	v36 =	vmin.u32 v30, v36;
	v30 =	vsub.s32 v49, v12  }
0x2d8: {  	v23 =	vmin.u32 v23, v36;
	v36 =	vsub.s32 v49, v8;
	v32 =	vsub.s32 v49, v7  }
0x2d9: {  	[tilespmem:$0xB30] =	vst v24;
	v24 =	vmin.u32 v30, v31;
	v31 =	vmin.u32 v32, v36;
	v36 =	vld [tilespmem:$0x1FD20];
	_ =	sdelay $0x2  }
0x2da: {  	v25 =	vsub.s32 v48, v5;
	v26 =	vsub.s32 v48, v6  }
0x2db: {  	v25 =	vmin.u32 v25, v26;
	v27 =	vsub.s32 v48, v12;
	v28 =	vsub.s32 v48, v13  }
0x2dc: {  	v29 =	vsub.s32 v49, v6;
	v27 =	vmin.u32 v27, v28;
	v28 =	vsub.s32 v49, v5  }
0x2dd: {  	v26 =	vsub.s32 v49, v10;
	v28 =	vmin.u32 v28, v29;
	v20 =	vmin.u32 v20, v22  }
0x2de: {  	v33 =	vmin.u32 v25, v27;
	v22 =	vsub.s32 v49, v9;
	v25 =	vsub.s32 v49, v4  }
0x2df: {  	v29 =	vsub.s32 v49, v1;
	v27 =	vsub.s32 v49, v11;
	v22 =	vmin.u32 v22, v25;
	v32 =	vld.idx.msk [tilespmem:v36+s6+$0x0], $0xffff  }
0x2e0: {  	v25 =	vsub.s32 v49, v14;
	v26 =	vmin.u32 v26, v27;
	v27 =	vsub.s32 v49, v15  }
0x2e1: {  	v20 =	vmin.u32 v20, v33;
	v33 =	vsub.s32 v49, v2;
	v25 =	vmin.u32 v25, v27  }
0x2e2: {  	v22 =	vmin.u32 v22, v26;
	v21 =	vmin.u32 v23, v21;
	v30 =	vsub.s32 v49, v0  }
0x2e3: {  	v20 =	vmin.u32 v20, v21;
	v29 =	vmin.u32 v29, v30;
	v36 =	vsub.s32 v49, v3  }
0x2e4: {  	v24 =	vmin.u32 v28, v24;
	v25 =	vmin.u32 v31, v25;
	v27 =	vmin.u32 v33, v36;
	[tilespmem:$0xB40] =	vst v32;
	v32 =	vld [tilespmem:$0x1FD30]  }
0x2e5: {  	v30 =	vsub.s32 v50, v13;
	v22 =	vmin.u32 v22, v24;
	v33 =	vmin.u32 v29, v27  }
0x2e6: {  	v36 =	vsub.s32 v50, v4;
	v29 =	vsub.s32 v50, v12;
	v34 =	vmin.u32 v25, v33  }
0x2e7: {  	v29 =	vmin.u32 v29, v30;
	v21 =	vmin.u32 v22, v34;
	v22 =	vsub.s32 v50, v9  }
0x2e8: {  	v34 =	vsub.s32 v50, v7;
	v22 =	vmin.u32 v22, v36;
	v36 =	vsub.s32 v50, v8  }
0x2e9: {  	v30 =	vsub.s32 v50, v1;
	v23 =	vmin.u32 v34, v36;
	v34 =	vsub.s32 v50, v0  }
0x2ea: {  	v30 =	vmin.u32 v30, v34;
	v34 =	vld [tilespmem:$0x1FD40];
	_ =	sdelay $0x1  }
0x2eb: {  	v26 =	vld.idx.msk [tilespmem:v32+s6+$0x0], $0xffff  }
0x2ec: {  	vm13 =	vlt.s32 v20, $0x400;
	v24 =	vsub.s32 v50, v10;
	v25 =	vsub.s32 v50, v11  }
0x2ed: {  	v27 =	vsub.s32 v50, v5;
	v33 =	vsub.s32 v50, v6;
	v24 =	vmin.u32 v24, v25  }
0x2ee: {  	v25 =	vsub.s32 v50, v14;
	v27 =	vmin.u32 v27, v33;
	v33 =	vsub.s32 v50, v15  }
0x2ef: {  	v25 =	vmin.u32 v25, v33;
	v33 =	vsub.s32 v50, v3;
	vm14 =	vlt.s32 v21, $0x400  }
0x2f0: {  	v36 =	vsub.s32 v50, v2;
	v22 =	vmin.u32 v22, v24;
	v32 =	vmin.u32 v27, v29;
	[tilespmem:$0xB50] =	vst v26  }
0x2f1: {  	v26 =	vmin.u32 v36, v33;
	v36 =	vsel vm13, $0x0, v16;
	v31 =	vld.idx.msk [tilespmem:v34+s6+$0x0], $0xffff;
	v34 =	vsel vm14, $0x0, v16  }
0x2f2: {  	v24 =	vmin.u32 v22, v32;
	v22 =	vadd.s32 v20, v36;
	v20 =	vadd.s32 v21, v34;
	v34 =	vld [tilespmem:$0x1FD50];
	_ =	sdelay $0x5  }
0x2f3: {  	v23 =	vmin.u32 v23, v25  }
0x2f4: {  	v27 =	vsub.s32 v51, v11;
	v33 =	vmin.u32 v30, v26;
	v26 =	vsub.s32 v51, v10;
	[tilespmem:$0xB60] =	vst v31  }
0x2f5: {  	v23 =	vmin.u32 v23, v33;
	v33 =	vsub.s32 v51, v14;
	v25 =	vld.idx.msk [tilespmem:v34+s6+$0x0], $0xffff;
	v34 =	vsub.s32 v51, v15  }
0x2f6: {  	v26 =	vmin.u32 v26, v27;
	v27 =	vmin.u32 v33, v34;
	v34 =	vld [tilespmem:$0x1FD60];
	_ =	sdelay $0x6  }
0x2f7: {  	v28 =	vsub.s32 v51, v5;
	v29 =	vsub.s32 v51, v6;
	[tilespmem:$0xB70] =	vst v25  }
0x2f8: {  	v28 =	vmin.u32 v28, v29;
	v29 =	vld.idx.msk [tilespmem:v34+s6+$0x0], $0xffff  }
0x2f9: {  	v34 =	vld [tilespmem:$0x1FD70];
	_ =	sdelay $0x2  }
0x2fa: {  	v32 =	vsub.s32 v51, v7;
	v36 =	vsub.s32 v51, v4  }
0x2fb: {  	v30 =	vsub.s32 v51, v12;
	v21 =	vmin.u32 v24, v23;
	v23 =	vsub.s32 v51, v9  }
0x2fc: {  	vm15 =	vlt.s32 v21, $0x400;
	v23 =	vmin.u32 v23, v36;
	v36 =	vsub.s32 v51, v8  }
0x2fd: {  	v24 =	vmin.u32 v32, v36;
	v36 =	vsub.s32 v51, v0;
	v31 =	vsub.s32 v51, v13  }
0x2fe: {  	v32 =	vsub.s32 v51, v2;
	v30 =	vmin.u32 v30, v31;
	v31 =	vsub.s32 v51, v1;
	[tilespmem:$0xB80] =	vst v29  }
0x2ff: {  	v25 =	vmin.u32 v31, v36;
	v31 =	vsub.s32 v51, v3;
	v36 =	vsel vm15, $0x0, v16;
	v29 =	vld.idx.msk [tilespmem:v34+s6+$0x0], $0xffff  }
0x300: {  	v31 =	vmin.u32 v32, v31;
	v32 =	vmin.u32 v28, v30;
	v21 =	vadd.s32 v21, v36  }
0x301: {  	v28 =	vsub.s32 v52, v5;
	v30 =	vsub.s32 v52, v6;
	v36 =	vsub.s32 v52, v13  }
0x302: {  	v25 =	vmin.u32 v25, v31;
	v31 =	vsub.s32 v52, v12;
	v28 =	vmin.u32 v28, v30  }
0x303: {  	v30 =	vsub.s32 v52, v1;
	v31 =	vmin.u32 v31, v36;
	v36 =	vsub.s32 v52, v0  }
0x304: {  	v23 =	vmin.u32 v23, v26;
	v26 =	vsub.s32 v52, v10;
	[tilespmem:$0xB90] =	vst v29;
	v29 =	vmin.u32 v30, v36;
	v36 =	vld [tilespmem:$0x1FD80]  }
0x305: {  	v33 =	vsub.s32 v52, v7;
	v24 =	vmin.u32 v24, v27;
	v27 =	vsub.s32 v52, v11  }
0x306: {  	v26 =	vmin.u32 v26, v27;
	v23 =	vmin.u32 v23, v32;
	v24 =	vmin.u32 v24, v25  }
0x307: {  	v25 =	vsub.s32 v52, v4;
	v23 =	vmin.u32 v23, v24;
	v24 =	vsub.s32 v52, v9  }
0x308: {  	v27 =	vsub.s32 v52, v15;
	v24 =	vmin.u32 v24, v25;
	v25 =	vsub.s32 v52, v14  }
0x309: {  	v32 =	vsub.s32 v53, v12;
	v25 =	vmin.u32 v25, v27;
	v34 =	vsub.s32 v52, v8  }
0x30a: {  	v27 =	vsub.s32 v52, v3;
	v33 =	vmin.u32 v33, v34;
	v34 =	vsub.s32 v52, v2  }
0x30b: {  	v24 =	vmin.u32 v24, v26;
	v27 =	vmin.u32 v34, v27;
	v34 =	vmin.u32 v28, v31  }
0x30c: {  	v25 =	vmin.u32 v33, v25;
	v31 =	vsub.s32 v53, v5;
	v33 =	vsub.s32 v53, v13;
	v30 =	vld.idx.msk [tilespmem:v36+s6+$0x0], $0xffff  }
0x30d: {  	v24 =	vmin.u32 v24, v34;
	v32 =	vmin.u32 v32, v33;
	v27 =	vmin.u32 v29, v27  }
0x30e: {  	v33 =	vsub.s32 v53, v1;
	v29 =	vsub.s32 v53, v11;
	v25 =	vmin.u32 v25, v27  }
0x30f: {  	v27 =	vsub.s32 v53, v10;
	v25 =	vmin.u32 v24, v25;
	v24 =	vsub.s32 v53, v9  }
0x310: {  	v27 =	vmin.u32 v27, v29;
	v29 =	vsub.s32 v53, v14;
	v36 =	vsub.s32 v53, v4  }
0x311: {  	v24 =	vmin.u32 v24, v36;
	v36 =	vsub.s32 v53, v8;
	[tilespmem:$0xBA0] =	vst v30;
	v30 =	vsub.s32 v53, v6  }
0x312: {  	v34 =	vld.idx.msk [tilespmem:v35+s6+$0x0], $0xffff;
	v35 =	vsub.s32 v53, v7;
	v30 =	vmin.u32 v31, v30;
	v31 =	vsub.s32 v53, v15  }
0x313: {  	v26 =	vmin.u32 v35, v36;
	v36 =	vsub.s32 v53, v0;
	v29 =	vmin.u32 v29, v31  }
0x314: {  	v31 =	vsub.s32 v53, v2;
	v33 =	vmin.u32 v33, v36;
	v36 =	vsub.s32 v53, v3  }
0x315: {  	v31 =	vmin.u32 v31, v36;
	v36 =	vld [tilespmem:$0x1FD90];
	_ =	sdelay $0x5  }
0x316: {  	vm4 =	vlt.s32 v23, $0x400  }
0x317: {  	v28 =	vsel vm4, $0x0, v16;
	vm5 =	vlt.s32 v25, $0x400;
	[tilespmem:$0xBB0] =	vst v34  }
0x318: {  	v24 =	vmin.u32 v24, v27;
	v30 =	vmin.u32 v30, v32;
	v35 =	vsel vm5, $0x0, v16;
	v27 =	vld.idx.msk [tilespmem:v36+s6+$0x0], $0xffff  }
0x319: {  	v32 =	vsub.s32 v54, v6;
	v26 =	vmin.u32 v26, v29;
	v30 =	vmin.u32 v24, v30  }
0x31a: {  	v24 =	vadd.s32 v23, v28;
	v23 =	vadd.s32 v25, v35;
	v28 =	vsub.s32 v54, v4  }
0x31b: {  	v29 =	vsub.s32 v54, v10;
	v35 =	vsub.s32 v54, v8;
	v34 =	vmin.u32 v33, v31  }
0x31c: {  	v31 =	vsub.s32 v54, v5;
	v33 =	vsub.s32 v54, v13;
	v26 =	vmin.u32 v26, v34  }
0x31d: {  	v34 =	vsub.s32 v54, v7;
	v31 =	vmin.u32 v31, v32;
	v32 =	vsub.s32 v54, v0;
	[tilespmem:$0xBC0] =	vst v27  }
0x31e: {  	v25 =	vmin.u32 v30, v26;
	v26 =	vsub.s32 v54, v9;
	v30 =	vsub.s32 v54, v11;
	v19 =	vld.idx.msk [tilespmem:v19+s6+$0x0], $0xffff  }
0x31f: {  	v34 =	vmin.u32 v34, v35;
	v35 =	vsub.s32 v54, v3;
	v26 =	vmin.u32 v26, v28  }
0x320: {  	v28 =	vsub.s32 v54, v15;
	v29 =	vmin.u32 v29, v30;
	v30 =	vsub.s32 v54, v1  }
0x321: {  	v30 =	vmin.u32 v30, v32;
	v36 =	vsub.s32 v54, v14;
	v27 =	vsub.s32 v54, v12  }
0x322: {  	v28 =	vmin.u32 v36, v28;
	v27 =	vmin.u32 v27, v33;
	v33 =	vsub.s32 v54, v2  }
0x323: {  	v36 =	vmin.u32 v26, v29;
	v26 =	vsub.s32 v55, v9;
	v32 =	vmin.u32 v33, v35;
	[tilespmem:$0xBD0] =	vst v19  }
0x324: {  	v33 =	vmin.u32 v31, v27;
	v27 =	vmin.u32 v34, v28;
	v34 =	vsub.s32 v55, v12;
	v18 =	vld.idx.msk [tilespmem:v18+s6+$0x0], $0xffff  }
0x325: {  	v35 =	vsub.s32 v55, v13;
	v28 =	vmin.u32 v30, v32;
	v32 =	vsub.s32 v55, v5  }
0x326: {  	v34 =	vmin.u32 v34, v35;
	v19 =	vmin.u32 v36, v33;
	v33 =	vsub.s32 v55, v6  }
0x327: {  	v35 =	vsub.s32 v55, v0;
	v32 =	vmin.u32 v32, v33;
	v33 =	vsub.s32 v55, v1  }
0x328: {  	v29 =	vsub.s32 v55, v4;
	v33 =	vmin.u32 v33, v35;
	v35 =	vmin.u32 v32, v34;
	v32 =	vld [tilespmem:$0x1FDA0]  }
0x329: {  	v26 =	vmin.u32 v26, v29;
	v31 =	vsub.s32 v55, v11;
	v30 =	vsub.s32 v55, v10;
	[tilespmem:$0xBE0] =	vst v18  }
0x32a: {  	v29 =	vsub.s32 v55, v8;
	v30 =	vmin.u32 v30, v31;
	v36 =	vsub.s32 v55, v7;
	v17 =	vld.idx.msk [tilespmem:v17+s6+$0x0], $0xffff  }
0x32b: {  	v31 =	vsub.s32 v55, v14;
	v29 =	vmin.u32 v36, v29;
	v18 =	vsub.s32 v55, v15  }
0x32c: {  	v36 =	vsub.s32 v55, v2;
	v18 =	vmin.u32 v31, v18;
	v31 =	vsub.s32 v55, v3  }
0x32d: {  	v31 =	vmin.u32 v36, v31  }
0x32e: {  	v26 =	vmin.u32 v26, v30;
	v18 =	vmin.u32 v29, v18;
	v36 =	vmin.u32 v33, v31  }
0x32f: {  	vm6 =	vlt.s32 v25, $0x400;
	v26 =	vmin.u32 v26, v35;
	v18 =	vmin.u32 v18, v36;
	[tilespmem:$0xBF0] =	vst v17  }
0x330: {  	v27 =	vmin.u32 v27, v28;
	v28 =	vsub.s32 v56, v10;
	v31 =	vmin.u32 v26, v18;
	v26 =	vld.idx.msk [tilespmem:v32+s6+$0x0], $0xffff  }
0x331: {  	v30 =	vmin.u32 v19, v27;
	v19 =	vsub.s32 v56, v9;
	v27 =	vsub.s32 v56, v4  }
0x332: {  	vm7 =	vlt.s32 v30, $0x400;
	v19 =	vmin.u32 v19, v27;
	v33 =	vsel vm6, $0x0, v16  }
0x333: {  	v27 =	vsub.s32 v56, v14;
	v34 =	vsel vm7, $0x0, v16;
	v25 =	vadd.s32 v25, v33  }
0x334: {  	v36 =	vsub.s32 v56, v11;
	v33 =	vsub.s32 v56, v7;
	v18 =	vadd.s32 v30, v34  }
0x335: {  	v30 =	vsub.s32 v56, v5;
	v34 =	vsub.s32 v56, v8;
	v28 =	vmin.u32 v28, v36;
	[tilespmem:$0xC00] =	vst v26  }
0x336: {  	v36 =	vsub.s32 v56, v15;
	vm8 =	vlt.s32 v31, $0x400;
	v33 =	vmin.u32 v33, v34;
	v22 =	vld.idx.msk [tilespmem:v22+s6+$0x0], $0xffff  }
0x337: {  	v34 =	vsub.s32 v56, v2;
	v27 =	vmin.u32 v27, v36;
	v36 =	vsub.s32 v56, v3  }
0x338: {  	v19 =	vmin.u32 v19, v28;
	v28 =	vsub.s32 v57, v10;
	v35 =	vsel vm8, $0x0, v16  }
0x339: {  	v32 =	vsub.s32 v56, v12;
	v29 =	vmin.u32 v34, v36;
	v34 =	vmin.u32 v33, v27  }
0x33a: {  	v27 =	vsub.s32 v57, v4;
	v36 =	vsub.s32 v57, v11;
	v33 =	vsub.s32 v57, v13  }
0x33b: {  	v17 =	vadd.s32 v31, v35;
	v31 =	vsub.s32 v56, v6;
	v28 =	vmin.u32 v28, v36;
	[tilespmem:$0xC10] =	vst v22  }
0x33c: {  	v36 =	vsub.s32 v57, v15;
	v30 =	vmin.u32 v30, v31;
	v26 =	vsub.s32 v56, v13;
	v20 =	vld.idx.msk [tilespmem:v20+s6+$0x0], $0xffff  }
0x33d: {  	v31 =	vsub.s32 v56, v1;
	v26 =	vmin.u32 v32, v26;
	v32 =	vsub.s32 v56, v0  }
0x33e: {  	v31 =	vmin.u32 v31, v32;
	v32 =	vmin.u32 v30, v26;
	v26 =	vsub.s32 v57, v9  }
0x33f: {  	v30 =	vsub.s32 v57, v5;
	v35 =	vmin.u32 v31, v29;
	v19 =	vmin.u32 v19, v32  }
0x340: {  	v31 =	vsub.s32 v57, v6;
	v32 =	vsub.s32 v57, v12;
	v26 =	vmin.u32 v26, v27  }
0x341: {  	v27 =	vsub.s32 v57, v8;
	v29 =	vsub.s32 v57, v14;
	v30 =	vmin.u32 v30, v31;
	[tilespmem:$0xC20] =	vst v20  }
0x342: {  	v31 =	vsub.s32 v57, v1;
	v32 =	vmin.u32 v32, v33;
	v33 =	vsub.s32 v57, v0;
	v21 =	vld.idx.msk [tilespmem:v21+s6+$0x0], $0xffff  }
0x343: {  	v26 =	vmin.u32 v26, v28;
	v28 =	vsub.s32 v58, v5;
	v31 =	vmin.u32 v31, v33  }
0x344: {  	v33 =	vmin.u32 v30, v32;
	v30 =	vsub.s32 v58, v12;
	v32 =	vsub.s32 v58, v7  }
0x345: {  	v22 =	vmin.u32 v34, v35;
	v34 =	vsub.s32 v57, v7;
	v35 =	vmin.u32 v26, v33  }
0x346: {  	v26 =	vsub.s32 v58, v10;
	v27 =	vmin.u32 v34, v27;
	v34 =	vsub.s32 v57, v2  }
0x347: {  	v19 =	vmin.u32 v19, v22;
	v20 =	vmin.u32 v29, v36;
	v36 =	vsub.s32 v57, v3;
	[tilespmem:$0xC30] =	vst v21  }
0x348: {  	v33 =	vsub.s32 v59, v7;
	vm9 =	vlt.s32 v19, $0x400;
	v29 =	vmin.u32 v34, v36;
	v22 =	vld.idx.msk [tilespmem:v24+s6+$0x0], $0xffff  }
0x349: {  	v20 =	vmin.u32 v27, v20;
	v27 =	vsub.s32 v58, v11;
	v36 =	vsub.s32 v58, v8  }
0x34a: {  	v34 =	vmin.u32 v31, v29;
	v29 =	vsub.s32 v58, v6;
	v31 =	vsub.s32 v58, v13  }
0x34b: {  	v26 =	vmin.u32 v26, v27;
	v27 =	vsub.s32 v58, v15;
	v32 =	vmin.u32 v32, v36  }
0x34c: {  	v36 =	vsub.s32 v58, v3;
	v20 =	vmin.u32 v20, v34;
	v28 =	vmin.u32 v28, v29  }
0x34d: {  	v29 =	vsub.s32 v58, v1;
	v30 =	vmin.u32 v30, v31;
	v31 =	vsub.s32 v58, v2;
	[tilespmem:$0xC40] =	vst v22  }
0x34e: {  	v20 =	vmin.u32 v35, v20;
	v34 =	vmin.u32 v31, v36;
	v35 =	vmin.u32 v28, v30;
	v23 =	vld.idx.msk [tilespmem:v23+s6+$0x0], $0xffff  }
0x34f: {  	v36 =	vsub.s32 v59, v4;
	v28 =	vsub.s32 v59, v10;
	v30 =	vsub.s32 v59, v5  }
0x350: {  	v31 =	vsub.s32 v59, v12;
	v21 =	vsub.s32 v58, v9;
	v24 =	vsub.s32 v58, v4  }
0x351: {  	vm10 =	vlt.s32 v20, $0x400;
	v21 =	vmin.u32 v21, v24;
	v24 =	vsub.s32 v58, v14  }
0x352: {  	v24 =	vmin.u32 v24, v27;
	v21 =	vmin.u32 v21, v26;
	v26 =	vsub.s32 v59, v9  }
0x353: {  	v24 =	vmin.u32 v32, v24;
	v21 =	vmin.u32 v21, v35;
	v32 =	vsub.s32 v59, v13;
	[tilespmem:$0xC50] =	vst v23  }
0x354: {  	v26 =	vmin.u32 v26, v36;
	v36 =	vsub.s32 v59, v8;
	v31 =	vmin.u32 v31, v32;
	v25 =	vld.idx.msk [tilespmem:v25+s6+$0x0], $0xffff  }
0x355: {  	v32 =	vsub.s32 v59, v1;
	v27 =	vmin.u32 v33, v36;
	v36 =	vsub.s32 v59, v0  }
0x356: {  	v33 =	vsel vm10, $0x0, v16;
	v22 =	vsub.s32 v58, v0;
	v32 =	vmin.u32 v32, v36  }
0x357: {  	v36 =	vsub.s32 v59, v3;
	v22 =	vmin.u32 v29, v22;
	v29 =	vsub.s32 v59, v11  }
0x358: {  	v22 =	vmin.u32 v22, v34;
	v28 =	vmin.u32 v28, v29;
	v29 =	vsub.s32 v59, v14  }
0x359: {  	v26 =	vmin.u32 v26, v28;
	v22 =	vmin.u32 v24, v22;
	v24 =	vsub.s32 v60, v10;
	[tilespmem:$0xC60] =	vst v25  }
0x35a: {  	v28 =	vsub.s32 v60, v12;
	v21 =	vmin.u32 v21, v22;
	v23 =	vsub.s32 v59, v6;
	v18 =	vld.idx.msk [tilespmem:v18+s6+$0x0], $0xffff  }
0x35b: {  	v22 =	vsub.s32 v60, v9;
	v23 =	vmin.u32 v30, v23;
	v30 =	vsub.s32 v59, v15  }
0x35c: {  	vm11 =	vlt.s32 v21, $0x400;
	v29 =	vmin.u32 v29, v30;
	v30 =	vsub.s32 v59, v2  }
0x35d: {  	v34 =	vsel vm11, $0x0, v16;
	v23 =	vmin.u32 v23, v31;
	v35 =	vmin.u32 v30, v36  }
0x35e: {  	v36 =	vsel vm9, $0x0, v16;
	v27 =	vmin.u32 v27, v29;
	v23 =	vmin.u32 v26, v23  }
0x35f: {  	v26 =	vsub.s32 v60, v5;
	v29 =	vsub.s32 v60, v13;
	v30 =	vsub.s32 v60, v7;
	[tilespmem:$0xC70] =	vst v18  }
0x360: {  	v19 =	vadd.s32 v19, v36;
	v36 =	vsub.s32 v60, v6;
	v28 =	vmin.u32 v28, v29;
	v17 =	vld.idx.msk [tilespmem:v17+s6+$0x0], $0xffff  }
0x361: {  	v29 =	vsub.s32 v62, v12;
	v26 =	vmin.u32 v26, v36;
	v25 =	vmin.u32 v32, v35  }
0x362: {  	v36 =	vsub.s32 v60, v2;
	v31 =	vmin.u32 v27, v25;
	v25 =	vsub.s32 v60, v11  }
0x363: {  	v27 =	vsub.s32 v62, v11;
	v11 =	vsub.s32 v63, v11;
	v32 =	vmin.u32 v23, v31  }
0x364: {  	v23 =	vsub.s32 v60, v4;
	v31 =	vsub.s32 v60, v8;
	v24 =	vmin.u32 v24, v25  }
0x365: {  	v25 =	vsub.s32 v62, v4;
	v4 =	vsub.s32 v63, v4;
	vm12 =	vlt.s32 v32, $0x400;
	[tilespmem:$0xC80] =	vst v17  }
0x366: {  	v22 =	vmin.u32 v22, v23;
	v23 =	vsub.s32 v60, v15;
	v30 =	vmin.u32 v30, v31;
	v19 =	vld.idx.msk [tilespmem:v19+s6+$0x0], $0xffff  }
0x367: {  	v31 =	vsub.s32 v62, v7;
	v7 =	vsub.s32 v63, v7;
	v18 =	vadd.s32 v20, v33  }
0x368: {  	v35 =	vsel vm12, $0x0, v16;
	v22 =	vmin.u32 v22, v24;
	v24 =	vsub.s32 v62, v9  }
0x369: {  	v9 =	vsub.s32 v63, v9;
	v24 =	vmin.u32 v24, v25;
	v25 =	vsub.s32 v62, v14  }
0x36a: {  	v20 =	vadd.s32 v21, v34;
	v21 =	vadd.s32 v32, v35;
	v32 =	vsub.s32 v60, v14  }
0x36b: {  	v4 =	vmin.u32 v9, v4;
	v34 =	vsub.s32 v60, v1;
	v23 =	vmin.u32 v32, v23;
	[tilespmem:$0xC90] =	vst v19  }
0x36c: {  	v35 =	vsub.s32 v60, v0;
	v23 =	vmin.u32 v30, v23;
	v30 =	vsub.s32 v62, v13;
	v18 =	vld.idx.msk [tilespmem:v18+s6+$0x0], $0xffff  }
0x36d: {  	v33 =	vsub.s32 v60, v3;
	v29 =	vmin.u32 v29, v30;
	v30 =	vsub.s32 v62, v0  }
0x36e: {  	v0 =	vsub.s32 v63, v0;
	v17 =	vmin.u32 v34, v35;
	v34 =	vmin.u32 v36, v33  }
0x36f: {  	v35 =	vmin.u32 v26, v28;
	v26 =	vsub.s32 v62, v10;
	v28 =	vsub.s32 v62, v6  }
0x370: {  	v36 =	vsub.s32 v62, v8;
	v33 =	vsub.s32 v62, v3;
	v10 =	vsub.s32 v63, v10  }
0x371: {  	v6 =	vsub.s32 v63, v6;
	v8 =	vsub.s32 v63, v8;
	v3 =	vsub.s32 v63, v3;
	[tilespmem:$0xCA0] =	vst v18  }
0x372: {  	v17 =	vmin.u32 v17, v34;
	v22 =	vmin.u32 v22, v35;
	v26 =	vmin.u32 v26, v27;
	v20 =	vld.idx.msk [tilespmem:v20+s6+$0x0], $0xffff  }
0x373: {  	v27 =	vsub.s32 v62, v15;
	v31 =	vmin.u32 v31, v36;
	v36 =	vsub.s32 v62, v2  }
0x374: {  	v7 =	vmin.u32 v7, v8;
	v2 =	vsub.s32 v63, v2;
	v25 =	vmin.u32 v25, v27  }
0x375: {  	v27 =	vmin.u32 v36, v33;
	v24 =	vmin.u32 v24, v26;
	v17 =	vmin.u32 v23, v17  }
0x376: {  	v23 =	vsub.s32 v63, v12;
	v26 =	vsub.s32 v63, v14;
	v17 =	vmin.u32 v22, v17  }
0x377: {  	v25 =	vmin.u32 v31, v25;
	vm13 =	vlt.s32 v17, $0x400;
	v19 =	vsub.s32 v62, v5;
	[tilespmem:$0xCB0] =	vst v20  }
0x378: {  	v35 =	vsel vm13, $0x0, v16;
	v19 =	vmin.u32 v19, v28;
	v28 =	vsub.s32 v62, v1;
	v21 =	vld.idx.msk [tilespmem:v21+s6+$0x0], $0xffff  }
0x379: {  	v22 =	vmin.u32 v10, v11;
	v17 =	vadd.s32 v17, v35;
	v34 =	vmin.u32 v28, v30  }
0x37a: {  	v31 =	vmin.u32 v4, v22;
	v19 =	vmin.u32 v19, v29;
	v18 =	vmin.u32 v34, v27  }
0x37b: {  	v5 =	vsub.s32 v63, v5;
	v19 =	vmin.u32 v24, v19;
	v18 =	vmin.u32 v25, v18  }
0x37c: {  	v5 =	vmin.u32 v5, v6;
	v1 =	vsub.s32 v63, v1;
	v18 =	vmin.u32 v19, v18  }
0x37d: {  	v0 =	vmin.u32 v1, v0;
	v30 =	vmin.u32 v2, v3;
	vm14 =	vlt.s32 v18, $0x400;
	[tilespmem:$0xCC0] =	vst v21  }
0x37e: {  	v24 =	vsub.s32 v63, v13;
	v27 =	vsub.s32 v63, v15;
	v36 =	vsel vm14, $0x0, v16;
	v29 =	vld.idx.msk [tilespmem:v17+s6+$0x0], $0xffff  }
0x37f: {  	v25 =	vmin.u32 v23, v24;
	v28 =	vmin.u32 v26, v27;
	v18 =	vadd.s32 v18, v36  }
0x380: {  	v0 =	vmin.u32 v0, v30;
	v32 =	vmin.u32 v5, v25;
	v33 =	vmin.u32 v7, v28  }
0x381: {  	v34 =	vmin.u32 v31, v32;
	v0 =	vmin.u32 v33, v0  }
0x382: {  	v0 =	vmin.u32 v34, v0  }
0x383: {  	vm15 =	vlt.s32 v0, $0x400;
	[tilespmem:$0xCD0] =	vst v29  }
0x384: {  	v35 =	vsel vm15, $0x0, v16;
	v36 =	vld.idx.msk [tilespmem:v18+s6+$0x0], $0xffff  }
0x385: {  	v0 =	vadd.s32 v0, v35;
	_ =	sdelay $0x3  }
0x386: {  	[tilespmem:$0xCE0] =	vst v36  }
0x387: {  	v0 =	vld.idx.msk [tilespmem:v0+s6+$0x0], $0xffff;
	_ =	sdelay $0x3  }
0x388: {  	s29 =	rddreg [dreg:$0x9]  }
0x389: {  	s30 =	rddreg [dreg:$0xa];
	[tilespmem:$0xCF0] =	vst v0  }
0x38a: {  	[hbm4b:s29+s3] =	stream.linear.scatter [tilespmem:s30], [sflag:$0x1], $0x400, $0x38;
	[tilespmem:$0x1100] =	vst v63  }
0x38b: {  	_ =	swait.ge [sflag:s9], $0x400  }
0x38c: {  	[sflag:s9] =	ssyncset.done $0x0  }
0x38d: {  	s31 =	rddreg [dreg:$0xb];
	[sflag:s9] =	ssyncadd.s32 $0xFFFFFC00  }
0x38e: {  	[hbm4b:s31+s3] =	stream.linear.scatter [tilespmem:s7], [sflag:$0x2], $0x400, $0x38;
	[tilespmem:$0x1100] =	vst v63  }
0x38f: {  	p0 =	sne.s32 s5, $0x1;
	_ =	swait.ge [sflag:s8], $0x400  }
.Ltmp0:
0x390: {  	[sflag:s8] =	ssyncset.done $0x0;
	(pc) =	sbr.rel @p0 .LBB2_1-.Ltmp0, $4  }
0x391: {  	[sflag:s8] =	ssyncadd.s32 $0xFFFFFC00  }
0x392: {  	_ =	swait.ge [sflag:s9], $0x400  }
0x393: {  	[sflag:s9] =	ssyncset.done $0x0  }
0x394: {  	s5 =	sadd.s32 $0xFFFFFFFF, s5;
	[sflag:s9] =	ssyncadd.s32 $0xFFFFFC00  }
0x395: {  	_ =	sfence.sel $0x180000  }
0x396: {  	[bflag:$0x0] =	sbarrier.arrive $0xFFFF  }
0x397: {  	p0 =	sne.s32 s0, $0x0;
	_ =	strace $0x90000047  }
0x398: {  	s0 =	sadd.s32 @!p0 $0x100000, s2;
	[bflag:$0x2] =	sbarrier.arrive $0xFFFF  }
0x399: {  	[sflag:s0] =	ssyncadd.tile.s32 @!p0 $0x1;
	_ =	shalt  }
.Lfunc_end2:
_tile_overlayer_lowered:
.L_overlay_start_2:
0x39a: {  	(tag) =	ssettag $0x2  }
0x39b: {  	s0 =	rddreg [dreg:$0x0];
	s2 =	stileid.u32  }
0x39c: {  	s1 =	rddreg [dreg:$0x1];
	p0 =	sne.s32 s2, $0x0  }
0x39d: {  	s3 =	rddreg [dreg:$0x2];
	[bflag:$0x3] =	sbarrier.arrive $0xFFFF;
	s2 =	simm.s32 @!p0 $0x1C03  }
0x39e: {  	[timem:s3], [sflag:s2] =	dma.local @!p0 [hbm:s0], s1  }
0x39f: {  	s0 =	simm.s32 @!p0 $0x3  }
0x3a0: {  	_ =	swait.ge @!p0 [sflag:s0], s1  }
0x3a1: {  	s1 =	ssub.s32 @!p0 $0x0, s1;
	[sflag:s0] =	ssyncset.done @!p0 $0x0  }
0x3a2: {  	[sflag:s0] =	ssyncadd.s32 @!p0 s1  }
0x3a3: {  	[bflag:$0x3] =	sbarrier.arrive $0xFFFF  }
0x3a4: {  	_ =	shalt  }

</sc_bundles>
